<compile_context>
chip_gen: v7x
topology: tpu7x:2x2x1
jax: 0.10.2.dev20260603
libtpu: 0.0.44.dev20260713+nightly
codegen_flags: <defaults>
</compile_context>

<pallas_src>
import functools

import jax
import jax.numpy as jnp
from jax import lax
from jax.experimental import pallas as pl
from jax.experimental.pallas import tpu as pltpu
from jax.experimental.pallas import tpu_sc as plsc

N = 10000
E = 320000
F = 128
CH = 128
NC = 2
NS = 16
NW = NC * NS
NCHT = 80
NCHUNK = NW * NCHT
E_PAD = NCHUNK * CH
DUMMY = 240
ACC_N = N + DUMMY
RPT = ACC_N // NS
BB = 40
NBUF = 2
ZR = 32


def _make_agg():
    mesh = plsc.VectorSubcoreMesh(core_axis_name="c", subcore_axis_name="s")

    @functools.partial(
        pl.kernel,
        mesh=mesh,
        out_type=jax.ShapeDtypeStruct((NC, ACC_N, F), jnp.float32),
        scratch_types=[
            pltpu.VMEM((BB, CH), jnp.int32),
            pltpu.VMEM((BB, CH), jnp.int32),
            [pltpu.VMEM((CH, F), jnp.float32) for _ in range(NBUF)],
            pltpu.VMEM((ZR, F), jnp.float32),
            pltpu.VMEM_SHARED((ACC_N, F), jnp.float32),
            [pltpu.SemaphoreType.DMA for _ in range(NBUF)],
            [pltpu.SemaphoreType.DMA for _ in range(NBUF)],
        ],
    )
    def agg(y_hbm, src_hbm, dst_hbm, part_hbm,
            sidx, didx, rows, zbuf, acc, gsem, ssem):
        c = lax.axis_index("c")
        s = lax.axis_index("s")
        wid = s * NC + c
        c0 = pl.multiple_of(wid * NCHT, 8)

        def zstore(k, carry):
            i = k // (F // 16)
            j = (k % (F // 16)) * 16
            zbuf[i, pl.ds(j, 16)] = jnp.zeros((16,), jnp.float32)
            return carry

        lax.fori_loop(0, ZR * (F // 16), zstore, 0)
        r0 = pl.multiple_of(s * RPT, 8)

        def zcopy(i, carry):
            pltpu.async_copy(zbuf, acc.at[pl.ds(r0 + i * ZR, ZR)], ssem[0])
            return carry

        lax.fori_loop(0, RPT // ZR, zcopy, 0)
        pltpu.sync_copy(src_hbm.at[pl.ds(c0, BB)], sidx)
        pltpu.sync_copy(dst_hbm.at[pl.ds(c0, BB)], didx)

        def zdrain(i, carry):
            pltpu.make_async_copy(zbuf, acc.at[pl.ds(r0 + i * ZR, ZR)],
                                  ssem[0]).wait()
            return carry

        lax.fori_loop(0, RPT // ZR, zdrain, 0)
        plsc.subcore_barrier()

        def g_start(k):
            pltpu.async_copy(y_hbm.at[sidx.at[k]], rows[k % NBUF],
                             gsem[k % NBUF])

        def g_wait(k):
            pltpu.make_async_copy(y_hbm.at[sidx.at[k]], rows[k % NBUF],
                                  gsem[k % NBUF]).wait()

        def s_start(k):
            pltpu.async_copy(rows[k % NBUF], acc.at[didx.at[k]],
                             ssem[k % NBUF], add=True)

        def s_wait(k):
            pltpu.make_async_copy(rows[k % NBUF], acc.at[didx.at[k]],
                                  ssem[k % NBUF]).wait()

        def batch(b, carry):
            cb = pl.multiple_of(c0 + b * BB, 8)

            @pl.when(b > 0)
            def _load_idx():
                pltpu.sync_copy(src_hbm.at[pl.ds(cb, BB)], sidx)
                pltpu.sync_copy(dst_hbm.at[pl.ds(cb, BB)], didx)
            for k in range(BB):
                if k >= NBUF:
                    s_wait(k - NBUF)
                g_start(k)
                if k >= 1:
                    g_wait(k - 1)
                    s_start(k - 1)
            g_wait(BB - 1)
            s_start(BB - 1)
            for k in range(BB - NBUF, BB):
                s_wait(k)
            return carry

        lax.fori_loop(0, NCHT // BB, batch, 0)
        plsc.subcore_barrier()

        pltpu.sync_copy(acc.at[pl.ds(r0, RPT)], part_hbm.at[c, pl.ds(r0, RPT)])

    return agg


_AGG = None


def _get_agg():
    global _AGG
    if _AGG is None:
        _AGG = _make_agg()
    return _AGG


BM = 2000


def _matmul(x, w):
    m, k = x.shape
    n = w.shape[1]

    def body(x_ref, w_ref, o_ref):
        o_ref[...] = jnp.dot(x_ref[...], w_ref[...],
                             preferred_element_type=jnp.float32)

    return pl.pallas_call(
        body,
        grid=(m // BM,),
        in_specs=[pl.BlockSpec((BM, k), lambda i: (i, 0)),
                  pl.BlockSpec((k, n), lambda i: (0, 0))],
        out_specs=pl.BlockSpec((BM, n), lambda i: (i, 0)),
        out_shape=jax.ShapeDtypeStruct((m, n), jnp.float32),
    )(x, w)


def _mid(y, parts, b, w):
    m, n = y.shape

    def body(y_ref, p_ref, b_ref, w_ref, o_ref):
        h = y_ref[...] + p_ref[0] + p_ref[1] + b_ref[...]
        h = jnp.maximum(h, 0.0)
        o_ref[...] = jnp.dot(h, w_ref[...], preferred_element_type=jnp.float32)

    return pl.pallas_call(
        body,
        grid=(m // BM,),
        in_specs=[pl.BlockSpec((BM, n), lambda i: (i, 0)),
                  pl.BlockSpec((NC, BM, n), lambda i: (0, i, 0)),
                  pl.BlockSpec((1, n), lambda i: (0, 0)),
                  pl.BlockSpec((n, n), lambda i: (0, 0))],
        out_specs=pl.BlockSpec((BM, n), lambda i: (i, 0)),
        out_shape=jax.ShapeDtypeStruct((m, n), jnp.float32),
    )(y, parts, b.reshape(1, n), w)


def _final(y, parts, b):
    m, n = y.shape

    def body(y_ref, p_ref, b_ref, o_ref):
        o_ref[...] = jnp.maximum(
            y_ref[...] + p_ref[0] + p_ref[1] + b_ref[...], 0.0)

    return pl.pallas_call(
        body,
        grid=(m // BM,),
        in_specs=[pl.BlockSpec((BM, n), lambda i: (i, 0)),
                  pl.BlockSpec((NC, BM, n), lambda i: (0, i, 0)),
                  pl.BlockSpec((1, n), lambda i: (0, 0))],
        out_specs=pl.BlockSpec((BM, n), lambda i: (i, 0)),
        out_shape=jax.ShapeDtypeStruct((m, n), jnp.float32),
    )(y, parts, b.reshape(1, n))


def kernel(x, edge_index, W1, b1, W2, b2):
    npad = E_PAD - E
    src = jnp.concatenate(
        [edge_index[0],
         (jnp.arange(npad, dtype=jnp.int32) * 13) % N]).reshape(NCHUNK, CH)
    dst = jnp.concatenate(
        [edge_index[1],
         N + (jnp.arange(npad, dtype=jnp.int32) % DUMMY)]).reshape(NCHUNK, CH)
    agg = _get_agg()
    y1 = _matmul(x, W1)
    p1 = agg(y1, src, dst)
    y2 = _mid(y1, p1, b1, W2)
    p2 = agg(y2, src, dst)
    return _final(y2, p2, b2)

# --- scband reference (transcript-rebuilt; emitter-appended) ---
"""Pipeline reference for scband-structure-extractor-8409545966437 (READ-ONLY COPY).

The authoritative reference and input builder live on the scoring server;
editing this copy changes nothing except your own understanding.
"""

import jax, jax.numpy as jnp
import numpy as np

N = 10000
E = 320000
HID = 128
OP = 16


def setup_inputs(seed: int = 0) -> dict:
    key = jax.random.key(seed)
    k1, k2, k3, k4, k5, k6 = jax.random.split(key, 6)
    x = jax.random.normal(k1, (N, HID + OP), dtype=jnp.float32)
    edge_index = jax.random.randint(k2, (2, E), 0, N, dtype=jnp.int32)
    W1 = jax.random.normal(k3, (HID + OP, HID), dtype=jnp.float32) * 0.05
    b1 = jnp.zeros((HID,), dtype=jnp.float32)
    W2 = jax.random.normal(k4, (HID, HID), dtype=jnp.float32) * 0.05
    b2 = jnp.zeros((HID,), dtype=jnp.float32)
    return {"x": x, "edge_index": edge_index, "W1": W1, "b1": b1, "W2": W2, "b2": b2}


def reference(x, edge_index, W1, b1, W2, b2):
    # DGL GINConv with aggregator_type='sum', init_eps=0 (not learned):
    #   h = activation(apply_func((1 + eps) * x + sum_{j in N(i)} x_j))
    src = edge_index[0]
    dst = edge_index[1]

    def gin_layer(h, W, b):
        msg = jnp.take(h, src, axis=0)            # gather source node features per edge
        agg = jax.ops.segment_sum(msg, dst, num_segments=h.shape[0])  # scatter-add to dst
        rst = h + agg                              # (1 + eps) * h with eps = 0
        return jax.nn.relu(rst @ W + b)

    h = gin_layer(x, W1, b1)
    h = gin_layer(h, W2, b2)
    return h

if __name__ == "__main__":
    import jax
    _d = setup_inputs()
    print(jax.jit(kernel)(*tuple(_d.values())))

</pallas_src>

<mosaic_0001>
#map = affine_map<(d0, d1) -> (0, 0)>
#map1 = affine_map<(d0, d1) -> (0, 0, 0)>
module attributes {stable_mosaic.version = 14 : i64} {
  func.func @agg(%arg0: i32, %arg1: i32, %arg2: memref<10000x128xf32, #tpu.memory_space<hbm>>, %arg3: memref<2560x128xi32, #tpu.memory_space<hbm>>, %arg4: memref<2560x128xi32, #tpu.memory_space<hbm>>, %arg5: memref<2x10240x128xf32, #tpu.memory_space<hbm>>, %arg6: memref<40x128xi32, #tpu.memory_space<vmem>>, %arg7: memref<40x128xi32, #tpu.memory_space<vmem>>, %arg8: memref<128x128xf32, #tpu.memory_space<vmem>>, %arg9: memref<128x128xf32, #tpu.memory_space<vmem>>, %arg10: memref<32x128xf32, #tpu.memory_space<vmem>>, %arg11: memref<10240x128xf32, #tpu.memory_space<vmem_shared>>, %arg12: memref<!tpu.dma_semaphore, #tpu.memory_space<semaphore_mem>>, %arg13: memref<!tpu.dma_semaphore, #tpu.memory_space<semaphore_mem>>, %arg14: memref<!tpu.dma_semaphore, #tpu.memory_space<semaphore_mem>>, %arg15: memref<!tpu.dma_semaphore, #tpu.memory_space<semaphore_mem>>) attributes {dimension_semantics = [#tpu.dimension_semantics<core_parallel>, #tpu.dimension_semantics<subcore_parallel>], iteration_bounds = array<i64: 2, 16>, scalar_prefetch = 0 : i64, scratch_operands = 10 : i64, tpu.core_type = #tpu.core_type<sc_vector_subcore>, window_params = [{transform_indices = #map}, {transform_indices = #map}, {transform_indices = #map}, {transform_indices = #map1}]} {
    %mul3A = arith.constant 2 : i32
    %mul3A_0 = arith.muli %arg1, %mul3A : i32
    %add3A = arith.addi %mul3A_0, %arg0 : i32
    %mul3A_1 = arith.constant 80 : i32
    %mul3A_2 = arith.muli %add3A, %mul3A_1 : i32
    %multiple_of3A = tpu.assume_multiple %mul3A_2, 8 : i32
    %scan3A = arith.constant 0 : i32
    %scan3A_3 = arith.constant 0 : i32
    %scan3A_4 = arith.constant 256 : i32
    %scan3A_5 = arith.addi %scan3A_3, %scan3A_4 : i32
    %scan3A_6 = arith.constant 1 : i32
    scf.for %scan3A_30 = %scan3A_3 to %scan3A_5 step %scan3A_6  : i32 {
      %jit3A = arith.constant 8 : i32
      %div3A = arith.divsi %scan3A_30, %jit3A : i32
      %sign3A = arith.constant 0 : i32
      %sign3A_31 = arith.cmpi sgt, %scan3A_30, %sign3A : i32
      %sign3A_32 = arith.extui %sign3A_31 : i1 to i32
      %sign3A_33 = arith.constant 0 : i32
      %sign3A_34 = arith.cmpi slt, %scan3A_30, %sign3A_33 : i32
      %sign3A_35 = arith.extui %sign3A_34 : i1 to i32
      %sign3A_36 = arith.subi %sign3A_32, %sign3A_35 : i32
      %sign3A_37 = arith.constant 0 : i32
      %sign3A_38 = arith.cmpi sgt, %jit3A, %sign3A_37 : i32
      %sign3A_39 = arith.extui %sign3A_38 : i1 to i32
      %sign3A_40 = arith.constant 0 : i32
      %sign3A_41 = arith.cmpi slt, %jit3A, %sign3A_40 : i32
      %sign3A_42 = arith.extui %sign3A_41 : i1 to i32
      %sign3A_43 = arith.subi %sign3A_39, %sign3A_42 : i32
      %ne3A = arith.cmpi ne, %sign3A_36, %sign3A_43 : i32
      %rem3A = arith.remsi %scan3A_30, %jit3A : i32
      %ne3A_44 = arith.constant 0 : i32
      %ne3A_45 = arith.cmpi ne, %rem3A, %ne3A_44 : i32
      %and3A = arith.andi %ne3A, %ne3A_45 : i1
      %sub3A = arith.constant 1 : i32
      %sub3A_46 = arith.subi %div3A, %sub3A : i32
      %select_n3A = arith.select %and3A, %sub3A_46, %div3A : i32
      %jit3A_47 = arith.constant 8 : i32
      %eq3A = arith.constant 0 : i32
      %eq3A_48 = arith.cmpi eq, %jit3A_47, %eq3A : i32
      %jit3A_49 = arith.constant 1 : i32
      %select_n3A_50 = arith.select %eq3A_48, %jit3A_49, %jit3A_47 : i32
      %rem3A_51 = arith.remsi %scan3A_30, %select_n3A_50 : i32
      %ne3A_52 = arith.constant 0 : i32
      %ne3A_53 = arith.cmpi ne, %rem3A_51, %ne3A_52 : i32
      %lt3A = arith.constant 0 : i32
      %lt3A_54 = arith.cmpi slt, %rem3A_51, %lt3A : i32
      %lt3A_55 = arith.constant 0 : i32
      %lt3A_56 = arith.cmpi slt, %select_n3A_50, %lt3A_55 : i32
      %ne3A_57 = arith.xori %lt3A_54, %lt3A_56 : i1
      %and3A_58 = arith.andi %ne3A_57, %ne3A_53 : i1
      %add3A_59 = arith.addi %rem3A_51, %select_n3A_50 : i32
      %select_n3A_60 = arith.select %and3A_58, %add3A_59, %rem3A_51 : i32
      %mul3A_61 = arith.constant 16 : i32
      %mul3A_62 = arith.muli %select_n3A_60, %mul3A_61 : i32
      %broadcast_in_dim3A = arith.constant 0.000000e+00 : f32
      %broadcast_in_dim3A_63 = vector.broadcast %broadcast_in_dim3A : f32 to vector<16xf32>
      %swap3A = arith.index_cast %select_n3A : i32 to index
      %swap3A_64 = arith.index_cast %mul3A_62 : i32 to index
      %swap3A_65 = tpu.vector_load %arg10[%swap3A, %swap3A_64] {strides = array<i32>} : memref<32x128xf32, #tpu.memory_space<vmem>>, vector<1x16xf32>,
      %swap3A_66 = vector.shape_cast %swap3A_65 : vector<1x16xf32> to vector<16xf32>
      %swap3A_67 = vector.shape_cast %broadcast_in_dim3A_63 : vector<16xf32> to vector<1x16xf32>
      tpu.vector_store %arg10[%swap3A, %swap3A_64], %swap3A_67 {strides = array<i32>} : memref<32x128xf32, #tpu.memory_space<vmem>>, vector<1x16xf32>,
    }
    %scan3A_7 = arith.constant 256 : i32
    %mul3A_8 = arith.constant 640 : i32
    %mul3A_9 = arith.muli %arg1, %mul3A_8 : i32
    %multiple_of3A_10 = tpu.assume_multiple %mul3A_9, 8 : i32
    %scan3A_11 = arith.constant 0 : i32
    %scan3A_12 = arith.constant 0 : i32
    %scan3A_13 = arith.constant 20 : i32
    %scan3A_14 = arith.addi %scan3A_12, %scan3A_13 : i32
    %scan3A_15 = arith.constant 1 : i32
    scf.for %scan3A_30 = %scan3A_12 to %scan3A_14 step %scan3A_15  : i32 {
      %mul3A_31 = arith.constant 32 : i32
      %mul3A_32 = arith.muli %scan3A_30, %mul3A_31 : i32
      %add3A_33 = arith.addi %multiple_of3A_10, %mul3A_32 : i32
      %dma_start3A = arith.constant 0 : i32
      %dma_start3A_34 = tpu.memref_slice %arg11[%add3A_33, %dma_start3A] : memref<10240x128xf32, #tpu.memory_space<vmem_shared>> -> memref<32x128xf32, #tpu.memory_space<vmem_shared>>
      %dma_start3A_35 = arith.constant 0 : i32
      %dma_start3A_36 = tpu.memref_slice %arg11[%add3A_33, %dma_start3A_35] : memref<10240x128xf32, #tpu.memory_space<vmem_shared>> -> memref<32x128xf32, #tpu.memory_space<vmem_shared>>
      tpu.enqueue_dma source(%arg10 : memref<32x128xf32, #tpu.memory_space<vmem>>) target(%dma_start3A_36 : memref<32x128xf32, #tpu.memory_space<vmem_shared>>) target_semaphore(%arg14 : memref<!tpu.dma_semaphore, #tpu.memory_space<semaphore_mem>>)
    }
    %scan3A_16 = arith.constant 20 : i32
    "tpu.region"() ({
      %run_scoped3A = tpu.sem_alloc : memref<!tpu.dma_semaphore, #tpu.memory_space<semaphore_mem>>
      %dma_start3A = arith.constant 0 : i32
      %dma_start3A_30 = tpu.memref_slice %arg3[%multiple_of3A, %dma_start3A] : memref<2560x128xi32, #tpu.memory_space<hbm>> -> memref<40x128xi32, #tpu.memory_space<hbm>>
      %dma_start3A_31 = arith.constant 0 : i32
      %dma_start3A_32 = tpu.memref_slice %arg3[%multiple_of3A, %dma_start3A_31] : memref<2560x128xi32, #tpu.memory_space<hbm>> -> memref<40x128xi32, #tpu.memory_space<hbm>>
      tpu.enqueue_dma source(%dma_start3A_32 : memref<40x128xi32, #tpu.memory_space<hbm>>) target(%arg6 : memref<40x128xi32, #tpu.memory_space<vmem>>) target_semaphore(%run_scoped3A : memref<!tpu.dma_semaphore, #tpu.memory_space<semaphore_mem>>)
      %dma_wait3A = arith.constant 0 : i32
      %dma_wait3A_33 = tpu.memref_slice %arg3[%multiple_of3A, %dma_wait3A] : memref<2560x128xi32, #tpu.memory_space<hbm>> -> memref<40x128xi32, #tpu.memory_space<hbm>>
      %dma_wait3A_34 = arith.constant 0 : i32
      %dma_wait3A_35 = tpu.memref_slice %arg3[%multiple_of3A, %dma_wait3A_34] : memref<2560x128xi32, #tpu.memory_space<hbm>> -> memref<40x128xi32, #tpu.memory_space<hbm>>
      tpu.wait_dma2 semaphore(%run_scoped3A : memref<!tpu.dma_semaphore, #tpu.memory_space<semaphore_mem>>) src(%dma_wait3A_35 : memref<40x128xi32, #tpu.memory_space<hbm>>) dst(%arg6 : memref<40x128xi32, #tpu.memory_space<vmem>>)
      tpu.yield
    }) : () -> ()
    "tpu.region"() ({
      %run_scoped3A = tpu.sem_alloc : memref<!tpu.dma_semaphore, #tpu.memory_space<semaphore_mem>>
      %dma_start3A = arith.constant 0 : i32
      %dma_start3A_30 = tpu.memref_slice %arg4[%multiple_of3A, %dma_start3A] : memref<2560x128xi32, #tpu.memory_space<hbm>> -> memref<40x128xi32, #tpu.memory_space<hbm>>
      %dma_start3A_31 = arith.constant 0 : i32
      %dma_start3A_32 = tpu.memref_slice %arg4[%multiple_of3A, %dma_start3A_31] : memref<2560x128xi32, #tpu.memory_space<hbm>> -> memref<40x128xi32, #tpu.memory_space<hbm>>
      tpu.enqueue_dma source(%dma_start3A_32 : memref<40x128xi32, #tpu.memory_space<hbm>>) target(%arg7 : memref<40x128xi32, #tpu.memory_space<vmem>>) target_semaphore(%run_scoped3A : memref<!tpu.dma_semaphore, #tpu.memory_space<semaphore_mem>>)
      %dma_wait3A = arith.constant 0 : i32
      %dma_wait3A_33 = tpu.memref_slice %arg4[%multiple_of3A, %dma_wait3A] : memref<2560x128xi32, #tpu.memory_space<hbm>> -> memref<40x128xi32, #tpu.memory_space<hbm>>
      %dma_wait3A_34 = arith.constant 0 : i32
      %dma_wait3A_35 = tpu.memref_slice %arg4[%multiple_of3A, %dma_wait3A_34] : memref<2560x128xi32, #tpu.memory_space<hbm>> -> memref<40x128xi32, #tpu.memory_space<hbm>>
      tpu.wait_dma2 semaphore(%run_scoped3A : memref<!tpu.dma_semaphore, #tpu.memory_space<semaphore_mem>>) src(%dma_wait3A_35 : memref<40x128xi32, #tpu.memory_space<hbm>>) dst(%arg7 : memref<40x128xi32, #tpu.memory_space<vmem>>)
      tpu.yield
    }) : () -> ()
    %scan3A_17 = arith.constant 0 : i32
    %scan3A_18 = arith.constant 0 : i32
    %scan3A_19 = arith.constant 20 : i32
    %scan3A_20 = arith.addi %scan3A_18, %scan3A_19 : i32
    %scan3A_21 = arith.constant 1 : i32
    scf.for %scan3A_30 = %scan3A_18 to %scan3A_20 step %scan3A_21  : i32 {
      %mul3A_31 = arith.constant 32 : i32
      %mul3A_32 = arith.muli %scan3A_30, %mul3A_31 : i32
      %add3A_33 = arith.addi %multiple_of3A_10, %mul3A_32 : i32
      %dma_wait3A = arith.constant 0 : i32
      %dma_wait3A_34 = tpu.memref_slice %arg11[%add3A_33, %dma_wait3A] : memref<10240x128xf32, #tpu.memory_space<vmem_shared>> -> memref<32x128xf32, #tpu.memory_space<vmem_shared>>
      %dma_wait3A_35 = arith.constant 0 : i32
      %dma_wait3A_36 = tpu.memref_slice %arg11[%add3A_33, %dma_wait3A_35] : memref<10240x128xf32, #tpu.memory_space<vmem_shared>> -> memref<32x128xf32, #tpu.memory_space<vmem_shared>>
      tpu.wait_dma2 semaphore(%arg14 : memref<!tpu.dma_semaphore, #tpu.memory_space<semaphore_mem>>) src(%arg10 : memref<32x128xf32, #tpu.memory_space<vmem>>) dst(%dma_wait3A_36 : memref<32x128xf32, #tpu.memory_space<vmem_shared>>)
    }
    %scan3A_22 = arith.constant 20 : i32
    %barrier3A = arith.constant 0 : index
    tpu.barrier barrier_id(%barrier3A)
    %scan3A_23 = arith.constant 0 : i32
    %scan3A_24 = arith.constant 0 : i32
    %scan3A_25 = arith.constant 2 : i32
    %scan3A_26 = arith.addi %scan3A_24, %scan3A_25 : i32
    %scan3A_27 = arith.constant 1 : i32
    scf.for %scan3A_30 = %scan3A_24 to %scan3A_26 step %scan3A_27  : i32 {
      %mul3A_31 = arith.constant 40 : i32
      %mul3A_32 = arith.muli %scan3A_30, %mul3A_31 : i32
      %add3A_33 = arith.addi %multiple_of3A, %mul3A_32 : i32
      %multiple_of3A_34 = tpu.assume_multiple %add3A_33, 8 : i32
      %gt3A = arith.constant 0 : i32
      %gt3A_35 = arith.cmpi sgt, %scan3A_30, %gt3A : i32
      %convert_element_type3A = arith.extui %gt3A_35 : i1 to i32
      %cond3A = arith.constant 0 : i32
      %cond3A_36 = arith.cmpi ne, %convert_element_type3A, %cond3A : i32
      scf.if %cond3A_36 {
        "tpu.region"() ({
          %run_scoped3A = tpu.sem_alloc : memref<!tpu.dma_semaphore, #tpu.memory_space<semaphore_mem>>
          %dma_start3A_1155 = arith.constant 0 : i32
          %dma_start3A_1156 = tpu.memref_slice %arg3[%multiple_of3A_34, %dma_start3A_1155] : memref<2560x128xi32, #tpu.memory_space<hbm>> -> memref<40x128xi32, #tpu.memory_space<hbm>>
          %dma_start3A_1157 = arith.constant 0 : i32
          %dma_start3A_1158 = tpu.memref_slice %arg3[%multiple_of3A_34, %dma_start3A_1157] : memref<2560x128xi32, #tpu.memory_space<hbm>> -> memref<40x128xi32, #tpu.memory_space<hbm>>
          tpu.enqueue_dma source(%dma_start3A_1158 : memref<40x128xi32, #tpu.memory_space<hbm>>) target(%arg6 : memref<40x128xi32, #tpu.memory_space<vmem>>) target_semaphore(%run_scoped3A : memref<!tpu.dma_semaphore, #tpu.memory_space<semaphore_mem>>)
          %dma_wait3A_1159 = arith.constant 0 : i32
          %dma_wait3A_1160 = tpu.memref_slice %arg3[%multiple_of3A_34, %dma_wait3A_1159] : memref<2560x128xi32, #tpu.memory_space<hbm>> -> memref<40x128xi32, #tpu.memory_space<hbm>>
          %dma_wait3A_1161 = arith.constant 0 : i32
          %dma_wait3A_1162 = tpu.memref_slice %arg3[%multiple_of3A_34, %dma_wait3A_1161] : memref<2560x128xi32, #tpu.memory_space<hbm>> -> memref<40x128xi32, #tpu.memory_space<hbm>>
          tpu.wait_dma2 semaphore(%run_scoped3A : memref<!tpu.dma_semaphore, #tpu.memory_space<semaphore_mem>>) src(%dma_wait3A_1162 : memref<40x128xi32, #tpu.memory_space<hbm>>) dst(%arg6 : memref<40x128xi32, #tpu.memory_space<vmem>>)
          tpu.yield
        }) : () -> ()
        "tpu.region"() ({
          %run_scoped3A = tpu.sem_alloc : memref<!tpu.dma_semaphore, #tpu.memory_space<semaphore_mem>>
          %dma_start3A_1155 = arith.constant 0 : i32
          %dma_start3A_1156 = tpu.memref_slice %arg4[%multiple_of3A_34, %dma_start3A_1155] : memref<2560x128xi32, #tpu.memory_space<hbm>> -> memref<40x128xi32, #tpu.memory_space<hbm>>
          %dma_start3A_1157 = arith.constant 0 : i32
          %dma_start3A_1158 = tpu.memref_slice %arg4[%multiple_of3A_34, %dma_start3A_1157] : memref<2560x128xi32, #tpu.memory_space<hbm>> -> memref<40x128xi32, #tpu.memory_space<hbm>>
          tpu.enqueue_dma source(%dma_start3A_1158 : memref<40x128xi32, #tpu.memory_space<hbm>>) target(%arg7 : memref<40x128xi32, #tpu.memory_space<vmem>>) target_semaphore(%run_scoped3A : memref<!tpu.dma_semaphore, #tpu.memory_space<semaphore_mem>>)
          %dma_wait3A_1159 = arith.constant 0 : i32
          %dma_wait3A_1160 = tpu.memref_slice %arg4[%multiple_of3A_34, %dma_wait3A_1159] : memref<2560x128xi32, #tpu.memory_space<hbm>> -> memref<40x128xi32, #tpu.memory_space<hbm>>
          %dma_wait3A_1161 = arith.constant 0 : i32
          %dma_wait3A_1162 = tpu.memref_slice %arg4[%multiple_of3A_34, %dma_wait3A_1161] : memref<2560x128xi32, #tpu.memory_space<hbm>> -> memref<40x128xi32, #tpu.memory_space<hbm>>
          tpu.wait_dma2 semaphore(%run_scoped3A : memref<!tpu.dma_semaphore, #tpu.memory_space<semaphore_mem>>) src(%dma_wait3A_1162 : memref<40x128xi32, #tpu.memory_space<hbm>>) dst(%arg7 : memref<40x128xi32, #tpu.memory_space<vmem>>)
          tpu.yield
        }) : () -> ()
      } else {
      }
      %dma_start3A = arith.constant 0 : i32
      %dma_start3A_37 = arith.constant 0 : i32
      %dma_start3A_38 = tpu.memref_slice %arg6[%dma_start3A, %dma_start3A_37] : memref<40x128xi32, #tpu.memory_space<vmem>> -> memref<1x128xi32, #tpu.memory_space<vmem>>
      %dma_start3A_39 = tpu.memref_squeeze %dma_start3A_38 : memref<1x128xi32, #tpu.memory_space<vmem>> -> memref<128xi32, #tpu.memory_space<vmem>>
      %dma_start3A_40 = arith.constant 0 : i32
      %dma_start3A_41 = arith.constant 0 : i32
      %dma_start3A_42 = tpu.memref_slice %arg2[%dma_start3A_40, %dma_start3A_41] : memref<10000x128xf32, #tpu.memory_space<hbm>> -> memref<10000x128xf32, #tpu.memory_space<hbm>>
      tpu.enqueue_indirect_dma source(%dma_start3A_42 : memref<10000x128xf32, #tpu.memory_space<hbm>>) target(%arg8 : memref<128x128xf32, #tpu.memory_space<vmem>>) offsets(%dma_start3A_39 : memref<128xi32, #tpu.memory_space<vmem>>) semaphore(%arg12 : memref<!tpu.dma_semaphore, #tpu.memory_space<semaphore_mem>>)
      %dma_start3A_43 = arith.constant 1 : i32
      %dma_start3A_44 = arith.constant 0 : i32
      %dma_start3A_45 = tpu.memref_slice %arg6[%dma_start3A_43, %dma_start3A_44] : memref<40x128xi32, #tpu.memory_space<vmem>> -> memref<1x128xi32, #tpu.memory_space<vmem>>
      %dma_start3A_46 = tpu.memref_squeeze %dma_start3A_45 : memref<1x128xi32, #tpu.memory_space<vmem>> -> memref<128xi32, #tpu.memory_space<vmem>>
      %dma_start3A_47 = arith.constant 0 : i32
      %dma_start3A_48 = arith.constant 0 : i32
      %dma_start3A_49 = tpu.memref_slice %arg2[%dma_start3A_47, %dma_start3A_48] : memref<10000x128xf32, #tpu.memory_space<hbm>> -> memref<10000x128xf32, #tpu.memory_space<hbm>>
      tpu.enqueue_indirect_dma source(%dma_start3A_49 : memref<10000x128xf32, #tpu.memory_space<hbm>>) target(%arg9 : memref<128x128xf32, #tpu.memory_space<vmem>>) offsets(%dma_start3A_46 : memref<128xi32, #tpu.memory_space<vmem>>) semaphore(%arg13 : memref<!tpu.dma_semaphore, #tpu.memory_space<semaphore_mem>>)
      %dma_wait3A = arith.constant 0 : i32
      %dma_wait3A_50 = arith.constant 0 : i32
      %dma_wait3A_51 = tpu.memref_slice %arg6[%dma_wait3A, %dma_wait3A_50] : memref<40x128xi32, #tpu.memory_space<vmem>> -> memref<1x128xi32, #tpu.memory_space<vmem>>
      %dma_wait3A_52 = tpu.memref_squeeze %dma_wait3A_51 : memref<1x128xi32, #tpu.memory_space<vmem>> -> memref<128xi32, #tpu.memory_space<vmem>>
      %dma_wait3A_53 = arith.constant 0 : i32
      %dma_wait3A_54 = arith.constant 0 : i32
      %dma_wait3A_55 = tpu.memref_slice %arg2[%dma_wait3A_53, %dma_wait3A_54] : memref<10000x128xf32, #tpu.memory_space<hbm>> -> memref<10000x128xf32, #tpu.memory_space<hbm>>
      tpu.wait_indirect_dma semaphore(%arg12 : memref<!tpu.dma_semaphore, #tpu.memory_space<semaphore_mem>>) src(%dma_wait3A_55 : memref<10000x128xf32, #tpu.memory_space<hbm>>) dst(%arg8 : memref<128x128xf32, #tpu.memory_space<vmem>>)
      %dma_start3A_56 = arith.constant 0 : i32
      %dma_start3A_57 = arith.constant 0 : i32
      %dma_start3A_58 = tpu.memref_slice %arg7[%dma_start3A_56, %dma_start3A_57] : memref<40x128xi32, #tpu.memory_space<vmem>> -> memref<1x128xi32, #tpu.memory_space<vmem>>
      %dma_start3A_59 = tpu.memref_squeeze %dma_start3A_58 : memref<1x128xi32, #tpu.memory_space<vmem>> -> memref<128xi32, #tpu.memory_space<vmem>>
      %dma_start3A_60 = arith.constant 0 : i32
      %dma_start3A_61 = arith.constant 0 : i32
      %dma_start3A_62 = tpu.memref_slice %arg11[%dma_start3A_60, %dma_start3A_61] : memref<10240x128xf32, #tpu.memory_space<vmem_shared>> -> memref<10240x128xf32, #tpu.memory_space<vmem_shared>>
      tpu.enqueue_indirect_dma source(%arg8 : memref<128x128xf32, #tpu.memory_space<vmem>>) target(%dma_start3A_62 : memref<10240x128xf32, #tpu.memory_space<vmem_shared>>) offsets(%dma_start3A_59 : memref<128xi32, #tpu.memory_space<vmem>>) semaphore(%arg14 : memref<!tpu.dma_semaphore, #tpu.memory_space<semaphore_mem>>) {add = true}
      %dma_wait3A_63 = arith.constant 0 : i32
      %dma_wait3A_64 = arith.constant 0 : i32
      %dma_wait3A_65 = tpu.memref_slice %arg7[%dma_wait3A_63, %dma_wait3A_64] : memref<40x128xi32, #tpu.memory_space<vmem>> -> memref<1x128xi32, #tpu.memory_space<vmem>>
      %dma_wait3A_66 = tpu.memref_squeeze %dma_wait3A_65 : memref<1x128xi32, #tpu.memory_space<vmem>> -> memref<128xi32, #tpu.memory_space<vmem>>
      %dma_wait3A_67 = arith.constant 0 : i32
      %dma_wait3A_68 = arith.constant 0 : i32
      %dma_wait3A_69 = tpu.memref_slice %arg11[%dma_wait3A_67, %dma_wait3A_68] : memref<10240x128xf32, #tpu.memory_space<vmem_shared>> -> memref<10240x128xf32, #tpu.memory_space<vmem_shared>>
      tpu.wait_indirect_dma semaphore(%arg14 : memref<!tpu.dma_semaphore, #tpu.memory_space<semaphore_mem>>) src(%arg8 : memref<128x128xf32, #tpu.memory_space<vmem>>) dst(%dma_wait3A_69 : memref<10240x128xf32, #tpu.memory_space<vmem_shared>>)
      %dma_start3A_70 = arith.constant 2 : i32
      %dma_start3A_71 = arith.constant 0 : i32
      %dma_start3A_72 = tpu.memref_slice %arg6[%dma_start3A_70, %dma_start3A_71] : memref<40x128xi32, #tpu.memory_space<vmem>> -> memref<1x128xi32, #tpu.memory_space<vmem>>
      %dma_start3A_73 = tpu.memref_squeeze %dma_start3A_72 : memref<1x128xi32, #tpu.memory_space<vmem>> -> memref<128xi32, #tpu.memory_space<vmem>>
      %dma_start3A_74 = arith.constant 0 : i32
      %dma_start3A_75 = arith.constant 0 : i32
      %dma_start3A_76 = tpu.memref_slice %arg2[%dma_start3A_74, %dma_start3A_75] : memref<10000x128xf32, #tpu.memory_space<hbm>> -> memref<10000x128xf32, #tpu.memory_space<hbm>>
      tpu.enqueue_indirect_dma source(%dma_start3A_76 : memref<10000x128xf32, #tpu.memory_space<hbm>>) target(%arg8 : memref<128x128xf32, #tpu.memory_space<vmem>>) offsets(%dma_start3A_73 : memref<128xi32, #tpu.memory_space<vmem>>) semaphore(%arg12 : memref<!tpu.dma_semaphore, #tpu.memory_space<semaphore_mem>>)
      %dma_wait3A_77 = arith.constant 1 : i32
      %dma_wait3A_78 = arith.constant 0 : i32
      %dma_wait3A_79 = tpu.memref_slice %arg6[%dma_wait3A_77, %dma_wait3A_78] : memref<40x128xi32, #tpu.memory_space<vmem>> -> memref<1x128xi32, #tpu.memory_space<vmem>>
      %dma_wait3A_80 = tpu.memref_squeeze %dma_wait3A_79 : memref<1x128xi32, #tpu.memory_space<vmem>> -> memref<128xi32, #tpu.memory_space<vmem>>
      %dma_wait3A_81 = arith.constant 0 : i32
      %dma_wait3A_82 = arith.constant 0 : i32
      %dma_wait3A_83 = tpu.memref_slice %arg2[%dma_wait3A_81, %dma_wait3A_82] : memref<10000x128xf32, #tpu.memory_space<hbm>> -> memref<10000x128xf32, #tpu.memory_space<hbm>>
      tpu.wait_indirect_dma semaphore(%arg13 : memref<!tpu.dma_semaphore, #tpu.memory_space<semaphore_mem>>) src(%dma_wait3A_83 : memref<10000x128xf32, #tpu.memory_space<hbm>>) dst(%arg9 : memref<128x128xf32, #tpu.memory_space<vmem>>)
      %dma_start3A_84 = arith.constant 1 : i32
      %dma_start3A_85 = arith.constant 0 : i32
      %dma_start3A_86 = tpu.memref_slice %arg7[%dma_start3A_84, %dma_start3A_85] : memref<40x128xi32, #tpu.memory_space<vmem>> -> memref<1x128xi32, #tpu.memory_space<vmem>>
      %dma_start3A_87 = tpu.memref_squeeze %dma_start3A_86 : memref<1x128xi32, #tpu.memory_space<vmem>> -> memref<128xi32, #tpu.memory_space<vmem>>
      %dma_start3A_88 = arith.constant 0 : i32
      %dma_start3A_89 = arith.constant 0 : i32
      %dma_start3A_90 = tpu.memref_slice %arg11[%dma_start3A_88, %dma_start3A_89] : memref<10240x128xf32, #tpu.memory_space<vmem_shared>> -> memref<10240x128xf32, #tpu.memory_space<vmem_shared>>
      tpu.enqueue_indirect_dma source(%arg9 : memref<128x128xf32, #tpu.memory_space<vmem>>) target(%dma_start3A_90 : memref<10240x128xf32, #tpu.memory_space<vmem_shared>>) offsets(%dma_start3A_87 : memref<128xi32, #tpu.memory_space<vmem>>) semaphore(%arg15 : memref<!tpu.dma_semaphore, #tpu.memory_space<semaphore_mem>>) {add = true}
      %dma_wait3A_91 = arith.constant 1 : i32
      %dma_wait3A_92 = arith.constant 0 : i32
      %dma_wait3A_93 = tpu.memref_slice %arg7[%dma_wait3A_91, %dma_wait3A_92] : memref<40x128xi32, #tpu.memory_space<vmem>> -> memref<1x128xi32, #tpu.memory_space<vmem>>
      %dma_wait3A_94 = tpu.memref_squeeze %dma_wait3A_93 : memref<1x128xi32, #tpu.memory_space<vmem>> -> memref<128xi32, #tpu.memory_space<vmem>>
      %dma_wait3A_95 = arith.constant 0 : i32
      %dma_wait3A_96 = arith.constant 0 : i32
      %dma_wait3A_97 = tpu.memref_slice %arg11[%dma_wait3A_95, %dma_wait3A_96] : memref<10240x128xf32, #tpu.memory_space<vmem_shared>> -> memref<10240x128xf32, #tpu.memory_space<vmem_shared>>
      tpu.wait_indirect_dma semaphore(%arg15 : memref<!tpu.dma_semaphore, #tpu.memory_space<semaphore_mem>>) src(%arg9 : memref<128x128xf32, #tpu.memory_space<vmem>>) dst(%dma_wait3A_97 : memref<10240x128xf32, #tpu.memory_space<vmem_shared>>)
      %dma_start3A_98 = arith.constant 3 : i32
      %dma_start3A_99 = arith.constant 0 : i32
      %dma_start3A_100 = tpu.memref_slice %arg6[%dma_start3A_98, %dma_start3A_99] : memref<40x128xi32, #tpu.memory_space<vmem>> -> memref<1x128xi32, #tpu.memory_space<vmem>>
      %dma_start3A_101 = tpu.memref_squeeze %dma_start3A_100 : memref<1x128xi32, #tpu.memory_space<vmem>> -> memref<128xi32, #tpu.memory_space<vmem>>
      %dma_start3A_102 = arith.constant 0 : i32
      %dma_start3A_103 = arith.constant 0 : i32
      %dma_start3A_104 = tpu.memref_slice %arg2[%dma_start3A_102, %dma_start3A_103] : memref<10000x128xf32, #tpu.memory_space<hbm>> -> memref<10000x128xf32, #tpu.memory_space<hbm>>
      tpu.enqueue_indirect_dma source(%dma_start3A_104 : memref<10000x128xf32, #tpu.memory_space<hbm>>) target(%arg9 : memref<128x128xf32, #tpu.memory_space<vmem>>) offsets(%dma_start3A_101 : memref<128xi32, #tpu.memory_space<vmem>>) semaphore(%arg13 : memref<!tpu.dma_semaphore, #tpu.memory_space<semaphore_mem>>)
      %dma_wait3A_105 = arith.constant 2 : i32
      %dma_wait3A_106 = arith.constant 0 : i32
      %dma_wait3A_107 = tpu.memref_slice %arg6[%dma_wait3A_105, %dma_wait3A_106] : memref<40x128xi32, #tpu.memory_space<vmem>> -> memref<1x128xi32, #tpu.memory_space<vmem>>
      %dma_wait3A_108 = tpu.memref_squeeze %dma_wait3A_107 : memref<1x128xi32, #tpu.memory_space<vmem>> -> memref<128xi32, #tpu.memory_space<vmem>>
      %dma_wait3A_109 = arith.constant 0 : i32
      %dma_wait3A_110 = arith.constant 0 : i32
      %dma_wait3A_111 = tpu.memref_slice %arg2[%dma_wait3A_109, %dma_wait3A_110] : memref<10000x128xf32, #tpu.memory_space<hbm>> -> memref<10000x128xf32, #tpu.memory_space<hbm>>
      tpu.wait_indirect_dma semaphore(%arg12 : memref<!tpu.dma_semaphore, #tpu.memory_space<semaphore_mem>>) src(%dma_wait3A_111 : memref<10000x128xf32, #tpu.memory_space<hbm>>) dst(%arg8 : memref<128x128xf32, #tpu.memory_space<vmem>>)
      %dma_start3A_112 = arith.constant 2 : i32
      %dma_start3A_113 = arith.constant 0 : i32
      %dma_start3A_114 = tpu.memref_slice %arg7[%dma_start3A_112, %dma_start3A_113] : memref<40x128xi32, #tpu.memory_space<vmem>> -> memref<1x128xi32, #tpu.memory_space<vmem>>
      %dma_start3A_115 = tpu.memref_squeeze %dma_start3A_114 : memref<1x128xi32, #tpu.memory_space<vmem>> -> memref<128xi32, #tpu.memory_space<vmem>>
      %dma_start3A_116 = arith.constant 0 : i32
      %dma_start3A_117 = arith.constant 0 : i32
      %dma_start3A_118 = tpu.memref_slice %arg11[%dma_start3A_116, %dma_start3A_117] : memref<10240x128xf32, #tpu.memory_space<vmem_shared>> -> memref<10240x128xf32, #tpu.memory_space<vmem_shared>>
      tpu.enqueue_indirect_dma source(%arg8 : memref<128x128xf32, #tpu.memory_space<vmem>>) target(%dma_start3A_118 : memref<10240x128xf32, #tpu.memory_space<vmem_shared>>) offsets(%dma_start3A_115 : memref<128xi32, #tpu.memory_space<vmem>>) semaphore(%arg14 : memref<!tpu.dma_semaphore, #tpu.memory_space<semaphore_mem>>) {add = true}
      %dma_wait3A_119 = arith.constant 2 : i32
      %dma_wait3A_120 = arith.constant 0 : i32
      %dma_wait3A_121 = tpu.memref_slice %arg7[%dma_wait3A_119, %dma_wait3A_120] : memref<40x128xi32, #tpu.memory_space<vmem>> -> memref<1x128xi32, #tpu.memory_space<vmem>>
      %dma_wait3A_122 = tpu.memref_squeeze %dma_wait3A_121 : memref<1x128xi32, #tpu.memory_space<vmem>> -> memref<128xi32, #tpu.memory_space<vmem>>
      %dma_wait3A_123 = arith.constant 0 : i32
      %dma_wait3A_124 = arith.constant 0 : i32
      %dma_wait3A_125 = tpu.memref_slice %arg11[%dma_wait3A_123, %dma_wait3A_124] : memref<10240x128xf32, #tpu.memory_space<vmem_shared>> -> memref<10240x128xf32, #tpu.memory_space<vmem_shared>>
      tpu.wait_indirect_dma semaphore(%arg14 : memref<!tpu.dma_semaphore, #tpu.memory_space<semaphore_mem>>) src(%arg8 : memref<128x128xf32, #tpu.memory_space<vmem>>) dst(%dma_wait3A_125 : memref<10240x128xf32, #tpu.memory_space<vmem_shared>>)
      %dma_start3A_126 = arith.constant 4 : i32
      %dma_start3A_127 = arith.constant 0 : i32
      %dma_start3A_128 = tpu.memref_slice %arg6[%dma_start3A_126, %dma_start3A_127] : memref<40x128xi32, #tpu.memory_space<vmem>> -> memref<1x128xi32, #tpu.memory_space<vmem>>
      %dma_start3A_129 = tpu.memref_squeeze %dma_start3A_128 : memref<1x128xi32, #tpu.memory_space<vmem>> -> memref<128xi32, #tpu.memory_space<vmem>>
      %dma_start3A_130 = arith.constant 0 : i32
      %dma_start3A_131 = arith.constant 0 : i32
      %dma_start3A_132 = tpu.memref_slice %arg2[%dma_start3A_130, %dma_start3A_131] : memref<10000x128xf32, #tpu.memory_space<hbm>> -> memref<10000x128xf32, #tpu.memory_space<hbm>>
      tpu.enqueue_indirect_dma source(%dma_start3A_132 : memref<10000x128xf32, #tpu.memory_space<hbm>>) target(%arg8 : memref<128x128xf32, #tpu.memory_space<vmem>>) offsets(%dma_start3A_129 : memref<128xi32, #tpu.memory_space<vmem>>) semaphore(%arg12 : memref<!tpu.dma_semaphore, #tpu.memory_space<semaphore_mem>>)
      %dma_wait3A_133 = arith.constant 3 : i32
      %dma_wait3A_134 = arith.constant 0 : i32
      %dma_wait3A_135 = tpu.memref_slice %arg6[%dma_wait3A_133, %dma_wait3A_134] : memref<40x128xi32, #tpu.memory_space<vmem>> -> memref<1x128xi32, #tpu.memory_space<vmem>>
      %dma_wait3A_136 = tpu.memref_squeeze %dma_wait3A_135 : memref<1x128xi32, #tpu.memory_space<vmem>> -> memref<128xi32, #tpu.memory_space<vmem>>
      %dma_wait3A_137 = arith.constant 0 : i32
      %dma_wait3A_138 = arith.constant 0 : i32
      %dma_wait3A_139 = tpu.memref_slice %arg2[%dma_wait3A_137, %dma_wait3A_138] : memref<10000x128xf32, #tpu.memory_space<hbm>> -> memref<10000x128xf32, #tpu.memory_space<hbm>>
      tpu.wait_indirect_dma semaphore(%arg13 : memref<!tpu.dma_semaphore, #tpu.memory_space<semaphore_mem>>) src(%dma_wait3A_139 : memref<10000x128xf32, #tpu.memory_space<hbm>>) dst(%arg9 : memref<128x128xf32, #tpu.memory_space<vmem>>)
      %dma_start3A_140 = arith.constant 3 : i32
      %dma_start3A_141 = arith.constant 0 : i32
      %dma_start3A_142 = tpu.memref_slice %arg7[%dma_start3A_140, %dma_start3A_141] : memref<40x128xi32, #tpu.memory_space<vmem>> -> memref<1x128xi32, #tpu.memory_space<vmem>>
      %dma_start3A_143 = tpu.memref_squeeze %dma_start3A_142 : memref<1x128xi32, #tpu.memory_space<vmem>> -> memref<128xi32, #tpu.memory_space<vmem>>
      %dma_start3A_144 = arith.constant 0 : i32
      %dma_start3A_145 = arith.constant 0 : i32
      %dma_start3A_146 = tpu.memref_slice %arg11[%dma_start3A_144, %dma_start3A_145] : memref<10240x128xf32, #tpu.memory_space<vmem_shared>> -> memref<10240x128xf32, #tpu.memory_space<vmem_shared>>
      tpu.enqueue_indirect_dma source(%arg9 : memref<128x128xf32, #tpu.memory_space<vmem>>) target(%dma_start3A_146 : memref<10240x128xf32, #tpu.memory_space<vmem_shared>>) offsets(%dma_start3A_143 : memref<128xi32, #tpu.memory_space<vmem>>) semaphore(%arg15 : memref<!tpu.dma_semaphore, #tpu.memory_space<semaphore_mem>>) {add = true}
      %dma_wait3A_147 = arith.constant 3 : i32
      %dma_wait3A_148 = arith.constant 0 : i32
      %dma_wait3A_149 = tpu.memref_slice %arg7[%dma_wait3A_147, %dma_wait3A_148] : memref<40x128xi32, #tpu.memory_space<vmem>> -> memref<1x128xi32, #tpu.memory_space<vmem>>
      %dma_wait3A_150 = tpu.memref_squeeze %dma_wait3A_149 : memref<1x128xi32, #tpu.memory_space<vmem>> -> memref<128xi32, #tpu.memory_space<vmem>>
      %dma_wait3A_151 = arith.constant 0 : i32
      %dma_wait3A_152 = arith.constant 0 : i32
      %dma_wait3A_153 = tpu.memref_slice %arg11[%dma_wait3A_151, %dma_wait3A_152] : memref<10240x128xf32, #tpu.memory_space<vmem_shared>> -> memref<10240x128xf32, #tpu.memory_space<vmem_shared>>
      tpu.wait_indirect_dma semaphore(%arg15 : memref<!tpu.dma_semaphore, #tpu.memory_space<semaphore_mem>>) src(%arg9 : memref<128x128xf32, #tpu.memory_space<vmem>>) dst(%dma_wait3A_153 : memref<10240x128xf32, #tpu.memory_space<vmem_shared>>)
      %dma_start3A_154 = arith.constant 5 : i32
      %dma_start3A_155 = arith.constant 0 : i32
      %dma_start3A_156 = tpu.memref_slice %arg6[%dma_start3A_154, %dma_start3A_155] : memref<40x128xi32, #tpu.memory_space<vmem>> -> memref<1x128xi32, #tpu.memory_space<vmem>>
      %dma_start3A_157 = tpu.memref_squeeze %dma_start3A_156 : memref<1x128xi32, #tpu.memory_space<vmem>> -> memref<128xi32, #tpu.memory_space<vmem>>
      %dma_start3A_158 = arith.constant 0 : i32
      %dma_start3A_159 = arith.constant 0 : i32
      %dma_start3A_160 = tpu.memref_slice %arg2[%dma_start3A_158, %dma_start3A_159] : memref<10000x128xf32, #tpu.memory_space<hbm>> -> memref<10000x128xf32, #tpu.memory_space<hbm>>
      tpu.enqueue_indirect_dma source(%dma_start3A_160 : memref<10000x128xf32, #tpu.memory_space<hbm>>) target(%arg9 : memref<128x128xf32, #tpu.memory_space<vmem>>) offsets(%dma_start3A_157 : memref<128xi32, #tpu.memory_space<vmem>>) semaphore(%arg13 : memref<!tpu.dma_semaphore, #tpu.memory_space<semaphore_mem>>)
      %dma_wait3A_161 = arith.constant 4 : i32
      %dma_wait3A_162 = arith.constant 0 : i32
      %dma_wait3A_163 = tpu.memref_slice %arg6[%dma_wait3A_161, %dma_wait3A_162] : memref<40x128xi32, #tpu.memory_space<vmem>> -> memref<1x128xi32, #tpu.memory_space<vmem>>
      %dma_wait3A_164 = tpu.memref_squeeze %dma_wait3A_163 : memref<1x128xi32, #tpu.memory_space<vmem>> -> memref<128xi32, #tpu.memory_space<vmem>>
      %dma_wait3A_165 = arith.constant 0 : i32
      %dma_wait3A_166 = arith.constant 0 : i32
      %dma_wait3A_167 = tpu.memref_slice %arg2[%dma_wait3A_165, %dma_wait3A_166] : memref<10000x128xf32, #tpu.memory_space<hbm>> -> memref<10000x128xf32, #tpu.memory_space<hbm>>
      tpu.wait_indirect_dma semaphore(%arg12 : memref<!tpu.dma_semaphore, #tpu.memory_space<semaphore_mem>>) src(%dma_wait3A_167 : memref<10000x128xf32, #tpu.memory_space<hbm>>) dst(%arg8 : memref<128x128xf32, #tpu.memory_space<vmem>>)
      %dma_start3A_168 = arith.constant 4 : i32
      %dma_start3A_169 = arith.constant 0 : i32
      %dma_start3A_170 = tpu.memref_slice %arg7[%dma_start3A_168, %dma_start3A_169] : memref<40x128xi32, #tpu.memory_space<vmem>> -> memref<1x128xi32, #tpu.memory_space<vmem>>
      %dma_start3A_171 = tpu.memref_squeeze %dma_start3A_170 : memref<1x128xi32, #tpu.memory_space<vmem>> -> memref<128xi32, #tpu.memory_space<vmem>>
      %dma_start3A_172 = arith.constant 0 : i32
      %dma_start3A_173 = arith.constant 0 : i32
      %dma_start3A_174 = tpu.memref_slice %arg11[%dma_start3A_172, %dma_start3A_173] : memref<10240x128xf32, #tpu.memory_space<vmem_shared>> -> memref<10240x128xf32, #tpu.memory_space<vmem_shared>>
      tpu.enqueue_indirect_dma source(%arg8 : memref<128x128xf32, #tpu.memory_space<vmem>>) target(%dma_start3A_174 : memref<10240x128xf32, #tpu.memory_space<vmem_shared>>) offsets(%dma_start3A_171 : memref<128xi32, #tpu.memory_space<vmem>>) semaphore(%arg14 : memref<!tpu.dma_semaphore, #tpu.memory_space<semaphore_mem>>) {add = true}
      %dma_wait3A_175 = arith.constant 4 : i32
      %dma_wait3A_176 = arith.constant 0 : i32
      %dma_wait3A_177 = tpu.memref_slice %arg7[%dma_wait3A_175, %dma_wait3A_176] : memref<40x128xi32, #tpu.memory_space<vmem>> -> memref<1x128xi32, #tpu.memory_space<vmem>>
      %dma_wait3A_178 = tpu.memref_squeeze %dma_wait3A_177 : memref<1x128xi32, #tpu.memory_space<vmem>> -> memref<128xi32, #tpu.memory_space<vmem>>
      %dma_wait3A_179 = arith.constant 0 : i32
      %dma_wait3A_180 = arith.constant 0 : i32
      %dma_wait3A_181 = tpu.memref_slice %arg11[%dma_wait3A_179, %dma_wait3A_180] : memref<10240x128xf32, #tpu.memory_space<vmem_shared>> -> memref<10240x128xf32, #tpu.memory_space<vmem_shared>>
      tpu.wait_indirect_dma semaphore(%arg14 : memref<!tpu.dma_semaphore, #tpu.memory_space<semaphore_mem>>) src(%arg8 : memref<128x128xf32, #tpu.memory_space<vmem>>) dst(%dma_wait3A_181 : memref<10240x128xf32, #tpu.memory_space<vmem_shared>>)
      %dma_start3A_182 = arith.constant 6 : i32
      %dma_start3A_183 = arith.constant 0 : i32
      %dma_start3A_184 = tpu.memref_slice %arg6[%dma_start3A_182, %dma_start3A_183] : memref<40x128xi32, #tpu.memory_space<vmem>> -> memref<1x128xi32, #tpu.memory_space<vmem>>
      %dma_start3A_185 = tpu.memref_squeeze %dma_start3A_184 : memref<1x128xi32, #tpu.memory_space<vmem>> -> memref<128xi32, #tpu.memory_space<vmem>>
      %dma_start3A_186 = arith.constant 0 : i32
      %dma_start3A_187 = arith.constant 0 : i32
      %dma_start3A_188 = tpu.memref_slice %arg2[%dma_start3A_186, %dma_start3A_187] : memref<10000x128xf32, #tpu.memory_space<hbm>> -> memref<10000x128xf32, #tpu.memory_space<hbm>>
      tpu.enqueue_indirect_dma source(%dma_start3A_188 : memref<10000x128xf32, #tpu.memory_space<hbm>>) target(%arg8 : memref<128x128xf32, #tpu.memory_space<vmem>>) offsets(%dma_start3A_185 : memref<128xi32, #tpu.memory_space<vmem>>) semaphore(%arg12 : memref<!tpu.dma_semaphore, #tpu.memory_space<semaphore_mem>>)
      %dma_wait3A_189 = arith.constant 5 : i32
      %dma_wait3A_190 = arith.constant 0 : i32
      %dma_wait3A_191 = tpu.memref_slice %arg6[%dma_wait3A_189, %dma_wait3A_190] : memref<40x128xi32, #tpu.memory_space<vmem>> -> memref<1x128xi32, #tpu.memory_space<vmem>>
      %dma_wait3A_192 = tpu.memref_squeeze %dma_wait3A_191 : memref<1x128xi32, #tpu.memory_space<vmem>> -> memref<128xi32, #tpu.memory_space<vmem>>
      %dma_wait3A_193 = arith.constant 0 : i32
      %dma_wait3A_194 = arith.constant 0 : i32
      %dma_wait3A_195 = tpu.memref_slice %arg2[%dma_wait3A_193, %dma_wait3A_194] : memref<10000x128xf32, #tpu.memory_space<hbm>> -> memref<10000x128xf32, #tpu.memory_space<hbm>>
      tpu.wait_indirect_dma semaphore(%arg13 : memref<!tpu.dma_semaphore, #tpu.memory_space<semaphore_mem>>) src(%dma_wait3A_195 : memref<10000x128xf32, #tpu.memory_space<hbm>>) dst(%arg9 : memref<128x128xf32, #tpu.memory_space<vmem>>)
      %dma_start3A_196 = arith.constant 5 : i32
      %dma_start3A_197 = arith.constant 0 : i32
      %dma_start3A_198 = tpu.memref_slice %arg7[%dma_start3A_196, %dma_start3A_197] : memref<40x128xi32, #tpu.memory_space<vmem>> -> memref<1x128xi32, #tpu.memory_space<vmem>>
      %dma_start3A_199 = tpu.memref_squeeze %dma_start3A_198 : memref<1x128xi32, #tpu.memory_space<vmem>> -> memref<128xi32, #tpu.memory_space<vmem>>
      %dma_start3A_200 = arith.constant 0 : i32
      %dma_start3A_201 = arith.constant 0 : i32
      %dma_start3A_202 = tpu.memref_slice %arg11[%dma_start3A_200, %dma_start3A_201] : memref<10240x128xf32, #tpu.memory_space<vmem_shared>> -> memref<10240x128xf32, #tpu.memory_space<vmem_shared>>
      tpu.enqueue_indirect_dma source(%arg9 : memref<128x128xf32, #tpu.memory_space<vmem>>) target(%dma_start3A_202 : memref<10240x128xf32, #tpu.memory_space<vmem_shared>>) offsets(%dma_start3A_199 : memref<128xi32, #tpu.memory_space<vmem>>) semaphore(%arg15 : memref<!tpu.dma_semaphore, #tpu.memory_space<semaphore_mem>>) {add = true}
      %dma_wait3A_203 = arith.constant 5 : i32
      %dma_wait3A_204 = arith.constant 0 : i32
      %dma_wait3A_205 = tpu.memref_slice %arg7[%dma_wait3A_203, %dma_wait3A_204] : memref<40x128xi32, #tpu.memory_space<vmem>> -> memref<1x128xi32, #tpu.memory_space<vmem>>
      %dma_wait3A_206 = tpu.memref_squeeze %dma_wait3A_205 : memref<1x128xi32, #tpu.memory_space<vmem>> -> memref<128xi32, #tpu.memory_space<vmem>>
      %dma_wait3A_207 = arith.constant 0 : i32
      %dma_wait3A_208 = arith.constant 0 : i32
      %dma_wait3A_209 = tpu.memref_slice %arg11[%dma_wait3A_207, %dma_wait3A_208] : memref<10240x128xf32, #tpu.memory_space<vmem_shared>> -> memref<10240x128xf32, #tpu.memory_space<vmem_shared>>
      tpu.wait_indirect_dma semaphore(%arg15 : memref<!tpu.dma_semaphore, #tpu.memory_space<semaphore_mem>>) src(%arg9 : memref<128x128xf32, #tpu.memory_space<vmem>>) dst(%dma_wait3A_209 : memref<10240x128xf32, #tpu.memory_space<vmem_shared>>)
      %dma_start3A_210 = arith.constant 7 : i32
      %dma_start3A_211 = arith.constant 0 : i32
      %dma_start3A_212 = tpu.memref_slice %arg6[%dma_start3A_210, %dma_start3A_211] : memref<40x128xi32, #tpu.memory_space<vmem>> -> memref<1x128xi32, #tpu.memory_space<vmem>>
      %dma_start3A_213 = tpu.memref_squeeze %dma_start3A_212 : memref<1x128xi32, #tpu.memory_space<vmem>> -> memref<128xi32, #tpu.memory_space<vmem>>
      %dma_start3A_214 = arith.constant 0 : i32
      %dma_start3A_215 = arith.constant 0 : i32
      %dma_start3A_216 = tpu.memref_slice %arg2[%dma_start3A_214, %dma_start3A_215] : memref<10000x128xf32, #tpu.memory_space<hbm>> -> memref<10000x128xf32, #tpu.memory_space<hbm>>
      tpu.enqueue_indirect_dma source(%dma_start3A_216 : memref<10000x128xf32, #tpu.memory_space<hbm>>) target(%arg9 : memref<128x128xf32, #tpu.memory_space<vmem>>) offsets(%dma_start3A_213 : memref<128xi32, #tpu.memory_space<vmem>>) semaphore(%arg13 : memref<!tpu.dma_semaphore, #tpu.memory_space<semaphore_mem>>)
      %dma_wait3A_217 = arith.constant 6 : i32
      %dma_wait3A_218 = arith.constant 0 : i32
      %dma_wait3A_219 = tpu.memref_slice %arg6[%dma_wait3A_217, %dma_wait3A_218] : memref<40x128xi32, #tpu.memory_space<vmem>> -> memref<1x128xi32, #tpu.memory_space<vmem>>
      %dma_wait3A_220 = tpu.memref_squeeze %dma_wait3A_219 : memref<1x128xi32, #tpu.memory_space<vmem>> -> memref<128xi32, #tpu.memory_space<vmem>>
      %dma_wait3A_221 = arith.constant 0 : i32
      %dma_wait3A_222 = arith.constant 0 : i32
      %dma_wait3A_223 = tpu.memref_slice %arg2[%dma_wait3A_221, %dma_wait3A_222] : memref<10000x128xf32, #tpu.memory_space<hbm>> -> memref<10000x128xf32, #tpu.memory_space<hbm>>
      tpu.wait_indirect_dma semaphore(%arg12 : memref<!tpu.dma_semaphore, #tpu.memory_space<semaphore_mem>>) src(%dma_wait3A_223 : memref<10000x128xf32, #tpu.memory_space<hbm>>) dst(%arg8 : memref<128x128xf32, #tpu.memory_space<vmem>>)
      %dma_start3A_224 = arith.constant 6 : i32
      %dma_start3A_225 = arith.constant 0 : i32
      %dma_start3A_226 = tpu.memref_slice %arg7[%dma_start3A_224, %dma_start3A_225] : memref<40x128xi32, #tpu.memory_space<vmem>> -> memref<1x128xi32, #tpu.memory_space<vmem>>
      %dma_start3A_227 = tpu.memref_squeeze %dma_start3A_226 : memref<1x128xi32, #tpu.memory_space<vmem>> -> memref<128xi32, #tpu.memory_space<vmem>>
      %dma_start3A_228 = arith.constant 0 : i32
      %dma_start3A_229 = arith.constant 0 : i32
      %dma_start3A_230 = tpu.memref_slice %arg11[%dma_start3A_228, %dma_start3A_229] : memref<10240x128xf32, #tpu.memory_space<vmem_shared>> -> memref<10240x128xf32, #tpu.memory_space<vmem_shared>>
      tpu.enqueue_indirect_dma source(%arg8 : memref<128x128xf32, #tpu.memory_space<vmem>>) target(%dma_start3A_230 : memref<10240x128xf32, #tpu.memory_space<vmem_shared>>) offsets(%dma_start3A_227 : memref<128xi32, #tpu.memory_space<vmem>>) semaphore(%arg14 : memref<!tpu.dma_semaphore, #tpu.memory_space<semaphore_mem>>) {add = true}
      %dma_wait3A_231 = arith.constant 6 : i32
      %dma_wait3A_232 = arith.constant 0 : i32
      %dma_wait3A_233 = tpu.memref_slice %arg7[%dma_wait3A_231, %dma_wait3A_232] : memref<40x128xi32, #tpu.memory_space<vmem>> -> memref<1x128xi32, #tpu.memory_space<vmem>>
      %dma_wait3A_234 = tpu.memref_squeeze %dma_wait3A_233 : memref<1x128xi32, #tpu.memory_space<vmem>> -> memref<128xi32, #tpu.memory_space<vmem>>
      %dma_wait3A_235 = arith.constant 0 : i32
      %dma_wait3A_236 = arith.constant 0 : i32
      %dma_wait3A_237 = tpu.memref_slice %arg11[%dma_wait3A_235, %dma_wait3A_236] : memref<10240x128xf32, #tpu.memory_space<vmem_shared>> -> memref<10240x128xf32, #tpu.memory_space<vmem_shared>>
      tpu.wait_indirect_dma semaphore(%arg14 : memref<!tpu.dma_semaphore, #tpu.memory_space<semaphore_mem>>) src(%arg8 : memref<128x128xf32, #tpu.memory_space<vmem>>) dst(%dma_wait3A_237 : memref<10240x128xf32, #tpu.memory_space<vmem_shared>>)
      %dma_start3A_238 = arith.constant 8 : i32
      %dma_start3A_239 = arith.constant 0 : i32
      %dma_start3A_240 = tpu.memref_slice %arg6[%dma_start3A_238, %dma_start3A_239] : memref<40x128xi32, #tpu.memory_space<vmem>> -> memref<1x128xi32, #tpu.memory_space<vmem>>
      %dma_start3A_241 = tpu.memref_squeeze %dma_start3A_240 : memref<1x128xi32, #tpu.memory_space<vmem>> -> memref<128xi32, #tpu.memory_space<vmem>>
      %dma_start3A_242 = arith.constant 0 : i32
      %dma_start3A_243 = arith.constant 0 : i32
      %dma_start3A_244 = tpu.memref_slice %arg2[%dma_start3A_242, %dma_start3A_243] : memref<10000x128xf32, #tpu.memory_space<hbm>> -> memref<10000x128xf32, #tpu.memory_space<hbm>>
      tpu.enqueue_indirect_dma source(%dma_start3A_244 : memref<10000x128xf32, #tpu.memory_space<hbm>>) target(%arg8 : memref<128x128xf32, #tpu.memory_space<vmem>>) offsets(%dma_start3A_241 : memref<128xi32, #tpu.memory_space<vmem>>) semaphore(%arg12 : memref<!tpu.dma_semaphore, #tpu.memory_space<semaphore_mem>>)
      %dma_wait3A_245 = arith.constant 7 : i32
      %dma_wait3A_246 = arith.constant 0 : i32
      %dma_wait3A_247 = tpu.memref_slice %arg6[%dma_wait3A_245, %dma_wait3A_246] : memref<40x128xi32, #tpu.memory_space<vmem>> -> memref<1x128xi32, #tpu.memory_space<vmem>>
      %dma_wait3A_248 = tpu.memref_squeeze %dma_wait3A_247 : memref<1x128xi32, #tpu.memory_space<vmem>> -> memref<128xi32, #tpu.memory_space<vmem>>
      %dma_wait3A_249 = arith.constant 0 : i32
      %dma_wait3A_250 = arith.constant 0 : i32
      %dma_wait3A_251 = tpu.memref_slice %arg2[%dma_wait3A_249, %dma_wait3A_250] : memref<10000x128xf32, #tpu.memory_space<hbm>> -> memref<10000x128xf32, #tpu.memory_space<hbm>>
      tpu.wait_indirect_dma semaphore(%arg13 : memref<!tpu.dma_semaphore, #tpu.memory_space<semaphore_mem>>) src(%dma_wait3A_251 : memref<10000x128xf32, #tpu.memory_space<hbm>>) dst(%arg9 : memref<128x128xf32, #tpu.memory_space<vmem>>)
      %dma_start3A_252 = arith.constant 7 : i32
      %dma_start3A_253 = arith.constant 0 : i32
      %dma_start3A_254 = tpu.memref_slice %arg7[%dma_start3A_252, %dma_start3A_253] : memref<40x128xi32, #tpu.memory_space<vmem>> -> memref<1x128xi32, #tpu.memory_space<vmem>>
      %dma_start3A_255 = tpu.memref_squeeze %dma_start3A_254 : memref<1x128xi32, #tpu.memory_space<vmem>> -> memref<128xi32, #tpu.memory_space<vmem>>
      %dma_start3A_256 = arith.constant 0 : i32
      %dma_start3A_257 = arith.constant 0 : i32
      %dma_start3A_258 = tpu.memref_slice %arg11[%dma_start3A_256, %dma_start3A_257] : memref<10240x128xf32, #tpu.memory_space<vmem_shared>> -> memref<10240x128xf32, #tpu.memory_space<vmem_shared>>
      tpu.enqueue_indirect_dma source(%arg9 : memref<128x128xf32, #tpu.memory_space<vmem>>) target(%dma_start3A_258 : memref<10240x128xf32, #tpu.memory_space<vmem_shared>>) offsets(%dma_start3A_255 : memref<128xi32, #tpu.memory_space<vmem>>) semaphore(%arg15 : memref<!tpu.dma_semaphore, #tpu.memory_space<semaphore_mem>>) {add = true}
      %dma_wait3A_259 = arith.constant 7 : i32
      %dma_wait3A_260 = arith.constant 0 : i32
      %dma_wait3A_261 = tpu.memref_slice %arg7[%dma_wait3A_259, %dma_wait3A_260] : memref<40x128xi32, #tpu.memory_space<vmem>> -> memref<1x128xi32, #tpu.memory_space<vmem>>
      %dma_wait3A_262 = tpu.memref_squeeze %dma_wait3A_261 : memref<1x128xi32, #tpu.memory_space<vmem>> -> memref<128xi32, #tpu.memory_space<vmem>>
      %dma_wait3A_263 = arith.constant 0 : i32
      %dma_wait3A_264 = arith.constant 0 : i32
      %dma_wait3A_265 = tpu.memref_slice %arg11[%dma_wait3A_263, %dma_wait3A_264] : memref<10240x128xf32, #tpu.memory_space<vmem_shared>> -> memref<10240x128xf32, #tpu.memory_space<vmem_shared>>
      tpu.wait_indirect_dma semaphore(%arg15 : memref<!tpu.dma_semaphore, #tpu.memory_space<semaphore_mem>>) src(%arg9 : memref<128x128xf32, #tpu.memory_space<vmem>>) dst(%dma_wait3A_265 : memref<10240x128xf32, #tpu.memory_space<vmem_shared>>)
      %dma_start3A_266 = arith.constant 9 : i32
      %dma_start3A_267 = arith.constant 0 : i32
      %dma_start3A_268 = tpu.memref_slice %arg6[%dma_start3A_266, %dma_start3A_267] : memref<40x128xi32, #tpu.memory_space<vmem>> -> memref<1x128xi32, #tpu.memory_space<vmem>>
      %dma_start3A_269 = tpu.memref_squeeze %dma_start3A_268 : memref<1x128xi32, #tpu.memory_space<vmem>> -> memref<128xi32, #tpu.memory_space<vmem>>
      %dma_start3A_270 = arith.constant 0 : i32
      %dma_start3A_271 = arith.constant 0 : i32
      %dma_start3A_272 = tpu.memref_slice %arg2[%dma_start3A_270, %dma_start3A_271] : memref<10000x128xf32, #tpu.memory_space<hbm>> -> memref<10000x128xf32, #tpu.memory_space<hbm>>
      tpu.enqueue_indirect_dma source(%dma_start3A_272 : memref<10000x128xf32, #tpu.memory_space<hbm>>) target(%arg9 : memref<128x128xf32, #tpu.memory_space<vmem>>) offsets(%dma_start3A_269 : memref<128xi32, #tpu.memory_space<vmem>>) semaphore(%arg13 : memref<!tpu.dma_semaphore, #tpu.memory_space<semaphore_mem>>)
      %dma_wait3A_273 = arith.constant 8 : i32
      %dma_wait3A_274 = arith.constant 0 : i32
      %dma_wait3A_275 = tpu.memref_slice %arg6[%dma_wait3A_273, %dma_wait3A_274] : memref<40x128xi32, #tpu.memory_space<vmem>> -> memref<1x128xi32, #tpu.memory_space<vmem>>
      %dma_wait3A_276 = tpu.memref_squeeze %dma_wait3A_275 : memref<1x128xi32, #tpu.memory_space<vmem>> -> memref<128xi32, #tpu.memory_space<vmem>>
      %dma_wait3A_277 = arith.constant 0 : i32
      %dma_wait3A_278 = arith.constant 0 : i32
      %dma_wait3A_279 = tpu.memref_slice %arg2[%dma_wait3A_277, %dma_wait3A_278] : memref<10000x128xf32, #tpu.memory_space<hbm>> -> memref<10000x128xf32, #tpu.memory_space<hbm>>
      tpu.wait_indirect_dma semaphore(%arg12 : memref<!tpu.dma_semaphore, #tpu.memory_space<semaphore_mem>>) src(%dma_wait3A_279 : memref<10000x128xf32, #tpu.memory_space<hbm>>) dst(%arg8 : memref<128x128xf32, #tpu.memory_space<vmem>>)
      %dma_start3A_280 = arith.constant 8 : i32
      %dma_start3A_281 = arith.constant 0 : i32
      %dma_start3A_282 = tpu.memref_slice %arg7[%dma_start3A_280, %dma_start3A_281] : memref<40x128xi32, #tpu.memory_space<vmem>> -> memref<1x128xi32, #tpu.memory_space<vmem>>
      %dma_start3A_283 = tpu.memref_squeeze %dma_start3A_282 : memref<1x128xi32, #tpu.memory_space<vmem>> -> memref<128xi32, #tpu.memory_space<vmem>>
      %dma_start3A_284 = arith.constant 0 : i32
      %dma_start3A_285 = arith.constant 0 : i32
      %dma_start3A_286 = tpu.memref_slice %arg11[%dma_start3A_284, %dma_start3A_285] : memref<10240x128xf32, #tpu.memory_space<vmem_shared>> -> memref<10240x128xf32, #tpu.memory_space<vmem_shared>>
      tpu.enqueue_indirect_dma source(%arg8 : memref<128x128xf32, #tpu.memory_space<vmem>>) target(%dma_start3A_286 : memref<10240x128xf32, #tpu.memory_space<vmem_shared>>) offsets(%dma_start3A_283 : memref<128xi32, #tpu.memory_space<vmem>>) semaphore(%arg14 : memref<!tpu.dma_semaphore, #tpu.memory_space<semaphore_mem>>) {add = true}
      %dma_wait3A_287 = arith.constant 8 : i32
      %dma_wait3A_288 = arith.constant 0 : i32
      %dma_wait3A_289 = tpu.memref_slice %arg7[%dma_wait3A_287, %dma_wait3A_288] : memref<40x128xi32, #tpu.memory_space<vmem>> -> memref<1x128xi32, #tpu.memory_space<vmem>>
      %dma_wait3A_290 = tpu.memref_squeeze %dma_wait3A_289 : memref<1x128xi32, #tpu.memory_space<vmem>> -> memref<128xi32, #tpu.memory_space<vmem>>
      %dma_wait3A_291 = arith.constant 0 : i32
      %dma_wait3A_292 = arith.constant 0 : i32
      %dma_wait3A_293 = tpu.memref_slice %arg11[%dma_wait3A_291, %dma_wait3A_292] : memref<10240x128xf32, #tpu.memory_space<vmem_shared>> -> memref<10240x128xf32, #tpu.memory_space<vmem_shared>>
      tpu.wait_indirect_dma semaphore(%arg14 : memref<!tpu.dma_semaphore, #tpu.memory_space<semaphore_mem>>) src(%arg8 : memref<128x128xf32, #tpu.memory_space<vmem>>) dst(%dma_wait3A_293 : memref<10240x128xf32, #tpu.memory_space<vmem_shared>>)
      %dma_start3A_294 = arith.constant 10 : i32
      %dma_start3A_295 = arith.constant 0 : i32
      %dma_start3A_296 = tpu.memref_slice %arg6[%dma_start3A_294, %dma_start3A_295] : memref<40x128xi32, #tpu.memory_space<vmem>> -> memref<1x128xi32, #tpu.memory_space<vmem>>
      %dma_start3A_297 = tpu.memref_squeeze %dma_start3A_296 : memref<1x128xi32, #tpu.memory_space<vmem>> -> memref<128xi32, #tpu.memory_space<vmem>>
      %dma_start3A_298 = arith.constant 0 : i32
      %dma_start3A_299 = arith.constant 0 : i32
      %dma_start3A_300 = tpu.memref_slice %arg2[%dma_start3A_298, %dma_start3A_299] : memref<10000x128xf32, #tpu.memory_space<hbm>> -> memref<10000x128xf32, #tpu.memory_space<hbm>>
      tpu.enqueue_indirect_dma source(%dma_start3A_300 : memref<10000x128xf32, #tpu.memory_space<hbm>>) target(%arg8 : memref<128x128xf32, #tpu.memory_space<vmem>>) offsets(%dma_start3A_297 : memref<128xi32, #tpu.memory_space<vmem>>) semaphore(%arg12 : memref<!tpu.dma_semaphore, #tpu.memory_space<semaphore_mem>>)
      %dma_wait3A_301 = arith.constant 9 : i32
      %dma_wait3A_302 = arith.constant 0 : i32
      %dma_wait3A_303 = tpu.memref_slice %arg6[%dma_wait3A_301, %dma_wait3A_302] : memref<40x128xi32, #tpu.memory_space<vmem>> -> memref<1x128xi32, #tpu.memory_space<vmem>>
      %dma_wait3A_304 = tpu.memref_squeeze %dma_wait3A_303 : memref<1x128xi32, #tpu.memory_space<vmem>> -> memref<128xi32, #tpu.memory_space<vmem>>
      %dma_wait3A_305 = arith.constant 0 : i32
      %dma_wait3A_306 = arith.constant 0 : i32
      %dma_wait3A_307 = tpu.memref_slice %arg2[%dma_wait3A_305, %dma_wait3A_306] : memref<10000x128xf32, #tpu.memory_space<hbm>> -> memref<10000x128xf32, #tpu.memory_space<hbm>>
      tpu.wait_indirect_dma semaphore(%arg13 : memref<!tpu.dma_semaphore, #tpu.memory_space<semaphore_mem>>) src(%dma_wait3A_307 : memref<10000x128xf32, #tpu.memory_space<hbm>>) dst(%arg9 : memref<128x128xf32, #tpu.memory_space<vmem>>)
      %dma_start3A_308 = arith.constant 9 : i32
      %dma_start3A_309 = arith.constant 0 : i32
      %dma_start3A_310 = tpu.memref_slice %arg7[%dma_start3A_308, %dma_start3A_309] : memref<40x128xi32, #tpu.memory_space<vmem>> -> memref<1x128xi32, #tpu.memory_space<vmem>>
      %dma_start3A_311 = tpu.memref_squeeze %dma_start3A_310 : memref<1x128xi32, #tpu.memory_space<vmem>> -> memref<128xi32, #tpu.memory_space<vmem>>
      %dma_start3A_312 = arith.constant 0 : i32
      %dma_start3A_313 = arith.constant 0 : i32
      %dma_start3A_314 = tpu.memref_slice %arg11[%dma_start3A_312, %dma_start3A_313] : memref<10240x128xf32, #tpu.memory_space<vmem_shared>> -> memref<10240x128xf32, #tpu.memory_space<vmem_shared>>
      tpu.enqueue_indirect_dma source(%arg9 : memref<128x128xf32, #tpu.memory_space<vmem>>) target(%dma_start3A_314 : memref<10240x128xf32, #tpu.memory_space<vmem_shared>>) offsets(%dma_start3A_311 : memref<128xi32, #tpu.memory_space<vmem>>) semaphore(%arg15 : memref<!tpu.dma_semaphore, #tpu.memory_space<semaphore_mem>>) {add = true}
      %dma_wait3A_315 = arith.constant 9 : i32
      %dma_wait3A_316 = arith.constant 0 : i32
      %dma_wait3A_317 = tpu.memref_slice %arg7[%dma_wait3A_315, %dma_wait3A_316] : memref<40x128xi32, #tpu.memory_space<vmem>> -> memref<1x128xi32, #tpu.memory_space<vmem>>
      %dma_wait3A_318 = tpu.memref_squeeze %dma_wait3A_317 : memref<1x128xi32, #tpu.memory_space<vmem>> -> memref<128xi32, #tpu.memory_space<vmem>>
      %dma_wait3A_319 = arith.constant 0 : i32
      %dma_wait3A_320 = arith.constant 0 : i32
      %dma_wait3A_321 = tpu.memref_slice %arg11[%dma_wait3A_319, %dma_wait3A_320] : memref<10240x128xf32, #tpu.memory_space<vmem_shared>> -> memref<10240x128xf32, #tpu.memory_space<vmem_shared>>
      tpu.wait_indirect_dma semaphore(%arg15 : memref<!tpu.dma_semaphore, #tpu.memory_space<semaphore_mem>>) src(%arg9 : memref<128x128xf32, #tpu.memory_space<vmem>>) dst(%dma_wait3A_321 : memref<10240x128xf32, #tpu.memory_space<vmem_shared>>)
      %dma_start3A_322 = arith.constant 11 : i32
      %dma_start3A_323 = arith.constant 0 : i32
      %dma_start3A_324 = tpu.memref_slice %arg6[%dma_start3A_322, %dma_start3A_323] : memref<40x128xi32, #tpu.memory_space<vmem>> -> memref<1x128xi32, #tpu.memory_space<vmem>>
      %dma_start3A_325 = tpu.memref_squeeze %dma_start3A_324 : memref<1x128xi32, #tpu.memory_space<vmem>> -> memref<128xi32, #tpu.memory_space<vmem>>
      %dma_start3A_326 = arith.constant 0 : i32
      %dma_start3A_327 = arith.constant 0 : i32
      %dma_start3A_328 = tpu.memref_slice %arg2[%dma_start3A_326, %dma_start3A_327] : memref<10000x128xf32, #tpu.memory_space<hbm>> -> memref<10000x128xf32, #tpu.memory_space<hbm>>
      tpu.enqueue_indirect_dma source(%dma_start3A_328 : memref<10000x128xf32, #tpu.memory_space<hbm>>) target(%arg9 : memref<128x128xf32, #tpu.memory_space<vmem>>) offsets(%dma_start3A_325 : memref<128xi32, #tpu.memory_space<vmem>>) semaphore(%arg13 : memref<!tpu.dma_semaphore, #tpu.memory_space<semaphore_mem>>)
      %dma_wait3A_329 = arith.constant 10 : i32
      %dma_wait3A_330 = arith.constant 0 : i32
      %dma_wait3A_331 = tpu.memref_slice %arg6[%dma_wait3A_329, %dma_wait3A_330] : memref<40x128xi32, #tpu.memory_space<vmem>> -> memref<1x128xi32, #tpu.memory_space<vmem>>
      %dma_wait3A_332 = tpu.memref_squeeze %dma_wait3A_331 : memref<1x128xi32, #tpu.memory_space<vmem>> -> memref<128xi32, #tpu.memory_space<vmem>>
      %dma_wait3A_333 = arith.constant 0 : i32
      %dma_wait3A_334 = arith.constant 0 : i32
      %dma_wait3A_335 = tpu.memref_slice %arg2[%dma_wait3A_333, %dma_wait3A_334] : memref<10000x128xf32, #tpu.memory_space<hbm>> -> memref<10000x128xf32, #tpu.memory_space<hbm>>
      tpu.wait_indirect_dma semaphore(%arg12 : memref<!tpu.dma_semaphore, #tpu.memory_space<semaphore_mem>>) src(%dma_wait3A_335 : memref<10000x128xf32, #tpu.memory_space<hbm>>) dst(%arg8 : memref<128x128xf32, #tpu.memory_space<vmem>>)
      %dma_start3A_336 = arith.constant 10 : i32
      %dma_start3A_337 = arith.constant 0 : i32
      %dma_start3A_338 = tpu.memref_slice %arg7[%dma_start3A_336, %dma_start3A_337] : memref<40x128xi32, #tpu.memory_space<vmem>> -> memref<1x128xi32, #tpu.memory_space<vmem>>
      %dma_start3A_339 = tpu.memref_squeeze %dma_start3A_338 : memref<1x128xi32, #tpu.memory_space<vmem>> -> memref<128xi32, #tpu.memory_space<vmem>>
      %dma_start3A_340 = arith.constant 0 : i32
      %dma_start3A_341 = arith.constant 0 : i32
      %dma_start3A_342 = tpu.memref_slice %arg11[%dma_start3A_340, %dma_start3A_341] : memref<10240x128xf32, #tpu.memory_space<vmem_shared>> -> memref<10240x128xf32, #tpu.memory_space<vmem_shared>>
      tpu.enqueue_indirect_dma source(%arg8 : memref<128x128xf32, #tpu.memory_space<vmem>>) target(%dma_start3A_342 : memref<10240x128xf32, #tpu.memory_space<vmem_shared>>) offsets(%dma_start3A_339 : memref<128xi32, #tpu.memory_space<vmem>>) semaphore(%arg14 : memref<!tpu.dma_semaphore, #tpu.memory_space<semaphore_mem>>) {add = true}
      %dma_wait3A_343 = arith.constant 10 : i32
      %dma_wait3A_344 = arith.constant 0 : i32
      %dma_wait3A_345 = tpu.memref_slice %arg7[%dma_wait3A_343, %dma_wait3A_344] : memref<40x128xi32, #tpu.memory_space<vmem>> -> memref<1x128xi32, #tpu.memory_space<vmem>>
      %dma_wait3A_346 = tpu.memref_squeeze %dma_wait3A_345 : memref<1x128xi32, #tpu.memory_space<vmem>> -> memref<128xi32, #tpu.memory_space<vmem>>
      %dma_wait3A_347 = arith.constant 0 : i32
      %dma_wait3A_348 = arith.constant 0 : i32
      %dma_wait3A_349 = tpu.memref_slice %arg11[%dma_wait3A_347, %dma_wait3A_348] : memref<10240x128xf32, #tpu.memory_space<vmem_shared>> -> memref<10240x128xf32, #tpu.memory_space<vmem_shared>>
      tpu.wait_indirect_dma semaphore(%arg14 : memref<!tpu.dma_semaphore, #tpu.memory_space<semaphore_mem>>) src(%arg8 : memref<128x128xf32, #tpu.memory_space<vmem>>) dst(%dma_wait3A_349 : memref<10240x128xf32, #tpu.memory_space<vmem_shared>>)
      %dma_start3A_350 = arith.constant 12 : i32
      %dma_start3A_351 = arith.constant 0 : i32
      %dma_start3A_352 = tpu.memref_slice %arg6[%dma_start3A_350, %dma_start3A_351] : memref<40x128xi32, #tpu.memory_space<vmem>> -> memref<1x128xi32, #tpu.memory_space<vmem>>
      %dma_start3A_353 = tpu.memref_squeeze %dma_start3A_352 : memref<1x128xi32, #tpu.memory_space<vmem>> -> memref<128xi32, #tpu.memory_space<vmem>>
      %dma_start3A_354 = arith.constant 0 : i32
      %dma_start3A_355 = arith.constant 0 : i32
      %dma_start3A_356 = tpu.memref_slice %arg2[%dma_start3A_354, %dma_start3A_355] : memref<10000x128xf32, #tpu.memory_space<hbm>> -> memref<10000x128xf32, #tpu.memory_space<hbm>>
      tpu.enqueue_indirect_dma source(%dma_start3A_356 : memref<10000x128xf32, #tpu.memory_space<hbm>>) target(%arg8 : memref<128x128xf32, #tpu.memory_space<vmem>>) offsets(%dma_start3A_353 : memref<128xi32, #tpu.memory_space<vmem>>) semaphore(%arg12 : memref<!tpu.dma_semaphore, #tpu.memory_space<semaphore_mem>>)
      %dma_wait3A_357 = arith.constant 11 : i32
      %dma_wait3A_358 = arith.constant 0 : i32
      %dma_wait3A_359 = tpu.memref_slice %arg6[%dma_wait3A_357, %dma_wait3A_358] : memref<40x128xi32, #tpu.memory_space<vmem>> -> memref<1x128xi32, #tpu.memory_space<vmem>>
      %dma_wait3A_360 = tpu.memref_squeeze %dma_wait3A_359 : memref<1x128xi32, #tpu.memory_space<vmem>> -> memref<128xi32, #tpu.memory_space<vmem>>
      %dma_wait3A_361 = arith.constant 0 : i32
      %dma_wait3A_362 = arith.constant 0 : i32
      %dma_wait3A_363 = tpu.memref_slice %arg2[%dma_wait3A_361, %dma_wait3A_362] : memref<10000x128xf32, #tpu.memory_space<hbm>> -> memref<10000x128xf32, #tpu.memory_space<hbm>>
      tpu.wait_indirect_dma semaphore(%arg13 : memref<!tpu.dma_semaphore, #tpu.memory_space<semaphore_mem>>) src(%dma_wait3A_363 : memref<10000x128xf32, #tpu.memory_space<hbm>>) dst(%arg9 : memref<128x128xf32, #tpu.memory_space<vmem>>)
      %dma_start3A_364 = arith.constant 11 : i32
      %dma_start3A_365 = arith.constant 0 : i32
      %dma_start3A_366 = tpu.memref_slice %arg7[%dma_start3A_364, %dma_start3A_365] : memref<40x128xi32, #tpu.memory_space<vmem>> -> memref<1x128xi32, #tpu.memory_space<vmem>>
      %dma_start3A_367 = tpu.memref_squeeze %dma_start3A_366 : memref<1x128xi32, #tpu.memory_space<vmem>> -> memref<128xi32, #tpu.memory_space<vmem>>
      %dma_start3A_368 = arith.constant 0 : i32
      %dma_start3A_369 = arith.constant 0 : i32
      %dma_start3A_370 = tpu.memref_slice %arg11[%dma_start3A_368, %dma_start3A_369] : memref<10240x128xf32, #tpu.memory_space<vmem_shared>> -> memref<10240x128xf32, #tpu.memory_space<vmem_shared>>
      tpu.enqueue_indirect_dma source(%arg9 : memref<128x128xf32, #tpu.memory_space<vmem>>) target(%dma_start3A_370 : memref<10240x128xf32, #tpu.memory_space<vmem_shared>>) offsets(%dma_start3A_367 : memref<128xi32, #tpu.memory_space<vmem>>) semaphore(%arg15 : memref<!tpu.dma_semaphore, #tpu.memory_space<semaphore_mem>>) {add = true}
      %dma_wait3A_371 = arith.constant 11 : i32
      %dma_wait3A_372 = arith.constant 0 : i32
      %dma_wait3A_373 = tpu.memref_slice %arg7[%dma_wait3A_371, %dma_wait3A_372] : memref<40x128xi32, #tpu.memory_space<vmem>> -> memref<1x128xi32, #tpu.memory_space<vmem>>
      %dma_wait3A_374 = tpu.memref_squeeze %dma_wait3A_373 : memref<1x128xi32, #tpu.memory_space<vmem>> -> memref<128xi32, #tpu.memory_space<vmem>>
      %dma_wait3A_375 = arith.constant 0 : i32
      %dma_wait3A_376 = arith.constant 0 : i32
      %dma_wait3A_377 = tpu.memref_slice %arg11[%dma_wait3A_375, %dma_wait3A_376] : memref<10240x128xf32, #tpu.memory_space<vmem_shared>> -> memref<10240x128xf32, #tpu.memory_space<vmem_shared>>
      tpu.wait_indirect_dma semaphore(%arg15 : memref<!tpu.dma_semaphore, #tpu.memory_space<semaphore_mem>>) src(%arg9 : memref<128x128xf32, #tpu.memory_space<vmem>>) dst(%dma_wait3A_377 : memref<10240x128xf32, #tpu.memory_space<vmem_shared>>)
      %dma_start3A_378 = arith.constant 13 : i32
      %dma_start3A_379 = arith.constant 0 : i32
      %dma_start3A_380 = tpu.memref_slice %arg6[%dma_start3A_378, %dma_start3A_379] : memref<40x128xi32, #tpu.memory_space<vmem>> -> memref<1x128xi32, #tpu.memory_space<vmem>>
      %dma_start3A_381 = tpu.memref_squeeze %dma_start3A_380 : memref<1x128xi32, #tpu.memory_space<vmem>> -> memref<128xi32, #tpu.memory_space<vmem>>
      %dma_start3A_382 = arith.constant 0 : i32
      %dma_start3A_383 = arith.constant 0 : i32
      %dma_start3A_384 = tpu.memref_slice %arg2[%dma_start3A_382, %dma_start3A_383] : memref<10000x128xf32, #tpu.memory_space<hbm>> -> memref<10000x128xf32, #tpu.memory_space<hbm>>
      tpu.enqueue_indirect_dma source(%dma_start3A_384 : memref<10000x128xf32, #tpu.memory_space<hbm>>) target(%arg9 : memref<128x128xf32, #tpu.memory_space<vmem>>) offsets(%dma_start3A_381 : memref<128xi32, #tpu.memory_space<vmem>>) semaphore(%arg13 : memref<!tpu.dma_semaphore, #tpu.memory_space<semaphore_mem>>)
      %dma_wait3A_385 = arith.constant 12 : i32
      %dma_wait3A_386 = arith.constant 0 : i32
      %dma_wait3A_387 = tpu.memref_slice %arg6[%dma_wait3A_385, %dma_wait3A_386] : memref<40x128xi32, #tpu.memory_space<vmem>> -> memref<1x128xi32, #tpu.memory_space<vmem>>
      %dma_wait3A_388 = tpu.memref_squeeze %dma_wait3A_387 : memref<1x128xi32, #tpu.memory_space<vmem>> -> memref<128xi32, #tpu.memory_space<vmem>>
      %dma_wait3A_389 = arith.constant 0 : i32
      %dma_wait3A_390 = arith.constant 0 : i32
      %dma_wait3A_391 = tpu.memref_slice %arg2[%dma_wait3A_389, %dma_wait3A_390] : memref<10000x128xf32, #tpu.memory_space<hbm>> -> memref<10000x128xf32, #tpu.memory_space<hbm>>
      tpu.wait_indirect_dma semaphore(%arg12 : memref<!tpu.dma_semaphore, #tpu.memory_space<semaphore_mem>>) src(%dma_wait3A_391 : memref<10000x128xf32, #tpu.memory_space<hbm>>) dst(%arg8 : memref<128x128xf32, #tpu.memory_space<vmem>>)
      %dma_start3A_392 = arith.constant 12 : i32
      %dma_start3A_393 = arith.constant 0 : i32
      %dma_start3A_394 = tpu.memref_slice %arg7[%dma_start3A_392, %dma_start3A_393] : memref<40x128xi32, #tpu.memory_space<vmem>> -> memref<1x128xi32, #tpu.memory_space<vmem>>
      %dma_start3A_395 = tpu.memref_squeeze %dma_start3A_394 : memref<1x128xi32, #tpu.memory_space<vmem>> -> memref<128xi32, #tpu.memory_space<vmem>>
      %dma_start3A_396 = arith.constant 0 : i32
      %dma_start3A_397 = arith.constant 0 : i32
      %dma_start3A_398 = tpu.memref_slice %arg11[%dma_start3A_396, %dma_start3A_397] : memref<10240x128xf32, #tpu.memory_space<vmem_shared>> -> memref<10240x128xf32, #tpu.memory_space<vmem_shared>>
      tpu.enqueue_indirect_dma source(%arg8 : memref<128x128xf32, #tpu.memory_space<vmem>>) target(%dma_start3A_398 : memref<10240x128xf32, #tpu.memory_space<vmem_shared>>) offsets(%dma_start3A_395 : memref<128xi32, #tpu.memory_space<vmem>>) semaphore(%arg14 : memref<!tpu.dma_semaphore, #tpu.memory_space<semaphore_mem>>) {add = true}
      %dma_wait3A_399 = arith.constant 12 : i32
      %dma_wait3A_400 = arith.constant 0 : i32
      %dma_wait3A_401 = tpu.memref_slice %arg7[%dma_wait3A_399, %dma_wait3A_400] : memref<40x128xi32, #tpu.memory_space<vmem>> -> memref<1x128xi32, #tpu.memory_space<vmem>>
      %dma_wait3A_402 = tpu.memref_squeeze %dma_wait3A_401 : memref<1x128xi32, #tpu.memory_space<vmem>> -> memref<128xi32, #tpu.memory_space<vmem>>
      %dma_wait3A_403 = arith.constant 0 : i32
      %dma_wait3A_404 = arith.constant 0 : i32
      %dma_wait3A_405 = tpu.memref_slice %arg11[%dma_wait3A_403, %dma_wait3A_404] : memref<10240x128xf32, #tpu.memory_space<vmem_shared>> -> memref<10240x128xf32, #tpu.memory_space<vmem_shared>>
      tpu.wait_indirect_dma semaphore(%arg14 : memref<!tpu.dma_semaphore, #tpu.memory_space<semaphore_mem>>) src(%arg8 : memref<128x128xf32, #tpu.memory_space<vmem>>) dst(%dma_wait3A_405 : memref<10240x128xf32, #tpu.memory_space<vmem_shared>>)
      %dma_start3A_406 = arith.constant 14 : i32
      %dma_start3A_407 = arith.constant 0 : i32
      %dma_start3A_408 = tpu.memref_slice %arg6[%dma_start3A_406, %dma_start3A_407] : memref<40x128xi32, #tpu.memory_space<vmem>> -> memref<1x128xi32, #tpu.memory_space<vmem>>
      %dma_start3A_409 = tpu.memref_squeeze %dma_start3A_408 : memref<1x128xi32, #tpu.memory_space<vmem>> -> memref<128xi32, #tpu.memory_space<vmem>>
      %dma_start3A_410 = arith.constant 0 : i32
      %dma_start3A_411 = arith.constant 0 : i32
      %dma_start3A_412 = tpu.memref_slice %arg2[%dma_start3A_410, %dma_start3A_411] : memref<10000x128xf32, #tpu.memory_space<hbm>> -> memref<10000x128xf32, #tpu.memory_space<hbm>>
      tpu.enqueue_indirect_dma source(%dma_start3A_412 : memref<10000x128xf32, #tpu.memory_space<hbm>>) target(%arg8 : memref<128x128xf32, #tpu.memory_space<vmem>>) offsets(%dma_start3A_409 : memref<128xi32, #tpu.memory_space<vmem>>) semaphore(%arg12 : memref<!tpu.dma_semaphore, #tpu.memory_space<semaphore_mem>>)
      %dma_wait3A_413 = arith.constant 13 : i32
      %dma_wait3A_414 = arith.constant 0 : i32
      %dma_wait3A_415 = tpu.memref_slice %arg6[%dma_wait3A_413, %dma_wait3A_414] : memref<40x128xi32, #tpu.memory_space<vmem>> -> memref<1x128xi32, #tpu.memory_space<vmem>>
      %dma_wait3A_416 = tpu.memref_squeeze %dma_wait3A_415 : memref<1x128xi32, #tpu.memory_space<vmem>> -> memref<128xi32, #tpu.memory_space<vmem>>
      %dma_wait3A_417 = arith.constant 0 : i32
      %dma_wait3A_418 = arith.constant 0 : i32
      %dma_wait3A_419 = tpu.memref_slice %arg2[%dma_wait3A_417, %dma_wait3A_418] : memref<10000x128xf32, #tpu.memory_space<hbm>> -> memref<10000x128xf32, #tpu.memory_space<hbm>>
      tpu.wait_indirect_dma semaphore(%arg13 : memref<!tpu.dma_semaphore, #tpu.memory_space<semaphore_mem>>) src(%dma_wait3A_419 : memref<10000x128xf32, #tpu.memory_space<hbm>>) dst(%arg9 : memref<128x128xf32, #tpu.memory_space<vmem>>)
      %dma_start3A_420 = arith.constant 13 : i32
      %dma_start3A_421 = arith.constant 0 : i32
      %dma_start3A_422 = tpu.memref_slice %arg7[%dma_start3A_420, %dma_start3A_421] : memref<40x128xi32, #tpu.memory_space<vmem>> -> memref<1x128xi32, #tpu.memory_space<vmem>>
      %dma_start3A_423 = tpu.memref_squeeze %dma_start3A_422 : memref<1x128xi32, #tpu.memory_space<vmem>> -> memref<128xi32, #tpu.memory_space<vmem>>
      %dma_start3A_424 = arith.constant 0 : i32
      %dma_start3A_425 = arith.constant 0 : i32
      %dma_start3A_426 = tpu.memref_slice %arg11[%dma_start3A_424, %dma_start3A_425] : memref<10240x128xf32, #tpu.memory_space<vmem_shared>> -> memref<10240x128xf32, #tpu.memory_space<vmem_shared>>
      tpu.enqueue_indirect_dma source(%arg9 : memref<128x128xf32, #tpu.memory_space<vmem>>) target(%dma_start3A_426 : memref<10240x128xf32, #tpu.memory_space<vmem_shared>>) offsets(%dma_start3A_423 : memref<128xi32, #tpu.memory_space<vmem>>) semaphore(%arg15 : memref<!tpu.dma_semaphore, #tpu.memory_space<semaphore_mem>>) {add = true}
      %dma_wait3A_427 = arith.constant 13 : i32
      %dma_wait3A_428 = arith.constant 0 : i32
      %dma_wait3A_429 = tpu.memref_slice %arg7[%dma_wait3A_427, %dma_wait3A_428] : memref<40x128xi32, #tpu.memory_space<vmem>> -> memref<1x128xi32, #tpu.memory_space<vmem>>
      %dma_wait3A_430 = tpu.memref_squeeze %dma_wait3A_429 : memref<1x128xi32, #tpu.memory_space<vmem>> -> memref<128xi32, #tpu.memory_space<vmem>>
      %dma_wait3A_431 = arith.constant 0 : i32
      %dma_wait3A_432 = arith.constant 0 : i32
      %dma_wait3A_433 = tpu.memref_slice %arg11[%dma_wait3A_431, %dma_wait3A_432] : memref<10240x128xf32, #tpu.memory_space<vmem_shared>> -> memref<10240x128xf32, #tpu.memory_space<vmem_shared>>
      tpu.wait_indirect_dma semaphore(%arg15 : memref<!tpu.dma_semaphore, #tpu.memory_space<semaphore_mem>>) src(%arg9 : memref<128x128xf32, #tpu.memory_space<vmem>>) dst(%dma_wait3A_433 : memref<10240x128xf32, #tpu.memory_space<vmem_shared>>)
      %dma_start3A_434 = arith.constant 15 : i32
      %dma_start3A_435 = arith.constant 0 : i32
      %dma_start3A_436 = tpu.memref_slice %arg6[%dma_start3A_434, %dma_start3A_435] : memref<40x128xi32, #tpu.memory_space<vmem>> -> memref<1x128xi32, #tpu.memory_space<vmem>>
      %dma_start3A_437 = tpu.memref_squeeze %dma_start3A_436 : memref<1x128xi32, #tpu.memory_space<vmem>> -> memref<128xi32, #tpu.memory_space<vmem>>
      %dma_start3A_438 = arith.constant 0 : i32
      %dma_start3A_439 = arith.constant 0 : i32
      %dma_start3A_440 = tpu.memref_slice %arg2[%dma_start3A_438, %dma_start3A_439] : memref<10000x128xf32, #tpu.memory_space<hbm>> -> memref<10000x128xf32, #tpu.memory_space<hbm>>
      tpu.enqueue_indirect_dma source(%dma_start3A_440 : memref<10000x128xf32, #tpu.memory_space<hbm>>) target(%arg9 : memref<128x128xf32, #tpu.memory_space<vmem>>) offsets(%dma_start3A_437 : memref<128xi32, #tpu.memory_space<vmem>>) semaphore(%arg13 : memref<!tpu.dma_semaphore, #tpu.memory_space<semaphore_mem>>)
      %dma_wait3A_441 = arith.constant 14 : i32
      %dma_wait3A_442 = arith.constant 0 : i32
      %dma_wait3A_443 = tpu.memref_slice %arg6[%dma_wait3A_441, %dma_wait3A_442] : memref<40x128xi32, #tpu.memory_space<vmem>> -> memref<1x128xi32, #tpu.memory_space<vmem>>
      %dma_wait3A_444 = tpu.memref_squeeze %dma_wait3A_443 : memref<1x128xi32, #tpu.memory_space<vmem>> -> memref<128xi32, #tpu.memory_space<vmem>>
      %dma_wait3A_445 = arith.constant 0 : i32
      %dma_wait3A_446 = arith.constant 0 : i32
      %dma_wait3A_447 = tpu.memref_slice %arg2[%dma_wait3A_445, %dma_wait3A_446] : memref<10000x128xf32, #tpu.memory_space<hbm>> -> memref<10000x128xf32, #tpu.memory_space<hbm>>
      tpu.wait_indirect_dma semaphore(%arg12 : memref<!tpu.dma_semaphore, #tpu.memory_space<semaphore_mem>>) src(%dma_wait3A_447 : memref<10000x128xf32, #tpu.memory_space<hbm>>) dst(%arg8 : memref<128x128xf32, #tpu.memory_space<vmem>>)
      %dma_start3A_448 = arith.constant 14 : i32
      %dma_start3A_449 = arith.constant 0 : i32
      %dma_start3A_450 = tpu.memref_slice %arg7[%dma_start3A_448, %dma_start3A_449] : memref<40x128xi32, #tpu.memory_space<vmem>> -> memref<1x128xi32, #tpu.memory_space<vmem>>
      %dma_start3A_451 = tpu.memref_squeeze %dma_start3A_450 : memref<1x128xi32, #tpu.memory_space<vmem>> -> memref<128xi32, #tpu.memory_space<vmem>>
      %dma_start3A_452 = arith.constant 0 : i32
      %dma_start3A_453 = arith.constant 0 : i32
      %dma_start3A_454 = tpu.memref_slice %arg11[%dma_start3A_452, %dma_start3A_453] : memref<10240x128xf32, #tpu.memory_space<vmem_shared>> -> memref<10240x128xf32, #tpu.memory_space<vmem_shared>>
      tpu.enqueue_indirect_dma source(%arg8 : memref<128x128xf32, #tpu.memory_space<vmem>>) target(%dma_start3A_454 : memref<10240x128xf32, #tpu.memory_space<vmem_shared>>) offsets(%dma_start3A_451 : memref<128xi32, #tpu.memory_space<vmem>>) semaphore(%arg14 : memref<!tpu.dma_semaphore, #tpu.memory_space<semaphore_mem>>) {add = true}
      %dma_wait3A_455 = arith.constant 14 : i32
      %dma_wait3A_456 = arith.constant 0 : i32
      %dma_wait3A_457 = tpu.memref_slice %arg7[%dma_wait3A_455, %dma_wait3A_456] : memref<40x128xi32, #tpu.memory_space<vmem>> -> memref<1x128xi32, #tpu.memory_space<vmem>>
      %dma_wait3A_458 = tpu.memref_squeeze %dma_wait3A_457 : memref<1x128xi32, #tpu.memory_space<vmem>> -> memref<128xi32, #tpu.memory_space<vmem>>
      %dma_wait3A_459 = arith.constant 0 : i32
      %dma_wait3A_460 = arith.constant 0 : i32
      %dma_wait3A_461 = tpu.memref_slice %arg11[%dma_wait3A_459, %dma_wait3A_460] : memref<10240x128xf32, #tpu.memory_space<vmem_shared>> -> memref<10240x128xf32, #tpu.memory_space<vmem_shared>>
      tpu.wait_indirect_dma semaphore(%arg14 : memref<!tpu.dma_semaphore, #tpu.memory_space<semaphore_mem>>) src(%arg8 : memref<128x128xf32, #tpu.memory_space<vmem>>) dst(%dma_wait3A_461 : memref<10240x128xf32, #tpu.memory_space<vmem_shared>>)
      %dma_start3A_462 = arith.constant 16 : i32
      %dma_start3A_463 = arith.constant 0 : i32
      %dma_start3A_464 = tpu.memref_slice %arg6[%dma_start3A_462, %dma_start3A_463] : memref<40x128xi32, #tpu.memory_space<vmem>> -> memref<1x128xi32, #tpu.memory_space<vmem>>
      %dma_start3A_465 = tpu.memref_squeeze %dma_start3A_464 : memref<1x128xi32, #tpu.memory_space<vmem>> -> memref<128xi32, #tpu.memory_space<vmem>>
      %dma_start3A_466 = arith.constant 0 : i32
      %dma_start3A_467 = arith.constant 0 : i32
      %dma_start3A_468 = tpu.memref_slice %arg2[%dma_start3A_466, %dma_start3A_467] : memref<10000x128xf32, #tpu.memory_space<hbm>> -> memref<10000x128xf32, #tpu.memory_space<hbm>>
      tpu.enqueue_indirect_dma source(%dma_start3A_468 : memref<10000x128xf32, #tpu.memory_space<hbm>>) target(%arg8 : memref<128x128xf32, #tpu.memory_space<vmem>>) offsets(%dma_start3A_465 : memref<128xi32, #tpu.memory_space<vmem>>) semaphore(%arg12 : memref<!tpu.dma_semaphore, #tpu.memory_space<semaphore_mem>>)
      %dma_wait3A_469 = arith.constant 15 : i32
      %dma_wait3A_470 = arith.constant 0 : i32
      %dma_wait3A_471 = tpu.memref_slice %arg6[%dma_wait3A_469, %dma_wait3A_470] : memref<40x128xi32, #tpu.memory_space<vmem>> -> memref<1x128xi32, #tpu.memory_space<vmem>>
      %dma_wait3A_472 = tpu.memref_squeeze %dma_wait3A_471 : memref<1x128xi32, #tpu.memory_space<vmem>> -> memref<128xi32, #tpu.memory_space<vmem>>
      %dma_wait3A_473 = arith.constant 0 : i32
      %dma_wait3A_474 = arith.constant 0 : i32
      %dma_wait3A_475 = tpu.memref_slice %arg2[%dma_wait3A_473, %dma_wait3A_474] : memref<10000x128xf32, #tpu.memory_space<hbm>> -> memref<10000x128xf32, #tpu.memory_space<hbm>>
      tpu.wait_indirect_dma semaphore(%arg13 : memref<!tpu.dma_semaphore, #tpu.memory_space<semaphore_mem>>) src(%dma_wait3A_475 : memref<10000x128xf32, #tpu.memory_space<hbm>>) dst(%arg9 : memref<128x128xf32, #tpu.memory_space<vmem>>)
      %dma_start3A_476 = arith.constant 15 : i32
      %dma_start3A_477 = arith.constant 0 : i32
      %dma_start3A_478 = tpu.memref_slice %arg7[%dma_start3A_476, %dma_start3A_477] : memref<40x128xi32, #tpu.memory_space<vmem>> -> memref<1x128xi32, #tpu.memory_space<vmem>>
      %dma_start3A_479 = tpu.memref_squeeze %dma_start3A_478 : memref<1x128xi32, #tpu.memory_space<vmem>> -> memref<128xi32, #tpu.memory_space<vmem>>
      %dma_start3A_480 = arith.constant 0 : i32
      %dma_start3A_481 = arith.constant 0 : i32
      %dma_start3A_482 = tpu.memref_slice %arg11[%dma_start3A_480, %dma_start3A_481] : memref<10240x128xf32, #tpu.memory_space<vmem_shared>> -> memref<10240x128xf32, #tpu.memory_space<vmem_shared>>
      tpu.enqueue_indirect_dma source(%arg9 : memref<128x128xf32, #tpu.memory_space<vmem>>) target(%dma_start3A_482 : memref<10240x128xf32, #tpu.memory_space<vmem_shared>>) offsets(%dma_start3A_479 : memref<128xi32, #tpu.memory_space<vmem>>) semaphore(%arg15 : memref<!tpu.dma_semaphore, #tpu.memory_space<semaphore_mem>>) {add = true}
      %dma_wait3A_483 = arith.constant 15 : i32
      %dma_wait3A_484 = arith.constant 0 : i32
      %dma_wait3A_485 = tpu.memref_slice %arg7[%dma_wait3A_483, %dma_wait3A_484] : memref<40x128xi32, #tpu.memory_space<vmem>> -> memref<1x128xi32, #tpu.memory_space<vmem>>
      %dma_wait3A_486 = tpu.memref_squeeze %dma_wait3A_485 : memref<1x128xi32, #tpu.memory_space<vmem>> -> memref<128xi32, #tpu.memory_space<vmem>>
      %dma_wait3A_487 = arith.constant 0 : i32
      %dma_wait3A_488 = arith.constant 0 : i32
      %dma_wait3A_489 = tpu.memref_slice %arg11[%dma_wait3A_487, %dma_wait3A_488] : memref<10240x128xf32, #tpu.memory_space<vmem_shared>> -> memref<10240x128xf32, #tpu.memory_space<vmem_shared>>
      tpu.wait_indirect_dma semaphore(%arg15 : memref<!tpu.dma_semaphore, #tpu.memory_space<semaphore_mem>>) src(%arg9 : memref<128x128xf32, #tpu.memory_space<vmem>>) dst(%dma_wait3A_489 : memref<10240x128xf32, #tpu.memory_space<vmem_shared>>)
      %dma_start3A_490 = arith.constant 17 : i32
      %dma_start3A_491 = arith.constant 0 : i32
      %dma_start3A_492 = tpu.memref_slice %arg6[%dma_start3A_490, %dma_start3A_491] : memref<40x128xi32, #tpu.memory_space<vmem>> -> memref<1x128xi32, #tpu.memory_space<vmem>>
      %dma_start3A_493 = tpu.memref_squeeze %dma_start3A_492 : memref<1x128xi32, #tpu.memory_space<vmem>> -> memref<128xi32, #tpu.memory_space<vmem>>
      %dma_start3A_494 = arith.constant 0 : i32
      %dma_start3A_495 = arith.constant 0 : i32
      %dma_start3A_496 = tpu.memref_slice %arg2[%dma_start3A_494, %dma_start3A_495] : memref<10000x128xf32, #tpu.memory_space<hbm>> -> memref<10000x128xf32, #tpu.memory_space<hbm>>
      tpu.enqueue_indirect_dma source(%dma_start3A_496 : memref<10000x128xf32, #tpu.memory_space<hbm>>) target(%arg9 : memref<128x128xf32, #tpu.memory_space<vmem>>) offsets(%dma_start3A_493 : memref<128xi32, #tpu.memory_space<vmem>>) semaphore(%arg13 : memref<!tpu.dma_semaphore, #tpu.memory_space<semaphore_mem>>)
      %dma_wait3A_497 = arith.constant 16 : i32
      %dma_wait3A_498 = arith.constant 0 : i32
      %dma_wait3A_499 = tpu.memref_slice %arg6[%dma_wait3A_497, %dma_wait3A_498] : memref<40x128xi32, #tpu.memory_space<vmem>> -> memref<1x128xi32, #tpu.memory_space<vmem>>
      %dma_wait3A_500 = tpu.memref_squeeze %dma_wait3A_499 : memref<1x128xi32, #tpu.memory_space<vmem>> -> memref<128xi32, #tpu.memory_space<vmem>>
      %dma_wait3A_501 = arith.constant 0 : i32
      %dma_wait3A_502 = arith.constant 0 : i32
      %dma_wait3A_503 = tpu.memref_slice %arg2[%dma_wait3A_501, %dma_wait3A_502] : memref<10000x128xf32, #tpu.memory_space<hbm>> -> memref<10000x128xf32, #tpu.memory_space<hbm>>
      tpu.wait_indirect_dma semaphore(%arg12 : memref<!tpu.dma_semaphore, #tpu.memory_space<semaphore_mem>>) src(%dma_wait3A_503 : memref<10000x128xf32, #tpu.memory_space<hbm>>) dst(%arg8 : memref<128x128xf32, #tpu.memory_space<vmem>>)
      %dma_start3A_504 = arith.constant 16 : i32
      %dma_start3A_505 = arith.constant 0 : i32
      %dma_start3A_506 = tpu.memref_slice %arg7[%dma_start3A_504, %dma_start3A_505] : memref<40x128xi32, #tpu.memory_space<vmem>> -> memref<1x128xi32, #tpu.memory_space<vmem>>
      %dma_start3A_507 = tpu.memref_squeeze %dma_start3A_506 : memref<1x128xi32, #tpu.memory_space<vmem>> -> memref<128xi32, #tpu.memory_space<vmem>>
      %dma_start3A_508 = arith.constant 0 : i32
      %dma_start3A_509 = arith.constant 0 : i32
      %dma_start3A_510 = tpu.memref_slice %arg11[%dma_start3A_508, %dma_start3A_509] : memref<10240x128xf32, #tpu.memory_space<vmem_shared>> -> memref<10240x128xf32, #tpu.memory_space<vmem_shared>>
      tpu.enqueue_indirect_dma source(%arg8 : memref<128x128xf32, #tpu.memory_space<vmem>>) target(%dma_start3A_510 : memref<10240x128xf32, #tpu.memory_space<vmem_shared>>) offsets(%dma_start3A_507 : memref<128xi32, #tpu.memory_space<vmem>>) semaphore(%arg14 : memref<!tpu.dma_semaphore, #tpu.memory_space<semaphore_mem>>) {add = true}
      %dma_wait3A_511 = arith.constant 16 : i32
      %dma_wait3A_512 = arith.constant 0 : i32
      %dma_wait3A_513 = tpu.memref_slice %arg7[%dma_wait3A_511, %dma_wait3A_512] : memref<40x128xi32, #tpu.memory_space<vmem>> -> memref<1x128xi32, #tpu.memory_space<vmem>>
      %dma_wait3A_514 = tpu.memref_squeeze %dma_wait3A_513 : memref<1x128xi32, #tpu.memory_space<vmem>> -> memref<128xi32, #tpu.memory_space<vmem>>
      %dma_wait3A_515 = arith.constant 0 : i32
      %dma_wait3A_516 = arith.constant 0 : i32
      %dma_wait3A_517 = tpu.memref_slice %arg11[%dma_wait3A_515, %dma_wait3A_516] : memref<10240x128xf32, #tpu.memory_space<vmem_shared>> -> memref<10240x128xf32, #tpu.memory_space<vmem_shared>>
      tpu.wait_indirect_dma semaphore(%arg14 : memref<!tpu.dma_semaphore, #tpu.memory_space<semaphore_mem>>) src(%arg8 : memref<128x128xf32, #tpu.memory_space<vmem>>) dst(%dma_wait3A_517 : memref<10240x128xf32, #tpu.memory_space<vmem_shared>>)
      %dma_start3A_518 = arith.constant 18 : i32
      %dma_start3A_519 = arith.constant 0 : i32
      %dma_start3A_520 = tpu.memref_slice %arg6[%dma_start3A_518, %dma_start3A_519] : memref<40x128xi32, #tpu.memory_space<vmem>> -> memref<1x128xi32, #tpu.memory_space<vmem>>
      %dma_start3A_521 = tpu.memref_squeeze %dma_start3A_520 : memref<1x128xi32, #tpu.memory_space<vmem>> -> memref<128xi32, #tpu.memory_space<vmem>>
      %dma_start3A_522 = arith.constant 0 : i32
      %dma_start3A_523 = arith.constant 0 : i32
      %dma_start3A_524 = tpu.memref_slice %arg2[%dma_start3A_522, %dma_start3A_523] : memref<10000x128xf32, #tpu.memory_space<hbm>> -> memref<10000x128xf32, #tpu.memory_space<hbm>>
      tpu.enqueue_indirect_dma source(%dma_start3A_524 : memref<10000x128xf32, #tpu.memory_space<hbm>>) target(%arg8 : memref<128x128xf32, #tpu.memory_space<vmem>>) offsets(%dma_start3A_521 : memref<128xi32, #tpu.memory_space<vmem>>) semaphore(%arg12 : memref<!tpu.dma_semaphore, #tpu.memory_space<semaphore_mem>>)
      %dma_wait3A_525 = arith.constant 17 : i32
      %dma_wait3A_526 = arith.constant 0 : i32
      %dma_wait3A_527 = tpu.memref_slice %arg6[%dma_wait3A_525, %dma_wait3A_526] : memref<40x128xi32, #tpu.memory_space<vmem>> -> memref<1x128xi32, #tpu.memory_space<vmem>>
      %dma_wait3A_528 = tpu.memref_squeeze %dma_wait3A_527 : memref<1x128xi32, #tpu.memory_space<vmem>> -> memref<128xi32, #tpu.memory_space<vmem>>
      %dma_wait3A_529 = arith.constant 0 : i32
      %dma_wait3A_530 = arith.constant 0 : i32
      %dma_wait3A_531 = tpu.memref_slice %arg2[%dma_wait3A_529, %dma_wait3A_530] : memref<10000x128xf32, #tpu.memory_space<hbm>> -> memref<10000x128xf32, #tpu.memory_space<hbm>>
      tpu.wait_indirect_dma semaphore(%arg13 : memref<!tpu.dma_semaphore, #tpu.memory_space<semaphore_mem>>) src(%dma_wait3A_531 : memref<10000x128xf32, #tpu.memory_space<hbm>>) dst(%arg9 : memref<128x128xf32, #tpu.memory_space<vmem>>)
      %dma_start3A_532 = arith.constant 17 : i32
      %dma_start3A_533 = arith.constant 0 : i32
      %dma_start3A_534 = tpu.memref_slice %arg7[%dma_start3A_532, %dma_start3A_533] : memref<40x128xi32, #tpu.memory_space<vmem>> -> memref<1x128xi32, #tpu.memory_space<vmem>>
      %dma_start3A_535 = tpu.memref_squeeze %dma_start3A_534 : memref<1x128xi32, #tpu.memory_space<vmem>> -> memref<128xi32, #tpu.memory_space<vmem>>
      %dma_start3A_536 = arith.constant 0 : i32
      %dma_start3A_537 = arith.constant 0 : i32
      %dma_start3A_538 = tpu.memref_slice %arg11[%dma_start3A_536, %dma_start3A_537] : memref<10240x128xf32, #tpu.memory_space<vmem_shared>> -> memref<10240x128xf32, #tpu.memory_space<vmem_shared>>
      tpu.enqueue_indirect_dma source(%arg9 : memref<128x128xf32, #tpu.memory_space<vmem>>) target(%dma_start3A_538 : memref<10240x128xf32, #tpu.memory_space<vmem_shared>>) offsets(%dma_start3A_535 : memref<128xi32, #tpu.memory_space<vmem>>) semaphore(%arg15 : memref<!tpu.dma_semaphore, #tpu.memory_space<semaphore_mem>>) {add = true}
      %dma_wait3A_539 = arith.constant 17 : i32
      %dma_wait3A_540 = arith.constant 0 : i32
      %dma_wait3A_541 = tpu.memref_slice %arg7[%dma_wait3A_539, %dma_wait3A_540] : memref<40x128xi32, #tpu.memory_space<vmem>> -> memref<1x128xi32, #tpu.memory_space<vmem>>
      %dma_wait3A_542 = tpu.memref_squeeze %dma_wait3A_541 : memref<1x128xi32, #tpu.memory_space<vmem>> -> memref<128xi32, #tpu.memory_space<vmem>>
      %dma_wait3A_543 = arith.constant 0 : i32
      %dma_wait3A_544 = arith.constant 0 : i32
      %dma_wait3A_545 = tpu.memref_slice %arg11[%dma_wait3A_543, %dma_wait3A_544] : memref<10240x128xf32, #tpu.memory_space<vmem_shared>> -> memref<10240x128xf32, #tpu.memory_space<vmem_shared>>
      tpu.wait_indirect_dma semaphore(%arg15 : memref<!tpu.dma_semaphore, #tpu.memory_space<semaphore_mem>>) src(%arg9 : memref<128x128xf32, #tpu.memory_space<vmem>>) dst(%dma_wait3A_545 : memref<10240x128xf32, #tpu.memory_space<vmem_shared>>)
      %dma_start3A_546 = arith.constant 19 : i32
      %dma_start3A_547 = arith.constant 0 : i32
      %dma_start3A_548 = tpu.memref_slice %arg6[%dma_start3A_546, %dma_start3A_547] : memref<40x128xi32, #tpu.memory_space<vmem>> -> memref<1x128xi32, #tpu.memory_space<vmem>>
      %dma_start3A_549 = tpu.memref_squeeze %dma_start3A_548 : memref<1x128xi32, #tpu.memory_space<vmem>> -> memref<128xi32, #tpu.memory_space<vmem>>
      %dma_start3A_550 = arith.constant 0 : i32
      %dma_start3A_551 = arith.constant 0 : i32
      %dma_start3A_552 = tpu.memref_slice %arg2[%dma_start3A_550, %dma_start3A_551] : memref<10000x128xf32, #tpu.memory_space<hbm>> -> memref<10000x128xf32, #tpu.memory_space<hbm>>
      tpu.enqueue_indirect_dma source(%dma_start3A_552 : memref<10000x128xf32, #tpu.memory_space<hbm>>) target(%arg9 : memref<128x128xf32, #tpu.memory_space<vmem>>) offsets(%dma_start3A_549 : memref<128xi32, #tpu.memory_space<vmem>>) semaphore(%arg13 : memref<!tpu.dma_semaphore, #tpu.memory_space<semaphore_mem>>)
      %dma_wait3A_553 = arith.constant 18 : i32
      %dma_wait3A_554 = arith.constant 0 : i32
      %dma_wait3A_555 = tpu.memref_slice %arg6[%dma_wait3A_553, %dma_wait3A_554] : memref<40x128xi32, #tpu.memory_space<vmem>> -> memref<1x128xi32, #tpu.memory_space<vmem>>
      %dma_wait3A_556 = tpu.memref_squeeze %dma_wait3A_555 : memref<1x128xi32, #tpu.memory_space<vmem>> -> memref<128xi32, #tpu.memory_space<vmem>>
      %dma_wait3A_557 = arith.constant 0 : i32
      %dma_wait3A_558 = arith.constant 0 : i32
      %dma_wait3A_559 = tpu.memref_slice %arg2[%dma_wait3A_557, %dma_wait3A_558] : memref<10000x128xf32, #tpu.memory_space<hbm>> -> memref<10000x128xf32, #tpu.memory_space<hbm>>
      tpu.wait_indirect_dma semaphore(%arg12 : memref<!tpu.dma_semaphore, #tpu.memory_space<semaphore_mem>>) src(%dma_wait3A_559 : memref<10000x128xf32, #tpu.memory_space<hbm>>) dst(%arg8 : memref<128x128xf32, #tpu.memory_space<vmem>>)
      %dma_start3A_560 = arith.constant 18 : i32
      %dma_start3A_561 = arith.constant 0 : i32
      %dma_start3A_562 = tpu.memref_slice %arg7[%dma_start3A_560, %dma_start3A_561] : memref<40x128xi32, #tpu.memory_space<vmem>> -> memref<1x128xi32, #tpu.memory_space<vmem>>
      %dma_start3A_563 = tpu.memref_squeeze %dma_start3A_562 : memref<1x128xi32, #tpu.memory_space<vmem>> -> memref<128xi32, #tpu.memory_space<vmem>>
      %dma_start3A_564 = arith.constant 0 : i32
      %dma_start3A_565 = arith.constant 0 : i32
      %dma_start3A_566 = tpu.memref_slice %arg11[%dma_start3A_564, %dma_start3A_565] : memref<10240x128xf32, #tpu.memory_space<vmem_shared>> -> memref<10240x128xf32, #tpu.memory_space<vmem_shared>>
      tpu.enqueue_indirect_dma source(%arg8 : memref<128x128xf32, #tpu.memory_space<vmem>>) target(%dma_start3A_566 : memref<10240x128xf32, #tpu.memory_space<vmem_shared>>) offsets(%dma_start3A_563 : memref<128xi32, #tpu.memory_space<vmem>>) semaphore(%arg14 : memref<!tpu.dma_semaphore, #tpu.memory_space<semaphore_mem>>) {add = true}
      %dma_wait3A_567 = arith.constant 18 : i32
      %dma_wait3A_568 = arith.constant 0 : i32
      %dma_wait3A_569 = tpu.memref_slice %arg7[%dma_wait3A_567, %dma_wait3A_568] : memref<40x128xi32, #tpu.memory_space<vmem>> -> memref<1x128xi32, #tpu.memory_space<vmem>>
      %dma_wait3A_570 = tpu.memref_squeeze %dma_wait3A_569 : memref<1x128xi32, #tpu.memory_space<vmem>> -> memref<128xi32, #tpu.memory_space<vmem>>
      %dma_wait3A_571 = arith.constant 0 : i32
      %dma_wait3A_572 = arith.constant 0 : i32
      %dma_wait3A_573 = tpu.memref_slice %arg11[%dma_wait3A_571, %dma_wait3A_572] : memref<10240x128xf32, #tpu.memory_space<vmem_shared>> -> memref<10240x128xf32, #tpu.memory_space<vmem_shared>>
      tpu.wait_indirect_dma semaphore(%arg14 : memref<!tpu.dma_semaphore, #tpu.memory_space<semaphore_mem>>) src(%arg8 : memref<128x128xf32, #tpu.memory_space<vmem>>) dst(%dma_wait3A_573 : memref<10240x128xf32, #tpu.memory_space<vmem_shared>>)
      %dma_start3A_574 = arith.constant 20 : i32
      %dma_start3A_575 = arith.constant 0 : i32
      %dma_start3A_576 = tpu.memref_slice %arg6[%dma_start3A_574, %dma_start3A_575] : memref<40x128xi32, #tpu.memory_space<vmem>> -> memref<1x128xi32, #tpu.memory_space<vmem>>
      %dma_start3A_577 = tpu.memref_squeeze %dma_start3A_576 : memref<1x128xi32, #tpu.memory_space<vmem>> -> memref<128xi32, #tpu.memory_space<vmem>>
      %dma_start3A_578 = arith.constant 0 : i32
      %dma_start3A_579 = arith.constant 0 : i32
      %dma_start3A_580 = tpu.memref_slice %arg2[%dma_start3A_578, %dma_start3A_579] : memref<10000x128xf32, #tpu.memory_space<hbm>> -> memref<10000x128xf32, #tpu.memory_space<hbm>>
      tpu.enqueue_indirect_dma source(%dma_start3A_580 : memref<10000x128xf32, #tpu.memory_space<hbm>>) target(%arg8 : memref<128x128xf32, #tpu.memory_space<vmem>>) offsets(%dma_start3A_577 : memref<128xi32, #tpu.memory_space<vmem>>) semaphore(%arg12 : memref<!tpu.dma_semaphore, #tpu.memory_space<semaphore_mem>>)
      %dma_wait3A_581 = arith.constant 19 : i32
      %dma_wait3A_582 = arith.constant 0 : i32
      %dma_wait3A_583 = tpu.memref_slice %arg6[%dma_wait3A_581, %dma_wait3A_582] : memref<40x128xi32, #tpu.memory_space<vmem>> -> memref<1x128xi32, #tpu.memory_space<vmem>>
      %dma_wait3A_584 = tpu.memref_squeeze %dma_wait3A_583 : memref<1x128xi32, #tpu.memory_space<vmem>> -> memref<128xi32, #tpu.memory_space<vmem>>
      %dma_wait3A_585 = arith.constant 0 : i32
      %dma_wait3A_586 = arith.constant 0 : i32
      %dma_wait3A_587 = tpu.memref_slice %arg2[%dma_wait3A_585, %dma_wait3A_586] : memref<10000x128xf32, #tpu.memory_space<hbm>> -> memref<10000x128xf32, #tpu.memory_space<hbm>>
      tpu.wait_indirect_dma semaphore(%arg13 : memref<!tpu.dma_semaphore, #tpu.memory_space<semaphore_mem>>) src(%dma_wait3A_587 : memref<10000x128xf32, #tpu.memory_space<hbm>>) dst(%arg9 : memref<128x128xf32, #tpu.memory_space<vmem>>)
      %dma_start3A_588 = arith.constant 19 : i32
      %dma_start3A_589 = arith.constant 0 : i32
      %dma_start3A_590 = tpu.memref_slice %arg7[%dma_start3A_588, %dma_start3A_589] : memref<40x128xi32, #tpu.memory_space<vmem>> -> memref<1x128xi32, #tpu.memory_space<vmem>>
      %dma_start3A_591 = tpu.memref_squeeze %dma_start3A_590 : memref<1x128xi32, #tpu.memory_space<vmem>> -> memref<128xi32, #tpu.memory_space<vmem>>
      %dma_start3A_592 = arith.constant 0 : i32
      %dma_start3A_593 = arith.constant 0 : i32
      %dma_start3A_594 = tpu.memref_slice %arg11[%dma_start3A_592, %dma_start3A_593] : memref<10240x128xf32, #tpu.memory_space<vmem_shared>> -> memref<10240x128xf32, #tpu.memory_space<vmem_shared>>
      tpu.enqueue_indirect_dma source(%arg9 : memref<128x128xf32, #tpu.memory_space<vmem>>) target(%dma_start3A_594 : memref<10240x128xf32, #tpu.memory_space<vmem_shared>>) offsets(%dma_start3A_591 : memref<128xi32, #tpu.memory_space<vmem>>) semaphore(%arg15 : memref<!tpu.dma_semaphore, #tpu.memory_space<semaphore_mem>>) {add = true}
      %dma_wait3A_595 = arith.constant 19 : i32
      %dma_wait3A_596 = arith.constant 0 : i32
      %dma_wait3A_597 = tpu.memref_slice %arg7[%dma_wait3A_595, %dma_wait3A_596] : memref<40x128xi32, #tpu.memory_space<vmem>> -> memref<1x128xi32, #tpu.memory_space<vmem>>
      %dma_wait3A_598 = tpu.memref_squeeze %dma_wait3A_597 : memref<1x128xi32, #tpu.memory_space<vmem>> -> memref<128xi32, #tpu.memory_space<vmem>>
      %dma_wait3A_599 = arith.constant 0 : i32
      %dma_wait3A_600 = arith.constant 0 : i32
      %dma_wait3A_601 = tpu.memref_slice %arg11[%dma_wait3A_599, %dma_wait3A_600] : memref<10240x128xf32, #tpu.memory_space<vmem_shared>> -> memref<10240x128xf32, #tpu.memory_space<vmem_shared>>
      tpu.wait_indirect_dma semaphore(%arg15 : memref<!tpu.dma_semaphore, #tpu.memory_space<semaphore_mem>>) src(%arg9 : memref<128x128xf32, #tpu.memory_space<vmem>>) dst(%dma_wait3A_601 : memref<10240x128xf32, #tpu.memory_space<vmem_shared>>)
      %dma_start3A_602 = arith.constant 21 : i32
      %dma_start3A_603 = arith.constant 0 : i32
      %dma_start3A_604 = tpu.memref_slice %arg6[%dma_start3A_602, %dma_start3A_603] : memref<40x128xi32, #tpu.memory_space<vmem>> -> memref<1x128xi32, #tpu.memory_space<vmem>>
      %dma_start3A_605 = tpu.memref_squeeze %dma_start3A_604 : memref<1x128xi32, #tpu.memory_space<vmem>> -> memref<128xi32, #tpu.memory_space<vmem>>
      %dma_start3A_606 = arith.constant 0 : i32
      %dma_start3A_607 = arith.constant 0 : i32
      %dma_start3A_608 = tpu.memref_slice %arg2[%dma_start3A_606, %dma_start3A_607] : memref<10000x128xf32, #tpu.memory_space<hbm>> -> memref<10000x128xf32, #tpu.memory_space<hbm>>
      tpu.enqueue_indirect_dma source(%dma_start3A_608 : memref<10000x128xf32, #tpu.memory_space<hbm>>) target(%arg9 : memref<128x128xf32, #tpu.memory_space<vmem>>) offsets(%dma_start3A_605 : memref<128xi32, #tpu.memory_space<vmem>>) semaphore(%arg13 : memref<!tpu.dma_semaphore, #tpu.memory_space<semaphore_mem>>)
      %dma_wait3A_609 = arith.constant 20 : i32
      %dma_wait3A_610 = arith.constant 0 : i32
      %dma_wait3A_611 = tpu.memref_slice %arg6[%dma_wait3A_609, %dma_wait3A_610] : memref<40x128xi32, #tpu.memory_space<vmem>> -> memref<1x128xi32, #tpu.memory_space<vmem>>
      %dma_wait3A_612 = tpu.memref_squeeze %dma_wait3A_611 : memref<1x128xi32, #tpu.memory_space<vmem>> -> memref<128xi32, #tpu.memory_space<vmem>>
      %dma_wait3A_613 = arith.constant 0 : i32
      %dma_wait3A_614 = arith.constant 0 : i32
      %dma_wait3A_615 = tpu.memref_slice %arg2[%dma_wait3A_613, %dma_wait3A_614] : memref<10000x128xf32, #tpu.memory_space<hbm>> -> memref<10000x128xf32, #tpu.memory_space<hbm>>
      tpu.wait_indirect_dma semaphore(%arg12 : memref<!tpu.dma_semaphore, #tpu.memory_space<semaphore_mem>>) src(%dma_wait3A_615 : memref<10000x128xf32, #tpu.memory_space<hbm>>) dst(%arg8 : memref<128x128xf32, #tpu.memory_space<vmem>>)
      %dma_start3A_616 = arith.constant 20 : i32
      %dma_start3A_617 = arith.constant 0 : i32
      %dma_start3A_618 = tpu.memref_slice %arg7[%dma_start3A_616, %dma_start3A_617] : memref<40x128xi32, #tpu.memory_space<vmem>> -> memref<1x128xi32, #tpu.memory_space<vmem>>
      %dma_start3A_619 = tpu.memref_squeeze %dma_start3A_618 : memref<1x128xi32, #tpu.memory_space<vmem>> -> memref<128xi32, #tpu.memory_space<vmem>>
      %dma_start3A_620 = arith.constant 0 : i32
      %dma_start3A_621 = arith.constant 0 : i32
      %dma_start3A_622 = tpu.memref_slice %arg11[%dma_start3A_620, %dma_start3A_621] : memref<10240x128xf32, #tpu.memory_space<vmem_shared>> -> memref<10240x128xf32, #tpu.memory_space<vmem_shared>>
      tpu.enqueue_indirect_dma source(%arg8 : memref<128x128xf32, #tpu.memory_space<vmem>>) target(%dma_start3A_622 : memref<10240x128xf32, #tpu.memory_space<vmem_shared>>) offsets(%dma_start3A_619 : memref<128xi32, #tpu.memory_space<vmem>>) semaphore(%arg14 : memref<!tpu.dma_semaphore, #tpu.memory_space<semaphore_mem>>) {add = true}
      %dma_wait3A_623 = arith.constant 20 : i32
      %dma_wait3A_624 = arith.constant 0 : i32
      %dma_wait3A_625 = tpu.memref_slice %arg7[%dma_wait3A_623, %dma_wait3A_624] : memref<40x128xi32, #tpu.memory_space<vmem>> -> memref<1x128xi32, #tpu.memory_space<vmem>>
      %dma_wait3A_626 = tpu.memref_squeeze %dma_wait3A_625 : memref<1x128xi32, #tpu.memory_space<vmem>> -> memref<128xi32, #tpu.memory_space<vmem>>
      %dma_wait3A_627 = arith.constant 0 : i32
      %dma_wait3A_628 = arith.constant 0 : i32
      %dma_wait3A_629 = tpu.memref_slice %arg11[%dma_wait3A_627, %dma_wait3A_628] : memref<10240x128xf32, #tpu.memory_space<vmem_shared>> -> memref<10240x128xf32, #tpu.memory_space<vmem_shared>>
      tpu.wait_indirect_dma semaphore(%arg14 : memref<!tpu.dma_semaphore, #tpu.memory_space<semaphore_mem>>) src(%arg8 : memref<128x128xf32, #tpu.memory_space<vmem>>) dst(%dma_wait3A_629 : memref<10240x128xf32, #tpu.memory_space<vmem_shared>>)
      %dma_start3A_630 = arith.constant 22 : i32
      %dma_start3A_631 = arith.constant 0 : i32
      %dma_start3A_632 = tpu.memref_slice %arg6[%dma_start3A_630, %dma_start3A_631] : memref<40x128xi32, #tpu.memory_space<vmem>> -> memref<1x128xi32, #tpu.memory_space<vmem>>
      %dma_start3A_633 = tpu.memref_squeeze %dma_start3A_632 : memref<1x128xi32, #tpu.memory_space<vmem>> -> memref<128xi32, #tpu.memory_space<vmem>>
      %dma_start3A_634 = arith.constant 0 : i32
      %dma_start3A_635 = arith.constant 0 : i32
      %dma_start3A_636 = tpu.memref_slice %arg2[%dma_start3A_634, %dma_start3A_635] : memref<10000x128xf32, #tpu.memory_space<hbm>> -> memref<10000x128xf32, #tpu.memory_space<hbm>>
      tpu.enqueue_indirect_dma source(%dma_start3A_636 : memref<10000x128xf32, #tpu.memory_space<hbm>>) target(%arg8 : memref<128x128xf32, #tpu.memory_space<vmem>>) offsets(%dma_start3A_633 : memref<128xi32, #tpu.memory_space<vmem>>) semaphore(%arg12 : memref<!tpu.dma_semaphore, #tpu.memory_space<semaphore_mem>>)
      %dma_wait3A_637 = arith.constant 21 : i32
      %dma_wait3A_638 = arith.constant 0 : i32
      %dma_wait3A_639 = tpu.memref_slice %arg6[%dma_wait3A_637, %dma_wait3A_638] : memref<40x128xi32, #tpu.memory_space<vmem>> -> memref<1x128xi32, #tpu.memory_space<vmem>>
      %dma_wait3A_640 = tpu.memref_squeeze %dma_wait3A_639 : memref<1x128xi32, #tpu.memory_space<vmem>> -> memref<128xi32, #tpu.memory_space<vmem>>
      %dma_wait3A_641 = arith.constant 0 : i32
      %dma_wait3A_642 = arith.constant 0 : i32
      %dma_wait3A_643 = tpu.memref_slice %arg2[%dma_wait3A_641, %dma_wait3A_642] : memref<10000x128xf32, #tpu.memory_space<hbm>> -> memref<10000x128xf32, #tpu.memory_space<hbm>>
      tpu.wait_indirect_dma semaphore(%arg13 : memref<!tpu.dma_semaphore, #tpu.memory_space<semaphore_mem>>) src(%dma_wait3A_643 : memref<10000x128xf32, #tpu.memory_space<hbm>>) dst(%arg9 : memref<128x128xf32, #tpu.memory_space<vmem>>)
      %dma_start3A_644 = arith.constant 21 : i32
      %dma_start3A_645 = arith.constant 0 : i32
      %dma_start3A_646 = tpu.memref_slice %arg7[%dma_start3A_644, %dma_start3A_645] : memref<40x128xi32, #tpu.memory_space<vmem>> -> memref<1x128xi32, #tpu.memory_space<vmem>>
      %dma_start3A_647 = tpu.memref_squeeze %dma_start3A_646 : memref<1x128xi32, #tpu.memory_space<vmem>> -> memref<128xi32, #tpu.memory_space<vmem>>
      %dma_start3A_648 = arith.constant 0 : i32
      %dma_start3A_649 = arith.constant 0 : i32
      %dma_start3A_650 = tpu.memref_slice %arg11[%dma_start3A_648, %dma_start3A_649] : memref<10240x128xf32, #tpu.memory_space<vmem_shared>> -> memref<10240x128xf32, #tpu.memory_space<vmem_shared>>
      tpu.enqueue_indirect_dma source(%arg9 : memref<128x128xf32, #tpu.memory_space<vmem>>) target(%dma_start3A_650 : memref<10240x128xf32, #tpu.memory_space<vmem_shared>>) offsets(%dma_start3A_647 : memref<128xi32, #tpu.memory_space<vmem>>) semaphore(%arg15 : memref<!tpu.dma_semaphore, #tpu.memory_space<semaphore_mem>>) {add = true}
      %dma_wait3A_651 = arith.constant 21 : i32
      %dma_wait3A_652 = arith.constant 0 : i32
      %dma_wait3A_653 = tpu.memref_slice %arg7[%dma_wait3A_651, %dma_wait3A_652] : memref<40x128xi32, #tpu.memory_space<vmem>> -> memref<1x128xi32, #tpu.memory_space<vmem>>
      %dma_wait3A_654 = tpu.memref_squeeze %dma_wait3A_653 : memref<1x128xi32, #tpu.memory_space<vmem>> -> memref<128xi32, #tpu.memory_space<vmem>>
      %dma_wait3A_655 = arith.constant 0 : i32
      %dma_wait3A_656 = arith.constant 0 : i32
      %dma_wait3A_657 = tpu.memref_slice %arg11[%dma_wait3A_655, %dma_wait3A_656] : memref<10240x128xf32, #tpu.memory_space<vmem_shared>> -> memref<10240x128xf32, #tpu.memory_space<vmem_shared>>
      tpu.wait_indirect_dma semaphore(%arg15 : memref<!tpu.dma_semaphore, #tpu.memory_space<semaphore_mem>>) src(%arg9 : memref<128x128xf32, #tpu.memory_space<vmem>>) dst(%dma_wait3A_657 : memref<10240x128xf32, #tpu.memory_space<vmem_shared>>)
      %dma_start3A_658 = arith.constant 23 : i32
      %dma_start3A_659 = arith.constant 0 : i32
      %dma_start3A_660 = tpu.memref_slice %arg6[%dma_start3A_658, %dma_start3A_659] : memref<40x128xi32, #tpu.memory_space<vmem>> -> memref<1x128xi32, #tpu.memory_space<vmem>>
      %dma_start3A_661 = tpu.memref_squeeze %dma_start3A_660 : memref<1x128xi32, #tpu.memory_space<vmem>> -> memref<128xi32, #tpu.memory_space<vmem>>
      %dma_start3A_662 = arith.constant 0 : i32
      %dma_start3A_663 = arith.constant 0 : i32
      %dma_start3A_664 = tpu.memref_slice %arg2[%dma_start3A_662, %dma_start3A_663] : memref<10000x128xf32, #tpu.memory_space<hbm>> -> memref<10000x128xf32, #tpu.memory_space<hbm>>
      tpu.enqueue_indirect_dma source(%dma_start3A_664 : memref<10000x128xf32, #tpu.memory_space<hbm>>) target(%arg9 : memref<128x128xf32, #tpu.memory_space<vmem>>) offsets(%dma_start3A_661 : memref<128xi32, #tpu.memory_space<vmem>>) semaphore(%arg13 : memref<!tpu.dma_semaphore, #tpu.memory_space<semaphore_mem>>)
      %dma_wait3A_665 = arith.constant 22 : i32
      %dma_wait3A_666 = arith.constant 0 : i32
      %dma_wait3A_667 = tpu.memref_slice %arg6[%dma_wait3A_665, %dma_wait3A_666] : memref<40x128xi32, #tpu.memory_space<vmem>> -> memref<1x128xi32, #tpu.memory_space<vmem>>
      %dma_wait3A_668 = tpu.memref_squeeze %dma_wait3A_667 : memref<1x128xi32, #tpu.memory_space<vmem>> -> memref<128xi32, #tpu.memory_space<vmem>>
      %dma_wait3A_669 = arith.constant 0 : i32
      %dma_wait3A_670 = arith.constant 0 : i32
      %dma_wait3A_671 = tpu.memref_slice %arg2[%dma_wait3A_669, %dma_wait3A_670] : memref<10000x128xf32, #tpu.memory_space<hbm>> -> memref<10000x128xf32, #tpu.memory_space<hbm>>
      tpu.wait_indirect_dma semaphore(%arg12 : memref<!tpu.dma_semaphore, #tpu.memory_space<semaphore_mem>>) src(%dma_wait3A_671 : memref<10000x128xf32, #tpu.memory_space<hbm>>) dst(%arg8 : memref<128x128xf32, #tpu.memory_space<vmem>>)
      %dma_start3A_672 = arith.constant 22 : i32
      %dma_start3A_673 = arith.constant 0 : i32
      %dma_start3A_674 = tpu.memref_slice %arg7[%dma_start3A_672, %dma_start3A_673] : memref<40x128xi32, #tpu.memory_space<vmem>> -> memref<1x128xi32, #tpu.memory_space<vmem>>
      %dma_start3A_675 = tpu.memref_squeeze %dma_start3A_674 : memref<1x128xi32, #tpu.memory_space<vmem>> -> memref<128xi32, #tpu.memory_space<vmem>>
      %dma_start3A_676 = arith.constant 0 : i32
      %dma_start3A_677 = arith.constant 0 : i32
      %dma_start3A_678 = tpu.memref_slice %arg11[%dma_start3A_676, %dma_start3A_677] : memref<10240x128xf32, #tpu.memory_space<vmem_shared>> -> memref<10240x128xf32, #tpu.memory_space<vmem_shared>>
      tpu.enqueue_indirect_dma source(%arg8 : memref<128x128xf32, #tpu.memory_space<vmem>>) target(%dma_start3A_678 : memref<10240x128xf32, #tpu.memory_space<vmem_shared>>) offsets(%dma_start3A_675 : memref<128xi32, #tpu.memory_space<vmem>>) semaphore(%arg14 : memref<!tpu.dma_semaphore, #tpu.memory_space<semaphore_mem>>) {add = true}
      %dma_wait3A_679 = arith.constant 22 : i32
      %dma_wait3A_680 = arith.constant 0 : i32
      %dma_wait3A_681 = tpu.memref_slice %arg7[%dma_wait3A_679, %dma_wait3A_680] : memref<40x128xi32, #tpu.memory_space<vmem>> -> memref<1x128xi32, #tpu.memory_space<vmem>>
      %dma_wait3A_682 = tpu.memref_squeeze %dma_wait3A_681 : memref<1x128xi32, #tpu.memory_space<vmem>> -> memref<128xi32, #tpu.memory_space<vmem>>
      %dma_wait3A_683 = arith.constant 0 : i32
      %dma_wait3A_684 = arith.constant 0 : i32
      %dma_wait3A_685 = tpu.memref_slice %arg11[%dma_wait3A_683, %dma_wait3A_684] : memref<10240x128xf32, #tpu.memory_space<vmem_shared>> -> memref<10240x128xf32, #tpu.memory_space<vmem_shared>>
      tpu.wait_indirect_dma semaphore(%arg14 : memref<!tpu.dma_semaphore, #tpu.memory_space<semaphore_mem>>) src(%arg8 : memref<128x128xf32, #tpu.memory_space<vmem>>) dst(%dma_wait3A_685 : memref<10240x128xf32, #tpu.memory_space<vmem_shared>>)
      %dma_start3A_686 = arith.constant 24 : i32
      %dma_start3A_687 = arith.constant 0 : i32
      %dma_start3A_688 = tpu.memref_slice %arg6[%dma_start3A_686, %dma_start3A_687] : memref<40x128xi32, #tpu.memory_space<vmem>> -> memref<1x128xi32, #tpu.memory_space<vmem>>
      %dma_start3A_689 = tpu.memref_squeeze %dma_start3A_688 : memref<1x128xi32, #tpu.memory_space<vmem>> -> memref<128xi32, #tpu.memory_space<vmem>>
      %dma_start3A_690 = arith.constant 0 : i32
      %dma_start3A_691 = arith.constant 0 : i32
      %dma_start3A_692 = tpu.memref_slice %arg2[%dma_start3A_690, %dma_start3A_691] : memref<10000x128xf32, #tpu.memory_space<hbm>> -> memref<10000x128xf32, #tpu.memory_space<hbm>>
      tpu.enqueue_indirect_dma source(%dma_start3A_692 : memref<10000x128xf32, #tpu.memory_space<hbm>>) target(%arg8 : memref<128x128xf32, #tpu.memory_space<vmem>>) offsets(%dma_start3A_689 : memref<128xi32, #tpu.memory_space<vmem>>) semaphore(%arg12 : memref<!tpu.dma_semaphore, #tpu.memory_space<semaphore_mem>>)
      %dma_wait3A_693 = arith.constant 23 : i32
      %dma_wait3A_694 = arith.constant 0 : i32
      %dma_wait3A_695 = tpu.memref_slice %arg6[%dma_wait3A_693, %dma_wait3A_694] : memref<40x128xi32, #tpu.memory_space<vmem>> -> memref<1x128xi32, #tpu.memory_space<vmem>>
      %dma_wait3A_696 = tpu.memref_squeeze %dma_wait3A_695 : memref<1x128xi32, #tpu.memory_space<vmem>> -> memref<128xi32, #tpu.memory_space<vmem>>
      %dma_wait3A_697 = arith.constant 0 : i32
      %dma_wait3A_698 = arith.constant 0 : i32
      %dma_wait3A_699 = tpu.memref_slice %arg2[%dma_wait3A_697, %dma_wait3A_698] : memref<10000x128xf32, #tpu.memory_space<hbm>> -> memref<10000x128xf32, #tpu.memory_space<hbm>>
      tpu.wait_indirect_dma semaphore(%arg13 : memref<!tpu.dma_semaphore, #tpu.memory_space<semaphore_mem>>) src(%dma_wait3A_699 : memref<10000x128xf32, #tpu.memory_space<hbm>>) dst(%arg9 : memref<128x128xf32, #tpu.memory_space<vmem>>)
      %dma_start3A_700 = arith.constant 23 : i32
      %dma_start3A_701 = arith.constant 0 : i32
      %dma_start3A_702 = tpu.memref_slice %arg7[%dma_start3A_700, %dma_start3A_701] : memref<40x128xi32, #tpu.memory_space<vmem>> -> memref<1x128xi32, #tpu.memory_space<vmem>>
      %dma_start3A_703 = tpu.memref_squeeze %dma_start3A_702 : memref<1x128xi32, #tpu.memory_space<vmem>> -> memref<128xi32, #tpu.memory_space<vmem>>
      %dma_start3A_704 = arith.constant 0 : i32
      %dma_start3A_705 = arith.constant 0 : i32
      %dma_start3A_706 = tpu.memref_slice %arg11[%dma_start3A_704, %dma_start3A_705] : memref<10240x128xf32, #tpu.memory_space<vmem_shared>> -> memref<10240x128xf32, #tpu.memory_space<vmem_shared>>
      tpu.enqueue_indirect_dma source(%arg9 : memref<128x128xf32, #tpu.memory_space<vmem>>) target(%dma_start3A_706 : memref<10240x128xf32, #tpu.memory_space<vmem_shared>>) offsets(%dma_start3A_703 : memref<128xi32, #tpu.memory_space<vmem>>) semaphore(%arg15 : memref<!tpu.dma_semaphore, #tpu.memory_space<semaphore_mem>>) {add = true}
      %dma_wait3A_707 = arith.constant 23 : i32
      %dma_wait3A_708 = arith.constant 0 : i32
      %dma_wait3A_709 = tpu.memref_slice %arg7[%dma_wait3A_707, %dma_wait3A_708] : memref<40x128xi32, #tpu.memory_space<vmem>> -> memref<1x128xi32, #tpu.memory_space<vmem>>
      %dma_wait3A_710 = tpu.memref_squeeze %dma_wait3A_709 : memref<1x128xi32, #tpu.memory_space<vmem>> -> memref<128xi32, #tpu.memory_space<vmem>>
      %dma_wait3A_711 = arith.constant 0 : i32
      %dma_wait3A_712 = arith.constant 0 : i32
      %dma_wait3A_713 = tpu.memref_slice %arg11[%dma_wait3A_711, %dma_wait3A_712] : memref<10240x128xf32, #tpu.memory_space<vmem_shared>> -> memref<10240x128xf32, #tpu.memory_space<vmem_shared>>
      tpu.wait_indirect_dma semaphore(%arg15 : memref<!tpu.dma_semaphore, #tpu.memory_space<semaphore_mem>>) src(%arg9 : memref<128x128xf32, #tpu.memory_space<vmem>>) dst(%dma_wait3A_713 : memref<10240x128xf32, #tpu.memory_space<vmem_shared>>)
      %dma_start3A_714 = arith.constant 25 : i32
      %dma_start3A_715 = arith.constant 0 : i32
      %dma_start3A_716 = tpu.memref_slice %arg6[%dma_start3A_714, %dma_start3A_715] : memref<40x128xi32, #tpu.memory_space<vmem>> -> memref<1x128xi32, #tpu.memory_space<vmem>>
      %dma_start3A_717 = tpu.memref_squeeze %dma_start3A_716 : memref<1x128xi32, #tpu.memory_space<vmem>> -> memref<128xi32, #tpu.memory_space<vmem>>
      %dma_start3A_718 = arith.constant 0 : i32
      %dma_start3A_719 = arith.constant 0 : i32
      %dma_start3A_720 = tpu.memref_slice %arg2[%dma_start3A_718, %dma_start3A_719] : memref<10000x128xf32, #tpu.memory_space<hbm>> -> memref<10000x128xf32, #tpu.memory_space<hbm>>
      tpu.enqueue_indirect_dma source(%dma_start3A_720 : memref<10000x128xf32, #tpu.memory_space<hbm>>) target(%arg9 : memref<128x128xf32, #tpu.memory_space<vmem>>) offsets(%dma_start3A_717 : memref<128xi32, #tpu.memory_space<vmem>>) semaphore(%arg13 : memref<!tpu.dma_semaphore, #tpu.memory_space<semaphore_mem>>)
      %dma_wait3A_721 = arith.constant 24 : i32
      %dma_wait3A_722 = arith.constant 0 : i32
      %dma_wait3A_723 = tpu.memref_slice %arg6[%dma_wait3A_721, %dma_wait3A_722] : memref<40x128xi32, #tpu.memory_space<vmem>> -> memref<1x128xi32, #tpu.memory_space<vmem>>
      %dma_wait3A_724 = tpu.memref_squeeze %dma_wait3A_723 : memref<1x128xi32, #tpu.memory_space<vmem>> -> memref<128xi32, #tpu.memory_space<vmem>>
      %dma_wait3A_725 = arith.constant 0 : i32
      %dma_wait3A_726 = arith.constant 0 : i32
      %dma_wait3A_727 = tpu.memref_slice %arg2[%dma_wait3A_725, %dma_wait3A_726] : memref<10000x128xf32, #tpu.memory_space<hbm>> -> memref<10000x128xf32, #tpu.memory_space<hbm>>
      tpu.wait_indirect_dma semaphore(%arg12 : memref<!tpu.dma_semaphore, #tpu.memory_space<semaphore_mem>>) src(%dma_wait3A_727 : memref<10000x128xf32, #tpu.memory_space<hbm>>) dst(%arg8 : memref<128x128xf32, #tpu.memory_space<vmem>>)
      %dma_start3A_728 = arith.constant 24 : i32
      %dma_start3A_729 = arith.constant 0 : i32
      %dma_start3A_730 = tpu.memref_slice %arg7[%dma_start3A_728, %dma_start3A_729] : memref<40x128xi32, #tpu.memory_space<vmem>> -> memref<1x128xi32, #tpu.memory_space<vmem>>
      %dma_start3A_731 = tpu.memref_squeeze %dma_start3A_730 : memref<1x128xi32, #tpu.memory_space<vmem>> -> memref<128xi32, #tpu.memory_space<vmem>>
      %dma_start3A_732 = arith.constant 0 : i32
      %dma_start3A_733 = arith.constant 0 : i32
      %dma_start3A_734 = tpu.memref_slice %arg11[%dma_start3A_732, %dma_start3A_733] : memref<10240x128xf32, #tpu.memory_space<vmem_shared>> -> memref<10240x128xf32, #tpu.memory_space<vmem_shared>>
      tpu.enqueue_indirect_dma source(%arg8 : memref<128x128xf32, #tpu.memory_space<vmem>>) target(%dma_start3A_734 : memref<10240x128xf32, #tpu.memory_space<vmem_shared>>) offsets(%dma_start3A_731 : memref<128xi32, #tpu.memory_space<vmem>>) semaphore(%arg14 : memref<!tpu.dma_semaphore, #tpu.memory_space<semaphore_mem>>) {add = true}
      %dma_wait3A_735 = arith.constant 24 : i32
      %dma_wait3A_736 = arith.constant 0 : i32
      %dma_wait3A_737 = tpu.memref_slice %arg7[%dma_wait3A_735, %dma_wait3A_736] : memref<40x128xi32, #tpu.memory_space<vmem>> -> memref<1x128xi32, #tpu.memory_space<vmem>>
      %dma_wait3A_738 = tpu.memref_squeeze %dma_wait3A_737 : memref<1x128xi32, #tpu.memory_space<vmem>> -> memref<128xi32, #tpu.memory_space<vmem>>
      %dma_wait3A_739 = arith.constant 0 : i32
      %dma_wait3A_740 = arith.constant 0 : i32
      %dma_wait3A_741 = tpu.memref_slice %arg11[%dma_wait3A_739, %dma_wait3A_740] : memref<10240x128xf32, #tpu.memory_space<vmem_shared>> -> memref<10240x128xf32, #tpu.memory_space<vmem_shared>>
      tpu.wait_indirect_dma semaphore(%arg14 : memref<!tpu.dma_semaphore, #tpu.memory_space<semaphore_mem>>) src(%arg8 : memref<128x128xf32, #tpu.memory_space<vmem>>) dst(%dma_wait3A_741 : memref<10240x128xf32, #tpu.memory_space<vmem_shared>>)
      %dma_start3A_742 = arith.constant 26 : i32
      %dma_start3A_743 = arith.constant 0 : i32
      %dma_start3A_744 = tpu.memref_slice %arg6[%dma_start3A_742, %dma_start3A_743] : memref<40x128xi32, #tpu.memory_space<vmem>> -> memref<1x128xi32, #tpu.memory_space<vmem>>
      %dma_start3A_745 = tpu.memref_squeeze %dma_start3A_744 : memref<1x128xi32, #tpu.memory_space<vmem>> -> memref<128xi32, #tpu.memory_space<vmem>>
      %dma_start3A_746 = arith.constant 0 : i32
      %dma_start3A_747 = arith.constant 0 : i32
      %dma_start3A_748 = tpu.memref_slice %arg2[%dma_start3A_746, %dma_start3A_747] : memref<10000x128xf32, #tpu.memory_space<hbm>> -> memref<10000x128xf32, #tpu.memory_space<hbm>>
      tpu.enqueue_indirect_dma source(%dma_start3A_748 : memref<10000x128xf32, #tpu.memory_space<hbm>>) target(%arg8 : memref<128x128xf32, #tpu.memory_space<vmem>>) offsets(%dma_start3A_745 : memref<128xi32, #tpu.memory_space<vmem>>) semaphore(%arg12 : memref<!tpu.dma_semaphore, #tpu.memory_space<semaphore_mem>>)
      %dma_wait3A_749 = arith.constant 25 : i32
      %dma_wait3A_750 = arith.constant 0 : i32
      %dma_wait3A_751 = tpu.memref_slice %arg6[%dma_wait3A_749, %dma_wait3A_750] : memref<40x128xi32, #tpu.memory_space<vmem>> -> memref<1x128xi32, #tpu.memory_space<vmem>>
      %dma_wait3A_752 = tpu.memref_squeeze %dma_wait3A_751 : memref<1x128xi32, #tpu.memory_space<vmem>> -> memref<128xi32, #tpu.memory_space<vmem>>
      %dma_wait3A_753 = arith.constant 0 : i32
      %dma_wait3A_754 = arith.constant 0 : i32
      %dma_wait3A_755 = tpu.memref_slice %arg2[%dma_wait3A_753, %dma_wait3A_754] : memref<10000x128xf32, #tpu.memory_space<hbm>> -> memref<10000x128xf32, #tpu.memory_space<hbm>>
      tpu.wait_indirect_dma semaphore(%arg13 : memref<!tpu.dma_semaphore, #tpu.memory_space<semaphore_mem>>) src(%dma_wait3A_755 : memref<10000x128xf32, #tpu.memory_space<hbm>>) dst(%arg9 : memref<128x128xf32, #tpu.memory_space<vmem>>)
      %dma_start3A_756 = arith.constant 25 : i32
      %dma_start3A_757 = arith.constant 0 : i32
      %dma_start3A_758 = tpu.memref_slice %arg7[%dma_start3A_756, %dma_start3A_757] : memref<40x128xi32, #tpu.memory_space<vmem>> -> memref<1x128xi32, #tpu.memory_space<vmem>>
      %dma_start3A_759 = tpu.memref_squeeze %dma_start3A_758 : memref<1x128xi32, #tpu.memory_space<vmem>> -> memref<128xi32, #tpu.memory_space<vmem>>
      %dma_start3A_760 = arith.constant 0 : i32
      %dma_start3A_761 = arith.constant 0 : i32
      %dma_start3A_762 = tpu.memref_slice %arg11[%dma_start3A_760, %dma_start3A_761] : memref<10240x128xf32, #tpu.memory_space<vmem_shared>> -> memref<10240x128xf32, #tpu.memory_space<vmem_shared>>
      tpu.enqueue_indirect_dma source(%arg9 : memref<128x128xf32, #tpu.memory_space<vmem>>) target(%dma_start3A_762 : memref<10240x128xf32, #tpu.memory_space<vmem_shared>>) offsets(%dma_start3A_759 : memref<128xi32, #tpu.memory_space<vmem>>) semaphore(%arg15 : memref<!tpu.dma_semaphore, #tpu.memory_space<semaphore_mem>>) {add = true}
      %dma_wait3A_763 = arith.constant 25 : i32
      %dma_wait3A_764 = arith.constant 0 : i32
      %dma_wait3A_765 = tpu.memref_slice %arg7[%dma_wait3A_763, %dma_wait3A_764] : memref<40x128xi32, #tpu.memory_space<vmem>> -> memref<1x128xi32, #tpu.memory_space<vmem>>
      %dma_wait3A_766 = tpu.memref_squeeze %dma_wait3A_765 : memref<1x128xi32, #tpu.memory_space<vmem>> -> memref<128xi32, #tpu.memory_space<vmem>>
      %dma_wait3A_767 = arith.constant 0 : i32
      %dma_wait3A_768 = arith.constant 0 : i32
      %dma_wait3A_769 = tpu.memref_slice %arg11[%dma_wait3A_767, %dma_wait3A_768] : memref<10240x128xf32, #tpu.memory_space<vmem_shared>> -> memref<10240x128xf32, #tpu.memory_space<vmem_shared>>
      tpu.wait_indirect_dma semaphore(%arg15 : memref<!tpu.dma_semaphore, #tpu.memory_space<semaphore_mem>>) src(%arg9 : memref<128x128xf32, #tpu.memory_space<vmem>>) dst(%dma_wait3A_769 : memref<10240x128xf32, #tpu.memory_space<vmem_shared>>)
      %dma_start3A_770 = arith.constant 27 : i32
      %dma_start3A_771 = arith.constant 0 : i32
      %dma_start3A_772 = tpu.memref_slice %arg6[%dma_start3A_770, %dma_start3A_771] : memref<40x128xi32, #tpu.memory_space<vmem>> -> memref<1x128xi32, #tpu.memory_space<vmem>>
      %dma_start3A_773 = tpu.memref_squeeze %dma_start3A_772 : memref<1x128xi32, #tpu.memory_space<vmem>> -> memref<128xi32, #tpu.memory_space<vmem>>
      %dma_start3A_774 = arith.constant 0 : i32
      %dma_start3A_775 = arith.constant 0 : i32
      %dma_start3A_776 = tpu.memref_slice %arg2[%dma_start3A_774, %dma_start3A_775] : memref<10000x128xf32, #tpu.memory_space<hbm>> -> memref<10000x128xf32, #tpu.memory_space<hbm>>
      tpu.enqueue_indirect_dma source(%dma_start3A_776 : memref<10000x128xf32, #tpu.memory_space<hbm>>) target(%arg9 : memref<128x128xf32, #tpu.memory_space<vmem>>) offsets(%dma_start3A_773 : memref<128xi32, #tpu.memory_space<vmem>>) semaphore(%arg13 : memref<!tpu.dma_semaphore, #tpu.memory_space<semaphore_mem>>)
      %dma_wait3A_777 = arith.constant 26 : i32
      %dma_wait3A_778 = arith.constant 0 : i32
      %dma_wait3A_779 = tpu.memref_slice %arg6[%dma_wait3A_777, %dma_wait3A_778] : memref<40x128xi32, #tpu.memory_space<vmem>> -> memref<1x128xi32, #tpu.memory_space<vmem>>
      %dma_wait3A_780 = tpu.memref_squeeze %dma_wait3A_779 : memref<1x128xi32, #tpu.memory_space<vmem>> -> memref<128xi32, #tpu.memory_space<vmem>>
      %dma_wait3A_781 = arith.constant 0 : i32
      %dma_wait3A_782 = arith.constant 0 : i32
      %dma_wait3A_783 = tpu.memref_slice %arg2[%dma_wait3A_781, %dma_wait3A_782] : memref<10000x128xf32, #tpu.memory_space<hbm>> -> memref<10000x128xf32, #tpu.memory_space<hbm>>
      tpu.wait_indirect_dma semaphore(%arg12 : memref<!tpu.dma_semaphore, #tpu.memory_space<semaphore_mem>>) src(%dma_wait3A_783 : memref<10000x128xf32, #tpu.memory_space<hbm>>) dst(%arg8 : memref<128x128xf32, #tpu.memory_space<vmem>>)
      %dma_start3A_784 = arith.constant 26 : i32
      %dma_start3A_785 = arith.constant 0 : i32
      %dma_start3A_786 = tpu.memref_slice %arg7[%dma_start3A_784, %dma_start3A_785] : memref<40x128xi32, #tpu.memory_space<vmem>> -> memref<1x128xi32, #tpu.memory_space<vmem>>
      %dma_start3A_787 = tpu.memref_squeeze %dma_start3A_786 : memref<1x128xi32, #tpu.memory_space<vmem>> -> memref<128xi32, #tpu.memory_space<vmem>>
      %dma_start3A_788 = arith.constant 0 : i32
      %dma_start3A_789 = arith.constant 0 : i32
      %dma_start3A_790 = tpu.memref_slice %arg11[%dma_start3A_788, %dma_start3A_789] : memref<10240x128xf32, #tpu.memory_space<vmem_shared>> -> memref<10240x128xf32, #tpu.memory_space<vmem_shared>>
      tpu.enqueue_indirect_dma source(%arg8 : memref<128x128xf32, #tpu.memory_space<vmem>>) target(%dma_start3A_790 : memref<10240x128xf32, #tpu.memory_space<vmem_shared>>) offsets(%dma_start3A_787 : memref<128xi32, #tpu.memory_space<vmem>>) semaphore(%arg14 : memref<!tpu.dma_semaphore, #tpu.memory_space<semaphore_mem>>) {add = true}
      %dma_wait3A_791 = arith.constant 26 : i32
      %dma_wait3A_792 = arith.constant 0 : i32
      %dma_wait3A_793 = tpu.memref_slice %arg7[%dma_wait3A_791, %dma_wait3A_792] : memref<40x128xi32, #tpu.memory_space<vmem>> -> memref<1x128xi32, #tpu.memory_space<vmem>>
      %dma_wait3A_794 = tpu.memref_squeeze %dma_wait3A_793 : memref<1x128xi32, #tpu.memory_space<vmem>> -> memref<128xi32, #tpu.memory_space<vmem>>
      %dma_wait3A_795 = arith.constant 0 : i32
      %dma_wait3A_796 = arith.constant 0 : i32
      %dma_wait3A_797 = tpu.memref_slice %arg11[%dma_wait3A_795, %dma_wait3A_796] : memref<10240x128xf32, #tpu.memory_space<vmem_shared>> -> memref<10240x128xf32, #tpu.memory_space<vmem_shared>>
      tpu.wait_indirect_dma semaphore(%arg14 : memref<!tpu.dma_semaphore, #tpu.memory_space<semaphore_mem>>) src(%arg8 : memref<128x128xf32, #tpu.memory_space<vmem>>) dst(%dma_wait3A_797 : memref<10240x128xf32, #tpu.memory_space<vmem_shared>>)
      %dma_start3A_798 = arith.constant 28 : i32
      %dma_start3A_799 = arith.constant 0 : i32
      %dma_start3A_800 = tpu.memref_slice %arg6[%dma_start3A_798, %dma_start3A_799] : memref<40x128xi32, #tpu.memory_space<vmem>> -> memref<1x128xi32, #tpu.memory_space<vmem>>
      %dma_start3A_801 = tpu.memref_squeeze %dma_start3A_800 : memref<1x128xi32, #tpu.memory_space<vmem>> -> memref<128xi32, #tpu.memory_space<vmem>>
      %dma_start3A_802 = arith.constant 0 : i32
      %dma_start3A_803 = arith.constant 0 : i32
      %dma_start3A_804 = tpu.memref_slice %arg2[%dma_start3A_802, %dma_start3A_803] : memref<10000x128xf32, #tpu.memory_space<hbm>> -> memref<10000x128xf32, #tpu.memory_space<hbm>>
      tpu.enqueue_indirect_dma source(%dma_start3A_804 : memref<10000x128xf32, #tpu.memory_space<hbm>>) target(%arg8 : memref<128x128xf32, #tpu.memory_space<vmem>>) offsets(%dma_start3A_801 : memref<128xi32, #tpu.memory_space<vmem>>) semaphore(%arg12 : memref<!tpu.dma_semaphore, #tpu.memory_space<semaphore_mem>>)
      %dma_wait3A_805 = arith.constant 27 : i32
      %dma_wait3A_806 = arith.constant 0 : i32
      %dma_wait3A_807 = tpu.memref_slice %arg6[%dma_wait3A_805, %dma_wait3A_806] : memref<40x128xi32, #tpu.memory_space<vmem>> -> memref<1x128xi32, #tpu.memory_space<vmem>>
      %dma_wait3A_808 = tpu.memref_squeeze %dma_wait3A_807 : memref<1x128xi32, #tpu.memory_space<vmem>> -> memref<128xi32, #tpu.memory_space<vmem>>
      %dma_wait3A_809 = arith.constant 0 : i32
      %dma_wait3A_810 = arith.constant 0 : i32
      %dma_wait3A_811 = tpu.memref_slice %arg2[%dma_wait3A_809, %dma_wait3A_810] : memref<10000x128xf32, #tpu.memory_space<hbm>> -> memref<10000x128xf32, #tpu.memory_space<hbm>>
      tpu.wait_indirect_dma semaphore(%arg13 : memref<!tpu.dma_semaphore, #tpu.memory_space<semaphore_mem>>) src(%dma_wait3A_811 : memref<10000x128xf32, #tpu.memory_space<hbm>>) dst(%arg9 : memref<128x128xf32, #tpu.memory_space<vmem>>)
      %dma_start3A_812 = arith.constant 27 : i32
      %dma_start3A_813 = arith.constant 0 : i32
      %dma_start3A_814 = tpu.memref_slice %arg7[%dma_start3A_812, %dma_start3A_813] : memref<40x128xi32, #tpu.memory_space<vmem>> -> memref<1x128xi32, #tpu.memory_space<vmem>>
      %dma_start3A_815 = tpu.memref_squeeze %dma_start3A_814 : memref<1x128xi32, #tpu.memory_space<vmem>> -> memref<128xi32, #tpu.memory_space<vmem>>
      %dma_start3A_816 = arith.constant 0 : i32
      %dma_start3A_817 = arith.constant 0 : i32
      %dma_start3A_818 = tpu.memref_slice %arg11[%dma_start3A_816, %dma_start3A_817] : memref<10240x128xf32, #tpu.memory_space<vmem_shared>> -> memref<10240x128xf32, #tpu.memory_space<vmem_shared>>
      tpu.enqueue_indirect_dma source(%arg9 : memref<128x128xf32, #tpu.memory_space<vmem>>) target(%dma_start3A_818 : memref<10240x128xf32, #tpu.memory_space<vmem_shared>>) offsets(%dma_start3A_815 : memref<128xi32, #tpu.memory_space<vmem>>) semaphore(%arg15 : memref<!tpu.dma_semaphore, #tpu.memory_space<semaphore_mem>>) {add = true}
      %dma_wait3A_819 = arith.constant 27 : i32
      %dma_wait3A_820 = arith.constant 0 : i32
      %dma_wait3A_821 = tpu.memref_slice %arg7[%dma_wait3A_819, %dma_wait3A_820] : memref<40x128xi32, #tpu.memory_space<vmem>> -> memref<1x128xi32, #tpu.memory_space<vmem>>
      %dma_wait3A_822 = tpu.memref_squeeze %dma_wait3A_821 : memref<1x128xi32, #tpu.memory_space<vmem>> -> memref<128xi32, #tpu.memory_space<vmem>>
      %dma_wait3A_823 = arith.constant 0 : i32
      %dma_wait3A_824 = arith.constant 0 : i32
      %dma_wait3A_825 = tpu.memref_slice %arg11[%dma_wait3A_823, %dma_wait3A_824] : memref<10240x128xf32, #tpu.memory_space<vmem_shared>> -> memref<10240x128xf32, #tpu.memory_space<vmem_shared>>
      tpu.wait_indirect_dma semaphore(%arg15 : memref<!tpu.dma_semaphore, #tpu.memory_space<semaphore_mem>>) src(%arg9 : memref<128x128xf32, #tpu.memory_space<vmem>>) dst(%dma_wait3A_825 : memref<10240x128xf32, #tpu.memory_space<vmem_shared>>)
      %dma_start3A_826 = arith.constant 29 : i32
      %dma_start3A_827 = arith.constant 0 : i32
      %dma_start3A_828 = tpu.memref_slice %arg6[%dma_start3A_826, %dma_start3A_827] : memref<40x128xi32, #tpu.memory_space<vmem>> -> memref<1x128xi32, #tpu.memory_space<vmem>>
      %dma_start3A_829 = tpu.memref_squeeze %dma_start3A_828 : memref<1x128xi32, #tpu.memory_space<vmem>> -> memref<128xi32, #tpu.memory_space<vmem>>
      %dma_start3A_830 = arith.constant 0 : i32
      %dma_start3A_831 = arith.constant 0 : i32
      %dma_start3A_832 = tpu.memref_slice %arg2[%dma_start3A_830, %dma_start3A_831] : memref<10000x128xf32, #tpu.memory_space<hbm>> -> memref<10000x128xf32, #tpu.memory_space<hbm>>
      tpu.enqueue_indirect_dma source(%dma_start3A_832 : memref<10000x128xf32, #tpu.memory_space<hbm>>) target(%arg9 : memref<128x128xf32, #tpu.memory_space<vmem>>) offsets(%dma_start3A_829 : memref<128xi32, #tpu.memory_space<vmem>>) semaphore(%arg13 : memref<!tpu.dma_semaphore, #tpu.memory_space<semaphore_mem>>)
      %dma_wait3A_833 = arith.constant 28 : i32
      %dma_wait3A_834 = arith.constant 0 : i32
      %dma_wait3A_835 = tpu.memref_slice %arg6[%dma_wait3A_833, %dma_wait3A_834] : memref<40x128xi32, #tpu.memory_space<vmem>> -> memref<1x128xi32, #tpu.memory_space<vmem>>
      %dma_wait3A_836 = tpu.memref_squeeze %dma_wait3A_835 : memref<1x128xi32, #tpu.memory_space<vmem>> -> memref<128xi32, #tpu.memory_space<vmem>>
      %dma_wait3A_837 = arith.constant 0 : i32
      %dma_wait3A_838 = arith.constant 0 : i32
      %dma_wait3A_839 = tpu.memref_slice %arg2[%dma_wait3A_837, %dma_wait3A_838] : memref<10000x128xf32, #tpu.memory_space<hbm>> -> memref<10000x128xf32, #tpu.memory_space<hbm>>
      tpu.wait_indirect_dma semaphore(%arg12 : memref<!tpu.dma_semaphore, #tpu.memory_space<semaphore_mem>>) src(%dma_wait3A_839 : memref<10000x128xf32, #tpu.memory_space<hbm>>) dst(%arg8 : memref<128x128xf32, #tpu.memory_space<vmem>>)
      %dma_start3A_840 = arith.constant 28 : i32
      %dma_start3A_841 = arith.constant 0 : i32
      %dma_start3A_842 = tpu.memref_slice %arg7[%dma_start3A_840, %dma_start3A_841] : memref<40x128xi32, #tpu.memory_space<vmem>> -> memref<1x128xi32, #tpu.memory_space<vmem>>
      %dma_start3A_843 = tpu.memref_squeeze %dma_start3A_842 : memref<1x128xi32, #tpu.memory_space<vmem>> -> memref<128xi32, #tpu.memory_space<vmem>>
      %dma_start3A_844 = arith.constant 0 : i32
      %dma_start3A_845 = arith.constant 0 : i32
      %dma_start3A_846 = tpu.memref_slice %arg11[%dma_start3A_844, %dma_start3A_845] : memref<10240x128xf32, #tpu.memory_space<vmem_shared>> -> memref<10240x128xf32, #tpu.memory_space<vmem_shared>>
      tpu.enqueue_indirect_dma source(%arg8 : memref<128x128xf32, #tpu.memory_space<vmem>>) target(%dma_start3A_846 : memref<10240x128xf32, #tpu.memory_space<vmem_shared>>) offsets(%dma_start3A_843 : memref<128xi32, #tpu.memory_space<vmem>>) semaphore(%arg14 : memref<!tpu.dma_semaphore, #tpu.memory_space<semaphore_mem>>) {add = true}
      %dma_wait3A_847 = arith.constant 28 : i32
      %dma_wait3A_848 = arith.constant 0 : i32
      %dma_wait3A_849 = tpu.memref_slice %arg7[%dma_wait3A_847, %dma_wait3A_848] : memref<40x128xi32, #tpu.memory_space<vmem>> -> memref<1x128xi32, #tpu.memory_space<vmem>>
      %dma_wait3A_850 = tpu.memref_squeeze %dma_wait3A_849 : memref<1x128xi32, #tpu.memory_space<vmem>> -> memref<128xi32, #tpu.memory_space<vmem>>
      %dma_wait3A_851 = arith.constant 0 : i32
      %dma_wait3A_852 = arith.constant 0 : i32
      %dma_wait3A_853 = tpu.memref_slice %arg11[%dma_wait3A_851, %dma_wait3A_852] : memref<10240x128xf32, #tpu.memory_space<vmem_shared>> -> memref<10240x128xf32, #tpu.memory_space<vmem_shared>>
      tpu.wait_indirect_dma semaphore(%arg14 : memref<!tpu.dma_semaphore, #tpu.memory_space<semaphore_mem>>) src(%arg8 : memref<128x128xf32, #tpu.memory_space<vmem>>) dst(%dma_wait3A_853 : memref<10240x128xf32, #tpu.memory_space<vmem_shared>>)
      %dma_start3A_854 = arith.constant 30 : i32
      %dma_start3A_855 = arith.constant 0 : i32
      %dma_start3A_856 = tpu.memref_slice %arg6[%dma_start3A_854, %dma_start3A_855] : memref<40x128xi32, #tpu.memory_space<vmem>> -> memref<1x128xi32, #tpu.memory_space<vmem>>
      %dma_start3A_857 = tpu.memref_squeeze %dma_start3A_856 : memref<1x128xi32, #tpu.memory_space<vmem>> -> memref<128xi32, #tpu.memory_space<vmem>>
      %dma_start3A_858 = arith.constant 0 : i32
      %dma_start3A_859 = arith.constant 0 : i32
      %dma_start3A_860 = tpu.memref_slice %arg2[%dma_start3A_858, %dma_start3A_859] : memref<10000x128xf32, #tpu.memory_space<hbm>> -> memref<10000x128xf32, #tpu.memory_space<hbm>>
      tpu.enqueue_indirect_dma source(%dma_start3A_860 : memref<10000x128xf32, #tpu.memory_space<hbm>>) target(%arg8 : memref<128x128xf32, #tpu.memory_space<vmem>>) offsets(%dma_start3A_857 : memref<128xi32, #tpu.memory_space<vmem>>) semaphore(%arg12 : memref<!tpu.dma_semaphore, #tpu.memory_space<semaphore_mem>>)
      %dma_wait3A_861 = arith.constant 29 : i32
      %dma_wait3A_862 = arith.constant 0 : i32
      %dma_wait3A_863 = tpu.memref_slice %arg6[%dma_wait3A_861, %dma_wait3A_862] : memref<40x128xi32, #tpu.memory_space<vmem>> -> memref<1x128xi32, #tpu.memory_space<vmem>>
      %dma_wait3A_864 = tpu.memref_squeeze %dma_wait3A_863 : memref<1x128xi32, #tpu.memory_space<vmem>> -> memref<128xi32, #tpu.memory_space<vmem>>
      %dma_wait3A_865 = arith.constant 0 : i32
      %dma_wait3A_866 = arith.constant 0 : i32
      %dma_wait3A_867 = tpu.memref_slice %arg2[%dma_wait3A_865, %dma_wait3A_866] : memref<10000x128xf32, #tpu.memory_space<hbm>> -> memref<10000x128xf32, #tpu.memory_space<hbm>>
      tpu.wait_indirect_dma semaphore(%arg13 : memref<!tpu.dma_semaphore, #tpu.memory_space<semaphore_mem>>) src(%dma_wait3A_867 : memref<10000x128xf32, #tpu.memory_space<hbm>>) dst(%arg9 : memref<128x128xf32, #tpu.memory_space<vmem>>)
      %dma_start3A_868 = arith.constant 29 : i32
      %dma_start3A_869 = arith.constant 0 : i32
      %dma_start3A_870 = tpu.memref_slice %arg7[%dma_start3A_868, %dma_start3A_869] : memref<40x128xi32, #tpu.memory_space<vmem>> -> memref<1x128xi32, #tpu.memory_space<vmem>>
      %dma_start3A_871 = tpu.memref_squeeze %dma_start3A_870 : memref<1x128xi32, #tpu.memory_space<vmem>> -> memref<128xi32, #tpu.memory_space<vmem>>
      %dma_start3A_872 = arith.constant 0 : i32
      %dma_start3A_873 = arith.constant 0 : i32
      %dma_start3A_874 = tpu.memref_slice %arg11[%dma_start3A_872, %dma_start3A_873] : memref<10240x128xf32, #tpu.memory_space<vmem_shared>> -> memref<10240x128xf32, #tpu.memory_space<vmem_shared>>
      tpu.enqueue_indirect_dma source(%arg9 : memref<128x128xf32, #tpu.memory_space<vmem>>) target(%dma_start3A_874 : memref<10240x128xf32, #tpu.memory_space<vmem_shared>>) offsets(%dma_start3A_871 : memref<128xi32, #tpu.memory_space<vmem>>) semaphore(%arg15 : memref<!tpu.dma_semaphore, #tpu.memory_space<semaphore_mem>>) {add = true}
      %dma_wait3A_875 = arith.constant 29 : i32
      %dma_wait3A_876 = arith.constant 0 : i32
      %dma_wait3A_877 = tpu.memref_slice %arg7[%dma_wait3A_875, %dma_wait3A_876] : memref<40x128xi32, #tpu.memory_space<vmem>> -> memref<1x128xi32, #tpu.memory_space<vmem>>
      %dma_wait3A_878 = tpu.memref_squeeze %dma_wait3A_877 : memref<1x128xi32, #tpu.memory_space<vmem>> -> memref<128xi32, #tpu.memory_space<vmem>>
      %dma_wait3A_879 = arith.constant 0 : i32
      %dma_wait3A_880 = arith.constant 0 : i32
      %dma_wait3A_881 = tpu.memref_slice %arg11[%dma_wait3A_879, %dma_wait3A_880] : memref<10240x128xf32, #tpu.memory_space<vmem_shared>> -> memref<10240x128xf32, #tpu.memory_space<vmem_shared>>
      tpu.wait_indirect_dma semaphore(%arg15 : memref<!tpu.dma_semaphore, #tpu.memory_space<semaphore_mem>>) src(%arg9 : memref<128x128xf32, #tpu.memory_space<vmem>>) dst(%dma_wait3A_881 : memref<10240x128xf32, #tpu.memory_space<vmem_shared>>)
      %dma_start3A_882 = arith.constant 31 : i32
      %dma_start3A_883 = arith.constant 0 : i32
      %dma_start3A_884 = tpu.memref_slice %arg6[%dma_start3A_882, %dma_start3A_883] : memref<40x128xi32, #tpu.memory_space<vmem>> -> memref<1x128xi32, #tpu.memory_space<vmem>>
      %dma_start3A_885 = tpu.memref_squeeze %dma_start3A_884 : memref<1x128xi32, #tpu.memory_space<vmem>> -> memref<128xi32, #tpu.memory_space<vmem>>
      %dma_start3A_886 = arith.constant 0 : i32
      %dma_start3A_887 = arith.constant 0 : i32
      %dma_start3A_888 = tpu.memref_slice %arg2[%dma_start3A_886, %dma_start3A_887] : memref<10000x128xf32, #tpu.memory_space<hbm>> -> memref<10000x128xf32, #tpu.memory_space<hbm>>
      tpu.enqueue_indirect_dma source(%dma_start3A_888 : memref<10000x128xf32, #tpu.memory_space<hbm>>) target(%arg9 : memref<128x128xf32, #tpu.memory_space<vmem>>) offsets(%dma_start3A_885 : memref<128xi32, #tpu.memory_space<vmem>>) semaphore(%arg13 : memref<!tpu.dma_semaphore, #tpu.memory_space<semaphore_mem>>)
      %dma_wait3A_889 = arith.constant 30 : i32
      %dma_wait3A_890 = arith.constant 0 : i32
      %dma_wait3A_891 = tpu.memref_slice %arg6[%dma_wait3A_889, %dma_wait3A_890] : memref<40x128xi32, #tpu.memory_space<vmem>> -> memref<1x128xi32, #tpu.memory_space<vmem>>
      %dma_wait3A_892 = tpu.memref_squeeze %dma_wait3A_891 : memref<1x128xi32, #tpu.memory_space<vmem>> -> memref<128xi32, #tpu.memory_space<vmem>>
      %dma_wait3A_893 = arith.constant 0 : i32
      %dma_wait3A_894 = arith.constant 0 : i32
      %dma_wait3A_895 = tpu.memref_slice %arg2[%dma_wait3A_893, %dma_wait3A_894] : memref<10000x128xf32, #tpu.memory_space<hbm>> -> memref<10000x128xf32, #tpu.memory_space<hbm>>
      tpu.wait_indirect_dma semaphore(%arg12 : memref<!tpu.dma_semaphore, #tpu.memory_space<semaphore_mem>>) src(%dma_wait3A_895 : memref<10000x128xf32, #tpu.memory_space<hbm>>) dst(%arg8 : memref<128x128xf32, #tpu.memory_space<vmem>>)
      %dma_start3A_896 = arith.constant 30 : i32
      %dma_start3A_897 = arith.constant 0 : i32
      %dma_start3A_898 = tpu.memref_slice %arg7[%dma_start3A_896, %dma_start3A_897] : memref<40x128xi32, #tpu.memory_space<vmem>> -> memref<1x128xi32, #tpu.memory_space<vmem>>
      %dma_start3A_899 = tpu.memref_squeeze %dma_start3A_898 : memref<1x128xi32, #tpu.memory_space<vmem>> -> memref<128xi32, #tpu.memory_space<vmem>>
      %dma_start3A_900 = arith.constant 0 : i32
      %dma_start3A_901 = arith.constant 0 : i32
      %dma_start3A_902 = tpu.memref_slice %arg11[%dma_start3A_900, %dma_start3A_901] : memref<10240x128xf32, #tpu.memory_space<vmem_shared>> -> memref<10240x128xf32, #tpu.memory_space<vmem_shared>>
      tpu.enqueue_indirect_dma source(%arg8 : memref<128x128xf32, #tpu.memory_space<vmem>>) target(%dma_start3A_902 : memref<10240x128xf32, #tpu.memory_space<vmem_shared>>) offsets(%dma_start3A_899 : memref<128xi32, #tpu.memory_space<vmem>>) semaphore(%arg14 : memref<!tpu.dma_semaphore, #tpu.memory_space<semaphore_mem>>) {add = true}
      %dma_wait3A_903 = arith.constant 30 : i32
      %dma_wait3A_904 = arith.constant 0 : i32
      %dma_wait3A_905 = tpu.memref_slice %arg7[%dma_wait3A_903, %dma_wait3A_904] : memref<40x128xi32, #tpu.memory_space<vmem>> -> memref<1x128xi32, #tpu.memory_space<vmem>>
      %dma_wait3A_906 = tpu.memref_squeeze %dma_wait3A_905 : memref<1x128xi32, #tpu.memory_space<vmem>> -> memref<128xi32, #tpu.memory_space<vmem>>
      %dma_wait3A_907 = arith.constant 0 : i32
      %dma_wait3A_908 = arith.constant 0 : i32
      %dma_wait3A_909 = tpu.memref_slice %arg11[%dma_wait3A_907, %dma_wait3A_908] : memref<10240x128xf32, #tpu.memory_space<vmem_shared>> -> memref<10240x128xf32, #tpu.memory_space<vmem_shared>>
      tpu.wait_indirect_dma semaphore(%arg14 : memref<!tpu.dma_semaphore, #tpu.memory_space<semaphore_mem>>) src(%arg8 : memref<128x128xf32, #tpu.memory_space<vmem>>) dst(%dma_wait3A_909 : memref<10240x128xf32, #tpu.memory_space<vmem_shared>>)
      %dma_start3A_910 = arith.constant 32 : i32
      %dma_start3A_911 = arith.constant 0 : i32
      %dma_start3A_912 = tpu.memref_slice %arg6[%dma_start3A_910, %dma_start3A_911] : memref<40x128xi32, #tpu.memory_space<vmem>> -> memref<1x128xi32, #tpu.memory_space<vmem>>
      %dma_start3A_913 = tpu.memref_squeeze %dma_start3A_912 : memref<1x128xi32, #tpu.memory_space<vmem>> -> memref<128xi32, #tpu.memory_space<vmem>>
      %dma_start3A_914 = arith.constant 0 : i32
      %dma_start3A_915 = arith.constant 0 : i32
      %dma_start3A_916 = tpu.memref_slice %arg2[%dma_start3A_914, %dma_start3A_915] : memref<10000x128xf32, #tpu.memory_space<hbm>> -> memref<10000x128xf32, #tpu.memory_space<hbm>>
      tpu.enqueue_indirect_dma source(%dma_start3A_916 : memref<10000x128xf32, #tpu.memory_space<hbm>>) target(%arg8 : memref<128x128xf32, #tpu.memory_space<vmem>>) offsets(%dma_start3A_913 : memref<128xi32, #tpu.memory_space<vmem>>) semaphore(%arg12 : memref<!tpu.dma_semaphore, #tpu.memory_space<semaphore_mem>>)
      %dma_wait3A_917 = arith.constant 31 : i32
      %dma_wait3A_918 = arith.constant 0 : i32
      %dma_wait3A_919 = tpu.memref_slice %arg6[%dma_wait3A_917, %dma_wait3A_918] : memref<40x128xi32, #tpu.memory_space<vmem>> -> memref<1x128xi32, #tpu.memory_space<vmem>>
      %dma_wait3A_920 = tpu.memref_squeeze %dma_wait3A_919 : memref<1x128xi32, #tpu.memory_space<vmem>> -> memref<128xi32, #tpu.memory_space<vmem>>
      %dma_wait3A_921 = arith.constant 0 : i32
      %dma_wait3A_922 = arith.constant 0 : i32
      %dma_wait3A_923 = tpu.memref_slice %arg2[%dma_wait3A_921, %dma_wait3A_922] : memref<10000x128xf32, #tpu.memory_space<hbm>> -> memref<10000x128xf32, #tpu.memory_space<hbm>>
      tpu.wait_indirect_dma semaphore(%arg13 : memref<!tpu.dma_semaphore, #tpu.memory_space<semaphore_mem>>) src(%dma_wait3A_923 : memref<10000x128xf32, #tpu.memory_space<hbm>>) dst(%arg9 : memref<128x128xf32, #tpu.memory_space<vmem>>)
      %dma_start3A_924 = arith.constant 31 : i32
      %dma_start3A_925 = arith.constant 0 : i32
      %dma_start3A_926 = tpu.memref_slice %arg7[%dma_start3A_924, %dma_start3A_925] : memref<40x128xi32, #tpu.memory_space<vmem>> -> memref<1x128xi32, #tpu.memory_space<vmem>>
      %dma_start3A_927 = tpu.memref_squeeze %dma_start3A_926 : memref<1x128xi32, #tpu.memory_space<vmem>> -> memref<128xi32, #tpu.memory_space<vmem>>
      %dma_start3A_928 = arith.constant 0 : i32
      %dma_start3A_929 = arith.constant 0 : i32
      %dma_start3A_930 = tpu.memref_slice %arg11[%dma_start3A_928, %dma_start3A_929] : memref<10240x128xf32, #tpu.memory_space<vmem_shared>> -> memref<10240x128xf32, #tpu.memory_space<vmem_shared>>
      tpu.enqueue_indirect_dma source(%arg9 : memref<128x128xf32, #tpu.memory_space<vmem>>) target(%dma_start3A_930 : memref<10240x128xf32, #tpu.memory_space<vmem_shared>>) offsets(%dma_start3A_927 : memref<128xi32, #tpu.memory_space<vmem>>) semaphore(%arg15 : memref<!tpu.dma_semaphore, #tpu.memory_space<semaphore_mem>>) {add = true}
      %dma_wait3A_931 = arith.constant 31 : i32
      %dma_wait3A_932 = arith.constant 0 : i32
      %dma_wait3A_933 = tpu.memref_slice %arg7[%dma_wait3A_931, %dma_wait3A_932] : memref<40x128xi32, #tpu.memory_space<vmem>> -> memref<1x128xi32, #tpu.memory_space<vmem>>
      %dma_wait3A_934 = tpu.memref_squeeze %dma_wait3A_933 : memref<1x128xi32, #tpu.memory_space<vmem>> -> memref<128xi32, #tpu.memory_space<vmem>>
      %dma_wait3A_935 = arith.constant 0 : i32
      %dma_wait3A_936 = arith.constant 0 : i32
      %dma_wait3A_937 = tpu.memref_slice %arg11[%dma_wait3A_935, %dma_wait3A_936] : memref<10240x128xf32, #tpu.memory_space<vmem_shared>> -> memref<10240x128xf32, #tpu.memory_space<vmem_shared>>
      tpu.wait_indirect_dma semaphore(%arg15 : memref<!tpu.dma_semaphore, #tpu.memory_space<semaphore_mem>>) src(%arg9 : memref<128x128xf32, #tpu.memory_space<vmem>>) dst(%dma_wait3A_937 : memref<10240x128xf32, #tpu.memory_space<vmem_shared>>)
      %dma_start3A_938 = arith.constant 33 : i32
      %dma_start3A_939 = arith.constant 0 : i32
      %dma_start3A_940 = tpu.memref_slice %arg6[%dma_start3A_938, %dma_start3A_939] : memref<40x128xi32, #tpu.memory_space<vmem>> -> memref<1x128xi32, #tpu.memory_space<vmem>>
      %dma_start3A_941 = tpu.memref_squeeze %dma_start3A_940 : memref<1x128xi32, #tpu.memory_space<vmem>> -> memref<128xi32, #tpu.memory_space<vmem>>
      %dma_start3A_942 = arith.constant 0 : i32
      %dma_start3A_943 = arith.constant 0 : i32
      %dma_start3A_944 = tpu.memref_slice %arg2[%dma_start3A_942, %dma_start3A_943] : memref<10000x128xf32, #tpu.memory_space<hbm>> -> memref<10000x128xf32, #tpu.memory_space<hbm>>
      tpu.enqueue_indirect_dma source(%dma_start3A_944 : memref<10000x128xf32, #tpu.memory_space<hbm>>) target(%arg9 : memref<128x128xf32, #tpu.memory_space<vmem>>) offsets(%dma_start3A_941 : memref<128xi32, #tpu.memory_space<vmem>>) semaphore(%arg13 : memref<!tpu.dma_semaphore, #tpu.memory_space<semaphore_mem>>)
      %dma_wait3A_945 = arith.constant 32 : i32
      %dma_wait3A_946 = arith.constant 0 : i32
      %dma_wait3A_947 = tpu.memref_slice %arg6[%dma_wait3A_945, %dma_wait3A_946] : memref<40x128xi32, #tpu.memory_space<vmem>> -> memref<1x128xi32, #tpu.memory_space<vmem>>
      %dma_wait3A_948 = tpu.memref_squeeze %dma_wait3A_947 : memref<1x128xi32, #tpu.memory_space<vmem>> -> memref<128xi32, #tpu.memory_space<vmem>>
      %dma_wait3A_949 = arith.constant 0 : i32
      %dma_wait3A_950 = arith.constant 0 : i32
      %dma_wait3A_951 = tpu.memref_slice %arg2[%dma_wait3A_949, %dma_wait3A_950] : memref<10000x128xf32, #tpu.memory_space<hbm>> -> memref<10000x128xf32, #tpu.memory_space<hbm>>
      tpu.wait_indirect_dma semaphore(%arg12 : memref<!tpu.dma_semaphore, #tpu.memory_space<semaphore_mem>>) src(%dma_wait3A_951 : memref<10000x128xf32, #tpu.memory_space<hbm>>) dst(%arg8 : memref<128x128xf32, #tpu.memory_space<vmem>>)
      %dma_start3A_952 = arith.constant 32 : i32
      %dma_start3A_953 = arith.constant 0 : i32
      %dma_start3A_954 = tpu.memref_slice %arg7[%dma_start3A_952, %dma_start3A_953] : memref<40x128xi32, #tpu.memory_space<vmem>> -> memref<1x128xi32, #tpu.memory_space<vmem>>
      %dma_start3A_955 = tpu.memref_squeeze %dma_start3A_954 : memref<1x128xi32, #tpu.memory_space<vmem>> -> memref<128xi32, #tpu.memory_space<vmem>>
      %dma_start3A_956 = arith.constant 0 : i32
      %dma_start3A_957 = arith.constant 0 : i32
      %dma_start3A_958 = tpu.memref_slice %arg11[%dma_start3A_956, %dma_start3A_957] : memref<10240x128xf32, #tpu.memory_space<vmem_shared>> -> memref<10240x128xf32, #tpu.memory_space<vmem_shared>>
      tpu.enqueue_indirect_dma source(%arg8 : memref<128x128xf32, #tpu.memory_space<vmem>>) target(%dma_start3A_958 : memref<10240x128xf32, #tpu.memory_space<vmem_shared>>) offsets(%dma_start3A_955 : memref<128xi32, #tpu.memory_space<vmem>>) semaphore(%arg14 : memref<!tpu.dma_semaphore, #tpu.memory_space<semaphore_mem>>) {add = true}
      %dma_wait3A_959 = arith.constant 32 : i32
      %dma_wait3A_960 = arith.constant 0 : i32
      %dma_wait3A_961 = tpu.memref_slice %arg7[%dma_wait3A_959, %dma_wait3A_960] : memref<40x128xi32, #tpu.memory_space<vmem>> -> memref<1x128xi32, #tpu.memory_space<vmem>>
      %dma_wait3A_962 = tpu.memref_squeeze %dma_wait3A_961 : memref<1x128xi32, #tpu.memory_space<vmem>> -> memref<128xi32, #tpu.memory_space<vmem>>
      %dma_wait3A_963 = arith.constant 0 : i32
      %dma_wait3A_964 = arith.constant 0 : i32
      %dma_wait3A_965 = tpu.memref_slice %arg11[%dma_wait3A_963, %dma_wait3A_964] : memref<10240x128xf32, #tpu.memory_space<vmem_shared>> -> memref<10240x128xf32, #tpu.memory_space<vmem_shared>>
      tpu.wait_indirect_dma semaphore(%arg14 : memref<!tpu.dma_semaphore, #tpu.memory_space<semaphore_mem>>) src(%arg8 : memref<128x128xf32, #tpu.memory_space<vmem>>) dst(%dma_wait3A_965 : memref<10240x128xf32, #tpu.memory_space<vmem_shared>>)
      %dma_start3A_966 = arith.constant 34 : i32
      %dma_start3A_967 = arith.constant 0 : i32
      %dma_start3A_968 = tpu.memref_slice %arg6[%dma_start3A_966, %dma_start3A_967] : memref<40x128xi32, #tpu.memory_space<vmem>> -> memref<1x128xi32, #tpu.memory_space<vmem>>
      %dma_start3A_969 = tpu.memref_squeeze %dma_start3A_968 : memref<1x128xi32, #tpu.memory_space<vmem>> -> memref<128xi32, #tpu.memory_space<vmem>>
      %dma_start3A_970 = arith.constant 0 : i32
      %dma_start3A_971 = arith.constant 0 : i32
      %dma_start3A_972 = tpu.memref_slice %arg2[%dma_start3A_970, %dma_start3A_971] : memref<10000x128xf32, #tpu.memory_space<hbm>> -> memref<10000x128xf32, #tpu.memory_space<hbm>>
      tpu.enqueue_indirect_dma source(%dma_start3A_972 : memref<10000x128xf32, #tpu.memory_space<hbm>>) target(%arg8 : memref<128x128xf32, #tpu.memory_space<vmem>>) offsets(%dma_start3A_969 : memref<128xi32, #tpu.memory_space<vmem>>) semaphore(%arg12 : memref<!tpu.dma_semaphore, #tpu.memory_space<semaphore_mem>>)
      %dma_wait3A_973 = arith.constant 33 : i32
      %dma_wait3A_974 = arith.constant 0 : i32
      %dma_wait3A_975 = tpu.memref_slice %arg6[%dma_wait3A_973, %dma_wait3A_974] : memref<40x128xi32, #tpu.memory_space<vmem>> -> memref<1x128xi32, #tpu.memory_space<vmem>>
      %dma_wait3A_976 = tpu.memref_squeeze %dma_wait3A_975 : memref<1x128xi32, #tpu.memory_space<vmem>> -> memref<128xi32, #tpu.memory_space<vmem>>
      %dma_wait3A_977 = arith.constant 0 : i32
      %dma_wait3A_978 = arith.constant 0 : i32
      %dma_wait3A_979 = tpu.memref_slice %arg2[%dma_wait3A_977, %dma_wait3A_978] : memref<10000x128xf32, #tpu.memory_space<hbm>> -> memref<10000x128xf32, #tpu.memory_space<hbm>>
      tpu.wait_indirect_dma semaphore(%arg13 : memref<!tpu.dma_semaphore, #tpu.memory_space<semaphore_mem>>) src(%dma_wait3A_979 : memref<10000x128xf32, #tpu.memory_space<hbm>>) dst(%arg9 : memref<128x128xf32, #tpu.memory_space<vmem>>)
      %dma_start3A_980 = arith.constant 33 : i32
      %dma_start3A_981 = arith.constant 0 : i32
      %dma_start3A_982 = tpu.memref_slice %arg7[%dma_start3A_980, %dma_start3A_981] : memref<40x128xi32, #tpu.memory_space<vmem>> -> memref<1x128xi32, #tpu.memory_space<vmem>>
      %dma_start3A_983 = tpu.memref_squeeze %dma_start3A_982 : memref<1x128xi32, #tpu.memory_space<vmem>> -> memref<128xi32, #tpu.memory_space<vmem>>
      %dma_start3A_984 = arith.constant 0 : i32
      %dma_start3A_985 = arith.constant 0 : i32
      %dma_start3A_986 = tpu.memref_slice %arg11[%dma_start3A_984, %dma_start3A_985] : memref<10240x128xf32, #tpu.memory_space<vmem_shared>> -> memref<10240x128xf32, #tpu.memory_space<vmem_shared>>
      tpu.enqueue_indirect_dma source(%arg9 : memref<128x128xf32, #tpu.memory_space<vmem>>) target(%dma_start3A_986 : memref<10240x128xf32, #tpu.memory_space<vmem_shared>>) offsets(%dma_start3A_983 : memref<128xi32, #tpu.memory_space<vmem>>) semaphore(%arg15 : memref<!tpu.dma_semaphore, #tpu.memory_space<semaphore_mem>>) {add = true}
      %dma_wait3A_987 = arith.constant 33 : i32
      %dma_wait3A_988 = arith.constant 0 : i32
      %dma_wait3A_989 = tpu.memref_slice %arg7[%dma_wait3A_987, %dma_wait3A_988] : memref<40x128xi32, #tpu.memory_space<vmem>> -> memref<1x128xi32, #tpu.memory_space<vmem>>
      %dma_wait3A_990 = tpu.memref_squeeze %dma_wait3A_989 : memref<1x128xi32, #tpu.memory_space<vmem>> -> memref<128xi32, #tpu.memory_space<vmem>>
      %dma_wait3A_991 = arith.constant 0 : i32
      %dma_wait3A_992 = arith.constant 0 : i32
      %dma_wait3A_993 = tpu.memref_slice %arg11[%dma_wait3A_991, %dma_wait3A_992] : memref<10240x128xf32, #tpu.memory_space<vmem_shared>> -> memref<10240x128xf32, #tpu.memory_space<vmem_shared>>
      tpu.wait_indirect_dma semaphore(%arg15 : memref<!tpu.dma_semaphore, #tpu.memory_space<semaphore_mem>>) src(%arg9 : memref<128x128xf32, #tpu.memory_space<vmem>>) dst(%dma_wait3A_993 : memref<10240x128xf32, #tpu.memory_space<vmem_shared>>)
      %dma_start3A_994 = arith.constant 35 : i32
      %dma_start3A_995 = arith.constant 0 : i32
      %dma_start3A_996 = tpu.memref_slice %arg6[%dma_start3A_994, %dma_start3A_995] : memref<40x128xi32, #tpu.memory_space<vmem>> -> memref<1x128xi32, #tpu.memory_space<vmem>>
      %dma_start3A_997 = tpu.memref_squeeze %dma_start3A_996 : memref<1x128xi32, #tpu.memory_space<vmem>> -> memref<128xi32, #tpu.memory_space<vmem>>
      %dma_start3A_998 = arith.constant 0 : i32
      %dma_start3A_999 = arith.constant 0 : i32
      %dma_start3A_1000 = tpu.memref_slice %arg2[%dma_start3A_998, %dma_start3A_999] : memref<10000x128xf32, #tpu.memory_space<hbm>> -> memref<10000x128xf32, #tpu.memory_space<hbm>>
      tpu.enqueue_indirect_dma source(%dma_start3A_1000 : memref<10000x128xf32, #tpu.memory_space<hbm>>) target(%arg9 : memref<128x128xf32, #tpu.memory_space<vmem>>) offsets(%dma_start3A_997 : memref<128xi32, #tpu.memory_space<vmem>>) semaphore(%arg13 : memref<!tpu.dma_semaphore, #tpu.memory_space<semaphore_mem>>)
      %dma_wait3A_1001 = arith.constant 34 : i32
      %dma_wait3A_1002 = arith.constant 0 : i32
      %dma_wait3A_1003 = tpu.memref_slice %arg6[%dma_wait3A_1001, %dma_wait3A_1002] : memref<40x128xi32, #tpu.memory_space<vmem>> -> memref<1x128xi32, #tpu.memory_space<vmem>>
      %dma_wait3A_1004 = tpu.memref_squeeze %dma_wait3A_1003 : memref<1x128xi32, #tpu.memory_space<vmem>> -> memref<128xi32, #tpu.memory_space<vmem>>
      %dma_wait3A_1005 = arith.constant 0 : i32
      %dma_wait3A_1006 = arith.constant 0 : i32
      %dma_wait3A_1007 = tpu.memref_slice %arg2[%dma_wait3A_1005, %dma_wait3A_1006] : memref<10000x128xf32, #tpu.memory_space<hbm>> -> memref<10000x128xf32, #tpu.memory_space<hbm>>
      tpu.wait_indirect_dma semaphore(%arg12 : memref<!tpu.dma_semaphore, #tpu.memory_space<semaphore_mem>>) src(%dma_wait3A_1007 : memref<10000x128xf32, #tpu.memory_space<hbm>>) dst(%arg8 : memref<128x128xf32, #tpu.memory_space<vmem>>)
      %dma_start3A_1008 = arith.constant 34 : i32
      %dma_start3A_1009 = arith.constant 0 : i32
      %dma_start3A_1010 = tpu.memref_slice %arg7[%dma_start3A_1008, %dma_start3A_1009] : memref<40x128xi32, #tpu.memory_space<vmem>> -> memref<1x128xi32, #tpu.memory_space<vmem>>
      %dma_start3A_1011 = tpu.memref_squeeze %dma_start3A_1010 : memref<1x128xi32, #tpu.memory_space<vmem>> -> memref<128xi32, #tpu.memory_space<vmem>>
      %dma_start3A_1012 = arith.constant 0 : i32
      %dma_start3A_1013 = arith.constant 0 : i32
      %dma_start3A_1014 = tpu.memref_slice %arg11[%dma_start3A_1012, %dma_start3A_1013] : memref<10240x128xf32, #tpu.memory_space<vmem_shared>> -> memref<10240x128xf32, #tpu.memory_space<vmem_shared>>
      tpu.enqueue_indirect_dma source(%arg8 : memref<128x128xf32, #tpu.memory_space<vmem>>) target(%dma_start3A_1014 : memref<10240x128xf32, #tpu.memory_space<vmem_shared>>) offsets(%dma_start3A_1011 : memref<128xi32, #tpu.memory_space<vmem>>) semaphore(%arg14 : memref<!tpu.dma_semaphore, #tpu.memory_space<semaphore_mem>>) {add = true}
      %dma_wait3A_1015 = arith.constant 34 : i32
      %dma_wait3A_1016 = arith.constant 0 : i32
      %dma_wait3A_1017 = tpu.memref_slice %arg7[%dma_wait3A_1015, %dma_wait3A_1016] : memref<40x128xi32, #tpu.memory_space<vmem>> -> memref<1x128xi32, #tpu.memory_space<vmem>>
      %dma_wait3A_1018 = tpu.memref_squeeze %dma_wait3A_1017 : memref<1x128xi32, #tpu.memory_space<vmem>> -> memref<128xi32, #tpu.memory_space<vmem>>
      %dma_wait3A_1019 = arith.constant 0 : i32
      %dma_wait3A_1020 = arith.constant 0 : i32
      %dma_wait3A_1021 = tpu.memref_slice %arg11[%dma_wait3A_1019, %dma_wait3A_1020] : memref<10240x128xf32, #tpu.memory_space<vmem_shared>> -> memref<10240x128xf32, #tpu.memory_space<vmem_shared>>
      tpu.wait_indirect_dma semaphore(%arg14 : memref<!tpu.dma_semaphore, #tpu.memory_space<semaphore_mem>>) src(%arg8 : memref<128x128xf32, #tpu.memory_space<vmem>>) dst(%dma_wait3A_1021 : memref<10240x128xf32, #tpu.memory_space<vmem_shared>>)
      %dma_start3A_1022 = arith.constant 36 : i32
      %dma_start3A_1023 = arith.constant 0 : i32
      %dma_start3A_1024 = tpu.memref_slice %arg6[%dma_start3A_1022, %dma_start3A_1023] : memref<40x128xi32, #tpu.memory_space<vmem>> -> memref<1x128xi32, #tpu.memory_space<vmem>>
      %dma_start3A_1025 = tpu.memref_squeeze %dma_start3A_1024 : memref<1x128xi32, #tpu.memory_space<vmem>> -> memref<128xi32, #tpu.memory_space<vmem>>
      %dma_start3A_1026 = arith.constant 0 : i32
      %dma_start3A_1027 = arith.constant 0 : i32
      %dma_start3A_1028 = tpu.memref_slice %arg2[%dma_start3A_1026, %dma_start3A_1027] : memref<10000x128xf32, #tpu.memory_space<hbm>> -> memref<10000x128xf32, #tpu.memory_space<hbm>>
      tpu.enqueue_indirect_dma source(%dma_start3A_1028 : memref<10000x128xf32, #tpu.memory_space<hbm>>) target(%arg8 : memref<128x128xf32, #tpu.memory_space<vmem>>) offsets(%dma_start3A_1025 : memref<128xi32, #tpu.memory_space<vmem>>) semaphore(%arg12 : memref<!tpu.dma_semaphore, #tpu.memory_space<semaphore_mem>>)
      %dma_wait3A_1029 = arith.constant 35 : i32
      %dma_wait3A_1030 = arith.constant 0 : i32
      %dma_wait3A_1031 = tpu.memref_slice %arg6[%dma_wait3A_1029, %dma_wait3A_1030] : memref<40x128xi32, #tpu.memory_space<vmem>> -> memref<1x128xi32, #tpu.memory_space<vmem>>
      %dma_wait3A_1032 = tpu.memref_squeeze %dma_wait3A_1031 : memref<1x128xi32, #tpu.memory_space<vmem>> -> memref<128xi32, #tpu.memory_space<vmem>>
      %dma_wait3A_1033 = arith.constant 0 : i32
      %dma_wait3A_1034 = arith.constant 0 : i32
      %dma_wait3A_1035 = tpu.memref_slice %arg2[%dma_wait3A_1033, %dma_wait3A_1034] : memref<10000x128xf32, #tpu.memory_space<hbm>> -> memref<10000x128xf32, #tpu.memory_space<hbm>>
      tpu.wait_indirect_dma semaphore(%arg13 : memref<!tpu.dma_semaphore, #tpu.memory_space<semaphore_mem>>) src(%dma_wait3A_1035 : memref<10000x128xf32, #tpu.memory_space<hbm>>) dst(%arg9 : memref<128x128xf32, #tpu.memory_space<vmem>>)
      %dma_start3A_1036 = arith.constant 35 : i32
      %dma_start3A_1037 = arith.constant 0 : i32
      %dma_start3A_1038 = tpu.memref_slice %arg7[%dma_start3A_1036, %dma_start3A_1037] : memref<40x128xi32, #tpu.memory_space<vmem>> -> memref<1x128xi32, #tpu.memory_space<vmem>>
      %dma_start3A_1039 = tpu.memref_squeeze %dma_start3A_1038 : memref<1x128xi32, #tpu.memory_space<vmem>> -> memref<128xi32, #tpu.memory_space<vmem>>
      %dma_start3A_1040 = arith.constant 0 : i32
      %dma_start3A_1041 = arith.constant 0 : i32
      %dma_start3A_1042 = tpu.memref_slice %arg11[%dma_start3A_1040, %dma_start3A_1041] : memref<10240x128xf32, #tpu.memory_space<vmem_shared>> -> memref<10240x128xf32, #tpu.memory_space<vmem_shared>>
      tpu.enqueue_indirect_dma source(%arg9 : memref<128x128xf32, #tpu.memory_space<vmem>>) target(%dma_start3A_1042 : memref<10240x128xf32, #tpu.memory_space<vmem_shared>>) offsets(%dma_start3A_1039 : memref<128xi32, #tpu.memory_space<vmem>>) semaphore(%arg15 : memref<!tpu.dma_semaphore, #tpu.memory_space<semaphore_mem>>) {add = true}
      %dma_wait3A_1043 = arith.constant 35 : i32
      %dma_wait3A_1044 = arith.constant 0 : i32
      %dma_wait3A_1045 = tpu.memref_slice %arg7[%dma_wait3A_1043, %dma_wait3A_1044] : memref<40x128xi32, #tpu.memory_space<vmem>> -> memref<1x128xi32, #tpu.memory_space<vmem>>
      %dma_wait3A_1046 = tpu.memref_squeeze %dma_wait3A_1045 : memref<1x128xi32, #tpu.memory_space<vmem>> -> memref<128xi32, #tpu.memory_space<vmem>>
      %dma_wait3A_1047 = arith.constant 0 : i32
      %dma_wait3A_1048 = arith.constant 0 : i32
      %dma_wait3A_1049 = tpu.memref_slice %arg11[%dma_wait3A_1047, %dma_wait3A_1048] : memref<10240x128xf32, #tpu.memory_space<vmem_shared>> -> memref<10240x128xf32, #tpu.memory_space<vmem_shared>>
      tpu.wait_indirect_dma semaphore(%arg15 : memref<!tpu.dma_semaphore, #tpu.memory_space<semaphore_mem>>) src(%arg9 : memref<128x128xf32, #tpu.memory_space<vmem>>) dst(%dma_wait3A_1049 : memref<10240x128xf32, #tpu.memory_space<vmem_shared>>)
      %dma_start3A_1050 = arith.constant 37 : i32
      %dma_start3A_1051 = arith.constant 0 : i32
      %dma_start3A_1052 = tpu.memref_slice %arg6[%dma_start3A_1050, %dma_start3A_1051] : memref<40x128xi32, #tpu.memory_space<vmem>> -> memref<1x128xi32, #tpu.memory_space<vmem>>
      %dma_start3A_1053 = tpu.memref_squeeze %dma_start3A_1052 : memref<1x128xi32, #tpu.memory_space<vmem>> -> memref<128xi32, #tpu.memory_space<vmem>>
      %dma_start3A_1054 = arith.constant 0 : i32
      %dma_start3A_1055 = arith.constant 0 : i32
      %dma_start3A_1056 = tpu.memref_slice %arg2[%dma_start3A_1054, %dma_start3A_1055] : memref<10000x128xf32, #tpu.memory_space<hbm>> -> memref<10000x128xf32, #tpu.memory_space<hbm>>
      tpu.enqueue_indirect_dma source(%dma_start3A_1056 : memref<10000x128xf32, #tpu.memory_space<hbm>>) target(%arg9 : memref<128x128xf32, #tpu.memory_space<vmem>>) offsets(%dma_start3A_1053 : memref<128xi32, #tpu.memory_space<vmem>>) semaphore(%arg13 : memref<!tpu.dma_semaphore, #tpu.memory_space<semaphore_mem>>)
      %dma_wait3A_1057 = arith.constant 36 : i32
      %dma_wait3A_1058 = arith.constant 0 : i32
      %dma_wait3A_1059 = tpu.memref_slice %arg6[%dma_wait3A_1057, %dma_wait3A_1058] : memref<40x128xi32, #tpu.memory_space<vmem>> -> memref<1x128xi32, #tpu.memory_space<vmem>>
      %dma_wait3A_1060 = tpu.memref_squeeze %dma_wait3A_1059 : memref<1x128xi32, #tpu.memory_space<vmem>> -> memref<128xi32, #tpu.memory_space<vmem>>
      %dma_wait3A_1061 = arith.constant 0 : i32
      %dma_wait3A_1062 = arith.constant 0 : i32
      %dma_wait3A_1063 = tpu.memref_slice %arg2[%dma_wait3A_1061, %dma_wait3A_1062] : memref<10000x128xf32, #tpu.memory_space<hbm>> -> memref<10000x128xf32, #tpu.memory_space<hbm>>
      tpu.wait_indirect_dma semaphore(%arg12 : memref<!tpu.dma_semaphore, #tpu.memory_space<semaphore_mem>>) src(%dma_wait3A_1063 : memref<10000x128xf32, #tpu.memory_space<hbm>>) dst(%arg8 : memref<128x128xf32, #tpu.memory_space<vmem>>)
      %dma_start3A_1064 = arith.constant 36 : i32
      %dma_start3A_1065 = arith.constant 0 : i32
      %dma_start3A_1066 = tpu.memref_slice %arg7[%dma_start3A_1064, %dma_start3A_1065] : memref<40x128xi32, #tpu.memory_space<vmem>> -> memref<1x128xi32, #tpu.memory_space<vmem>>
      %dma_start3A_1067 = tpu.memref_squeeze %dma_start3A_1066 : memref<1x128xi32, #tpu.memory_space<vmem>> -> memref<128xi32, #tpu.memory_space<vmem>>
      %dma_start3A_1068 = arith.constant 0 : i32
      %dma_start3A_1069 = arith.constant 0 : i32
      %dma_start3A_1070 = tpu.memref_slice %arg11[%dma_start3A_1068, %dma_start3A_1069] : memref<10240x128xf32, #tpu.memory_space<vmem_shared>> -> memref<10240x128xf32, #tpu.memory_space<vmem_shared>>
      tpu.enqueue_indirect_dma source(%arg8 : memref<128x128xf32, #tpu.memory_space<vmem>>) target(%dma_start3A_1070 : memref<10240x128xf32, #tpu.memory_space<vmem_shared>>) offsets(%dma_start3A_1067 : memref<128xi32, #tpu.memory_space<vmem>>) semaphore(%arg14 : memref<!tpu.dma_semaphore, #tpu.memory_space<semaphore_mem>>) {add = true}
      %dma_wait3A_1071 = arith.constant 36 : i32
      %dma_wait3A_1072 = arith.constant 0 : i32
      %dma_wait3A_1073 = tpu.memref_slice %arg7[%dma_wait3A_1071, %dma_wait3A_1072] : memref<40x128xi32, #tpu.memory_space<vmem>> -> memref<1x128xi32, #tpu.memory_space<vmem>>
      %dma_wait3A_1074 = tpu.memref_squeeze %dma_wait3A_1073 : memref<1x128xi32, #tpu.memory_space<vmem>> -> memref<128xi32, #tpu.memory_space<vmem>>
      %dma_wait3A_1075 = arith.constant 0 : i32
      %dma_wait3A_1076 = arith.constant 0 : i32
      %dma_wait3A_1077 = tpu.memref_slice %arg11[%dma_wait3A_1075, %dma_wait3A_1076] : memref<10240x128xf32, #tpu.memory_space<vmem_shared>> -> memref<10240x128xf32, #tpu.memory_space<vmem_shared>>
      tpu.wait_indirect_dma semaphore(%arg14 : memref<!tpu.dma_semaphore, #tpu.memory_space<semaphore_mem>>) src(%arg8 : memref<128x128xf32, #tpu.memory_space<vmem>>) dst(%dma_wait3A_1077 : memref<10240x128xf32, #tpu.memory_space<vmem_shared>>)
      %dma_start3A_1078 = arith.constant 38 : i32
      %dma_start3A_1079 = arith.constant 0 : i32
      %dma_start3A_1080 = tpu.memref_slice %arg6[%dma_start3A_1078, %dma_start3A_1079] : memref<40x128xi32, #tpu.memory_space<vmem>> -> memref<1x128xi32, #tpu.memory_space<vmem>>
      %dma_start3A_1081 = tpu.memref_squeeze %dma_start3A_1080 : memref<1x128xi32, #tpu.memory_space<vmem>> -> memref<128xi32, #tpu.memory_space<vmem>>
      %dma_start3A_1082 = arith.constant 0 : i32
      %dma_start3A_1083 = arith.constant 0 : i32
      %dma_start3A_1084 = tpu.memref_slice %arg2[%dma_start3A_1082, %dma_start3A_1083] : memref<10000x128xf32, #tpu.memory_space<hbm>> -> memref<10000x128xf32, #tpu.memory_space<hbm>>
      tpu.enqueue_indirect_dma source(%dma_start3A_1084 : memref<10000x128xf32, #tpu.memory_space<hbm>>) target(%arg8 : memref<128x128xf32, #tpu.memory_space<vmem>>) offsets(%dma_start3A_1081 : memref<128xi32, #tpu.memory_space<vmem>>) semaphore(%arg12 : memref<!tpu.dma_semaphore, #tpu.memory_space<semaphore_mem>>)
      %dma_wait3A_1085 = arith.constant 37 : i32
      %dma_wait3A_1086 = arith.constant 0 : i32
      %dma_wait3A_1087 = tpu.memref_slice %arg6[%dma_wait3A_1085, %dma_wait3A_1086] : memref<40x128xi32, #tpu.memory_space<vmem>> -> memref<1x128xi32, #tpu.memory_space<vmem>>
      %dma_wait3A_1088 = tpu.memref_squeeze %dma_wait3A_1087 : memref<1x128xi32, #tpu.memory_space<vmem>> -> memref<128xi32, #tpu.memory_space<vmem>>
      %dma_wait3A_1089 = arith.constant 0 : i32
      %dma_wait3A_1090 = arith.constant 0 : i32
      %dma_wait3A_1091 = tpu.memref_slice %arg2[%dma_wait3A_1089, %dma_wait3A_1090] : memref<10000x128xf32, #tpu.memory_space<hbm>> -> memref<10000x128xf32, #tpu.memory_space<hbm>>
      tpu.wait_indirect_dma semaphore(%arg13 : memref<!tpu.dma_semaphore, #tpu.memory_space<semaphore_mem>>) src(%dma_wait3A_1091 : memref<10000x128xf32, #tpu.memory_space<hbm>>) dst(%arg9 : memref<128x128xf32, #tpu.memory_space<vmem>>)
      %dma_start3A_1092 = arith.constant 37 : i32
      %dma_start3A_1093 = arith.constant 0 : i32
      %dma_start3A_1094 = tpu.memref_slice %arg7[%dma_start3A_1092, %dma_start3A_1093] : memref<40x128xi32, #tpu.memory_space<vmem>> -> memref<1x128xi32, #tpu.memory_space<vmem>>
      %dma_start3A_1095 = tpu.memref_squeeze %dma_start3A_1094 : memref<1x128xi32, #tpu.memory_space<vmem>> -> memref<128xi32, #tpu.memory_space<vmem>>
      %dma_start3A_1096 = arith.constant 0 : i32
      %dma_start3A_1097 = arith.constant 0 : i32
      %dma_start3A_1098 = tpu.memref_slice %arg11[%dma_start3A_1096, %dma_start3A_1097] : memref<10240x128xf32, #tpu.memory_space<vmem_shared>> -> memref<10240x128xf32, #tpu.memory_space<vmem_shared>>
      tpu.enqueue_indirect_dma source(%arg9 : memref<128x128xf32, #tpu.memory_space<vmem>>) target(%dma_start3A_1098 : memref<10240x128xf32, #tpu.memory_space<vmem_shared>>) offsets(%dma_start3A_1095 : memref<128xi32, #tpu.memory_space<vmem>>) semaphore(%arg15 : memref<!tpu.dma_semaphore, #tpu.memory_space<semaphore_mem>>) {add = true}
      %dma_wait3A_1099 = arith.constant 37 : i32
      %dma_wait3A_1100 = arith.constant 0 : i32
      %dma_wait3A_1101 = tpu.memref_slice %arg7[%dma_wait3A_1099, %dma_wait3A_1100] : memref<40x128xi32, #tpu.memory_space<vmem>> -> memref<1x128xi32, #tpu.memory_space<vmem>>
      %dma_wait3A_1102 = tpu.memref_squeeze %dma_wait3A_1101 : memref<1x128xi32, #tpu.memory_space<vmem>> -> memref<128xi32, #tpu.memory_space<vmem>>
      %dma_wait3A_1103 = arith.constant 0 : i32
      %dma_wait3A_1104 = arith.constant 0 : i32
      %dma_wait3A_1105 = tpu.memref_slice %arg11[%dma_wait3A_1103, %dma_wait3A_1104] : memref<10240x128xf32, #tpu.memory_space<vmem_shared>> -> memref<10240x128xf32, #tpu.memory_space<vmem_shared>>
      tpu.wait_indirect_dma semaphore(%arg15 : memref<!tpu.dma_semaphore, #tpu.memory_space<semaphore_mem>>) src(%arg9 : memref<128x128xf32, #tpu.memory_space<vmem>>) dst(%dma_wait3A_1105 : memref<10240x128xf32, #tpu.memory_space<vmem_shared>>)
      %dma_start3A_1106 = arith.constant 39 : i32
      %dma_start3A_1107 = arith.constant 0 : i32
      %dma_start3A_1108 = tpu.memref_slice %arg6[%dma_start3A_1106, %dma_start3A_1107] : memref<40x128xi32, #tpu.memory_space<vmem>> -> memref<1x128xi32, #tpu.memory_space<vmem>>
      %dma_start3A_1109 = tpu.memref_squeeze %dma_start3A_1108 : memref<1x128xi32, #tpu.memory_space<vmem>> -> memref<128xi32, #tpu.memory_space<vmem>>
      %dma_start3A_1110 = arith.constant 0 : i32
      %dma_start3A_1111 = arith.constant 0 : i32
      %dma_start3A_1112 = tpu.memref_slice %arg2[%dma_start3A_1110, %dma_start3A_1111] : memref<10000x128xf32, #tpu.memory_space<hbm>> -> memref<10000x128xf32, #tpu.memory_space<hbm>>
      tpu.enqueue_indirect_dma source(%dma_start3A_1112 : memref<10000x128xf32, #tpu.memory_space<hbm>>) target(%arg9 : memref<128x128xf32, #tpu.memory_space<vmem>>) offsets(%dma_start3A_1109 : memref<128xi32, #tpu.memory_space<vmem>>) semaphore(%arg13 : memref<!tpu.dma_semaphore, #tpu.memory_space<semaphore_mem>>)
      %dma_wait3A_1113 = arith.constant 38 : i32
      %dma_wait3A_1114 = arith.constant 0 : i32
      %dma_wait3A_1115 = tpu.memref_slice %arg6[%dma_wait3A_1113, %dma_wait3A_1114] : memref<40x128xi32, #tpu.memory_space<vmem>> -> memref<1x128xi32, #tpu.memory_space<vmem>>
      %dma_wait3A_1116 = tpu.memref_squeeze %dma_wait3A_1115 : memref<1x128xi32, #tpu.memory_space<vmem>> -> memref<128xi32, #tpu.memory_space<vmem>>
      %dma_wait3A_1117 = arith.constant 0 : i32
      %dma_wait3A_1118 = arith.constant 0 : i32
      %dma_wait3A_1119 = tpu.memref_slice %arg2[%dma_wait3A_1117, %dma_wait3A_1118] : memref<10000x128xf32, #tpu.memory_space<hbm>> -> memref<10000x128xf32, #tpu.memory_space<hbm>>
      tpu.wait_indirect_dma semaphore(%arg12 : memref<!tpu.dma_semaphore, #tpu.memory_space<semaphore_mem>>) src(%dma_wait3A_1119 : memref<10000x128xf32, #tpu.memory_space<hbm>>) dst(%arg8 : memref<128x128xf32, #tpu.memory_space<vmem>>)
      %dma_start3A_1120 = arith.constant 38 : i32
      %dma_start3A_1121 = arith.constant 0 : i32
      %dma_start3A_1122 = tpu.memref_slice %arg7[%dma_start3A_1120, %dma_start3A_1121] : memref<40x128xi32, #tpu.memory_space<vmem>> -> memref<1x128xi32, #tpu.memory_space<vmem>>
      %dma_start3A_1123 = tpu.memref_squeeze %dma_start3A_1122 : memref<1x128xi32, #tpu.memory_space<vmem>> -> memref<128xi32, #tpu.memory_space<vmem>>
      %dma_start3A_1124 = arith.constant 0 : i32
      %dma_start3A_1125 = arith.constant 0 : i32
      %dma_start3A_1126 = tpu.memref_slice %arg11[%dma_start3A_1124, %dma_start3A_1125] : memref<10240x128xf32, #tpu.memory_space<vmem_shared>> -> memref<10240x128xf32, #tpu.memory_space<vmem_shared>>
      tpu.enqueue_indirect_dma source(%arg8 : memref<128x128xf32, #tpu.memory_space<vmem>>) target(%dma_start3A_1126 : memref<10240x128xf32, #tpu.memory_space<vmem_shared>>) offsets(%dma_start3A_1123 : memref<128xi32, #tpu.memory_space<vmem>>) semaphore(%arg14 : memref<!tpu.dma_semaphore, #tpu.memory_space<semaphore_mem>>) {add = true}
      %dma_wait3A_1127 = arith.constant 39 : i32
      %dma_wait3A_1128 = arith.constant 0 : i32
      %dma_wait3A_1129 = tpu.memref_slice %arg6[%dma_wait3A_1127, %dma_wait3A_1128] : memref<40x128xi32, #tpu.memory_space<vmem>> -> memref<1x128xi32, #tpu.memory_space<vmem>>
      %dma_wait3A_1130 = tpu.memref_squeeze %dma_wait3A_1129 : memref<1x128xi32, #tpu.memory_space<vmem>> -> memref<128xi32, #tpu.memory_space<vmem>>
      %dma_wait3A_1131 = arith.constant 0 : i32
      %dma_wait3A_1132 = arith.constant 0 : i32
      %dma_wait3A_1133 = tpu.memref_slice %arg2[%dma_wait3A_1131, %dma_wait3A_1132] : memref<10000x128xf32, #tpu.memory_space<hbm>> -> memref<10000x128xf32, #tpu.memory_space<hbm>>
      tpu.wait_indirect_dma semaphore(%arg13 : memref<!tpu.dma_semaphore, #tpu.memory_space<semaphore_mem>>) src(%dma_wait3A_1133 : memref<10000x128xf32, #tpu.memory_space<hbm>>) dst(%arg9 : memref<128x128xf32, #tpu.memory_space<vmem>>)
      %dma_start3A_1134 = arith.constant 39 : i32
      %dma_start3A_1135 = arith.constant 0 : i32
      %dma_start3A_1136 = tpu.memref_slice %arg7[%dma_start3A_1134, %dma_start3A_1135] : memref<40x128xi32, #tpu.memory_space<vmem>> -> memref<1x128xi32, #tpu.memory_space<vmem>>
      %dma_start3A_1137 = tpu.memref_squeeze %dma_start3A_1136 : memref<1x128xi32, #tpu.memory_space<vmem>> -> memref<128xi32, #tpu.memory_space<vmem>>
      %dma_start3A_1138 = arith.constant 0 : i32
      %dma_start3A_1139 = arith.constant 0 : i32
      %dma_start3A_1140 = tpu.memref_slice %arg11[%dma_start3A_1138, %dma_start3A_1139] : memref<10240x128xf32, #tpu.memory_space<vmem_shared>> -> memref<10240x128xf32, #tpu.memory_space<vmem_shared>>
      tpu.enqueue_indirect_dma source(%arg9 : memref<128x128xf32, #tpu.memory_space<vmem>>) target(%dma_start3A_1140 : memref<10240x128xf32, #tpu.memory_space<vmem_shared>>) offsets(%dma_start3A_1137 : memref<128xi32, #tpu.memory_space<vmem>>) semaphore(%arg15 : memref<!tpu.dma_semaphore, #tpu.memory_space<semaphore_mem>>) {add = true}
      %dma_wait3A_1141 = arith.constant 38 : i32
      %dma_wait3A_1142 = arith.constant 0 : i32
      %dma_wait3A_1143 = tpu.memref_slice %arg7[%dma_wait3A_1141, %dma_wait3A_1142] : memref<40x128xi32, #tpu.memory_space<vmem>> -> memref<1x128xi32, #tpu.memory_space<vmem>>
      %dma_wait3A_1144 = tpu.memref_squeeze %dma_wait3A_1143 : memref<1x128xi32, #tpu.memory_space<vmem>> -> memref<128xi32, #tpu.memory_space<vmem>>
      %dma_wait3A_1145 = arith.constant 0 : i32
      %dma_wait3A_1146 = arith.constant 0 : i32
      %dma_wait3A_1147 = tpu.memref_slice %arg11[%dma_wait3A_1145, %dma_wait3A_1146] : memref<10240x128xf32, #tpu.memory_space<vmem_shared>> -> memref<10240x128xf32, #tpu.memory_space<vmem_shared>>
      tpu.wait_indirect_dma semaphore(%arg14 : memref<!tpu.dma_semaphore, #tpu.memory_space<semaphore_mem>>) src(%arg8 : memref<128x128xf32, #tpu.memory_space<vmem>>) dst(%dma_wait3A_1147 : memref<10240x128xf32, #tpu.memory_space<vmem_shared>>)
      %dma_wait3A_1148 = arith.constant 39 : i32
      %dma_wait3A_1149 = arith.constant 0 : i32
      %dma_wait3A_1150 = tpu.memref_slice %arg7[%dma_wait3A_1148, %dma_wait3A_1149] : memref<40x128xi32, #tpu.memory_space<vmem>> -> memref<1x128xi32, #tpu.memory_space<vmem>>
      %dma_wait3A_1151 = tpu.memref_squeeze %dma_wait3A_1150 : memref<1x128xi32, #tpu.memory_space<vmem>> -> memref<128xi32, #tpu.memory_space<vmem>>
      %dma_wait3A_1152 = arith.constant 0 : i32
      %dma_wait3A_1153 = arith.constant 0 : i32
      %dma_wait3A_1154 = tpu.memref_slice %arg11[%dma_wait3A_1152, %dma_wait3A_1153] : memref<10240x128xf32, #tpu.memory_space<vmem_shared>> -> memref<10240x128xf32, #tpu.memory_space<vmem_shared>>
      tpu.wait_indirect_dma semaphore(%arg15 : memref<!tpu.dma_semaphore, #tpu.memory_space<semaphore_mem>>) src(%arg9 : memref<128x128xf32, #tpu.memory_space<vmem>>) dst(%dma_wait3A_1154 : memref<10240x128xf32, #tpu.memory_space<vmem_shared>>)
    }
    %scan3A_28 = arith.constant 2 : i32
    %barrier3A_29 = arith.constant 0 : index
    tpu.barrier barrier_id(%barrier3A_29)
    "tpu.region"() ({
      %run_scoped3A = tpu.sem_alloc : memref<!tpu.dma_semaphore, #tpu.memory_space<semaphore_mem>>
      %dma_start3A = arith.constant 0 : i32
      %dma_start3A_30 = tpu.memref_slice %arg5[%arg0, %multiple_of3A_10, %dma_start3A] : memref<2x10240x128xf32, #tpu.memory_space<hbm>> -> memref<1x640x128xf32, #tpu.memory_space<hbm>>
      %dma_start3A_31 = tpu.memref_squeeze %dma_start3A_30 : memref<1x640x128xf32, #tpu.memory_space<hbm>> -> memref<640x128xf32, #tpu.memory_space<hbm>>
      %dma_start3A_32 = arith.constant 0 : i32
      %dma_start3A_33 = tpu.memref_slice %arg11[%multiple_of3A_10, %dma_start3A_32] : memref<10240x128xf32, #tpu.memory_space<vmem_shared>> -> memref<640x128xf32, #tpu.memory_space<vmem_shared>>
      tpu.enqueue_dma source(%dma_start3A_33 : memref<640x128xf32, #tpu.memory_space<vmem_shared>>) target(%dma_start3A_31 : memref<640x128xf32, #tpu.memory_space<hbm>>) target_semaphore(%run_scoped3A : memref<!tpu.dma_semaphore, #tpu.memory_space<semaphore_mem>>)
      %dma_wait3A = arith.constant 0 : i32
      %dma_wait3A_34 = tpu.memref_slice %arg5[%arg0, %multiple_of3A_10, %dma_wait3A] : memref<2x10240x128xf32, #tpu.memory_space<hbm>> -> memref<1x640x128xf32, #tpu.memory_space<hbm>>
      %dma_wait3A_35 = tpu.memref_squeeze %dma_wait3A_34 : memref<1x640x128xf32, #tpu.memory_space<hbm>> -> memref<640x128xf32, #tpu.memory_space<hbm>>
      %dma_wait3A_36 = arith.constant 0 : i32
      %dma_wait3A_37 = tpu.memref_slice %arg11[%multiple_of3A_10, %dma_wait3A_36] : memref<10240x128xf32, #tpu.memory_space<vmem_shared>> -> memref<640x128xf32, #tpu.memory_space<vmem_shared>>
      tpu.wait_dma2 semaphore(%run_scoped3A : memref<!tpu.dma_semaphore, #tpu.memory_space<semaphore_mem>>) src(%dma_wait3A_37 : memref<640x128xf32, #tpu.memory_space<vmem_shared>>) dst(%dma_wait3A_35 : memref<640x128xf32, #tpu.memory_space<hbm>>)
      tpu.yield
    }) : () -> ()
    return
  }
}

#map = affine_map<(d0, d1) -> (0, 0)>
#map1 = affine_map<(d0, d1) -> (0, 0, 0)>
module attributes {stable_mosaic.version = 14 : i64} {
  func.func @agg(%arg0: i32, %arg1: i32, %arg2: memref<10000x128xf32, #tpu.memory_space<hbm>>, %arg3: memref<2560x128xi32, #tpu.memory_space<hbm>>, %arg4: memref<2560x128xi32, #tpu.memory_space<hbm>>, %arg5: memref<2x10240x128xf32, #tpu.memory_space<hbm>>, %arg6: memref<40x128xi32, #tpu.memory_space<vmem>>, %arg7: memref<40x128xi32, #tpu.memory_space<vmem>>, %arg8: memref<128x128xf32, #tpu.memory_space<vmem>>, %arg9: memref<128x128xf32, #tpu.memory_space<vmem>>, %arg10: memref<32x128xf32, #tpu.memory_space<vmem>>, %arg11: memref<10240x128xf32, #tpu.memory_space<vmem_shared>>, %arg12: memref<!tpu.dma_semaphore, #tpu.memory_space<semaphore_mem>>, %arg13: memref<!tpu.dma_semaphore, #tpu.memory_space<semaphore_mem>>, %arg14: memref<!tpu.dma_semaphore, #tpu.memory_space<semaphore_mem>>, %arg15: memref<!tpu.dma_semaphore, #tpu.memory_space<semaphore_mem>>) attributes {dimension_semantics = [#tpu.dimension_semantics<core_parallel>, #tpu.dimension_semantics<subcore_parallel>], iteration_bounds = array<i64: 2, 16>, scalar_prefetch = 0 : i64, scratch_operands = 10 : i64, tpu.core_type = #tpu.core_type<sc_vector_subcore>, window_params = [{transform_indices = #map}, {transform_indices = #map}, {transform_indices = #map}, {transform_indices = #map1}]} {
    %mul3A = arith.constant 2 : i32
    %mul3A_0 = arith.muli %arg1, %mul3A : i32
    %add3A = arith.addi %mul3A_0, %arg0 : i32
    %mul3A_1 = arith.constant 80 : i32
    %mul3A_2 = arith.muli %add3A, %mul3A_1 : i32
    %multiple_of3A = tpu.assume_multiple %mul3A_2, 8 : i32
    %scan3A = arith.constant 0 : i32
    %scan3A_3 = arith.constant 0 : i32
    %scan3A_4 = arith.constant 256 : i32
    %scan3A_5 = arith.addi %scan3A_3, %scan3A_4 : i32
    %scan3A_6 = arith.constant 1 : i32
    scf.for %scan3A_30 = %scan3A_3 to %scan3A_5 step %scan3A_6  : i32 {
      %jit3A = arith.constant 8 : i32
      %div3A = arith.divsi %scan3A_30, %jit3A : i32
      %sign3A = arith.constant 0 : i32
      %sign3A_31 = arith.cmpi sgt, %scan3A_30, %sign3A : i32
      %sign3A_32 = arith.extui %sign3A_31 : i1 to i32
      %sign3A_33 = arith.constant 0 : i32
      %sign3A_34 = arith.cmpi slt, %scan3A_30, %sign3A_33 : i32
      %sign3A_35 = arith.extui %sign3A_34 : i1 to i32
      %sign3A_36 = arith.subi %sign3A_32, %sign3A_35 : i32
      %sign3A_37 = arith.constant 0 : i32
      %sign3A_38 = arith.cmpi sgt, %jit3A, %sign3A_37 : i32
      %sign3A_39 = arith.extui %sign3A_38 : i1 to i32
      %sign3A_40 = arith.constant 0 : i32
      %sign3A_41 = arith.cmpi slt, %jit3A, %sign3A_40 : i32
      %sign3A_42 = arith.extui %sign3A_41 : i1 to i32
      %sign3A_43 = arith.subi %sign3A_39, %sign3A_42 : i32
      %ne3A = arith.cmpi ne, %sign3A_36, %sign3A_43 : i32
      %rem3A = arith.remsi %scan3A_30, %jit3A : i32
      %ne3A_44 = arith.constant 0 : i32
      %ne3A_45 = arith.cmpi ne, %rem3A, %ne3A_44 : i32
      %and3A = arith.andi %ne3A, %ne3A_45 : i1
      %sub3A = arith.constant 1 : i32
      %sub3A_46 = arith.subi %div3A, %sub3A : i32
      %select_n3A = arith.select %and3A, %sub3A_46, %div3A : i32
      %jit3A_47 = arith.constant 8 : i32
      %eq3A = arith.constant 0 : i32
      %eq3A_48 = arith.cmpi eq, %jit3A_47, %eq3A : i32
      %jit3A_49 = arith.constant 1 : i32
      %select_n3A_50 = arith.select %eq3A_48, %jit3A_49, %jit3A_47 : i32
      %rem3A_51 = arith.remsi %scan3A_30, %select_n3A_50 : i32
      %ne3A_52 = arith.constant 0 : i32
      %ne3A_53 = arith.cmpi ne, %rem3A_51, %ne3A_52 : i32
      %lt3A = arith.constant 0 : i32
      %lt3A_54 = arith.cmpi slt, %rem3A_51, %lt3A : i32
      %lt3A_55 = arith.constant 0 : i32
      %lt3A_56 = arith.cmpi slt, %select_n3A_50, %lt3A_55 : i32
      %ne3A_57 = arith.xori %lt3A_54, %lt3A_56 : i1
      %and3A_58 = arith.andi %ne3A_57, %ne3A_53 : i1
      %add3A_59 = arith.addi %rem3A_51, %select_n3A_50 : i32
      %select_n3A_60 = arith.select %and3A_58, %add3A_59, %rem3A_51 : i32
      %mul3A_61 = arith.constant 16 : i32
      %mul3A_62 = arith.muli %select_n3A_60, %mul3A_61 : i32
      %broadcast_in_dim3A = arith.constant 0.000000e+00 : f32
      %broadcast_in_dim3A_63 = vector.broadcast %broadcast_in_dim3A : f32 to vector<16xf32>
      %swap3A = arith.index_cast %select_n3A : i32 to index
      %swap3A_64 = arith.index_cast %mul3A_62 : i32 to index
      %swap3A_65 = tpu.vector_load %arg10[%swap3A, %swap3A_64] {strides = array<i32>} : memref<32x128xf32, #tpu.memory_space<vmem>>, vector<1x16xf32>,
      %swap3A_66 = vector.shape_cast %swap3A_65 : vector<1x16xf32> to vector<16xf32>
      %swap3A_67 = vector.shape_cast %broadcast_in_dim3A_63 : vector<16xf32> to vector<1x16xf32>
      tpu.vector_store %arg10[%swap3A, %swap3A_64], %swap3A_67 {strides = array<i32>} : memref<32x128xf32, #tpu.memory_space<vmem>>, vector<1x16xf32>,
    }
    %scan3A_7 = arith.constant 256 : i32
    %mul3A_8 = arith.constant 640 : i32
    %mul3A_9 = arith.muli %arg1, %mul3A_8 : i32
    %multiple_of3A_10 = tpu.assume_multiple %mul3A_9, 8 : i32
    %scan3A_11 = arith.constant 0 : i32
    %scan3A_12 = arith.constant 0 : i32
    %scan3A_13 = arith.constant 20 : i32
    %scan3A_14 = arith.addi %scan3A_12, %scan3A_13 : i32
    %scan3A_15 = arith.constant 1 : i32
    scf.for %scan3A_30 = %scan3A_12 to %scan3A_14 step %scan3A_15  : i32 {
      %mul3A_31 = arith.constant 32 : i32
      %mul3A_32 = arith.muli %scan3A_30, %mul3A_31 : i32
      %add3A_33 = arith.addi %multiple_of3A_10, %mul3A_32 : i32
      %dma_start3A = arith.constant 0 : i32
      %dma_start3A_34 = tpu.memref_slice %arg11[%add3A_33, %dma_start3A] : memref<10240x128xf32, #tpu.memory_space<vmem_shared>> -> memref<32x128xf32, #tpu.memory_space<vmem_shared>>
      %dma_start3A_35 = arith.constant 0 : i32
      %dma_start3A_36 = tpu.memref_slice %arg11[%add3A_33, %dma_start3A_35] : memref<10240x128xf32, #tpu.memory_space<vmem_shared>> -> memref<32x128xf32, #tpu.memory_space<vmem_shared>>
      tpu.enqueue_dma source(%arg10 : memref<32x128xf32, #tpu.memory_space<vmem>>) target(%dma_start3A_36 : memref<32x128xf32, #tpu.memory_space<vmem_shared>>) target_semaphore(%arg14 : memref<!tpu.dma_semaphore, #tpu.memory_space<semaphore_mem>>)
    }
    %scan3A_16 = arith.constant 20 : i32
    "tpu.region"() ({
      %run_scoped3A = tpu.sem_alloc : memref<!tpu.dma_semaphore, #tpu.memory_space<semaphore_mem>>
      %dma_start3A = arith.constant 0 : i32
      %dma_start3A_30 = tpu.memref_slice %arg3[%multiple_of3A, %dma_start3A] : memref<2560x128xi32, #tpu.memory_space<hbm>> -> memref<40x128xi32, #tpu.memory_space<hbm>>
      %dma_start3A_31 = arith.constant 0 : i32
      %dma_start3A_32 = tpu.memref_slice %arg3[%multiple_of3A, %dma_start3A_31] : memref<2560x128xi32, #tpu.memory_space<hbm>> -> memref<40x128xi32, #tpu.memory_space<hbm>>
      tpu.enqueue_dma source(%dma_start3A_32 : memref<40x128xi32, #tpu.memory_space<hbm>>) target(%arg6 : memref<40x128xi32, #tpu.memory_space<vmem>>) target_semaphore(%run_scoped3A : memref<!tpu.dma_semaphore, #tpu.memory_space<semaphore_mem>>)
      %dma_wait3A = arith.constant 0 : i32
      %dma_wait3A_33 = tpu.memref_slice %arg3[%multiple_of3A, %dma_wait3A] : memref<2560x128xi32, #tpu.memory_space<hbm>> -> memref<40x128xi32, #tpu.memory_space<hbm>>
      %dma_wait3A_34 = arith.constant 0 : i32
      %dma_wait3A_35 = tpu.memref_slice %arg3[%multiple_of3A, %dma_wait3A_34] : memref<2560x128xi32, #tpu.memory_space<hbm>> -> memref<40x128xi32, #tpu.memory_space<hbm>>
      tpu.wait_dma2 semaphore(%run_scoped3A : memref<!tpu.dma_semaphore, #tpu.memory_space<semaphore_mem>>) src(%dma_wait3A_35 : memref<40x128xi32, #tpu.memory_space<hbm>>) dst(%arg6 : memref<40x128xi32, #tpu.memory_space<vmem>>)
      tpu.yield
    }) : () -> ()
    "tpu.region"() ({
      %run_scoped3A = tpu.sem_alloc : memref<!tpu.dma_semaphore, #tpu.memory_space<semaphore_mem>>
      %dma_start3A = arith.constant 0 : i32
      %dma_start3A_30 = tpu.memref_slice %arg4[%multiple_of3A, %dma_start3A] : memref<2560x128xi32, #tpu.memory_space<hbm>> -> memref<40x128xi32, #tpu.memory_space<hbm>>
      %dma_start3A_31 = arith.constant 0 : i32
      %dma_start3A_32 = tpu.memref_slice %arg4[%multiple_of3A, %dma_start3A_31] : memref<2560x128xi32, #tpu.memory_space<hbm>> -> memref<40x128xi32, #tpu.memory_space<hbm>>
      tpu.enqueue_dma source(%dma_start3A_32 : memref<40x128xi32, #tpu.memory_space<hbm>>) target(%arg7 : memref<40x128xi32, #tpu.memory_space<vmem>>) target_semaphore(%run_scoped3A : memref<!tpu.dma_semaphore, #tpu.memory_space<semaphore_mem>>)
      %dma_wait3A = arith.constant 0 : i32
      %dma_wait3A_33 = tpu.memref_slice %arg4[%multiple_of3A, %dma_wait3A] : memref<2560x128xi32, #tpu.memory_space<hbm>> -> memref<40x128xi32, #tpu.memory_space<hbm>>
      %dma_wait3A_34 = arith.constant 0 : i32
      %dma_wait3A_35 = tpu.memref_slice %arg4[%multiple_of3A, %dma_wait3A_34] : memref<2560x128xi32, #tpu.memory_space<hbm>> -> memref<40x128xi32, #tpu.memory_space<hbm>>
      tpu.wait_dma2 semaphore(%run_scoped3A : memref<!tpu.dma_semaphore, #tpu.memory_space<semaphore_mem>>) src(%dma_wait3A_35 : memref<40x128xi32, #tpu.memory_space<hbm>>) dst(%arg7 : memref<40x128xi32, #tpu.memory_space<vmem>>)
      tpu.yield
    }) : () -> ()
    %scan3A_17 = arith.constant 0 : i32
    %scan3A_18 = arith.constant 0 : i32
    %scan3A_19 = arith.constant 20 : i32
    %scan3A_20 = arith.addi %scan3A_18, %scan3A_19 : i32
    %scan3A_21 = arith.constant 1 : i32
    scf.for %scan3A_30 = %scan3A_18 to %scan3A_20 step %scan3A_21  : i32 {
      %mul3A_31 = arith.constant 32 : i32
      %mul3A_32 = arith.muli %scan3A_30, %mul3A_31 : i32
      %add3A_33 = arith.addi %multiple_of3A_10, %mul3A_32 : i32
      %dma_wait3A = arith.constant 0 : i32
      %dma_wait3A_34 = tpu.memref_slice %arg11[%add3A_33, %dma_wait3A] : memref<10240x128xf32, #tpu.memory_space<vmem_shared>> -> memref<32x128xf32, #tpu.memory_space<vmem_shared>>
      %dma_wait3A_35 = arith.constant 0 : i32
      %dma_wait3A_36 = tpu.memref_slice %arg11[%add3A_33, %dma_wait3A_35] : memref<10240x128xf32, #tpu.memory_space<vmem_shared>> -> memref<32x128xf32, #tpu.memory_space<vmem_shared>>
      tpu.wait_dma2 semaphore(%arg14 : memref<!tpu.dma_semaphore, #tpu.memory_space<semaphore_mem>>) src(%arg10 : memref<32x128xf32, #tpu.memory_space<vmem>>) dst(%dma_wait3A_36 : memref<32x128xf32, #tpu.memory_space<vmem_shared>>)
    }
    %scan3A_22 = arith.constant 20 : i32
    %barrier3A = arith.constant 0 : index
    tpu.barrier barrier_id(%barrier3A)
    %scan3A_23 = arith.constant 0 : i32
    %scan3A_24 = arith.constant 0 : i32
    %scan3A_25 = arith.constant 2 : i32
    %scan3A_26 = arith.addi %scan3A_24, %scan3A_25 : i32
    %scan3A_27 = arith.constant 1 : i32
    scf.for %scan3A_30 = %scan3A_24 to %scan3A_26 step %scan3A_27  : i32 {
      %mul3A_31 = arith.constant 40 : i32
      %mul3A_32 = arith.muli %scan3A_30, %mul3A_31 : i32
      %add3A_33 = arith.addi %multiple_of3A, %mul3A_32 : i32
      %multiple_of3A_34 = tpu.assume_multiple %add3A_33, 8 : i32
      %gt3A = arith.constant 0 : i32
      %gt3A_35 = arith.cmpi sgt, %scan3A_30, %gt3A : i32
      %convert_element_type3A = arith.extui %gt3A_35 : i1 to i32
      %cond3A = arith.constant 0 : i32
      %cond3A_36 = arith.cmpi ne, %convert_element_type3A, %cond3A : i32
      scf.if %cond3A_36 {
        "tpu.region"() ({
          %run_scoped3A = tpu.sem_alloc : memref<!tpu.dma_semaphore, #tpu.memory_space<semaphore_mem>>
          %dma_start3A_1155 = arith.constant 0 : i32
          %dma_start3A_1156 = tpu.memref_slice %arg3[%multiple_of3A_34, %dma_start3A_1155] : memref<2560x128xi32, #tpu.memory_space<hbm>> -> memref<40x128xi32, #tpu.memory_space<hbm>>
          %dma_start3A_1157 = arith.constant 0 : i32
          %dma_start3A_1158 = tpu.memref_slice %arg3[%multiple_of3A_34, %dma_start3A_1157] : memref<2560x128xi32, #tpu.memory_space<hbm>> -> memref<40x128xi32, #tpu.memory_space<hbm>>
          tpu.enqueue_dma source(%dma_start3A_1158 : memref<40x128xi32, #tpu.memory_space<hbm>>) target(%arg6 : memref<40x128xi32, #tpu.memory_space<vmem>>) target_semaphore(%run_scoped3A : memref<!tpu.dma_semaphore, #tpu.memory_space<semaphore_mem>>)
          %dma_wait3A_1159 = arith.constant 0 : i32
          %dma_wait3A_1160 = tpu.memref_slice %arg3[%multiple_of3A_34, %dma_wait3A_1159] : memref<2560x128xi32, #tpu.memory_space<hbm>> -> memref<40x128xi32, #tpu.memory_space<hbm>>
          %dma_wait3A_1161 = arith.constant 0 : i32
          %dma_wait3A_1162 = tpu.memref_slice %arg3[%multiple_of3A_34, %dma_wait3A_1161] : memref<2560x128xi32, #tpu.memory_space<hbm>> -> memref<40x128xi32, #tpu.memory_space<hbm>>
          tpu.wait_dma2 semaphore(%run_scoped3A : memref<!tpu.dma_semaphore, #tpu.memory_space<semaphore_mem>>) src(%dma_wait3A_1162 : memref<40x128xi32, #tpu.memory_space<hbm>>) dst(%arg6 : memref<40x128xi32, #tpu.memory_space<vmem>>)
          tpu.yield
        }) : () -> ()
        "tpu.region"() ({
          %run_scoped3A = tpu.sem_alloc : memref<!tpu.dma_semaphore, #tpu.memory_space<semaphore_mem>>
          %dma_start3A_1155 = arith.constant 0 : i32
          %dma_start3A_1156 = tpu.memref_slice %arg4[%multiple_of3A_34, %dma_start3A_1155] : memref<2560x128xi32, #tpu.memory_space<hbm>> -> memref<40x128xi32, #tpu.memory_space<hbm>>
          %dma_start3A_1157 = arith.constant 0 : i32
          %dma_start3A_1158 = tpu.memref_slice %arg4[%multiple_of3A_34, %dma_start3A_1157] : memref<2560x128xi32, #tpu.memory_space<hbm>> -> memref<40x128xi32, #tpu.memory_space<hbm>>
          tpu.enqueue_dma source(%dma_start3A_1158 : memref<40x128xi32, #tpu.memory_space<hbm>>) target(%arg7 : memref<40x128xi32, #tpu.memory_space<vmem>>) target_semaphore(%run_scoped3A : memref<!tpu.dma_semaphore, #tpu.memory_space<semaphore_mem>>)
          %dma_wait3A_1159 = arith.constant 0 : i32
          %dma_wait3A_1160 = tpu.memref_slice %arg4[%multiple_of3A_34, %dma_wait3A_1159] : memref<2560x128xi32, #tpu.memory_space<hbm>> -> memref<40x128xi32, #tpu.memory_space<hbm>>
          %dma_wait3A_1161 = arith.constant 0 : i32
          %dma_wait3A_1162 = tpu.memref_slice %arg4[%multiple_of3A_34, %dma_wait3A_1161] : memref<2560x128xi32, #tpu.memory_space<hbm>> -> memref<40x128xi32, #tpu.memory_space<hbm>>
          tpu.wait_dma2 semaphore(%run_scoped3A : memref<!tpu.dma_semaphore, #tpu.memory_space<semaphore_mem>>) src(%dma_wait3A_1162 : memref<40x128xi32, #tpu.memory_space<hbm>>) dst(%arg7 : memref<40x128xi32, #tpu.memory_space<vmem>>)
          tpu.yield
        }) : () -> ()
      } else {
      }
      %dma_start3A = arith.constant 0 : i32
      %dma_start3A_37 = arith.constant 0 : i32
      %dma_start3A_38 = tpu.memref_slice %arg6[%dma_start3A, %dma_start3A_37] : memref<40x128xi32, #tpu.memory_space<vmem>> -> memref<1x128xi32, #tpu.memory_space<vmem>>
      %dma_start3A_39 = tpu.memref_squeeze %dma_start3A_38 : memref<1x128xi32, #tpu.memory_space<vmem>> -> memref<128xi32, #tpu.memory_space<vmem>>
      %dma_start3A_40 = arith.constant 0 : i32
      %dma_start3A_41 = arith.constant 0 : i32
      %dma_start3A_42 = tpu.memref_slice %arg2[%dma_start3A_40, %dma_start3A_41] : memref<10000x128xf32, #tpu.memory_space<hbm>> -> memref<10000x128xf32, #tpu.memory_space<hbm>>
      tpu.enqueue_indirect_dma source(%dma_start3A_42 : memref<10000x128xf32, #tpu.memory_space<hbm>>) target(%arg8 : memref<128x128xf32, #tpu.memory_space<vmem>>) offsets(%dma_start3A_39 : memref<128xi32, #tpu.memory_space<vmem>>) semaphore(%arg12 : memref<!tpu.dma_semaphore, #tpu.memory_space<semaphore_mem>>)
      %dma_start3A_43 = arith.constant 1 : i32
      %dma_start3A_44 = arith.constant 0 : i32
      %dma_start3A_45 = tpu.memref_slice %arg6[%dma_start3A_43, %dma_start3A_44] : memref<40x128xi32, #tpu.memory_space<vmem>> -> memref<1x128xi32, #tpu.memory_space<vmem>>
      %dma_start3A_46 = tpu.memref_squeeze %dma_start3A_45 : memref<1x128xi32, #tpu.memory_space<vmem>> -> memref<128xi32, #tpu.memory_space<vmem>>
      %dma_start3A_47 = arith.constant 0 : i32
      %dma_start3A_48 = arith.constant 0 : i32
      %dma_start3A_49 = tpu.memref_slice %arg2[%dma_start3A_47, %dma_start3A_48] : memref<10000x128xf32, #tpu.memory_space<hbm>> -> memref<10000x128xf32, #tpu.memory_space<hbm>>
      tpu.enqueue_indirect_dma source(%dma_start3A_49 : memref<10000x128xf32, #tpu.memory_space<hbm>>) target(%arg9 : memref<128x128xf32, #tpu.memory_space<vmem>>) offsets(%dma_start3A_46 : memref<128xi32, #tpu.memory_space<vmem>>) semaphore(%arg13 : memref<!tpu.dma_semaphore, #tpu.memory_space<semaphore_mem>>)
      %dma_wait3A = arith.constant 0 : i32
      %dma_wait3A_50 = arith.constant 0 : i32
      %dma_wait3A_51 = tpu.memref_slice %arg6[%dma_wait3A, %dma_wait3A_50] : memref<40x128xi32, #tpu.memory_space<vmem>> -> memref<1x128xi32, #tpu.memory_space<vmem>>
      %dma_wait3A_52 = tpu.memref_squeeze %dma_wait3A_51 : memref<1x128xi32, #tpu.memory_space<vmem>> -> memref<128xi32, #tpu.memory_space<vmem>>
      %dma_wait3A_53 = arith.constant 0 : i32
      %dma_wait3A_54 = arith.constant 0 : i32
      %dma_wait3A_55 = tpu.memref_slice %arg2[%dma_wait3A_53, %dma_wait3A_54] : memref<10000x128xf32, #tpu.memory_space<hbm>> -> memref<10000x128xf32, #tpu.memory_space<hbm>>
      tpu.wait_indirect_dma semaphore(%arg12 : memref<!tpu.dma_semaphore, #tpu.memory_space<semaphore_mem>>) src(%dma_wait3A_55 : memref<10000x128xf32, #tpu.memory_space<hbm>>) dst(%arg8 : memref<128x128xf32, #tpu.memory_space<vmem>>)
      %dma_start3A_56 = arith.constant 0 : i32
      %dma_start3A_57 = arith.constant 0 : i32
      %dma_start3A_58 = tpu.memref_slice %arg7[%dma_start3A_56, %dma_start3A_57] : memref<40x128xi32, #tpu.memory_space<vmem>> -> memref<1x128xi32, #tpu.memory_space<vmem>>
      %dma_start3A_59 = tpu.memref_squeeze %dma_start3A_58 : memref<1x128xi32, #tpu.memory_space<vmem>> -> memref<128xi32, #tpu.memory_space<vmem>>
      %dma_start3A_60 = arith.constant 0 : i32
      %dma_start3A_61 = arith.constant 0 : i32
      %dma_start3A_62 = tpu.memref_slice %arg11[%dma_start3A_60, %dma_start3A_61] : memref<10240x128xf32, #tpu.memory_space<vmem_shared>> -> memref<10240x128xf32, #tpu.memory_space<vmem_shared>>
      tpu.enqueue_indirect_dma source(%arg8 : memref<128x128xf32, #tpu.memory_space<vmem>>) target(%dma_start3A_62 : memref<10240x128xf32, #tpu.memory_space<vmem_shared>>) offsets(%dma_start3A_59 : memref<128xi32, #tpu.memory_space<vmem>>) semaphore(%arg14 : memref<!tpu.dma_semaphore, #tpu.memory_space<semaphore_mem>>) {add = true}
      %dma_wait3A_63 = arith.constant 0 : i32
      %dma_wait3A_64 = arith.constant 0 : i32
      %dma_wait3A_65 = tpu.memref_slice %arg7[%dma_wait3A_63, %dma_wait3A_64] : memref<40x128xi32, #tpu.memory_space<vmem>> -> memref<1x128xi32, #tpu.memory_space<vmem>>
      %dma_wait3A_66 = tpu.memref_squeeze %dma_wait3A_65 : memref<1x128xi32, #tpu.memory_space<vmem>> -> memref<128xi32, #tpu.memory_space<vmem>>
      %dma_wait3A_67 = arith.constant 0 : i32
      %dma_wait3A_68 = arith.constant 0 : i32
      %dma_wait3A_69 = tpu.memref_slice %arg11[%dma_wait3A_67, %dma_wait3A_68] : memref<10240x128xf32, #tpu.memory_space<vmem_shared>> -> memref<10240x128xf32, #tpu.memory_space<vmem_shared>>
      tpu.wait_indirect_dma semaphore(%arg14 : memref<!tpu.dma_semaphore, #tpu.memory_space<semaphore_mem>>) src(%arg8 : memref<128x128xf32, #tpu.memory_space<vmem>>) dst(%dma_wait3A_69 : memref<10240x128xf32, #tpu.memory_space<vmem_shared>>)
      %dma_start3A_70 = arith.constant 2 : i32
      %dma_start3A_71 = arith.constant 0 : i32
      %dma_start3A_72 = tpu.memref_slice %arg6[%dma_start3A_70, %dma_start3A_71] : memref<40x128xi32, #tpu.memory_space<vmem>> -> memref<1x128xi32, #tpu.memory_space<vmem>>
      %dma_start3A_73 = tpu.memref_squeeze %dma_start3A_72 : memref<1x128xi32, #tpu.memory_space<vmem>> -> memref<128xi32, #tpu.memory_space<vmem>>
      %dma_start3A_74 = arith.constant 0 : i32
      %dma_start3A_75 = arith.constant 0 : i32
      %dma_start3A_76 = tpu.memref_slice %arg2[%dma_start3A_74, %dma_start3A_75] : memref<10000x128xf32, #tpu.memory_space<hbm>> -> memref<10000x128xf32, #tpu.memory_space<hbm>>
      tpu.enqueue_indirect_dma source(%dma_start3A_76 : memref<10000x128xf32, #tpu.memory_space<hbm>>) target(%arg8 : memref<128x128xf32, #tpu.memory_space<vmem>>) offsets(%dma_start3A_73 : memref<128xi32, #tpu.memory_space<vmem>>) semaphore(%arg12 : memref<!tpu.dma_semaphore, #tpu.memory_space<semaphore_mem>>)
      %dma_wait3A_77 = arith.constant 1 : i32
      %dma_wait3A_78 = arith.constant 0 : i32
      %dma_wait3A_79 = tpu.memref_slice %arg6[%dma_wait3A_77, %dma_wait3A_78] : memref<40x128xi32, #tpu.memory_space<vmem>> -> memref<1x128xi32, #tpu.memory_space<vmem>>
      %dma_wait3A_80 = tpu.memref_squeeze %dma_wait3A_79 : memref<1x128xi32, #tpu.memory_space<vmem>> -> memref<128xi32, #tpu.memory_space<vmem>>
      %dma_wait3A_81 = arith.constant 0 : i32
      %dma_wait3A_82 = arith.constant 0 : i32
      %dma_wait3A_83 = tpu.memref_slice %arg2[%dma_wait3A_81, %dma_wait3A_82] : memref<10000x128xf32, #tpu.memory_space<hbm>> -> memref<10000x128xf32, #tpu.memory_space<hbm>>
      tpu.wait_indirect_dma semaphore(%arg13 : memref<!tpu.dma_semaphore, #tpu.memory_space<semaphore_mem>>) src(%dma_wait3A_83 : memref<10000x128xf32, #tpu.memory_space<hbm>>) dst(%arg9 : memref<128x128xf32, #tpu.memory_space<vmem>>)
      %dma_start3A_84 = arith.constant 1 : i32
      %dma_start3A_85 = arith.constant 0 : i32
      %dma_start3A_86 = tpu.memref_slice %arg7[%dma_start3A_84, %dma_start3A_85] : memref<40x128xi32, #tpu.memory_space<vmem>> -> memref<1x128xi32, #tpu.memory_space<vmem>>
      %dma_start3A_87 = tpu.memref_squeeze %dma_start3A_86 : memref<1x128xi32, #tpu.memory_space<vmem>> -> memref<128xi32, #tpu.memory_space<vmem>>
      %dma_start3A_88 = arith.constant 0 : i32
      %dma_start3A_89 = arith.constant 0 : i32
      %dma_start3A_90 = tpu.memref_slice %arg11[%dma_start3A_88, %dma_start3A_89] : memref<10240x128xf32, #tpu.memory_space<vmem_shared>> -> memref<10240x128xf32, #tpu.memory_space<vmem_shared>>
      tpu.enqueue_indirect_dma source(%arg9 : memref<128x128xf32, #tpu.memory_space<vmem>>) target(%dma_start3A_90 : memref<10240x128xf32, #tpu.memory_space<vmem_shared>>) offsets(%dma_start3A_87 : memref<128xi32, #tpu.memory_space<vmem>>) semaphore(%arg15 : memref<!tpu.dma_semaphore, #tpu.memory_space<semaphore_mem>>) {add = true}
      %dma_wait3A_91 = arith.constant 1 : i32
      %dma_wait3A_92 = arith.constant 0 : i32
      %dma_wait3A_93 = tpu.memref_slice %arg7[%dma_wait3A_91, %dma_wait3A_92] : memref<40x128xi32, #tpu.memory_space<vmem>> -> memref<1x128xi32, #tpu.memory_space<vmem>>
      %dma_wait3A_94 = tpu.memref_squeeze %dma_wait3A_93 : memref<1x128xi32, #tpu.memory_space<vmem>> -> memref<128xi32, #tpu.memory_space<vmem>>
      %dma_wait3A_95 = arith.constant 0 : i32
      %dma_wait3A_96 = arith.constant 0 : i32
      %dma_wait3A_97 = tpu.memref_slice %arg11[%dma_wait3A_95, %dma_wait3A_96] : memref<10240x128xf32, #tpu.memory_space<vmem_shared>> -> memref<10240x128xf32, #tpu.memory_space<vmem_shared>>
      tpu.wait_indirect_dma semaphore(%arg15 : memref<!tpu.dma_semaphore, #tpu.memory_space<semaphore_mem>>) src(%arg9 : memref<128x128xf32, #tpu.memory_space<vmem>>) dst(%dma_wait3A_97 : memref<10240x128xf32, #tpu.memory_space<vmem_shared>>)
      %dma_start3A_98 = arith.constant 3 : i32
      %dma_start3A_99 = arith.constant 0 : i32
      %dma_start3A_100 = tpu.memref_slice %arg6[%dma_start3A_98, %dma_start3A_99] : memref<40x128xi32, #tpu.memory_space<vmem>> -> memref<1x128xi32, #tpu.memory_space<vmem>>
      %dma_start3A_101 = tpu.memref_squeeze %dma_start3A_100 : memref<1x128xi32, #tpu.memory_space<vmem>> -> memref<128xi32, #tpu.memory_space<vmem>>
      %dma_start3A_102 = arith.constant 0 : i32
      %dma_start3A_103 = arith.constant 0 : i32
      %dma_start3A_104 = tpu.memref_slice %arg2[%dma_start3A_102, %dma_start3A_103] : memref<10000x128xf32, #tpu.memory_space<hbm>> -> memref<10000x128xf32, #tpu.memory_space<hbm>>
      tpu.enqueue_indirect_dma source(%dma_start3A_104 : memref<10000x128xf32, #tpu.memory_space<hbm>>) target(%arg9 : memref<128x128xf32, #tpu.memory_space<vmem>>) offsets(%dma_start3A_101 : memref<128xi32, #tpu.memory_space<vmem>>) semaphore(%arg13 : memref<!tpu.dma_semaphore, #tpu.memory_space<semaphore_mem>>)
      %dma_wait3A_105 = arith.constant 2 : i32
      %dma_wait3A_106 = arith.constant 0 : i32
      %dma_wait3A_107 = tpu.memref_slice %arg6[%dma_wait3A_105, %dma_wait3A_106] : memref<40x128xi32, #tpu.memory_space<vmem>> -> memref<1x128xi32, #tpu.memory_space<vmem>>
      %dma_wait3A_108 = tpu.memref_squeeze %dma_wait3A_107 : memref<1x128xi32, #tpu.memory_space<vmem>> -> memref<128xi32, #tpu.memory_space<vmem>>
      %dma_wait3A_109 = arith.constant 0 : i32
      %dma_wait3A_110 = arith.constant 0 : i32
      %dma_wait3A_111 = tpu.memref_slice %arg2[%dma_wait3A_109, %dma_wait3A_110] : memref<10000x128xf32, #tpu.memory_space<hbm>> -> memref<10000x128xf32, #tpu.memory_space<hbm>>
      tpu.wait_indirect_dma semaphore(%arg12 : memref<!tpu.dma_semaphore, #tpu.memory_space<semaphore_mem>>) src(%dma_wait3A_111 : memref<10000x128xf32, #tpu.memory_space<hbm>>) dst(%arg8 : memref<128x128xf32, #tpu.memory_space<vmem>>)
      %dma_start3A_112 = arith.constant 2 : i32
      %dma_start3A_113 = arith.constant 0 : i32
      %dma_start3A_114 = tpu.memref_slice %arg7[%dma_start3A_112, %dma_start3A_113] : memref<40x128xi32, #tpu.memory_space<vmem>> -> memref<1x128xi32, #tpu.memory_space<vmem>>
      %dma_start3A_115 = tpu.memref_squeeze %dma_start3A_114 : memref<1x128xi32, #tpu.memory_space<vmem>> -> memref<128xi32, #tpu.memory_space<vmem>>
      %dma_start3A_116 = arith.constant 0 : i32
      %dma_start3A_117 = arith.constant 0 : i32
      %dma_start3A_118 = tpu.memref_slice %arg11[%dma_start3A_116, %dma_start3A_117] : memref<10240x128xf32, #tpu.memory_space<vmem_shared>> -> memref<10240x128xf32, #tpu.memory_space<vmem_shared>>
      tpu.enqueue_indirect_dma source(%arg8 : memref<128x128xf32, #tpu.memory_space<vmem>>) target(%dma_start3A_118 : memref<10240x128xf32, #tpu.memory_space<vmem_shared>>) offsets(%dma_start3A_115 : memref<128xi32, #tpu.memory_space<vmem>>) semaphore(%arg14 : memref<!tpu.dma_semaphore, #tpu.memory_space<semaphore_mem>>) {add = true}
      %dma_wait3A_119 = arith.constant 2 : i32
      %dma_wait3A_120 = arith.constant 0 : i32
      %dma_wait3A_121 = tpu.memref_slice %arg7[%dma_wait3A_119, %dma_wait3A_120] : memref<40x128xi32, #tpu.memory_space<vmem>> -> memref<1x128xi32, #tpu.memory_space<vmem>>
      %dma_wait3A_122 = tpu.memref_squeeze %dma_wait3A_121 : memref<1x128xi32, #tpu.memory_space<vmem>> -> memref<128xi32, #tpu.memory_space<vmem>>
      %dma_wait3A_123 = arith.constant 0 : i32
      %dma_wait3A_124 = arith.constant 0 : i32
      %dma_wait3A_125 = tpu.memref_slice %arg11[%dma_wait3A_123, %dma_wait3A_124] : memref<10240x128xf32, #tpu.memory_space<vmem_shared>> -> memref<10240x128xf32, #tpu.memory_space<vmem_shared>>
      tpu.wait_indirect_dma semaphore(%arg14 : memref<!tpu.dma_semaphore, #tpu.memory_space<semaphore_mem>>) src(%arg8 : memref<128x128xf32, #tpu.memory_space<vmem>>) dst(%dma_wait3A_125 : memref<10240x128xf32, #tpu.memory_space<vmem_shared>>)
      %dma_start3A_126 = arith.constant 4 : i32
      %dma_start3A_127 = arith.constant 0 : i32
      %dma_start3A_128 = tpu.memref_slice %arg6[%dma_start3A_126, %dma_start3A_127] : memref<40x128xi32, #tpu.memory_space<vmem>> -> memref<1x128xi32, #tpu.memory_space<vmem>>
      %dma_start3A_129 = tpu.memref_squeeze %dma_start3A_128 : memref<1x128xi32, #tpu.memory_space<vmem>> -> memref<128xi32, #tpu.memory_space<vmem>>
      %dma_start3A_130 = arith.constant 0 : i32
      %dma_start3A_131 = arith.constant 0 : i32
      %dma_start3A_132 = tpu.memref_slice %arg2[%dma_start3A_130, %dma_start3A_131] : memref<10000x128xf32, #tpu.memory_space<hbm>> -> memref<10000x128xf32, #tpu.memory_space<hbm>>
      tpu.enqueue_indirect_dma source(%dma_start3A_132 : memref<10000x128xf32, #tpu.memory_space<hbm>>) target(%arg8 : memref<128x128xf32, #tpu.memory_space<vmem>>) offsets(%dma_start3A_129 : memref<128xi32, #tpu.memory_space<vmem>>) semaphore(%arg12 : memref<!tpu.dma_semaphore, #tpu.memory_space<semaphore_mem>>)
      %dma_wait3A_133 = arith.constant 3 : i32
      %dma_wait3A_134 = arith.constant 0 : i32
      %dma_wait3A_135 = tpu.memref_slice %arg6[%dma_wait3A_133, %dma_wait3A_134] : memref<40x128xi32, #tpu.memory_space<vmem>> -> memref<1x128xi32, #tpu.memory_space<vmem>>
      %dma_wait3A_136 = tpu.memref_squeeze %dma_wait3A_135 : memref<1x128xi32, #tpu.memory_space<vmem>> -> memref<128xi32, #tpu.memory_space<vmem>>
      %dma_wait3A_137 = arith.constant 0 : i32
      %dma_wait3A_138 = arith.constant 0 : i32
      %dma_wait3A_139 = tpu.memref_slice %arg2[%dma_wait3A_137, %dma_wait3A_138] : memref<10000x128xf32, #tpu.memory_space<hbm>> -> memref<10000x128xf32, #tpu.memory_space<hbm>>
      tpu.wait_indirect_dma semaphore(%arg13 : memref<!tpu.dma_semaphore, #tpu.memory_space<semaphore_mem>>) src(%dma_wait3A_139 : memref<10000x128xf32, #tpu.memory_space<hbm>>) dst(%arg9 : memref<128x128xf32, #tpu.memory_space<vmem>>)
      %dma_start3A_140 = arith.constant 3 : i32
      %dma_start3A_141 = arith.constant 0 : i32
      %dma_start3A_142 = tpu.memref_slice %arg7[%dma_start3A_140, %dma_start3A_141] : memref<40x128xi32, #tpu.memory_space<vmem>> -> memref<1x128xi32, #tpu.memory_space<vmem>>
      %dma_start3A_143 = tpu.memref_squeeze %dma_start3A_142 : memref<1x128xi32, #tpu.memory_space<vmem>> -> memref<128xi32, #tpu.memory_space<vmem>>
      %dma_start3A_144 = arith.constant 0 : i32
      %dma_start3A_145 = arith.constant 0 : i32
      %dma_start3A_146 = tpu.memref_slice %arg11[%dma_start3A_144, %dma_start3A_145] : memref<10240x128xf32, #tpu.memory_space<vmem_shared>> -> memref<10240x128xf32, #tpu.memory_space<vmem_shared>>
      tpu.enqueue_indirect_dma source(%arg9 : memref<128x128xf32, #tpu.memory_space<vmem>>) target(%dma_start3A_146 : memref<10240x128xf32, #tpu.memory_space<vmem_shared>>) offsets(%dma_start3A_143 : memref<128xi32, #tpu.memory_space<vmem>>) semaphore(%arg15 : memref<!tpu.dma_semaphore, #tpu.memory_space<semaphore_mem>>) {add = true}
      %dma_wait3A_147 = arith.constant 3 : i32
      %dma_wait3A_148 = arith.constant 0 : i32
      %dma_wait3A_149 = tpu.memref_slice %arg7[%dma_wait3A_147, %dma_wait3A_148] : memref<40x128xi32, #tpu.memory_space<vmem>> -> memref<1x128xi32, #tpu.memory_space<vmem>>
      %dma_wait3A_150 = tpu.memref_squeeze %dma_wait3A_149 : memref<1x128xi32, #tpu.memory_space<vmem>> -> memref<128xi32, #tpu.memory_space<vmem>>
      %dma_wait3A_151 = arith.constant 0 : i32
      %dma_wait3A_152 = arith.constant 0 : i32
      %dma_wait3A_153 = tpu.memref_slice %arg11[%dma_wait3A_151, %dma_wait3A_152] : memref<10240x128xf32, #tpu.memory_space<vmem_shared>> -> memref<10240x128xf32, #tpu.memory_space<vmem_shared>>
      tpu.wait_indirect_dma semaphore(%arg15 : memref<!tpu.dma_semaphore, #tpu.memory_space<semaphore_mem>>) src(%arg9 : memref<128x128xf32, #tpu.memory_space<vmem>>) dst(%dma_wait3A_153 : memref<10240x128xf32, #tpu.memory_space<vmem_shared>>)
      %dma_start3A_154 = arith.constant 5 : i32
      %dma_start3A_155 = arith.constant 0 : i32
      %dma_start3A_156 = tpu.memref_slice %arg6[%dma_start3A_154, %dma_start3A_155] : memref<40x128xi32, #tpu.memory_space<vmem>> -> memref<1x128xi32, #tpu.memory_space<vmem>>
      %dma_start3A_157 = tpu.memref_squeeze %dma_start3A_156 : memref<1x128xi32, #tpu.memory_space<vmem>> -> memref<128xi32, #tpu.memory_space<vmem>>
      %dma_start3A_158 = arith.constant 0 : i32
      %dma_start3A_159 = arith.constant 0 : i32
      %dma_start3A_160 = tpu.memref_slice %arg2[%dma_start3A_158, %dma_start3A_159] : memref<10000x128xf32, #tpu.memory_space<hbm>> -> memref<10000x128xf32, #tpu.memory_space<hbm>>
      tpu.enqueue_indirect_dma source(%dma_start3A_160 : memref<10000x128xf32, #tpu.memory_space<hbm>>) target(%arg9 : memref<128x128xf32, #tpu.memory_space<vmem>>) offsets(%dma_start3A_157 : memref<128xi32, #tpu.memory_space<vmem>>) semaphore(%arg13 : memref<!tpu.dma_semaphore, #tpu.memory_space<semaphore_mem>>)
      %dma_wait3A_161 = arith.constant 4 : i32
      %dma_wait3A_162 = arith.constant 0 : i32
      %dma_wait3A_163 = tpu.memref_slice %arg6[%dma_wait3A_161, %dma_wait3A_162] : memref<40x128xi32, #tpu.memory_space<vmem>> -> memref<1x128xi32, #tpu.memory_space<vmem>>
      %dma_wait3A_164 = tpu.memref_squeeze %dma_wait3A_163 : memref<1x128xi32, #tpu.memory_space<vmem>> -> memref<128xi32, #tpu.memory_space<vmem>>
      %dma_wait3A_165 = arith.constant 0 : i32
      %dma_wait3A_166 = arith.constant 0 : i32
      %dma_wait3A_167 = tpu.memref_slice %arg2[%dma_wait3A_165, %dma_wait3A_166] : memref<10000x128xf32, #tpu.memory_space<hbm>> -> memref<10000x128xf32, #tpu.memory_space<hbm>>
      tpu.wait_indirect_dma semaphore(%arg12 : memref<!tpu.dma_semaphore, #tpu.memory_space<semaphore_mem>>) src(%dma_wait3A_167 : memref<10000x128xf32, #tpu.memory_space<hbm>>) dst(%arg8 : memref<128x128xf32, #tpu.memory_space<vmem>>)
      %dma_start3A_168 = arith.constant 4 : i32
      %dma_start3A_169 = arith.constant 0 : i32
      %dma_start3A_170 = tpu.memref_slice %arg7[%dma_start3A_168, %dma_start3A_169] : memref<40x128xi32, #tpu.memory_space<vmem>> -> memref<1x128xi32, #tpu.memory_space<vmem>>
      %dma_start3A_171 = tpu.memref_squeeze %dma_start3A_170 : memref<1x128xi32, #tpu.memory_space<vmem>> -> memref<128xi32, #tpu.memory_space<vmem>>
      %dma_start3A_172 = arith.constant 0 : i32
      %dma_start3A_173 = arith.constant 0 : i32
      %dma_start3A_174 = tpu.memref_slice %arg11[%dma_start3A_172, %dma_start3A_173] : memref<10240x128xf32, #tpu.memory_space<vmem_shared>> -> memref<10240x128xf32, #tpu.memory_space<vmem_shared>>
      tpu.enqueue_indirect_dma source(%arg8 : memref<128x128xf32, #tpu.memory_space<vmem>>) target(%dma_start3A_174 : memref<10240x128xf32, #tpu.memory_space<vmem_shared>>) offsets(%dma_start3A_171 : memref<128xi32, #tpu.memory_space<vmem>>) semaphore(%arg14 : memref<!tpu.dma_semaphore, #tpu.memory_space<semaphore_mem>>) {add = true}
      %dma_wait3A_175 = arith.constant 4 : i32
      %dma_wait3A_176 = arith.constant 0 : i32
      %dma_wait3A_177 = tpu.memref_slice %arg7[%dma_wait3A_175, %dma_wait3A_176] : memref<40x128xi32, #tpu.memory_space<vmem>> -> memref<1x128xi32, #tpu.memory_space<vmem>>
      %dma_wait3A_178 = tpu.memref_squeeze %dma_wait3A_177 : memref<1x128xi32, #tpu.memory_space<vmem>> -> memref<128xi32, #tpu.memory_space<vmem>>
      %dma_wait3A_179 = arith.constant 0 : i32
      %dma_wait3A_180 = arith.constant 0 : i32
      %dma_wait3A_181 = tpu.memref_slice %arg11[%dma_wait3A_179, %dma_wait3A_180] : memref<10240x128xf32, #tpu.memory_space<vmem_shared>> -> memref<10240x128xf32, #tpu.memory_space<vmem_shared>>
      tpu.wait_indirect_dma semaphore(%arg14 : memref<!tpu.dma_semaphore, #tpu.memory_space<semaphore_mem>>) src(%arg8 : memref<128x128xf32, #tpu.memory_space<vmem>>) dst(%dma_wait3A_181 : memref<10240x128xf32, #tpu.memory_space<vmem_shared>>)
      %dma_start3A_182 = arith.constant 6 : i32
      %dma_start3A_183 = arith.constant 0 : i32
      %dma_start3A_184 = tpu.memref_slice %arg6[%dma_start3A_182, %dma_start3A_183] : memref<40x128xi32, #tpu.memory_space<vmem>> -> memref<1x128xi32, #tpu.memory_space<vmem>>
      %dma_start3A_185 = tpu.memref_squeeze %dma_start3A_184 : memref<1x128xi32, #tpu.memory_space<vmem>> -> memref<128xi32, #tpu.memory_space<vmem>>
      %dma_start3A_186 = arith.constant 0 : i32
      %dma_start3A_187 = arith.constant 0 : i32
      %dma_start3A_188 = tpu.memref_slice %arg2[%dma_start3A_186, %dma_start3A_187] : memref<10000x128xf32, #tpu.memory_space<hbm>> -> memref<10000x128xf32, #tpu.memory_space<hbm>>
      tpu.enqueue_indirect_dma source(%dma_start3A_188 : memref<10000x128xf32, #tpu.memory_space<hbm>>) target(%arg8 : memref<128x128xf32, #tpu.memory_space<vmem>>) offsets(%dma_start3A_185 : memref<128xi32, #tpu.memory_space<vmem>>) semaphore(%arg12 : memref<!tpu.dma_semaphore, #tpu.memory_space<semaphore_mem>>)
      %dma_wait3A_189 = arith.constant 5 : i32
      %dma_wait3A_190 = arith.constant 0 : i32
      %dma_wait3A_191 = tpu.memref_slice %arg6[%dma_wait3A_189, %dma_wait3A_190] : memref<40x128xi32, #tpu.memory_space<vmem>> -> memref<1x128xi32, #tpu.memory_space<vmem>>
      %dma_wait3A_192 = tpu.memref_squeeze %dma_wait3A_191 : memref<1x128xi32, #tpu.memory_space<vmem>> -> memref<128xi32, #tpu.memory_space<vmem>>
      %dma_wait3A_193 = arith.constant 0 : i32
      %dma_wait3A_194 = arith.constant 0 : i32
      %dma_wait3A_195 = tpu.memref_slice %arg2[%dma_wait3A_193, %dma_wait3A_194] : memref<10000x128xf32, #tpu.memory_space<hbm>> -> memref<10000x128xf32, #tpu.memory_space<hbm>>
      tpu.wait_indirect_dma semaphore(%arg13 : memref<!tpu.dma_semaphore, #tpu.memory_space<semaphore_mem>>) src(%dma_wait3A_195 : memref<10000x128xf32, #tpu.memory_space<hbm>>) dst(%arg9 : memref<128x128xf32, #tpu.memory_space<vmem>>)
      %dma_start3A_196 = arith.constant 5 : i32
      %dma_start3A_197 = arith.constant 0 : i32
      %dma_start3A_198 = tpu.memref_slice %arg7[%dma_start3A_196, %dma_start3A_197] : memref<40x128xi32, #tpu.memory_space<vmem>> -> memref<1x128xi32, #tpu.memory_space<vmem>>
      %dma_start3A_199 = tpu.memref_squeeze %dma_start3A_198 : memref<1x128xi32, #tpu.memory_space<vmem>> -> memref<128xi32, #tpu.memory_space<vmem>>
      %dma_start3A_200 = arith.constant 0 : i32
      %dma_start3A_201 = arith.constant 0 : i32
      %dma_start3A_202 = tpu.memref_slice %arg11[%dma_start3A_200, %dma_start3A_201] : memref<10240x128xf32, #tpu.memory_space<vmem_shared>> -> memref<10240x128xf32, #tpu.memory_space<vmem_shared>>
      tpu.enqueue_indirect_dma source(%arg9 : memref<128x128xf32, #tpu.memory_space<vmem>>) target(%dma_start3A_202 : memref<10240x128xf32, #tpu.memory_space<vmem_shared>>) offsets(%dma_start3A_199 : memref<128xi32, #tpu.memory_space<vmem>>) semaphore(%arg15 : memref<!tpu.dma_semaphore, #tpu.memory_space<semaphore_mem>>) {add = true}
      %dma_wait3A_203 = arith.constant 5 : i32
      %dma_wait3A_204 = arith.constant 0 : i32
      %dma_wait3A_205 = tpu.memref_slice %arg7[%dma_wait3A_203, %dma_wait3A_204] : memref<40x128xi32, #tpu.memory_space<vmem>> -> memref<1x128xi32, #tpu.memory_space<vmem>>
      %dma_wait3A_206 = tpu.memref_squeeze %dma_wait3A_205 : memref<1x128xi32, #tpu.memory_space<vmem>> -> memref<128xi32, #tpu.memory_space<vmem>>
      %dma_wait3A_207 = arith.constant 0 : i32
      %dma_wait3A_208 = arith.constant 0 : i32
      %dma_wait3A_209 = tpu.memref_slice %arg11[%dma_wait3A_207, %dma_wait3A_208] : memref<10240x128xf32, #tpu.memory_space<vmem_shared>> -> memref<10240x128xf32, #tpu.memory_space<vmem_shared>>
      tpu.wait_indirect_dma semaphore(%arg15 : memref<!tpu.dma_semaphore, #tpu.memory_space<semaphore_mem>>) src(%arg9 : memref<128x128xf32, #tpu.memory_space<vmem>>) dst(%dma_wait3A_209 : memref<10240x128xf32, #tpu.memory_space<vmem_shared>>)
      %dma_start3A_210 = arith.constant 7 : i32
      %dma_start3A_211 = arith.constant 0 : i32
      %dma_start3A_212 = tpu.memref_slice %arg6[%dma_start3A_210, %dma_start3A_211] : memref<40x128xi32, #tpu.memory_space<vmem>> -> memref<1x128xi32, #tpu.memory_space<vmem>>
      %dma_start3A_213 = tpu.memref_squeeze %dma_start3A_212 : memref<1x128xi32, #tpu.memory_space<vmem>> -> memref<128xi32, #tpu.memory_space<vmem>>
      %dma_start3A_214 = arith.constant 0 : i32
      %dma_start3A_215 = arith.constant 0 : i32
      %dma_start3A_216 = tpu.memref_slice %arg2[%dma_start3A_214, %dma_start3A_215] : memref<10000x128xf32, #tpu.memory_space<hbm>> -> memref<10000x128xf32, #tpu.memory_space<hbm>>
      tpu.enqueue_indirect_dma source(%dma_start3A_216 : memref<10000x128xf32, #tpu.memory_space<hbm>>) target(%arg9 : memref<128x128xf32, #tpu.memory_space<vmem>>) offsets(%dma_start3A_213 : memref<128xi32, #tpu.memory_space<vmem>>) semaphore(%arg13 : memref<!tpu.dma_semaphore, #tpu.memory_space<semaphore_mem>>)
      %dma_wait3A_217 = arith.constant 6 : i32
      %dma_wait3A_218 = arith.constant 0 : i32
      %dma_wait3A_219 = tpu.memref_slice %arg6[%dma_wait3A_217, %dma_wait3A_218] : memref<40x128xi32, #tpu.memory_space<vmem>> -> memref<1x128xi32, #tpu.memory_space<vmem>>
      %dma_wait3A_220 = tpu.memref_squeeze %dma_wait3A_219 : memref<1x128xi32, #tpu.memory_space<vmem>> -> memref<128xi32, #tpu.memory_space<vmem>>
      %dma_wait3A_221 = arith.constant 0 : i32
      %dma_wait3A_222 = arith.constant 0 : i32
      %dma_wait3A_223 = tpu.memref_slice %arg2[%dma_wait3A_221, %dma_wait3A_222] : memref<10000x128xf32, #tpu.memory_space<hbm>> -> memref<10000x128xf32, #tpu.memory_space<hbm>>
      tpu.wait_indirect_dma semaphore(%arg12 : memref<!tpu.dma_semaphore, #tpu.memory_space<semaphore_mem>>) src(%dma_wait3A_223 : memref<10000x128xf32, #tpu.memory_space<hbm>>) dst(%arg8 : memref<128x128xf32, #tpu.memory_space<vmem>>)
      %dma_start3A_224 = arith.constant 6 : i32
      %dma_start3A_225 = arith.constant 0 : i32
      %dma_start3A_226 = tpu.memref_slice %arg7[%dma_start3A_224, %dma_start3A_225] : memref<40x128xi32, #tpu.memory_space<vmem>> -> memref<1x128xi32, #tpu.memory_space<vmem>>
      %dma_start3A_227 = tpu.memref_squeeze %dma_start3A_226 : memref<1x128xi32, #tpu.memory_space<vmem>> -> memref<128xi32, #tpu.memory_space<vmem>>
      %dma_start3A_228 = arith.constant 0 : i32
      %dma_start3A_229 = arith.constant 0 : i32
      %dma_start3A_230 = tpu.memref_slice %arg11[%dma_start3A_228, %dma_start3A_229] : memref<10240x128xf32, #tpu.memory_space<vmem_shared>> -> memref<10240x128xf32, #tpu.memory_space<vmem_shared>>
      tpu.enqueue_indirect_dma source(%arg8 : memref<128x128xf32, #tpu.memory_space<vmem>>) target(%dma_start3A_230 : memref<10240x128xf32, #tpu.memory_space<vmem_shared>>) offsets(%dma_start3A_227 : memref<128xi32, #tpu.memory_space<vmem>>) semaphore(%arg14 : memref<!tpu.dma_semaphore, #tpu.memory_space<semaphore_mem>>) {add = true}
      %dma_wait3A_231 = arith.constant 6 : i32
      %dma_wait3A_232 = arith.constant 0 : i32
      %dma_wait3A_233 = tpu.memref_slice %arg7[%dma_wait3A_231, %dma_wait3A_232] : memref<40x128xi32, #tpu.memory_space<vmem>> -> memref<1x128xi32, #tpu.memory_space<vmem>>
      %dma_wait3A_234 = tpu.memref_squeeze %dma_wait3A_233 : memref<1x128xi32, #tpu.memory_space<vmem>> -> memref<128xi32, #tpu.memory_space<vmem>>
      %dma_wait3A_235 = arith.constant 0 : i32
      %dma_wait3A_236 = arith.constant 0 : i32
      %dma_wait3A_237 = tpu.memref_slice %arg11[%dma_wait3A_235, %dma_wait3A_236] : memref<10240x128xf32, #tpu.memory_space<vmem_shared>> -> memref<10240x128xf32, #tpu.memory_space<vmem_shared>>
      tpu.wait_indirect_dma semaphore(%arg14 : memref<!tpu.dma_semaphore, #tpu.memory_space<semaphore_mem>>) src(%arg8 : memref<128x128xf32, #tpu.memory_space<vmem>>) dst(%dma_wait3A_237 : memref<10240x128xf32, #tpu.memory_space<vmem_shared>>)
      %dma_start3A_238 = arith.constant 8 : i32
      %dma_start3A_239 = arith.constant 0 : i32
      %dma_start3A_240 = tpu.memref_slice %arg6[%dma_start3A_238, %dma_start3A_239] : memref<40x128xi32, #tpu.memory_space<vmem>> -> memref<1x128xi32, #tpu.memory_space<vmem>>
      %dma_start3A_241 = tpu.memref_squeeze %dma_start3A_240 : memref<1x128xi32, #tpu.memory_space<vmem>> -> memref<128xi32, #tpu.memory_space<vmem>>
      %dma_start3A_242 = arith.constant 0 : i32
      %dma_start3A_243 = arith.constant 0 : i32
      %dma_start3A_244 = tpu.memref_slice %arg2[%dma_start3A_242, %dma_start3A_243] : memref<10000x128xf32, #tpu.memory_space<hbm>> -> memref<10000x128xf32, #tpu.memory_space<hbm>>
      tpu.enqueue_indirect_dma source(%dma_start3A_244 : memref<10000x128xf32, #tpu.memory_space<hbm>>) target(%arg8 : memref<128x128xf32, #tpu.memory_space<vmem>>) offsets(%dma_start3A_241 : memref<128xi32, #tpu.memory_space<vmem>>) semaphore(%arg12 : memref<!tpu.dma_semaphore, #tpu.memory_space<semaphore_mem>>)
      %dma_wait3A_245 = arith.constant 7 : i32
      %dma_wait3A_246 = arith.constant 0 : i32
      %dma_wait3A_247 = tpu.memref_slice %arg6[%dma_wait3A_245, %dma_wait3A_246] : memref<40x128xi32, #tpu.memory_space<vmem>> -> memref<1x128xi32, #tpu.memory_space<vmem>>
      %dma_wait3A_248 = tpu.memref_squeeze %dma_wait3A_247 : memref<1x128xi32, #tpu.memory_space<vmem>> -> memref<128xi32, #tpu.memory_space<vmem>>
      %dma_wait3A_249 = arith.constant 0 : i32
      %dma_wait3A_250 = arith.constant 0 : i32
      %dma_wait3A_251 = tpu.memref_slice %arg2[%dma_wait3A_249, %dma_wait3A_250] : memref<10000x128xf32, #tpu.memory_space<hbm>> -> memref<10000x128xf32, #tpu.memory_space<hbm>>
      tpu.wait_indirect_dma semaphore(%arg13 : memref<!tpu.dma_semaphore, #tpu.memory_space<semaphore_mem>>) src(%dma_wait3A_251 : memref<10000x128xf32, #tpu.memory_space<hbm>>) dst(%arg9 : memref<128x128xf32, #tpu.memory_space<vmem>>)
      %dma_start3A_252 = arith.constant 7 : i32
      %dma_start3A_253 = arith.constant 0 : i32
      %dma_start3A_254 = tpu.memref_slice %arg7[%dma_start3A_252, %dma_start3A_253] : memref<40x128xi32, #tpu.memory_space<vmem>> -> memref<1x128xi32, #tpu.memory_space<vmem>>
      %dma_start3A_255 = tpu.memref_squeeze %dma_start3A_254 : memref<1x128xi32, #tpu.memory_space<vmem>> -> memref<128xi32, #tpu.memory_space<vmem>>
      %dma_start3A_256 = arith.constant 0 : i32
      %dma_start3A_257 = arith.constant 0 : i32
      %dma_start3A_258 = tpu.memref_slice %arg11[%dma_start3A_256, %dma_start3A_257] : memref<10240x128xf32, #tpu.memory_space<vmem_shared>> -> memref<10240x128xf32, #tpu.memory_space<vmem_shared>>
      tpu.enqueue_indirect_dma source(%arg9 : memref<128x128xf32, #tpu.memory_space<vmem>>) target(%dma_start3A_258 : memref<10240x128xf32, #tpu.memory_space<vmem_shared>>) offsets(%dma_start3A_255 : memref<128xi32, #tpu.memory_space<vmem>>) semaphore(%arg15 : memref<!tpu.dma_semaphore, #tpu.memory_space<semaphore_mem>>) {add = true}
      %dma_wait3A_259 = arith.constant 7 : i32
      %dma_wait3A_260 = arith.constant 0 : i32
      %dma_wait3A_261 = tpu.memref_slice %arg7[%dma_wait3A_259, %dma_wait3A_260] : memref<40x128xi32, #tpu.memory_space<vmem>> -> memref<1x128xi32, #tpu.memory_space<vmem>>
      %dma_wait3A_262 = tpu.memref_squeeze %dma_wait3A_261 : memref<1x128xi32, #tpu.memory_space<vmem>> -> memref<128xi32, #tpu.memory_space<vmem>>
      %dma_wait3A_263 = arith.constant 0 : i32
      %dma_wait3A_264 = arith.constant 0 : i32
      %dma_wait3A_265 = tpu.memref_slice %arg11[%dma_wait3A_263, %dma_wait3A_264] : memref<10240x128xf32, #tpu.memory_space<vmem_shared>> -> memref<10240x128xf32, #tpu.memory_space<vmem_shared>>
      tpu.wait_indirect_dma semaphore(%arg15 : memref<!tpu.dma_semaphore, #tpu.memory_space<semaphore_mem>>) src(%arg9 : memref<128x128xf32, #tpu.memory_space<vmem>>) dst(%dma_wait3A_265 : memref<10240x128xf32, #tpu.memory_space<vmem_shared>>)
      %dma_start3A_266 = arith.constant 9 : i32
      %dma_start3A_267 = arith.constant 0 : i32
      %dma_start3A_268 = tpu.memref_slice %arg6[%dma_start3A_266, %dma_start3A_267] : memref<40x128xi32, #tpu.memory_space<vmem>> -> memref<1x128xi32, #tpu.memory_space<vmem>>
      %dma_start3A_269 = tpu.memref_squeeze %dma_start3A_268 : memref<1x128xi32, #tpu.memory_space<vmem>> -> memref<128xi32, #tpu.memory_space<vmem>>
      %dma_start3A_270 = arith.constant 0 : i32
      %dma_start3A_271 = arith.constant 0 : i32
      %dma_start3A_272 = tpu.memref_slice %arg2[%dma_start3A_270, %dma_start3A_271] : memref<10000x128xf32, #tpu.memory_space<hbm>> -> memref<10000x128xf32, #tpu.memory_space<hbm>>
      tpu.enqueue_indirect_dma source(%dma_start3A_272 : memref<10000x128xf32, #tpu.memory_space<hbm>>) target(%arg9 : memref<128x128xf32, #tpu.memory_space<vmem>>) offsets(%dma_start3A_269 : memref<128xi32, #tpu.memory_space<vmem>>) semaphore(%arg13 : memref<!tpu.dma_semaphore, #tpu.memory_space<semaphore_mem>>)
      %dma_wait3A_273 = arith.constant 8 : i32
      %dma_wait3A_274 = arith.constant 0 : i32
      %dma_wait3A_275 = tpu.memref_slice %arg6[%dma_wait3A_273, %dma_wait3A_274] : memref<40x128xi32, #tpu.memory_space<vmem>> -> memref<1x128xi32, #tpu.memory_space<vmem>>
      %dma_wait3A_276 = tpu.memref_squeeze %dma_wait3A_275 : memref<1x128xi32, #tpu.memory_space<vmem>> -> memref<128xi32, #tpu.memory_space<vmem>>
      %dma_wait3A_277 = arith.constant 0 : i32
      %dma_wait3A_278 = arith.constant 0 : i32
      %dma_wait3A_279 = tpu.memref_slice %arg2[%dma_wait3A_277, %dma_wait3A_278] : memref<10000x128xf32, #tpu.memory_space<hbm>> -> memref<10000x128xf32, #tpu.memory_space<hbm>>
      tpu.wait_indirect_dma semaphore(%arg12 : memref<!tpu.dma_semaphore, #tpu.memory_space<semaphore_mem>>) src(%dma_wait3A_279 : memref<10000x128xf32, #tpu.memory_space<hbm>>) dst(%arg8 : memref<128x128xf32, #tpu.memory_space<vmem>>)
      %dma_start3A_280 = arith.constant 8 : i32
      %dma_start3A_281 = arith.constant 0 : i32
      %dma_start3A_282 = tpu.memref_slice %arg7[%dma_start3A_280, %dma_start3A_281] : memref<40x128xi32, #tpu.memory_space<vmem>> -> memref<1x128xi32, #tpu.memory_space<vmem>>
      %dma_start3A_283 = tpu.memref_squeeze %dma_start3A_282 : memref<1x128xi32, #tpu.memory_space<vmem>> -> memref<128xi32, #tpu.memory_space<vmem>>
      %dma_start3A_284 = arith.constant 0 : i32
      %dma_start3A_285 = arith.constant 0 : i32
      %dma_start3A_286 = tpu.memref_slice %arg11[%dma_start3A_284, %dma_start3A_285] : memref<10240x128xf32, #tpu.memory_space<vmem_shared>> -> memref<10240x128xf32, #tpu.memory_space<vmem_shared>>
      tpu.enqueue_indirect_dma source(%arg8 : memref<128x128xf32, #tpu.memory_space<vmem>>) target(%dma_start3A_286 : memref<10240x128xf32, #tpu.memory_space<vmem_shared>>) offsets(%dma_start3A_283 : memref<128xi32, #tpu.memory_space<vmem>>) semaphore(%arg14 : memref<!tpu.dma_semaphore, #tpu.memory_space<semaphore_mem>>) {add = true}
      %dma_wait3A_287 = arith.constant 8 : i32
      %dma_wait3A_288 = arith.constant 0 : i32
      %dma_wait3A_289 = tpu.memref_slice %arg7[%dma_wait3A_287, %dma_wait3A_288] : memref<40x128xi32, #tpu.memory_space<vmem>> -> memref<1x128xi32, #tpu.memory_space<vmem>>
      %dma_wait3A_290 = tpu.memref_squeeze %dma_wait3A_289 : memref<1x128xi32, #tpu.memory_space<vmem>> -> memref<128xi32, #tpu.memory_space<vmem>>
      %dma_wait3A_291 = arith.constant 0 : i32
      %dma_wait3A_292 = arith.constant 0 : i32
      %dma_wait3A_293 = tpu.memref_slice %arg11[%dma_wait3A_291, %dma_wait3A_292] : memref<10240x128xf32, #tpu.memory_space<vmem_shared>> -> memref<10240x128xf32, #tpu.memory_space<vmem_shared>>
      tpu.wait_indirect_dma semaphore(%arg14 : memref<!tpu.dma_semaphore, #tpu.memory_space<semaphore_mem>>) src(%arg8 : memref<128x128xf32, #tpu.memory_space<vmem>>) dst(%dma_wait3A_293 : memref<10240x128xf32, #tpu.memory_space<vmem_shared>>)
      %dma_start3A_294 = arith.constant 10 : i32
      %dma_start3A_295 = arith.constant 0 : i32
      %dma_start3A_296 = tpu.memref_slice %arg6[%dma_start3A_294, %dma_start3A_295] : memref<40x128xi32, #tpu.memory_space<vmem>> -> memref<1x128xi32, #tpu.memory_space<vmem>>
      %dma_start3A_297 = tpu.memref_squeeze %dma_start3A_296 : memref<1x128xi32, #tpu.memory_space<vmem>> -> memref<128xi32, #tpu.memory_space<vmem>>
      %dma_start3A_298 = arith.constant 0 : i32
      %dma_start3A_299 = arith.constant 0 : i32
      %dma_start3A_300 = tpu.memref_slice %arg2[%dma_start3A_298, %dma_start3A_299] : memref<10000x128xf32, #tpu.memory_space<hbm>> -> memref<10000x128xf32, #tpu.memory_space<hbm>>
      tpu.enqueue_indirect_dma source(%dma_start3A_300 : memref<10000x128xf32, #tpu.memory_space<hbm>>) target(%arg8 : memref<128x128xf32, #tpu.memory_space<vmem>>) offsets(%dma_start3A_297 : memref<128xi32, #tpu.memory_space<vmem>>) semaphore(%arg12 : memref<!tpu.dma_semaphore, #tpu.memory_space<semaphore_mem>>)
      %dma_wait3A_301 = arith.constant 9 : i32
      %dma_wait3A_302 = arith.constant 0 : i32
      %dma_wait3A_303 = tpu.memref_slice %arg6[%dma_wait3A_301, %dma_wait3A_302] : memref<40x128xi32, #tpu.memory_space<vmem>> -> memref<1x128xi32, #tpu.memory_space<vmem>>
      %dma_wait3A_304 = tpu.memref_squeeze %dma_wait3A_303 : memref<1x128xi32, #tpu.memory_space<vmem>> -> memref<128xi32, #tpu.memory_space<vmem>>
      %dma_wait3A_305 = arith.constant 0 : i32
      %dma_wait3A_306 = arith.constant 0 : i32
      %dma_wait3A_307 = tpu.memref_slice %arg2[%dma_wait3A_305, %dma_wait3A_306] : memref<10000x128xf32, #tpu.memory_space<hbm>> -> memref<10000x128xf32, #tpu.memory_space<hbm>>
      tpu.wait_indirect_dma semaphore(%arg13 : memref<!tpu.dma_semaphore, #tpu.memory_space<semaphore_mem>>) src(%dma_wait3A_307 : memref<10000x128xf32, #tpu.memory_space<hbm>>) dst(%arg9 : memref<128x128xf32, #tpu.memory_space<vmem>>)
      %dma_start3A_308 = arith.constant 9 : i32
      %dma_start3A_309 = arith.constant 0 : i32
      %dma_start3A_310 = tpu.memref_slice %arg7[%dma_start3A_308, %dma_start3A_309] : memref<40x128xi32, #tpu.memory_space<vmem>> -> memref<1x128xi32, #tpu.memory_space<vmem>>
      %dma_start3A_311 = tpu.memref_squeeze %dma_start3A_310 : memref<1x128xi32, #tpu.memory_space<vmem>> -> memref<128xi32, #tpu.memory_space<vmem>>
      %dma_start3A_312 = arith.constant 0 : i32
      %dma_start3A_313 = arith.constant 0 : i32
      %dma_start3A_314 = tpu.memref_slice %arg11[%dma_start3A_312, %dma_start3A_313] : memref<10240x128xf32, #tpu.memory_space<vmem_shared>> -> memref<10240x128xf32, #tpu.memory_space<vmem_shared>>
      tpu.enqueue_indirect_dma source(%arg9 : memref<128x128xf32, #tpu.memory_space<vmem>>) target(%dma_start3A_314 : memref<10240x128xf32, #tpu.memory_space<vmem_shared>>) offsets(%dma_start3A_311 : memref<128xi32, #tpu.memory_space<vmem>>) semaphore(%arg15 : memref<!tpu.dma_semaphore, #tpu.memory_space<semaphore_mem>>) {add = true}
      %dma_wait3A_315 = arith.constant 9 : i32
      %dma_wait3A_316 = arith.constant 0 : i32
      %dma_wait3A_317 = tpu.memref_slice %arg7[%dma_wait3A_315, %dma_wait3A_316] : memref<40x128xi32, #tpu.memory_space<vmem>> -> memref<1x128xi32, #tpu.memory_space<vmem>>
      %dma_wait3A_318 = tpu.memref_squeeze %dma_wait3A_317 : memref<1x128xi32, #tpu.memory_space<vmem>> -> memref<128xi32, #tpu.memory_space<vmem>>
      %dma_wait3A_319 = arith.constant 0 : i32
      %dma_wait3A_320 = arith.constant 0 : i32
      %dma_wait3A_321 = tpu.memref_slice %arg11[%dma_wait3A_319, %dma_wait3A_320] : memref<10240x128xf32, #tpu.memory_space<vmem_shared>> -> memref<10240x128xf32, #tpu.memory_space<vmem_shared>>
      tpu.wait_indirect_dma semaphore(%arg15 : memref<!tpu.dma_semaphore, #tpu.memory_space<semaphore_mem>>) src(%arg9 : memref<128x128xf32, #tpu.memory_space<vmem>>) dst(%dma_wait3A_321 : memref<10240x128xf32, #tpu.memory_space<vmem_shared>>)
      %dma_start3A_322 = arith.constant 11 : i32
      %dma_start3A_323 = arith.constant 0 : i32
      %dma_start3A_324 = tpu.memref_slice %arg6[%dma_start3A_322, %dma_start3A_323] : memref<40x128xi32, #tpu.memory_space<vmem>> -> memref<1x128xi32, #tpu.memory_space<vmem>>
      %dma_start3A_325 = tpu.memref_squeeze %dma_start3A_324 : memref<1x128xi32, #tpu.memory_space<vmem>> -> memref<128xi32, #tpu.memory_space<vmem>>
      %dma_start3A_326 = arith.constant 0 : i32
      %dma_start3A_327 = arith.constant 0 : i32
      %dma_start3A_328 = tpu.memref_slice %arg2[%dma_start3A_326, %dma_start3A_327] : memref<10000x128xf32, #tpu.memory_space<hbm>> -> memref<10000x128xf32, #tpu.memory_space<hbm>>
      tpu.enqueue_indirect_dma source(%dma_start3A_328 : memref<10000x128xf32, #tpu.memory_space<hbm>>) target(%arg9 : memref<128x128xf32, #tpu.memory_space<vmem>>) offsets(%dma_start3A_325 : memref<128xi32, #tpu.memory_space<vmem>>) semaphore(%arg13 : memref<!tpu.dma_semaphore, #tpu.memory_space<semaphore_mem>>)
      %dma_wait3A_329 = arith.constant 10 : i32
      %dma_wait3A_330 = arith.constant 0 : i32
      %dma_wait3A_331 = tpu.memref_slice %arg6[%dma_wait3A_329, %dma_wait3A_330] : memref<40x128xi32, #tpu.memory_space<vmem>> -> memref<1x128xi32, #tpu.memory_space<vmem>>
      %dma_wait3A_332 = tpu.memref_squeeze %dma_wait3A_331 : memref<1x128xi32, #tpu.memory_space<vmem>> -> memref<128xi32, #tpu.memory_space<vmem>>
      %dma_wait3A_333 = arith.constant 0 : i32
      %dma_wait3A_334 = arith.constant 0 : i32
      %dma_wait3A_335 = tpu.memref_slice %arg2[%dma_wait3A_333, %dma_wait3A_334] : memref<10000x128xf32, #tpu.memory_space<hbm>> -> memref<10000x128xf32, #tpu.memory_space<hbm>>
      tpu.wait_indirect_dma semaphore(%arg12 : memref<!tpu.dma_semaphore, #tpu.memory_space<semaphore_mem>>) src(%dma_wait3A_335 : memref<10000x128xf32, #tpu.memory_space<hbm>>) dst(%arg8 : memref<128x128xf32, #tpu.memory_space<vmem>>)
      %dma_start3A_336 = arith.constant 10 : i32
      %dma_start3A_337 = arith.constant 0 : i32
      %dma_start3A_338 = tpu.memref_slice %arg7[%dma_start3A_336, %dma_start3A_337] : memref<40x128xi32, #tpu.memory_space<vmem>> -> memref<1x128xi32, #tpu.memory_space<vmem>>
      %dma_start3A_339 = tpu.memref_squeeze %dma_start3A_338 : memref<1x128xi32, #tpu.memory_space<vmem>> -> memref<128xi32, #tpu.memory_space<vmem>>
      %dma_start3A_340 = arith.constant 0 : i32
      %dma_start3A_341 = arith.constant 0 : i32
      %dma_start3A_342 = tpu.memref_slice %arg11[%dma_start3A_340, %dma_start3A_341] : memref<10240x128xf32, #tpu.memory_space<vmem_shared>> -> memref<10240x128xf32, #tpu.memory_space<vmem_shared>>
      tpu.enqueue_indirect_dma source(%arg8 : memref<128x128xf32, #tpu.memory_space<vmem>>) target(%dma_start3A_342 : memref<10240x128xf32, #tpu.memory_space<vmem_shared>>) offsets(%dma_start3A_339 : memref<128xi32, #tpu.memory_space<vmem>>) semaphore(%arg14 : memref<!tpu.dma_semaphore, #tpu.memory_space<semaphore_mem>>) {add = true}
      %dma_wait3A_343 = arith.constant 10 : i32
      %dma_wait3A_344 = arith.constant 0 : i32
      %dma_wait3A_345 = tpu.memref_slice %arg7[%dma_wait3A_343, %dma_wait3A_344] : memref<40x128xi32, #tpu.memory_space<vmem>> -> memref<1x128xi32, #tpu.memory_space<vmem>>
      %dma_wait3A_346 = tpu.memref_squeeze %dma_wait3A_345 : memref<1x128xi32, #tpu.memory_space<vmem>> -> memref<128xi32, #tpu.memory_space<vmem>>
      %dma_wait3A_347 = arith.constant 0 : i32
      %dma_wait3A_348 = arith.constant 0 : i32
      %dma_wait3A_349 = tpu.memref_slice %arg11[%dma_wait3A_347, %dma_wait3A_348] : memref<10240x128xf32, #tpu.memory_space<vmem_shared>> -> memref<10240x128xf32, #tpu.memory_space<vmem_shared>>
      tpu.wait_indirect_dma semaphore(%arg14 : memref<!tpu.dma_semaphore, #tpu.memory_space<semaphore_mem>>) src(%arg8 : memref<128x128xf32, #tpu.memory_space<vmem>>) dst(%dma_wait3A_349 : memref<10240x128xf32, #tpu.memory_space<vmem_shared>>)
      %dma_start3A_350 = arith.constant 12 : i32
      %dma_start3A_351 = arith.constant 0 : i32
      %dma_start3A_352 = tpu.memref_slice %arg6[%dma_start3A_350, %dma_start3A_351] : memref<40x128xi32, #tpu.memory_space<vmem>> -> memref<1x128xi32, #tpu.memory_space<vmem>>
      %dma_start3A_353 = tpu.memref_squeeze %dma_start3A_352 : memref<1x128xi32, #tpu.memory_space<vmem>> -> memref<128xi32, #tpu.memory_space<vmem>>
      %dma_start3A_354 = arith.constant 0 : i32
      %dma_start3A_355 = arith.constant 0 : i32
      %dma_start3A_356 = tpu.memref_slice %arg2[%dma_start3A_354, %dma_start3A_355] : memref<10000x128xf32, #tpu.memory_space<hbm>> -> memref<10000x128xf32, #tpu.memory_space<hbm>>
      tpu.enqueue_indirect_dma source(%dma_start3A_356 : memref<10000x128xf32, #tpu.memory_space<hbm>>) target(%arg8 : memref<128x128xf32, #tpu.memory_space<vmem>>) offsets(%dma_start3A_353 : memref<128xi32, #tpu.memory_space<vmem>>) semaphore(%arg12 : memref<!tpu.dma_semaphore, #tpu.memory_space<semaphore_mem>>)
      %dma_wait3A_357 = arith.constant 11 : i32
      %dma_wait3A_358 = arith.constant 0 : i32
      %dma_wait3A_359 = tpu.memref_slice %arg6[%dma_wait3A_357, %dma_wait3A_358] : memref<40x128xi32, #tpu.memory_space<vmem>> -> memref<1x128xi32, #tpu.memory_space<vmem>>
      %dma_wait3A_360 = tpu.memref_squeeze %dma_wait3A_359 : memref<1x128xi32, #tpu.memory_space<vmem>> -> memref<128xi32, #tpu.memory_space<vmem>>
      %dma_wait3A_361 = arith.constant 0 : i32
      %dma_wait3A_362 = arith.constant 0 : i32
      %dma_wait3A_363 = tpu.memref_slice %arg2[%dma_wait3A_361, %dma_wait3A_362] : memref<10000x128xf32, #tpu.memory_space<hbm>> -> memref<10000x128xf32, #tpu.memory_space<hbm>>
      tpu.wait_indirect_dma semaphore(%arg13 : memref<!tpu.dma_semaphore, #tpu.memory_space<semaphore_mem>>) src(%dma_wait3A_363 : memref<10000x128xf32, #tpu.memory_space<hbm>>) dst(%arg9 : memref<128x128xf32, #tpu.memory_space<vmem>>)
      %dma_start3A_364 = arith.constant 11 : i32
      %dma_start3A_365 = arith.constant 0 : i32
      %dma_start3A_366 = tpu.memref_slice %arg7[%dma_start3A_364, %dma_start3A_365] : memref<40x128xi32, #tpu.memory_space<vmem>> -> memref<1x128xi32, #tpu.memory_space<vmem>>
      %dma_start3A_367 = tpu.memref_squeeze %dma_start3A_366 : memref<1x128xi32, #tpu.memory_space<vmem>> -> memref<128xi32, #tpu.memory_space<vmem>>
      %dma_start3A_368 = arith.constant 0 : i32
      %dma_start3A_369 = arith.constant 0 : i32
      %dma_start3A_370 = tpu.memref_slice %arg11[%dma_start3A_368, %dma_start3A_369] : memref<10240x128xf32, #tpu.memory_space<vmem_shared>> -> memref<10240x128xf32, #tpu.memory_space<vmem_shared>>
      tpu.enqueue_indirect_dma source(%arg9 : memref<128x128xf32, #tpu.memory_space<vmem>>) target(%dma_start3A_370 : memref<10240x128xf32, #tpu.memory_space<vmem_shared>>) offsets(%dma_start3A_367 : memref<128xi32, #tpu.memory_space<vmem>>) semaphore(%arg15 : memref<!tpu.dma_semaphore, #tpu.memory_space<semaphore_mem>>) {add = true}
      %dma_wait3A_371 = arith.constant 11 : i32
      %dma_wait3A_372 = arith.constant 0 : i32
      %dma_wait3A_373 = tpu.memref_slice %arg7[%dma_wait3A_371, %dma_wait3A_372] : memref<40x128xi32, #tpu.memory_space<vmem>> -> memref<1x128xi32, #tpu.memory_space<vmem>>
      %dma_wait3A_374 = tpu.memref_squeeze %dma_wait3A_373 : memref<1x128xi32, #tpu.memory_space<vmem>> -> memref<128xi32, #tpu.memory_space<vmem>>
      %dma_wait3A_375 = arith.constant 0 : i32
      %dma_wait3A_376 = arith.constant 0 : i32
      %dma_wait3A_377 = tpu.memref_slice %arg11[%dma_wait3A_375, %dma_wait3A_376] : memref<10240x128xf32, #tpu.memory_space<vmem_shared>> -> memref<10240x128xf32, #tpu.memory_space<vmem_shared>>
      tpu.wait_indirect_dma semaphore(%arg15 : memref<!tpu.dma_semaphore, #tpu.memory_space<semaphore_mem>>) src(%arg9 : memref<128x128xf32, #tpu.memory_space<vmem>>) dst(%dma_wait3A_377 : memref<10240x128xf32, #tpu.memory_space<vmem_shared>>)
      %dma_start3A_378 = arith.constant 13 : i32
      %dma_start3A_379 = arith.constant 0 : i32
      %dma_start3A_380 = tpu.memref_slice %arg6[%dma_start3A_378, %dma_start3A_379] : memref<40x128xi32, #tpu.memory_space<vmem>> -> memref<1x128xi32, #tpu.memory_space<vmem>>
      %dma_start3A_381 = tpu.memref_squeeze %dma_start3A_380 : memref<1x128xi32, #tpu.memory_space<vmem>> -> memref<128xi32, #tpu.memory_space<vmem>>
      %dma_start3A_382 = arith.constant 0 : i32
      %dma_start3A_383 = arith.constant 0 : i32
      %dma_start3A_384 = tpu.memref_slice %arg2[%dma_start3A_382, %dma_start3A_383] : memref<10000x128xf32, #tpu.memory_space<hbm>> -> memref<10000x128xf32, #tpu.memory_space<hbm>>
      tpu.enqueue_indirect_dma source(%dma_start3A_384 : memref<10000x128xf32, #tpu.memory_space<hbm>>) target(%arg9 : memref<128x128xf32, #tpu.memory_space<vmem>>) offsets(%dma_start3A_381 : memref<128xi32, #tpu.memory_space<vmem>>) semaphore(%arg13 : memref<!tpu.dma_semaphore, #tpu.memory_space<semaphore_mem>>)
      %dma_wait3A_385 = arith.constant 12 : i32
      %dma_wait3A_386 = arith.constant 0 : i32
      %dma_wait3A_387 = tpu.memref_slice %arg6[%dma_wait3A_385, %dma_wait3A_386] : memref<40x128xi32, #tpu.memory_space<vmem>> -> memref<1x128xi32, #tpu.memory_space<vmem>>
      %dma_wait3A_388 = tpu.memref_squeeze %dma_wait3A_387 : memref<1x128xi32, #tpu.memory_space<vmem>> -> memref<128xi32, #tpu.memory_space<vmem>>
      %dma_wait3A_389 = arith.constant 0 : i32
      %dma_wait3A_390 = arith.constant 0 : i32
      %dma_wait3A_391 = tpu.memref_slice %arg2[%dma_wait3A_389, %dma_wait3A_390] : memref<10000x128xf32, #tpu.memory_space<hbm>> -> memref<10000x128xf32, #tpu.memory_space<hbm>>
      tpu.wait_indirect_dma semaphore(%arg12 : memref<!tpu.dma_semaphore, #tpu.memory_space<semaphore_mem>>) src(%dma_wait3A_391 : memref<10000x128xf32, #tpu.memory_space<hbm>>) dst(%arg8 : memref<128x128xf32, #tpu.memory_space<vmem>>)
      %dma_start3A_392 = arith.constant 12 : i32
      %dma_start3A_393 = arith.constant 0 : i32
      %dma_start3A_394 = tpu.memref_slice %arg7[%dma_start3A_392, %dma_start3A_393] : memref<40x128xi32, #tpu.memory_space<vmem>> -> memref<1x128xi32, #tpu.memory_space<vmem>>
      %dma_start3A_395 = tpu.memref_squeeze %dma_start3A_394 : memref<1x128xi32, #tpu.memory_space<vmem>> -> memref<128xi32, #tpu.memory_space<vmem>>
      %dma_start3A_396 = arith.constant 0 : i32
      %dma_start3A_397 = arith.constant 0 : i32
      %dma_start3A_398 = tpu.memref_slice %arg11[%dma_start3A_396, %dma_start3A_397] : memref<10240x128xf32, #tpu.memory_space<vmem_shared>> -> memref<10240x128xf32, #tpu.memory_space<vmem_shared>>
      tpu.enqueue_indirect_dma source(%arg8 : memref<128x128xf32, #tpu.memory_space<vmem>>) target(%dma_start3A_398 : memref<10240x128xf32, #tpu.memory_space<vmem_shared>>) offsets(%dma_start3A_395 : memref<128xi32, #tpu.memory_space<vmem>>) semaphore(%arg14 : memref<!tpu.dma_semaphore, #tpu.memory_space<semaphore_mem>>) {add = true}
      %dma_wait3A_399 = arith.constant 12 : i32
      %dma_wait3A_400 = arith.constant 0 : i32
      %dma_wait3A_401 = tpu.memref_slice %arg7[%dma_wait3A_399, %dma_wait3A_400] : memref<40x128xi32, #tpu.memory_space<vmem>> -> memref<1x128xi32, #tpu.memory_space<vmem>>
      %dma_wait3A_402 = tpu.memref_squeeze %dma_wait3A_401 : memref<1x128xi32, #tpu.memory_space<vmem>> -> memref<128xi32, #tpu.memory_space<vmem>>
      %dma_wait3A_403 = arith.constant 0 : i32
      %dma_wait3A_404 = arith.constant 0 : i32
      %dma_wait3A_405 = tpu.memref_slice %arg11[%dma_wait3A_403, %dma_wait3A_404] : memref<10240x128xf32, #tpu.memory_space<vmem_shared>> -> memref<10240x128xf32, #tpu.memory_space<vmem_shared>>
      tpu.wait_indirect_dma semaphore(%arg14 : memref<!tpu.dma_semaphore, #tpu.memory_space<semaphore_mem>>) src(%arg8 : memref<128x128xf32, #tpu.memory_space<vmem>>) dst(%dma_wait3A_405 : memref<10240x128xf32, #tpu.memory_space<vmem_shared>>)
      %dma_start3A_406 = arith.constant 14 : i32
      %dma_start3A_407 = arith.constant 0 : i32
      %dma_start3A_408 = tpu.memref_slice %arg6[%dma_start3A_406, %dma_start3A_407] : memref<40x128xi32, #tpu.memory_space<vmem>> -> memref<1x128xi32, #tpu.memory_space<vmem>>
      %dma_start3A_409 = tpu.memref_squeeze %dma_start3A_408 : memref<1x128xi32, #tpu.memory_space<vmem>> -> memref<128xi32, #tpu.memory_space<vmem>>
      %dma_start3A_410 = arith.constant 0 : i32
      %dma_start3A_411 = arith.constant 0 : i32
      %dma_start3A_412 = tpu.memref_slice %arg2[%dma_start3A_410, %dma_start3A_411] : memref<10000x128xf32, #tpu.memory_space<hbm>> -> memref<10000x128xf32, #tpu.memory_space<hbm>>
      tpu.enqueue_indirect_dma source(%dma_start3A_412 : memref<10000x128xf32, #tpu.memory_space<hbm>>) target(%arg8 : memref<128x128xf32, #tpu.memory_space<vmem>>) offsets(%dma_start3A_409 : memref<128xi32, #tpu.memory_space<vmem>>) semaphore(%arg12 : memref<!tpu.dma_semaphore, #tpu.memory_space<semaphore_mem>>)
      %dma_wait3A_413 = arith.constant 13 : i32
      %dma_wait3A_414 = arith.constant 0 : i32
      %dma_wait3A_415 = tpu.memref_slice %arg6[%dma_wait3A_413, %dma_wait3A_414] : memref<40x128xi32, #tpu.memory_space<vmem>> -> memref<1x128xi32, #tpu.memory_space<vmem>>
      %dma_wait3A_416 = tpu.memref_squeeze %dma_wait3A_415 : memref<1x128xi32, #tpu.memory_space<vmem>> -> memref<128xi32, #tpu.memory_space<vmem>>
      %dma_wait3A_417 = arith.constant 0 : i32
      %dma_wait3A_418 = arith.constant 0 : i32
      %dma_wait3A_419 = tpu.memref_slice %arg2[%dma_wait3A_417, %dma_wait3A_418] : memref<10000x128xf32, #tpu.memory_space<hbm>> -> memref<10000x128xf32, #tpu.memory_space<hbm>>
      tpu.wait_indirect_dma semaphore(%arg13 : memref<!tpu.dma_semaphore, #tpu.memory_space<semaphore_mem>>) src(%dma_wait3A_419 : memref<10000x128xf32, #tpu.memory_space<hbm>>) dst(%arg9 : memref<128x128xf32, #tpu.memory_space<vmem>>)
      %dma_start3A_420 = arith.constant 13 : i32
      %dma_start3A_421 = arith.constant 0 : i32
      %dma_start3A_422 = tpu.memref_slice %arg7[%dma_start3A_420, %dma_start3A_421] : memref<40x128xi32, #tpu.memory_space<vmem>> -> memref<1x128xi32, #tpu.memory_space<vmem>>
      %dma_start3A_423 = tpu.memref_squeeze %dma_start3A_422 : memref<1x128xi32, #tpu.memory_space<vmem>> -> memref<128xi32, #tpu.memory_space<vmem>>
      %dma_start3A_424 = arith.constant 0 : i32
      %dma_start3A_425 = arith.constant 0 : i32
      %dma_start3A_426 = tpu.memref_slice %arg11[%dma_start3A_424, %dma_start3A_425] : memref<10240x128xf32, #tpu.memory_space<vmem_shared>> -> memref<10240x128xf32, #tpu.memory_space<vmem_shared>>
      tpu.enqueue_indirect_dma source(%arg9 : memref<128x128xf32, #tpu.memory_space<vmem>>) target(%dma_start3A_426 : memref<10240x128xf32, #tpu.memory_space<vmem_shared>>) offsets(%dma_start3A_423 : memref<128xi32, #tpu.memory_space<vmem>>) semaphore(%arg15 : memref<!tpu.dma_semaphore, #tpu.memory_space<semaphore_mem>>) {add = true}
      %dma_wait3A_427 = arith.constant 13 : i32
      %dma_wait3A_428 = arith.constant 0 : i32
      %dma_wait3A_429 = tpu.memref_slice %arg7[%dma_wait3A_427, %dma_wait3A_428] : memref<40x128xi32, #tpu.memory_space<vmem>> -> memref<1x128xi32, #tpu.memory_space<vmem>>
      %dma_wait3A_430 = tpu.memref_squeeze %dma_wait3A_429 : memref<1x128xi32, #tpu.memory_space<vmem>> -> memref<128xi32, #tpu.memory_space<vmem>>
      %dma_wait3A_431 = arith.constant 0 : i32
      %dma_wait3A_432 = arith.constant 0 : i32
      %dma_wait3A_433 = tpu.memref_slice %arg11[%dma_wait3A_431, %dma_wait3A_432] : memref<10240x128xf32, #tpu.memory_space<vmem_shared>> -> memref<10240x128xf32, #tpu.memory_space<vmem_shared>>
      tpu.wait_indirect_dma semaphore(%arg15 : memref<!tpu.dma_semaphore, #tpu.memory_space<semaphore_mem>>) src(%arg9 : memref<128x128xf32, #tpu.memory_space<vmem>>) dst(%dma_wait3A_433 : memref<10240x128xf32, #tpu.memory_space<vmem_shared>>)
      %dma_start3A_434 = arith.constant 15 : i32
      %dma_start3A_435 = arith.constant 0 : i32
      %dma_start3A_436 = tpu.memref_slice %arg6[%dma_start3A_434, %dma_start3A_435] : memref<40x128xi32, #tpu.memory_space<vmem>> -> memref<1x128xi32, #tpu.memory_space<vmem>>
      %dma_start3A_437 = tpu.memref_squeeze %dma_start3A_436 : memref<1x128xi32, #tpu.memory_space<vmem>> -> memref<128xi32, #tpu.memory_space<vmem>>
      %dma_start3A_438 = arith.constant 0 : i32
      %dma_start3A_439 = arith.constant 0 : i32
      %dma_start3A_440 = tpu.memref_slice %arg2[%dma_start3A_438, %dma_start3A_439] : memref<10000x128xf32, #tpu.memory_space<hbm>> -> memref<10000x128xf32, #tpu.memory_space<hbm>>
      tpu.enqueue_indirect_dma source(%dma_start3A_440 : memref<10000x128xf32, #tpu.memory_space<hbm>>) target(%arg9 : memref<128x128xf32, #tpu.memory_space<vmem>>) offsets(%dma_start3A_437 : memref<128xi32, #tpu.memory_space<vmem>>) semaphore(%arg13 : memref<!tpu.dma_semaphore, #tpu.memory_space<semaphore_mem>>)
      %dma_wait3A_441 = arith.constant 14 : i32
      %dma_wait3A_442 = arith.constant 0 : i32
      %dma_wait3A_443 = tpu.memref_slice %arg6[%dma_wait3A_441, %dma_wait3A_442] : memref<40x128xi32, #tpu.memory_space<vmem>> -> memref<1x128xi32, #tpu.memory_space<vmem>>
      %dma_wait3A_444 = tpu.memref_squeeze %dma_wait3A_443 : memref<1x128xi32, #tpu.memory_space<vmem>> -> memref<128xi32, #tpu.memory_space<vmem>>
      %dma_wait3A_445 = arith.constant 0 : i32
      %dma_wait3A_446 = arith.constant 0 : i32
      %dma_wait3A_447 = tpu.memref_slice %arg2[%dma_wait3A_445, %dma_wait3A_446] : memref<10000x128xf32, #tpu.memory_space<hbm>> -> memref<10000x128xf32, #tpu.memory_space<hbm>>
      tpu.wait_indirect_dma semaphore(%arg12 : memref<!tpu.dma_semaphore, #tpu.memory_space<semaphore_mem>>) src(%dma_wait3A_447 : memref<10000x128xf32, #tpu.memory_space<hbm>>) dst(%arg8 : memref<128x128xf32, #tpu.memory_space<vmem>>)
      %dma_start3A_448 = arith.constant 14 : i32
      %dma_start3A_449 = arith.constant 0 : i32
      %dma_start3A_450 = tpu.memref_slice %arg7[%dma_start3A_448, %dma_start3A_449] : memref<40x128xi32, #tpu.memory_space<vmem>> -> memref<1x128xi32, #tpu.memory_space<vmem>>
      %dma_start3A_451 = tpu.memref_squeeze %dma_start3A_450 : memref<1x128xi32, #tpu.memory_space<vmem>> -> memref<128xi32, #tpu.memory_space<vmem>>
      %dma_start3A_452 = arith.constant 0 : i32
      %dma_start3A_453 = arith.constant 0 : i32
      %dma_start3A_454 = tpu.memref_slice %arg11[%dma_start3A_452, %dma_start3A_453] : memref<10240x128xf32, #tpu.memory_space<vmem_shared>> -> memref<10240x128xf32, #tpu.memory_space<vmem_shared>>
      tpu.enqueue_indirect_dma source(%arg8 : memref<128x128xf32, #tpu.memory_space<vmem>>) target(%dma_start3A_454 : memref<10240x128xf32, #tpu.memory_space<vmem_shared>>) offsets(%dma_start3A_451 : memref<128xi32, #tpu.memory_space<vmem>>) semaphore(%arg14 : memref<!tpu.dma_semaphore, #tpu.memory_space<semaphore_mem>>) {add = true}
      %dma_wait3A_455 = arith.constant 14 : i32
      %dma_wait3A_456 = arith.constant 0 : i32
      %dma_wait3A_457 = tpu.memref_slice %arg7[%dma_wait3A_455, %dma_wait3A_456] : memref<40x128xi32, #tpu.memory_space<vmem>> -> memref<1x128xi32, #tpu.memory_space<vmem>>
      %dma_wait3A_458 = tpu.memref_squeeze %dma_wait3A_457 : memref<1x128xi32, #tpu.memory_space<vmem>> -> memref<128xi32, #tpu.memory_space<vmem>>
      %dma_wait3A_459 = arith.constant 0 : i32
      %dma_wait3A_460 = arith.constant 0 : i32
      %dma_wait3A_461 = tpu.memref_slice %arg11[%dma_wait3A_459, %dma_wait3A_460] : memref<10240x128xf32, #tpu.memory_space<vmem_shared>> -> memref<10240x128xf32, #tpu.memory_space<vmem_shared>>
      tpu.wait_indirect_dma semaphore(%arg14 : memref<!tpu.dma_semaphore, #tpu.memory_space<semaphore_mem>>) src(%arg8 : memref<128x128xf32, #tpu.memory_space<vmem>>) dst(%dma_wait3A_461 : memref<10240x128xf32, #tpu.memory_space<vmem_shared>>)
      %dma_start3A_462 = arith.constant 16 : i32
      %dma_start3A_463 = arith.constant 0 : i32
      %dma_start3A_464 = tpu.memref_slice %arg6[%dma_start3A_462, %dma_start3A_463] : memref<40x128xi32, #tpu.memory_space<vmem>> -> memref<1x128xi32, #tpu.memory_space<vmem>>
      %dma_start3A_465 = tpu.memref_squeeze %dma_start3A_464 : memref<1x128xi32, #tpu.memory_space<vmem>> -> memref<128xi32, #tpu.memory_space<vmem>>
      %dma_start3A_466 = arith.constant 0 : i32
      %dma_start3A_467 = arith.constant 0 : i32
      %dma_start3A_468 = tpu.memref_slice %arg2[%dma_start3A_466, %dma_start3A_467] : memref<10000x128xf32, #tpu.memory_space<hbm>> -> memref<10000x128xf32, #tpu.memory_space<hbm>>
      tpu.enqueue_indirect_dma source(%dma_start3A_468 : memref<10000x128xf32, #tpu.memory_space<hbm>>) target(%arg8 : memref<128x128xf32, #tpu.memory_space<vmem>>) offsets(%dma_start3A_465 : memref<128xi32, #tpu.memory_space<vmem>>) semaphore(%arg12 : memref<!tpu.dma_semaphore, #tpu.memory_space<semaphore_mem>>)
      %dma_wait3A_469 = arith.constant 15 : i32
      %dma_wait3A_470 = arith.constant 0 : i32
      %dma_wait3A_471 = tpu.memref_slice %arg6[%dma_wait3A_469, %dma_wait3A_470] : memref<40x128xi32, #tpu.memory_space<vmem>> -> memref<1x128xi32, #tpu.memory_space<vmem>>
      %dma_wait3A_472 = tpu.memref_squeeze %dma_wait3A_471 : memref<1x128xi32, #tpu.memory_space<vmem>> -> memref<128xi32, #tpu.memory_space<vmem>>
      %dma_wait3A_473 = arith.constant 0 : i32
      %dma_wait3A_474 = arith.constant 0 : i32
      %dma_wait3A_475 = tpu.memref_slice %arg2[%dma_wait3A_473, %dma_wait3A_474] : memref<10000x128xf32, #tpu.memory_space<hbm>> -> memref<10000x128xf32, #tpu.memory_space<hbm>>
      tpu.wait_indirect_dma semaphore(%arg13 : memref<!tpu.dma_semaphore, #tpu.memory_space<semaphore_mem>>) src(%dma_wait3A_475 : memref<10000x128xf32, #tpu.memory_space<hbm>>) dst(%arg9 : memref<128x128xf32, #tpu.memory_space<vmem>>)
      %dma_start3A_476 = arith.constant 15 : i32
      %dma_start3A_477 = arith.constant 0 : i32
      %dma_start3A_478 = tpu.memref_slice %arg7[%dma_start3A_476, %dma_start3A_477] : memref<40x128xi32, #tpu.memory_space<vmem>> -> memref<1x128xi32, #tpu.memory_space<vmem>>
      %dma_start3A_479 = tpu.memref_squeeze %dma_start3A_478 : memref<1x128xi32, #tpu.memory_space<vmem>> -> memref<128xi32, #tpu.memory_space<vmem>>
      %dma_start3A_480 = arith.constant 0 : i32
      %dma_start3A_481 = arith.constant 0 : i32
      %dma_start3A_482 = tpu.memref_slice %arg11[%dma_start3A_480, %dma_start3A_481] : memref<10240x128xf32, #tpu.memory_space<vmem_shared>> -> memref<10240x128xf32, #tpu.memory_space<vmem_shared>>
      tpu.enqueue_indirect_dma source(%arg9 : memref<128x128xf32, #tpu.memory_space<vmem>>) target(%dma_start3A_482 : memref<10240x128xf32, #tpu.memory_space<vmem_shared>>) offsets(%dma_start3A_479 : memref<128xi32, #tpu.memory_space<vmem>>) semaphore(%arg15 : memref<!tpu.dma_semaphore, #tpu.memory_space<semaphore_mem>>) {add = true}
      %dma_wait3A_483 = arith.constant 15 : i32
      %dma_wait3A_484 = arith.constant 0 : i32
      %dma_wait3A_485 = tpu.memref_slice %arg7[%dma_wait3A_483, %dma_wait3A_484] : memref<40x128xi32, #tpu.memory_space<vmem>> -> memref<1x128xi32, #tpu.memory_space<vmem>>
      %dma_wait3A_486 = tpu.memref_squeeze %dma_wait3A_485 : memref<1x128xi32, #tpu.memory_space<vmem>> -> memref<128xi32, #tpu.memory_space<vmem>>
      %dma_wait3A_487 = arith.constant 0 : i32
      %dma_wait3A_488 = arith.constant 0 : i32
      %dma_wait3A_489 = tpu.memref_slice %arg11[%dma_wait3A_487, %dma_wait3A_488] : memref<10240x128xf32, #tpu.memory_space<vmem_shared>> -> memref<10240x128xf32, #tpu.memory_space<vmem_shared>>
      tpu.wait_indirect_dma semaphore(%arg15 : memref<!tpu.dma_semaphore, #tpu.memory_space<semaphore_mem>>) src(%arg9 : memref<128x128xf32, #tpu.memory_space<vmem>>) dst(%dma_wait3A_489 : memref<10240x128xf32, #tpu.memory_space<vmem_shared>>)
      %dma_start3A_490 = arith.constant 17 : i32
      %dma_start3A_491 = arith.constant 0 : i32
      %dma_start3A_492 = tpu.memref_slice %arg6[%dma_start3A_490, %dma_start3A_491] : memref<40x128xi32, #tpu.memory_space<vmem>> -> memref<1x128xi32, #tpu.memory_space<vmem>>
      %dma_start3A_493 = tpu.memref_squeeze %dma_start3A_492 : memref<1x128xi32, #tpu.memory_space<vmem>> -> memref<128xi32, #tpu.memory_space<vmem>>
      %dma_start3A_494 = arith.constant 0 : i32
      %dma_start3A_495 = arith.constant 0 : i32
      %dma_start3A_496 = tpu.memref_slice %arg2[%dma_start3A_494, %dma_start3A_495] : memref<10000x128xf32, #tpu.memory_space<hbm>> -> memref<10000x128xf32, #tpu.memory_space<hbm>>
      tpu.enqueue_indirect_dma source(%dma_start3A_496 : memref<10000x128xf32, #tpu.memory_space<hbm>>) target(%arg9 : memref<128x128xf32, #tpu.memory_space<vmem>>) offsets(%dma_start3A_493 : memref<128xi32, #tpu.memory_space<vmem>>) semaphore(%arg13 : memref<!tpu.dma_semaphore, #tpu.memory_space<semaphore_mem>>)
      %dma_wait3A_497 = arith.constant 16 : i32
      %dma_wait3A_498 = arith.constant 0 : i32
      %dma_wait3A_499 = tpu.memref_slice %arg6[%dma_wait3A_497, %dma_wait3A_498] : memref<40x128xi32, #tpu.memory_space<vmem>> -> memref<1x128xi32, #tpu.memory_space<vmem>>
      %dma_wait3A_500 = tpu.memref_squeeze %dma_wait3A_499 : memref<1x128xi32, #tpu.memory_space<vmem>> -> memref<128xi32, #tpu.memory_space<vmem>>
      %dma_wait3A_501 = arith.constant 0 : i32
      %dma_wait3A_502 = arith.constant 0 : i32
      %dma_wait3A_503 = tpu.memref_slice %arg2[%dma_wait3A_501, %dma_wait3A_502] : memref<10000x128xf32, #tpu.memory_space<hbm>> -> memref<10000x128xf32, #tpu.memory_space<hbm>>
      tpu.wait_indirect_dma semaphore(%arg12 : memref<!tpu.dma_semaphore, #tpu.memory_space<semaphore_mem>>) src(%dma_wait3A_503 : memref<10000x128xf32, #tpu.memory_space<hbm>>) dst(%arg8 : memref<128x128xf32, #tpu.memory_space<vmem>>)
      %dma_start3A_504 = arith.constant 16 : i32
      %dma_start3A_505 = arith.constant 0 : i32
      %dma_start3A_506 = tpu.memref_slice %arg7[%dma_start3A_504, %dma_start3A_505] : memref<40x128xi32, #tpu.memory_space<vmem>> -> memref<1x128xi32, #tpu.memory_space<vmem>>
      %dma_start3A_507 = tpu.memref_squeeze %dma_start3A_506 : memref<1x128xi32, #tpu.memory_space<vmem>> -> memref<128xi32, #tpu.memory_space<vmem>>
      %dma_start3A_508 = arith.constant 0 : i32
      %dma_start3A_509 = arith.constant 0 : i32
      %dma_start3A_510 = tpu.memref_slice %arg11[%dma_start3A_508, %dma_start3A_509] : memref<10240x128xf32, #tpu.memory_space<vmem_shared>> -> memref<10240x128xf32, #tpu.memory_space<vmem_shared>>
      tpu.enqueue_indirect_dma source(%arg8 : memref<128x128xf32, #tpu.memory_space<vmem>>) target(%dma_start3A_510 : memref<10240x128xf32, #tpu.memory_space<vmem_shared>>) offsets(%dma_start3A_507 : memref<128xi32, #tpu.memory_space<vmem>>) semaphore(%arg14 : memref<!tpu.dma_semaphore, #tpu.memory_space<semaphore_mem>>) {add = true}
      %dma_wait3A_511 = arith.constant 16 : i32
      %dma_wait3A_512 = arith.constant 0 : i32
      %dma_wait3A_513 = tpu.memref_slice %arg7[%dma_wait3A_511, %dma_wait3A_512] : memref<40x128xi32, #tpu.memory_space<vmem>> -> memref<1x128xi32, #tpu.memory_space<vmem>>
      %dma_wait3A_514 = tpu.memref_squeeze %dma_wait3A_513 : memref<1x128xi32, #tpu.memory_space<vmem>> -> memref<128xi32, #tpu.memory_space<vmem>>
      %dma_wait3A_515 = arith.constant 0 : i32
      %dma_wait3A_516 = arith.constant 0 : i32
      %dma_wait3A_517 = tpu.memref_slice %arg11[%dma_wait3A_515, %dma_wait3A_516] : memref<10240x128xf32, #tpu.memory_space<vmem_shared>> -> memref<10240x128xf32, #tpu.memory_space<vmem_shared>>
      tpu.wait_indirect_dma semaphore(%arg14 : memref<!tpu.dma_semaphore, #tpu.memory_space<semaphore_mem>>) src(%arg8 : memref<128x128xf32, #tpu.memory_space<vmem>>) dst(%dma_wait3A_517 : memref<10240x128xf32, #tpu.memory_space<vmem_shared>>)
      %dma_start3A_518 = arith.constant 18 : i32
      %dma_start3A_519 = arith.constant 0 : i32
      %dma_start3A_520 = tpu.memref_slice %arg6[%dma_start3A_518, %dma_start3A_519] : memref<40x128xi32, #tpu.memory_space<vmem>> -> memref<1x128xi32, #tpu.memory_space<vmem>>
      %dma_start3A_521 = tpu.memref_squeeze %dma_start3A_520 : memref<1x128xi32, #tpu.memory_space<vmem>> -> memref<128xi32, #tpu.memory_space<vmem>>
      %dma_start3A_522 = arith.constant 0 : i32
      %dma_start3A_523 = arith.constant 0 : i32
      %dma_start3A_524 = tpu.memref_slice %arg2[%dma_start3A_522, %dma_start3A_523] : memref<10000x128xf32, #tpu.memory_space<hbm>> -> memref<10000x128xf32, #tpu.memory_space<hbm>>
      tpu.enqueue_indirect_dma source(%dma_start3A_524 : memref<10000x128xf32, #tpu.memory_space<hbm>>) target(%arg8 : memref<128x128xf32, #tpu.memory_space<vmem>>) offsets(%dma_start3A_521 : memref<128xi32, #tpu.memory_space<vmem>>) semaphore(%arg12 : memref<!tpu.dma_semaphore, #tpu.memory_space<semaphore_mem>>)
      %dma_wait3A_525 = arith.constant 17 : i32
      %dma_wait3A_526 = arith.constant 0 : i32
      %dma_wait3A_527 = tpu.memref_slice %arg6[%dma_wait3A_525, %dma_wait3A_526] : memref<40x128xi32, #tpu.memory_space<vmem>> -> memref<1x128xi32, #tpu.memory_space<vmem>>
      %dma_wait3A_528 = tpu.memref_squeeze %dma_wait3A_527 : memref<1x128xi32, #tpu.memory_space<vmem>> -> memref<128xi32, #tpu.memory_space<vmem>>
      %dma_wait3A_529 = arith.constant 0 : i32
      %dma_wait3A_530 = arith.constant 0 : i32
      %dma_wait3A_531 = tpu.memref_slice %arg2[%dma_wait3A_529, %dma_wait3A_530] : memref<10000x128xf32, #tpu.memory_space<hbm>> -> memref<10000x128xf32, #tpu.memory_space<hbm>>
      tpu.wait_indirect_dma semaphore(%arg13 : memref<!tpu.dma_semaphore, #tpu.memory_space<semaphore_mem>>) src(%dma_wait3A_531 : memref<10000x128xf32, #tpu.memory_space<hbm>>) dst(%arg9 : memref<128x128xf32, #tpu.memory_space<vmem>>)
      %dma_start3A_532 = arith.constant 17 : i32
      %dma_start3A_533 = arith.constant 0 : i32
      %dma_start3A_534 = tpu.memref_slice %arg7[%dma_start3A_532, %dma_start3A_533] : memref<40x128xi32, #tpu.memory_space<vmem>> -> memref<1x128xi32, #tpu.memory_space<vmem>>
      %dma_start3A_535 = tpu.memref_squeeze %dma_start3A_534 : memref<1x128xi32, #tpu.memory_space<vmem>> -> memref<128xi32, #tpu.memory_space<vmem>>
      %dma_start3A_536 = arith.constant 0 : i32
      %dma_start3A_537 = arith.constant 0 : i32
      %dma_start3A_538 = tpu.memref_slice %arg11[%dma_start3A_536, %dma_start3A_537] : memref<10240x128xf32, #tpu.memory_space<vmem_shared>> -> memref<10240x128xf32, #tpu.memory_space<vmem_shared>>
      tpu.enqueue_indirect_dma source(%arg9 : memref<128x128xf32, #tpu.memory_space<vmem>>) target(%dma_start3A_538 : memref<10240x128xf32, #tpu.memory_space<vmem_shared>>) offsets(%dma_start3A_535 : memref<128xi32, #tpu.memory_space<vmem>>) semaphore(%arg15 : memref<!tpu.dma_semaphore, #tpu.memory_space<semaphore_mem>>) {add = true}
      %dma_wait3A_539 = arith.constant 17 : i32
      %dma_wait3A_540 = arith.constant 0 : i32
      %dma_wait3A_541 = tpu.memref_slice %arg7[%dma_wait3A_539, %dma_wait3A_540] : memref<40x128xi32, #tpu.memory_space<vmem>> -> memref<1x128xi32, #tpu.memory_space<vmem>>
      %dma_wait3A_542 = tpu.memref_squeeze %dma_wait3A_541 : memref<1x128xi32, #tpu.memory_space<vmem>> -> memref<128xi32, #tpu.memory_space<vmem>>
      %dma_wait3A_543 = arith.constant 0 : i32
      %dma_wait3A_544 = arith.constant 0 : i32
      %dma_wait3A_545 = tpu.memref_slice %arg11[%dma_wait3A_543, %dma_wait3A_544] : memref<10240x128xf32, #tpu.memory_space<vmem_shared>> -> memref<10240x128xf32, #tpu.memory_space<vmem_shared>>
      tpu.wait_indirect_dma semaphore(%arg15 : memref<!tpu.dma_semaphore, #tpu.memory_space<semaphore_mem>>) src(%arg9 : memref<128x128xf32, #tpu.memory_space<vmem>>) dst(%dma_wait3A_545 : memref<10240x128xf32, #tpu.memory_space<vmem_shared>>)
      %dma_start3A_546 = arith.constant 19 : i32
      %dma_start3A_547 = arith.constant 0 : i32
      %dma_start3A_548 = tpu.memref_slice %arg6[%dma_start3A_546, %dma_start3A_547] : memref<40x128xi32, #tpu.memory_space<vmem>> -> memref<1x128xi32, #tpu.memory_space<vmem>>
      %dma_start3A_549 = tpu.memref_squeeze %dma_start3A_548 : memref<1x128xi32, #tpu.memory_space<vmem>> -> memref<128xi32, #tpu.memory_space<vmem>>
      %dma_start3A_550 = arith.constant 0 : i32
      %dma_start3A_551 = arith.constant 0 : i32
      %dma_start3A_552 = tpu.memref_slice %arg2[%dma_start3A_550, %dma_start3A_551] : memref<10000x128xf32, #tpu.memory_space<hbm>> -> memref<10000x128xf32, #tpu.memory_space<hbm>>
      tpu.enqueue_indirect_dma source(%dma_start3A_552 : memref<10000x128xf32, #tpu.memory_space<hbm>>) target(%arg9 : memref<128x128xf32, #tpu.memory_space<vmem>>) offsets(%dma_start3A_549 : memref<128xi32, #tpu.memory_space<vmem>>) semaphore(%arg13 : memref<!tpu.dma_semaphore, #tpu.memory_space<semaphore_mem>>)
      %dma_wait3A_553 = arith.constant 18 : i32
      %dma_wait3A_554 = arith.constant 0 : i32
      %dma_wait3A_555 = tpu.memref_slice %arg6[%dma_wait3A_553, %dma_wait3A_554] : memref<40x128xi32, #tpu.memory_space<vmem>> -> memref<1x128xi32, #tpu.memory_space<vmem>>
      %dma_wait3A_556 = tpu.memref_squeeze %dma_wait3A_555 : memref<1x128xi32, #tpu.memory_space<vmem>> -> memref<128xi32, #tpu.memory_space<vmem>>
      %dma_wait3A_557 = arith.constant 0 : i32
      %dma_wait3A_558 = arith.constant 0 : i32
      %dma_wait3A_559 = tpu.memref_slice %arg2[%dma_wait3A_557, %dma_wait3A_558] : memref<10000x128xf32, #tpu.memory_space<hbm>> -> memref<10000x128xf32, #tpu.memory_space<hbm>>
      tpu.wait_indirect_dma semaphore(%arg12 : memref<!tpu.dma_semaphore, #tpu.memory_space<semaphore_mem>>) src(%dma_wait3A_559 : memref<10000x128xf32, #tpu.memory_space<hbm>>) dst(%arg8 : memref<128x128xf32, #tpu.memory_space<vmem>>)
      %dma_start3A_560 = arith.constant 18 : i32
      %dma_start3A_561 = arith.constant 0 : i32
      %dma_start3A_562 = tpu.memref_slice %arg7[%dma_start3A_560, %dma_start3A_561] : memref<40x128xi32, #tpu.memory_space<vmem>> -> memref<1x128xi32, #tpu.memory_space<vmem>>
      %dma_start3A_563 = tpu.memref_squeeze %dma_start3A_562 : memref<1x128xi32, #tpu.memory_space<vmem>> -> memref<128xi32, #tpu.memory_space<vmem>>
      %dma_start3A_564 = arith.constant 0 : i32
      %dma_start3A_565 = arith.constant 0 : i32
      %dma_start3A_566 = tpu.memref_slice %arg11[%dma_start3A_564, %dma_start3A_565] : memref<10240x128xf32, #tpu.memory_space<vmem_shared>> -> memref<10240x128xf32, #tpu.memory_space<vmem_shared>>
      tpu.enqueue_indirect_dma source(%arg8 : memref<128x128xf32, #tpu.memory_space<vmem>>) target(%dma_start3A_566 : memref<10240x128xf32, #tpu.memory_space<vmem_shared>>) offsets(%dma_start3A_563 : memref<128xi32, #tpu.memory_space<vmem>>) semaphore(%arg14 : memref<!tpu.dma_semaphore, #tpu.memory_space<semaphore_mem>>) {add = true}
      %dma_wait3A_567 = arith.constant 18 : i32
      %dma_wait3A_568 = arith.constant 0 : i32
      %dma_wait3A_569 = tpu.memref_slice %arg7[%dma_wait3A_567, %dma_wait3A_568] : memref<40x128xi32, #tpu.memory_space<vmem>> -> memref<1x128xi32, #tpu.memory_space<vmem>>
      %dma_wait3A_570 = tpu.memref_squeeze %dma_wait3A_569 : memref<1x128xi32, #tpu.memory_space<vmem>> -> memref<128xi32, #tpu.memory_space<vmem>>
      %dma_wait3A_571 = arith.constant 0 : i32
      %dma_wait3A_572 = arith.constant 0 : i32
      %dma_wait3A_573 = tpu.memref_slice %arg11[%dma_wait3A_571, %dma_wait3A_572] : memref<10240x128xf32, #tpu.memory_space<vmem_shared>> -> memref<10240x128xf32, #tpu.memory_space<vmem_shared>>
      tpu.wait_indirect_dma semaphore(%arg14 : memref<!tpu.dma_semaphore, #tpu.memory_space<semaphore_mem>>) src(%arg8 : memref<128x128xf32, #tpu.memory_space<vmem>>) dst(%dma_wait3A_573 : memref<10240x128xf32, #tpu.memory_space<vmem_shared>>)
      %dma_start3A_574 = arith.constant 20 : i32
      %dma_start3A_575 = arith.constant 0 : i32
      %dma_start3A_576 = tpu.memref_slice %arg6[%dma_start3A_574, %dma_start3A_575] : memref<40x128xi32, #tpu.memory_space<vmem>> -> memref<1x128xi32, #tpu.memory_space<vmem>>
      %dma_start3A_577 = tpu.memref_squeeze %dma_start3A_576 : memref<1x128xi32, #tpu.memory_space<vmem>> -> memref<128xi32, #tpu.memory_space<vmem>>
      %dma_start3A_578 = arith.constant 0 : i32
      %dma_start3A_579 = arith.constant 0 : i32
      %dma_start3A_580 = tpu.memref_slice %arg2[%dma_start3A_578, %dma_start3A_579] : memref<10000x128xf32, #tpu.memory_space<hbm>> -> memref<10000x128xf32, #tpu.memory_space<hbm>>
      tpu.enqueue_indirect_dma source(%dma_start3A_580 : memref<10000x128xf32, #tpu.memory_space<hbm>>) target(%arg8 : memref<128x128xf32, #tpu.memory_space<vmem>>) offsets(%dma_start3A_577 : memref<128xi32, #tpu.memory_space<vmem>>) semaphore(%arg12 : memref<!tpu.dma_semaphore, #tpu.memory_space<semaphore_mem>>)
      %dma_wait3A_581 = arith.constant 19 : i32
      %dma_wait3A_582 = arith.constant 0 : i32
      %dma_wait3A_583 = tpu.memref_slice %arg6[%dma_wait3A_581, %dma_wait3A_582] : memref<40x128xi32, #tpu.memory_space<vmem>> -> memref<1x128xi32, #tpu.memory_space<vmem>>
      %dma_wait3A_584 = tpu.memref_squeeze %dma_wait3A_583 : memref<1x128xi32, #tpu.memory_space<vmem>> -> memref<128xi32, #tpu.memory_space<vmem>>
      %dma_wait3A_585 = arith.constant 0 : i32
      %dma_wait3A_586 = arith.constant 0 : i32
      %dma_wait3A_587 = tpu.memref_slice %arg2[%dma_wait3A_585, %dma_wait3A_586] : memref<10000x128xf32, #tpu.memory_space<hbm>> -> memref<10000x128xf32, #tpu.memory_space<hbm>>
      tpu.wait_indirect_dma semaphore(%arg13 : memref<!tpu.dma_semaphore, #tpu.memory_space<semaphore_mem>>) src(%dma_wait3A_587 : memref<10000x128xf32, #tpu.memory_space<hbm>>) dst(%arg9 : memref<128x128xf32, #tpu.memory_space<vmem>>)
      %dma_start3A_588 = arith.constant 19 : i32
      %dma_start3A_589 = arith.constant 0 : i32
      %dma_start3A_590 = tpu.memref_slice %arg7[%dma_start3A_588, %dma_start3A_589] : memref<40x128xi32, #tpu.memory_space<vmem>> -> memref<1x128xi32, #tpu.memory_space<vmem>>
      %dma_start3A_591 = tpu.memref_squeeze %dma_start3A_590 : memref<1x128xi32, #tpu.memory_space<vmem>> -> memref<128xi32, #tpu.memory_space<vmem>>
      %dma_start3A_592 = arith.constant 0 : i32
      %dma_start3A_593 = arith.constant 0 : i32
      %dma_start3A_594 = tpu.memref_slice %arg11[%dma_start3A_592, %dma_start3A_593] : memref<10240x128xf32, #tpu.memory_space<vmem_shared>> -> memref<10240x128xf32, #tpu.memory_space<vmem_shared>>
      tpu.enqueue_indirect_dma source(%arg9 : memref<128x128xf32, #tpu.memory_space<vmem>>) target(%dma_start3A_594 : memref<10240x128xf32, #tpu.memory_space<vmem_shared>>) offsets(%dma_start3A_591 : memref<128xi32, #tpu.memory_space<vmem>>) semaphore(%arg15 : memref<!tpu.dma_semaphore, #tpu.memory_space<semaphore_mem>>) {add = true}
      %dma_wait3A_595 = arith.constant 19 : i32
      %dma_wait3A_596 = arith.constant 0 : i32
      %dma_wait3A_597 = tpu.memref_slice %arg7[%dma_wait3A_595, %dma_wait3A_596] : memref<40x128xi32, #tpu.memory_space<vmem>> -> memref<1x128xi32, #tpu.memory_space<vmem>>
      %dma_wait3A_598 = tpu.memref_squeeze %dma_wait3A_597 : memref<1x128xi32, #tpu.memory_space<vmem>> -> memref<128xi32, #tpu.memory_space<vmem>>
      %dma_wait3A_599 = arith.constant 0 : i32
      %dma_wait3A_600 = arith.constant 0 : i32
      %dma_wait3A_601 = tpu.memref_slice %arg11[%dma_wait3A_599, %dma_wait3A_600] : memref<10240x128xf32, #tpu.memory_space<vmem_shared>> -> memref<10240x128xf32, #tpu.memory_space<vmem_shared>>
      tpu.wait_indirect_dma semaphore(%arg15 : memref<!tpu.dma_semaphore, #tpu.memory_space<semaphore_mem>>) src(%arg9 : memref<128x128xf32, #tpu.memory_space<vmem>>) dst(%dma_wait3A_601 : memref<10240x128xf32, #tpu.memory_space<vmem_shared>>)
      %dma_start3A_602 = arith.constant 21 : i32
      %dma_start3A_603 = arith.constant 0 : i32
      %dma_start3A_604 = tpu.memref_slice %arg6[%dma_start3A_602, %dma_start3A_603] : memref<40x128xi32, #tpu.memory_space<vmem>> -> memref<1x128xi32, #tpu.memory_space<vmem>>
      %dma_start3A_605 = tpu.memref_squeeze %dma_start3A_604 : memref<1x128xi32, #tpu.memory_space<vmem>> -> memref<128xi32, #tpu.memory_space<vmem>>
      %dma_start3A_606 = arith.constant 0 : i32
      %dma_start3A_607 = arith.constant 0 : i32
      %dma_start3A_608 = tpu.memref_slice %arg2[%dma_start3A_606, %dma_start3A_607] : memref<10000x128xf32, #tpu.memory_space<hbm>> -> memref<10000x128xf32, #tpu.memory_space<hbm>>
      tpu.enqueue_indirect_dma source(%dma_start3A_608 : memref<10000x128xf32, #tpu.memory_space<hbm>>) target(%arg9 : memref<128x128xf32, #tpu.memory_space<vmem>>) offsets(%dma_start3A_605 : memref<128xi32, #tpu.memory_space<vmem>>) semaphore(%arg13 : memref<!tpu.dma_semaphore, #tpu.memory_space<semaphore_mem>>)
      %dma_wait3A_609 = arith.constant 20 : i32
      %dma_wait3A_610 = arith.constant 0 : i32
      %dma_wait3A_611 = tpu.memref_slice %arg6[%dma_wait3A_609, %dma_wait3A_610] : memref<40x128xi32, #tpu.memory_space<vmem>> -> memref<1x128xi32, #tpu.memory_space<vmem>>
      %dma_wait3A_612 = tpu.memref_squeeze %dma_wait3A_611 : memref<1x128xi32, #tpu.memory_space<vmem>> -> memref<128xi32, #tpu.memory_space<vmem>>
      %dma_wait3A_613 = arith.constant 0 : i32
      %dma_wait3A_614 = arith.constant 0 : i32
      %dma_wait3A_615 = tpu.memref_slice %arg2[%dma_wait3A_613, %dma_wait3A_614] : memref<10000x128xf32, #tpu.memory_space<hbm>> -> memref<10000x128xf32, #tpu.memory_space<hbm>>
      tpu.wait_indirect_dma semaphore(%arg12 : memref<!tpu.dma_semaphore, #tpu.memory_space<semaphore_mem>>) src(%dma_wait3A_615 : memref<10000x128xf32, #tpu.memory_space<hbm>>) dst(%arg8 : memref<128x128xf32, #tpu.memory_space<vmem>>)
      %dma_start3A_616 = arith.constant 20 : i32
      %dma_start3A_617 = arith.constant 0 : i32
      %dma_start3A_618 = tpu.memref_slice %arg7[%dma_start3A_616, %dma_start3A_617] : memref<40x128xi32, #tpu.memory_space<vmem>> -> memref<1x128xi32, #tpu.memory_space<vmem>>
      %dma_start3A_619 = tpu.memref_squeeze %dma_start3A_618 : memref<1x128xi32, #tpu.memory_space<vmem>> -> memref<128xi32, #tpu.memory_space<vmem>>
      %dma_start3A_620 = arith.constant 0 : i32
      %dma_start3A_621 = arith.constant 0 : i32
      %dma_start3A_622 = tpu.memref_slice %arg11[%dma_start3A_620, %dma_start3A_621] : memref<10240x128xf32, #tpu.memory_space<vmem_shared>> -> memref<10240x128xf32, #tpu.memory_space<vmem_shared>>
      tpu.enqueue_indirect_dma source(%arg8 : memref<128x128xf32, #tpu.memory_space<vmem>>) target(%dma_start3A_622 : memref<10240x128xf32, #tpu.memory_space<vmem_shared>>) offsets(%dma_start3A_619 : memref<128xi32, #tpu.memory_space<vmem>>) semaphore(%arg14 : memref<!tpu.dma_semaphore, #tpu.memory_space<semaphore_mem>>) {add = true}
      %dma_wait3A_623 = arith.constant 20 : i32
      %dma_wait3A_624 = arith.constant 0 : i32
      %dma_wait3A_625 = tpu.memref_slice %arg7[%dma_wait3A_623, %dma_wait3A_624] : memref<40x128xi32, #tpu.memory_space<vmem>> -> memref<1x128xi32, #tpu.memory_space<vmem>>
      %dma_wait3A_626 = tpu.memref_squeeze %dma_wait3A_625 : memref<1x128xi32, #tpu.memory_space<vmem>> -> memref<128xi32, #tpu.memory_space<vmem>>
      %dma_wait3A_627 = arith.constant 0 : i32
      %dma_wait3A_628 = arith.constant 0 : i32
      %dma_wait3A_629 = tpu.memref_slice %arg11[%dma_wait3A_627, %dma_wait3A_628] : memref<10240x128xf32, #tpu.memory_space<vmem_shared>> -> memref<10240x128xf32, #tpu.memory_space<vmem_shared>>
      tpu.wait_indirect_dma semaphore(%arg14 : memref<!tpu.dma_semaphore, #tpu.memory_space<semaphore_mem>>) src(%arg8 : memref<128x128xf32, #tpu.memory_space<vmem>>) dst(%dma_wait3A_629 : memref<10240x128xf32, #tpu.memory_space<vmem_shared>>)
      %dma_start3A_630 = arith.constant 22 : i32
      %dma_start3A_631 = arith.constant 0 : i32
      %dma_start3A_632 = tpu.memref_slice %arg6[%dma_start3A_630, %dma_start3A_631] : memref<40x128xi32, #tpu.memory_space<vmem>> -> memref<1x128xi32, #tpu.memory_space<vmem>>
      %dma_start3A_633 = tpu.memref_squeeze %dma_start3A_632 : memref<1x128xi32, #tpu.memory_space<vmem>> -> memref<128xi32, #tpu.memory_space<vmem>>
      %dma_start3A_634 = arith.constant 0 : i32
      %dma_start3A_635 = arith.constant 0 : i32
      %dma_start3A_636 = tpu.memref_slice %arg2[%dma_start3A_634, %dma_start3A_635] : memref<10000x128xf32, #tpu.memory_space<hbm>> -> memref<10000x128xf32, #tpu.memory_space<hbm>>
      tpu.enqueue_indirect_dma source(%dma_start3A_636 : memref<10000x128xf32, #tpu.memory_space<hbm>>) target(%arg8 : memref<128x128xf32, #tpu.memory_space<vmem>>) offsets(%dma_start3A_633 : memref<128xi32, #tpu.memory_space<vmem>>) semaphore(%arg12 : memref<!tpu.dma_semaphore, #tpu.memory_space<semaphore_mem>>)
      %dma_wait3A_637 = arith.constant 21 : i32
      %dma_wait3A_638 = arith.constant 0 : i32
      %dma_wait3A_639 = tpu.memref_slice %arg6[%dma_wait3A_637, %dma_wait3A_638] : memref<40x128xi32, #tpu.memory_space<vmem>> -> memref<1x128xi32, #tpu.memory_space<vmem>>
      %dma_wait3A_640 = tpu.memref_squeeze %dma_wait3A_639 : memref<1x128xi32, #tpu.memory_space<vmem>> -> memref<128xi32, #tpu.memory_space<vmem>>
      %dma_wait3A_641 = arith.constant 0 : i32
      %dma_wait3A_642 = arith.constant 0 : i32
      %dma_wait3A_643 = tpu.memref_slice %arg2[%dma_wait3A_641, %dma_wait3A_642] : memref<10000x128xf32, #tpu.memory_space<hbm>> -> memref<10000x128xf32, #tpu.memory_space<hbm>>
      tpu.wait_indirect_dma semaphore(%arg13 : memref<!tpu.dma_semaphore, #tpu.memory_space<semaphore_mem>>) src(%dma_wait3A_643 : memref<10000x128xf32, #tpu.memory_space<hbm>>) dst(%arg9 : memref<128x128xf32, #tpu.memory_space<vmem>>)
      %dma_start3A_644 = arith.constant 21 : i32
      %dma_start3A_645 = arith.constant 0 : i32
      %dma_start3A_646 = tpu.memref_slice %arg7[%dma_start3A_644, %dma_start3A_645] : memref<40x128xi32, #tpu.memory_space<vmem>> -> memref<1x128xi32, #tpu.memory_space<vmem>>
      %dma_start3A_647 = tpu.memref_squeeze %dma_start3A_646 : memref<1x128xi32, #tpu.memory_space<vmem>> -> memref<128xi32, #tpu.memory_space<vmem>>
      %dma_start3A_648 = arith.constant 0 : i32
      %dma_start3A_649 = arith.constant 0 : i32
      %dma_start3A_650 = tpu.memref_slice %arg11[%dma_start3A_648, %dma_start3A_649] : memref<10240x128xf32, #tpu.memory_space<vmem_shared>> -> memref<10240x128xf32, #tpu.memory_space<vmem_shared>>
      tpu.enqueue_indirect_dma source(%arg9 : memref<128x128xf32, #tpu.memory_space<vmem>>) target(%dma_start3A_650 : memref<10240x128xf32, #tpu.memory_space<vmem_shared>>) offsets(%dma_start3A_647 : memref<128xi32, #tpu.memory_space<vmem>>) semaphore(%arg15 : memref<!tpu.dma_semaphore, #tpu.memory_space<semaphore_mem>>) {add = true}
      %dma_wait3A_651 = arith.constant 21 : i32
      %dma_wait3A_652 = arith.constant 0 : i32
      %dma_wait3A_653 = tpu.memref_slice %arg7[%dma_wait3A_651, %dma_wait3A_652] : memref<40x128xi32, #tpu.memory_space<vmem>> -> memref<1x128xi32, #tpu.memory_space<vmem>>
      %dma_wait3A_654 = tpu.memref_squeeze %dma_wait3A_653 : memref<1x128xi32, #tpu.memory_space<vmem>> -> memref<128xi32, #tpu.memory_space<vmem>>
      %dma_wait3A_655 = arith.constant 0 : i32
      %dma_wait3A_656 = arith.constant 0 : i32
      %dma_wait3A_657 = tpu.memref_slice %arg11[%dma_wait3A_655, %dma_wait3A_656] : memref<10240x128xf32, #tpu.memory_space<vmem_shared>> -> memref<10240x128xf32, #tpu.memory_space<vmem_shared>>
      tpu.wait_indirect_dma semaphore(%arg15 : memref<!tpu.dma_semaphore, #tpu.memory_space<semaphore_mem>>) src(%arg9 : memref<128x128xf32, #tpu.memory_space<vmem>>) dst(%dma_wait3A_657 : memref<10240x128xf32, #tpu.memory_space<vmem_shared>>)
      %dma_start3A_658 = arith.constant 23 : i32
      %dma_start3A_659 = arith.constant 0 : i32
      %dma_start3A_660 = tpu.memref_slice %arg6[%dma_start3A_658, %dma_start3A_659] : memref<40x128xi32, #tpu.memory_space<vmem>> -> memref<1x128xi32, #tpu.memory_space<vmem>>
      %dma_start3A_661 = tpu.memref_squeeze %dma_start3A_660 : memref<1x128xi32, #tpu.memory_space<vmem>> -> memref<128xi32, #tpu.memory_space<vmem>>
      %dma_start3A_662 = arith.constant 0 : i32
      %dma_start3A_663 = arith.constant 0 : i32
      %dma_start3A_664 = tpu.memref_slice %arg2[%dma_start3A_662, %dma_start3A_663] : memref<10000x128xf32, #tpu.memory_space<hbm>> -> memref<10000x128xf32, #tpu.memory_space<hbm>>
      tpu.enqueue_indirect_dma source(%dma_start3A_664 : memref<10000x128xf32, #tpu.memory_space<hbm>>) target(%arg9 : memref<128x128xf32, #tpu.memory_space<vmem>>) offsets(%dma_start3A_661 : memref<128xi32, #tpu.memory_space<vmem>>) semaphore(%arg13 : memref<!tpu.dma_semaphore, #tpu.memory_space<semaphore_mem>>)
      %dma_wait3A_665 = arith.constant 22 : i32
      %dma_wait3A_666 = arith.constant 0 : i32
      %dma_wait3A_667 = tpu.memref_slice %arg6[%dma_wait3A_665, %dma_wait3A_666] : memref<40x128xi32, #tpu.memory_space<vmem>> -> memref<1x128xi32, #tpu.memory_space<vmem>>
      %dma_wait3A_668 = tpu.memref_squeeze %dma_wait3A_667 : memref<1x128xi32, #tpu.memory_space<vmem>> -> memref<128xi32, #tpu.memory_space<vmem>>
      %dma_wait3A_669 = arith.constant 0 : i32
      %dma_wait3A_670 = arith.constant 0 : i32
      %dma_wait3A_671 = tpu.memref_slice %arg2[%dma_wait3A_669, %dma_wait3A_670] : memref<10000x128xf32, #tpu.memory_space<hbm>> -> memref<10000x128xf32, #tpu.memory_space<hbm>>
      tpu.wait_indirect_dma semaphore(%arg12 : memref<!tpu.dma_semaphore, #tpu.memory_space<semaphore_mem>>) src(%dma_wait3A_671 : memref<10000x128xf32, #tpu.memory_space<hbm>>) dst(%arg8 : memref<128x128xf32, #tpu.memory_space<vmem>>)
      %dma_start3A_672 = arith.constant 22 : i32
      %dma_start3A_673 = arith.constant 0 : i32
      %dma_start3A_674 = tpu.memref_slice %arg7[%dma_start3A_672, %dma_start3A_673] : memref<40x128xi32, #tpu.memory_space<vmem>> -> memref<1x128xi32, #tpu.memory_space<vmem>>
      %dma_start3A_675 = tpu.memref_squeeze %dma_start3A_674 : memref<1x128xi32, #tpu.memory_space<vmem>> -> memref<128xi32, #tpu.memory_space<vmem>>
      %dma_start3A_676 = arith.constant 0 : i32
      %dma_start3A_677 = arith.constant 0 : i32
      %dma_start3A_678 = tpu.memref_slice %arg11[%dma_start3A_676, %dma_start3A_677] : memref<10240x128xf32, #tpu.memory_space<vmem_shared>> -> memref<10240x128xf32, #tpu.memory_space<vmem_shared>>
      tpu.enqueue_indirect_dma source(%arg8 : memref<128x128xf32, #tpu.memory_space<vmem>>) target(%dma_start3A_678 : memref<10240x128xf32, #tpu.memory_space<vmem_shared>>) offsets(%dma_start3A_675 : memref<128xi32, #tpu.memory_space<vmem>>) semaphore(%arg14 : memref<!tpu.dma_semaphore, #tpu.memory_space<semaphore_mem>>) {add = true}
      %dma_wait3A_679 = arith.constant 22 : i32
      %dma_wait3A_680 = arith.constant 0 : i32
      %dma_wait3A_681 = tpu.memref_slice %arg7[%dma_wait3A_679, %dma_wait3A_680] : memref<40x128xi32, #tpu.memory_space<vmem>> -> memref<1x128xi32, #tpu.memory_space<vmem>>
      %dma_wait3A_682 = tpu.memref_squeeze %dma_wait3A_681 : memref<1x128xi32, #tpu.memory_space<vmem>> -> memref<128xi32, #tpu.memory_space<vmem>>
      %dma_wait3A_683 = arith.constant 0 : i32
      %dma_wait3A_684 = arith.constant 0 : i32
      %dma_wait3A_685 = tpu.memref_slice %arg11[%dma_wait3A_683, %dma_wait3A_684] : memref<10240x128xf32, #tpu.memory_space<vmem_shared>> -> memref<10240x128xf32, #tpu.memory_space<vmem_shared>>
      tpu.wait_indirect_dma semaphore(%arg14 : memref<!tpu.dma_semaphore, #tpu.memory_space<semaphore_mem>>) src(%arg8 : memref<128x128xf32, #tpu.memory_space<vmem>>) dst(%dma_wait3A_685 : memref<10240x128xf32, #tpu.memory_space<vmem_shared>>)
      %dma_start3A_686 = arith.constant 24 : i32
      %dma_start3A_687 = arith.constant 0 : i32
      %dma_start3A_688 = tpu.memref_slice %arg6[%dma_start3A_686, %dma_start3A_687] : memref<40x128xi32, #tpu.memory_space<vmem>> -> memref<1x128xi32, #tpu.memory_space<vmem>>
      %dma_start3A_689 = tpu.memref_squeeze %dma_start3A_688 : memref<1x128xi32, #tpu.memory_space<vmem>> -> memref<128xi32, #tpu.memory_space<vmem>>
      %dma_start3A_690 = arith.constant 0 : i32
      %dma_start3A_691 = arith.constant 0 : i32
      %dma_start3A_692 = tpu.memref_slice %arg2[%dma_start3A_690, %dma_start3A_691] : memref<10000x128xf32, #tpu.memory_space<hbm>> -> memref<10000x128xf32, #tpu.memory_space<hbm>>
      tpu.enqueue_indirect_dma source(%dma_start3A_692 : memref<10000x128xf32, #tpu.memory_space<hbm>>) target(%arg8 : memref<128x128xf32, #tpu.memory_space<vmem>>) offsets(%dma_start3A_689 : memref<128xi32, #tpu.memory_space<vmem>>) semaphore(%arg12 : memref<!tpu.dma_semaphore, #tpu.memory_space<semaphore_mem>>)
      %dma_wait3A_693 = arith.constant 23 : i32
      %dma_wait3A_694 = arith.constant 0 : i32
      %dma_wait3A_695 = tpu.memref_slice %arg6[%dma_wait3A_693, %dma_wait3A_694] : memref<40x128xi32, #tpu.memory_space<vmem>> -> memref<1x128xi32, #tpu.memory_space<vmem>>
      %dma_wait3A_696 = tpu.memref_squeeze %dma_wait3A_695 : memref<1x128xi32, #tpu.memory_space<vmem>> -> memref<128xi32, #tpu.memory_space<vmem>>
      %dma_wait3A_697 = arith.constant 0 : i32
      %dma_wait3A_698 = arith.constant 0 : i32
      %dma_wait3A_699 = tpu.memref_slice %arg2[%dma_wait3A_697, %dma_wait3A_698] : memref<10000x128xf32, #tpu.memory_space<hbm>> -> memref<10000x128xf32, #tpu.memory_space<hbm>>
      tpu.wait_indirect_dma semaphore(%arg13 : memref<!tpu.dma_semaphore, #tpu.memory_space<semaphore_mem>>) src(%dma_wait3A_699 : memref<10000x128xf32, #tpu.memory_space<hbm>>) dst(%arg9 : memref<128x128xf32, #tpu.memory_space<vmem>>)
      %dma_start3A_700 = arith.constant 23 : i32
      %dma_start3A_701 = arith.constant 0 : i32
      %dma_start3A_702 = tpu.memref_slice %arg7[%dma_start3A_700, %dma_start3A_701] : memref<40x128xi32, #tpu.memory_space<vmem>> -> memref<1x128xi32, #tpu.memory_space<vmem>>
      %dma_start3A_703 = tpu.memref_squeeze %dma_start3A_702 : memref<1x128xi32, #tpu.memory_space<vmem>> -> memref<128xi32, #tpu.memory_space<vmem>>
      %dma_start3A_704 = arith.constant 0 : i32
      %dma_start3A_705 = arith.constant 0 : i32
      %dma_start3A_706 = tpu.memref_slice %arg11[%dma_start3A_704, %dma_start3A_705] : memref<10240x128xf32, #tpu.memory_space<vmem_shared>> -> memref<10240x128xf32, #tpu.memory_space<vmem_shared>>
      tpu.enqueue_indirect_dma source(%arg9 : memref<128x128xf32, #tpu.memory_space<vmem>>) target(%dma_start3A_706 : memref<10240x128xf32, #tpu.memory_space<vmem_shared>>) offsets(%dma_start3A_703 : memref<128xi32, #tpu.memory_space<vmem>>) semaphore(%arg15 : memref<!tpu.dma_semaphore, #tpu.memory_space<semaphore_mem>>) {add = true}
      %dma_wait3A_707 = arith.constant 23 : i32
      %dma_wait3A_708 = arith.constant 0 : i32
      %dma_wait3A_709 = tpu.memref_slice %arg7[%dma_wait3A_707, %dma_wait3A_708] : memref<40x128xi32, #tpu.memory_space<vmem>> -> memref<1x128xi32, #tpu.memory_space<vmem>>
      %dma_wait3A_710 = tpu.memref_squeeze %dma_wait3A_709 : memref<1x128xi32, #tpu.memory_space<vmem>> -> memref<128xi32, #tpu.memory_space<vmem>>
      %dma_wait3A_711 = arith.constant 0 : i32
      %dma_wait3A_712 = arith.constant 0 : i32
      %dma_wait3A_713 = tpu.memref_slice %arg11[%dma_wait3A_711, %dma_wait3A_712] : memref<10240x128xf32, #tpu.memory_space<vmem_shared>> -> memref<10240x128xf32, #tpu.memory_space<vmem_shared>>
      tpu.wait_indirect_dma semaphore(%arg15 : memref<!tpu.dma_semaphore, #tpu.memory_space<semaphore_mem>>) src(%arg9 : memref<128x128xf32, #tpu.memory_space<vmem>>) dst(%dma_wait3A_713 : memref<10240x128xf32, #tpu.memory_space<vmem_shared>>)
      %dma_start3A_714 = arith.constant 25 : i32
      %dma_start3A_715 = arith.constant 0 : i32
      %dma_start3A_716 = tpu.memref_slice %arg6[%dma_start3A_714, %dma_start3A_715] : memref<40x128xi32, #tpu.memory_space<vmem>> -> memref<1x128xi32, #tpu.memory_space<vmem>>
      %dma_start3A_717 = tpu.memref_squeeze %dma_start3A_716 : memref<1x128xi32, #tpu.memory_space<vmem>> -> memref<128xi32, #tpu.memory_space<vmem>>
      %dma_start3A_718 = arith.constant 0 : i32
      %dma_start3A_719 = arith.constant 0 : i32
      %dma_start3A_720 = tpu.memref_slice %arg2[%dma_start3A_718, %dma_start3A_719] : memref<10000x128xf32, #tpu.memory_space<hbm>> -> memref<10000x128xf32, #tpu.memory_space<hbm>>
      tpu.enqueue_indirect_dma source(%dma_start3A_720 : memref<10000x128xf32, #tpu.memory_space<hbm>>) target(%arg9 : memref<128x128xf32, #tpu.memory_space<vmem>>) offsets(%dma_start3A_717 : memref<128xi32, #tpu.memory_space<vmem>>) semaphore(%arg13 : memref<!tpu.dma_semaphore, #tpu.memory_space<semaphore_mem>>)
      %dma_wait3A_721 = arith.constant 24 : i32
      %dma_wait3A_722 = arith.constant 0 : i32
      %dma_wait3A_723 = tpu.memref_slice %arg6[%dma_wait3A_721, %dma_wait3A_722] : memref<40x128xi32, #tpu.memory_space<vmem>> -> memref<1x128xi32, #tpu.memory_space<vmem>>
      %dma_wait3A_724 = tpu.memref_squeeze %dma_wait3A_723 : memref<1x128xi32, #tpu.memory_space<vmem>> -> memref<128xi32, #tpu.memory_space<vmem>>
      %dma_wait3A_725 = arith.constant 0 : i32
      %dma_wait3A_726 = arith.constant 0 : i32
      %dma_wait3A_727 = tpu.memref_slice %arg2[%dma_wait3A_725, %dma_wait3A_726] : memref<10000x128xf32, #tpu.memory_space<hbm>> -> memref<10000x128xf32, #tpu.memory_space<hbm>>
      tpu.wait_indirect_dma semaphore(%arg12 : memref<!tpu.dma_semaphore, #tpu.memory_space<semaphore_mem>>) src(%dma_wait3A_727 : memref<10000x128xf32, #tpu.memory_space<hbm>>) dst(%arg8 : memref<128x128xf32, #tpu.memory_space<vmem>>)
      %dma_start3A_728 = arith.constant 24 : i32
      %dma_start3A_729 = arith.constant 0 : i32
      %dma_start3A_730 = tpu.memref_slice %arg7[%dma_start3A_728, %dma_start3A_729] : memref<40x128xi32, #tpu.memory_space<vmem>> -> memref<1x128xi32, #tpu.memory_space<vmem>>
      %dma_start3A_731 = tpu.memref_squeeze %dma_start3A_730 : memref<1x128xi32, #tpu.memory_space<vmem>> -> memref<128xi32, #tpu.memory_space<vmem>>
      %dma_start3A_732 = arith.constant 0 : i32
      %dma_start3A_733 = arith.constant 0 : i32
      %dma_start3A_734 = tpu.memref_slice %arg11[%dma_start3A_732, %dma_start3A_733] : memref<10240x128xf32, #tpu.memory_space<vmem_shared>> -> memref<10240x128xf32, #tpu.memory_space<vmem_shared>>
      tpu.enqueue_indirect_dma source(%arg8 : memref<128x128xf32, #tpu.memory_space<vmem>>) target(%dma_start3A_734 : memref<10240x128xf32, #tpu.memory_space<vmem_shared>>) offsets(%dma_start3A_731 : memref<128xi32, #tpu.memory_space<vmem>>) semaphore(%arg14 : memref<!tpu.dma_semaphore, #tpu.memory_space<semaphore_mem>>) {add = true}
      %dma_wait3A_735 = arith.constant 24 : i32
      %dma_wait3A_736 = arith.constant 0 : i32
      %dma_wait3A_737 = tpu.memref_slice %arg7[%dma_wait3A_735, %dma_wait3A_736] : memref<40x128xi32, #tpu.memory_space<vmem>> -> memref<1x128xi32, #tpu.memory_space<vmem>>
      %dma_wait3A_738 = tpu.memref_squeeze %dma_wait3A_737 : memref<1x128xi32, #tpu.memory_space<vmem>> -> memref<128xi32, #tpu.memory_space<vmem>>
      %dma_wait3A_739 = arith.constant 0 : i32
      %dma_wait3A_740 = arith.constant 0 : i32
      %dma_wait3A_741 = tpu.memref_slice %arg11[%dma_wait3A_739, %dma_wait3A_740] : memref<10240x128xf32, #tpu.memory_space<vmem_shared>> -> memref<10240x128xf32, #tpu.memory_space<vmem_shared>>
      tpu.wait_indirect_dma semaphore(%arg14 : memref<!tpu.dma_semaphore, #tpu.memory_space<semaphore_mem>>) src(%arg8 : memref<128x128xf32, #tpu.memory_space<vmem>>) dst(%dma_wait3A_741 : memref<10240x128xf32, #tpu.memory_space<vmem_shared>>)
      %dma_start3A_742 = arith.constant 26 : i32
      %dma_start3A_743 = arith.constant 0 : i32
      %dma_start3A_744 = tpu.memref_slice %arg6[%dma_start3A_742, %dma_start3A_743] : memref<40x128xi32, #tpu.memory_space<vmem>> -> memref<1x128xi32, #tpu.memory_space<vmem>>
      %dma_start3A_745 = tpu.memref_squeeze %dma_start3A_744 : memref<1x128xi32, #tpu.memory_space<vmem>> -> memref<128xi32, #tpu.memory_space<vmem>>
      %dma_start3A_746 = arith.constant 0 : i32
      %dma_start3A_747 = arith.constant 0 : i32
      %dma_start3A_748 = tpu.memref_slice %arg2[%dma_start3A_746, %dma_start3A_747] : memref<10000x128xf32, #tpu.memory_space<hbm>> -> memref<10000x128xf32, #tpu.memory_space<hbm>>
      tpu.enqueue_indirect_dma source(%dma_start3A_748 : memref<10000x128xf32, #tpu.memory_space<hbm>>) target(%arg8 : memref<128x128xf32, #tpu.memory_space<vmem>>) offsets(%dma_start3A_745 : memref<128xi32, #tpu.memory_space<vmem>>) semaphore(%arg12 : memref<!tpu.dma_semaphore, #tpu.memory_space<semaphore_mem>>)
      %dma_wait3A_749 = arith.constant 25 : i32
      %dma_wait3A_750 = arith.constant 0 : i32
      %dma_wait3A_751 = tpu.memref_slice %arg6[%dma_wait3A_749, %dma_wait3A_750] : memref<40x128xi32, #tpu.memory_space<vmem>> -> memref<1x128xi32, #tpu.memory_space<vmem>>
      %dma_wait3A_752 = tpu.memref_squeeze %dma_wait3A_751 : memref<1x128xi32, #tpu.memory_space<vmem>> -> memref<128xi32, #tpu.memory_space<vmem>>
      %dma_wait3A_753 = arith.constant 0 : i32
      %dma_wait3A_754 = arith.constant 0 : i32
      %dma_wait3A_755 = tpu.memref_slice %arg2[%dma_wait3A_753, %dma_wait3A_754] : memref<10000x128xf32, #tpu.memory_space<hbm>> -> memref<10000x128xf32, #tpu.memory_space<hbm>>
      tpu.wait_indirect_dma semaphore(%arg13 : memref<!tpu.dma_semaphore, #tpu.memory_space<semaphore_mem>>) src(%dma_wait3A_755 : memref<10000x128xf32, #tpu.memory_space<hbm>>) dst(%arg9 : memref<128x128xf32, #tpu.memory_space<vmem>>)
      %dma_start3A_756 = arith.constant 25 : i32
      %dma_start3A_757 = arith.constant 0 : i32
      %dma_start3A_758 = tpu.memref_slice %arg7[%dma_start3A_756, %dma_start3A_757] : memref<40x128xi32, #tpu.memory_space<vmem>> -> memref<1x128xi32, #tpu.memory_space<vmem>>
      %dma_start3A_759 = tpu.memref_squeeze %dma_start3A_758 : memref<1x128xi32, #tpu.memory_space<vmem>> -> memref<128xi32, #tpu.memory_space<vmem>>
      %dma_start3A_760 = arith.constant 0 : i32
      %dma_start3A_761 = arith.constant 0 : i32
      %dma_start3A_762 = tpu.memref_slice %arg11[%dma_start3A_760, %dma_start3A_761] : memref<10240x128xf32, #tpu.memory_space<vmem_shared>> -> memref<10240x128xf32, #tpu.memory_space<vmem_shared>>
      tpu.enqueue_indirect_dma source(%arg9 : memref<128x128xf32, #tpu.memory_space<vmem>>) target(%dma_start3A_762 : memref<10240x128xf32, #tpu.memory_space<vmem_shared>>) offsets(%dma_start3A_759 : memref<128xi32, #tpu.memory_space<vmem>>) semaphore(%arg15 : memref<!tpu.dma_semaphore, #tpu.memory_space<semaphore_mem>>) {add = true}
      %dma_wait3A_763 = arith.constant 25 : i32
      %dma_wait3A_764 = arith.constant 0 : i32
      %dma_wait3A_765 = tpu.memref_slice %arg7[%dma_wait3A_763, %dma_wait3A_764] : memref<40x128xi32, #tpu.memory_space<vmem>> -> memref<1x128xi32, #tpu.memory_space<vmem>>
      %dma_wait3A_766 = tpu.memref_squeeze %dma_wait3A_765 : memref<1x128xi32, #tpu.memory_space<vmem>> -> memref<128xi32, #tpu.memory_space<vmem>>
      %dma_wait3A_767 = arith.constant 0 : i32
      %dma_wait3A_768 = arith.constant 0 : i32
      %dma_wait3A_769 = tpu.memref_slice %arg11[%dma_wait3A_767, %dma_wait3A_768] : memref<10240x128xf32, #tpu.memory_space<vmem_shared>> -> memref<10240x128xf32, #tpu.memory_space<vmem_shared>>
      tpu.wait_indirect_dma semaphore(%arg15 : memref<!tpu.dma_semaphore, #tpu.memory_space<semaphore_mem>>) src(%arg9 : memref<128x128xf32, #tpu.memory_space<vmem>>) dst(%dma_wait3A_769 : memref<10240x128xf32, #tpu.memory_space<vmem_shared>>)
      %dma_start3A_770 = arith.constant 27 : i32
      %dma_start3A_771 = arith.constant 0 : i32
      %dma_start3A_772 = tpu.memref_slice %arg6[%dma_start3A_770, %dma_start3A_771] : memref<40x128xi32, #tpu.memory_space<vmem>> -> memref<1x128xi32, #tpu.memory_space<vmem>>
      %dma_start3A_773 = tpu.memref_squeeze %dma_start3A_772 : memref<1x128xi32, #tpu.memory_space<vmem>> -> memref<128xi32, #tpu.memory_space<vmem>>
      %dma_start3A_774 = arith.constant 0 : i32
      %dma_start3A_775 = arith.constant 0 : i32
      %dma_start3A_776 = tpu.memref_slice %arg2[%dma_start3A_774, %dma_start3A_775] : memref<10000x128xf32, #tpu.memory_space<hbm>> -> memref<10000x128xf32, #tpu.memory_space<hbm>>
      tpu.enqueue_indirect_dma source(%dma_start3A_776 : memref<10000x128xf32, #tpu.memory_space<hbm>>) target(%arg9 : memref<128x128xf32, #tpu.memory_space<vmem>>) offsets(%dma_start3A_773 : memref<128xi32, #tpu.memory_space<vmem>>) semaphore(%arg13 : memref<!tpu.dma_semaphore, #tpu.memory_space<semaphore_mem>>)
      %dma_wait3A_777 = arith.constant 26 : i32
      %dma_wait3A_778 = arith.constant 0 : i32
      %dma_wait3A_779 = tpu.memref_slice %arg6[%dma_wait3A_777, %dma_wait3A_778] : memref<40x128xi32, #tpu.memory_space<vmem>> -> memref<1x128xi32, #tpu.memory_space<vmem>>
      %dma_wait3A_780 = tpu.memref_squeeze %dma_wait3A_779 : memref<1x128xi32, #tpu.memory_space<vmem>> -> memref<128xi32, #tpu.memory_space<vmem>>
      %dma_wait3A_781 = arith.constant 0 : i32
      %dma_wait3A_782 = arith.constant 0 : i32
      %dma_wait3A_783 = tpu.memref_slice %arg2[%dma_wait3A_781, %dma_wait3A_782] : memref<10000x128xf32, #tpu.memory_space<hbm>> -> memref<10000x128xf32, #tpu.memory_space<hbm>>
      tpu.wait_indirect_dma semaphore(%arg12 : memref<!tpu.dma_semaphore, #tpu.memory_space<semaphore_mem>>) src(%dma_wait3A_783 : memref<10000x128xf32, #tpu.memory_space<hbm>>) dst(%arg8 : memref<128x128xf32, #tpu.memory_space<vmem>>)
      %dma_start3A_784 = arith.constant 26 : i32
      %dma_start3A_785 = arith.constant 0 : i32
      %dma_start3A_786 = tpu.memref_slice %arg7[%dma_start3A_784, %dma_start3A_785] : memref<40x128xi32, #tpu.memory_space<vmem>> -> memref<1x128xi32, #tpu.memory_space<vmem>>
      %dma_start3A_787 = tpu.memref_squeeze %dma_start3A_786 : memref<1x128xi32, #tpu.memory_space<vmem>> -> memref<128xi32, #tpu.memory_space<vmem>>
      %dma_start3A_788 = arith.constant 0 : i32
      %dma_start3A_789 = arith.constant 0 : i32
      %dma_start3A_790 = tpu.memref_slice %arg11[%dma_start3A_788, %dma_start3A_789] : memref<10240x128xf32, #tpu.memory_space<vmem_shared>> -> memref<10240x128xf32, #tpu.memory_space<vmem_shared>>
      tpu.enqueue_indirect_dma source(%arg8 : memref<128x128xf32, #tpu.memory_space<vmem>>) target(%dma_start3A_790 : memref<10240x128xf32, #tpu.memory_space<vmem_shared>>) offsets(%dma_start3A_787 : memref<128xi32, #tpu.memory_space<vmem>>) semaphore(%arg14 : memref<!tpu.dma_semaphore, #tpu.memory_space<semaphore_mem>>) {add = true}
      %dma_wait3A_791 = arith.constant 26 : i32
      %dma_wait3A_792 = arith.constant 0 : i32
      %dma_wait3A_793 = tpu.memref_slice %arg7[%dma_wait3A_791, %dma_wait3A_792] : memref<40x128xi32, #tpu.memory_space<vmem>> -> memref<1x128xi32, #tpu.memory_space<vmem>>
      %dma_wait3A_794 = tpu.memref_squeeze %dma_wait3A_793 : memref<1x128xi32, #tpu.memory_space<vmem>> -> memref<128xi32, #tpu.memory_space<vmem>>
      %dma_wait3A_795 = arith.constant 0 : i32
      %dma_wait3A_796 = arith.constant 0 : i32
      %dma_wait3A_797 = tpu.memref_slice %arg11[%dma_wait3A_795, %dma_wait3A_796] : memref<10240x128xf32, #tpu.memory_space<vmem_shared>> -> memref<10240x128xf32, #tpu.memory_space<vmem_shared>>
      tpu.wait_indirect_dma semaphore(%arg14 : memref<!tpu.dma_semaphore, #tpu.memory_space<semaphore_mem>>) src(%arg8 : memref<128x128xf32, #tpu.memory_space<vmem>>) dst(%dma_wait3A_797 : memref<10240x128xf32, #tpu.memory_space<vmem_shared>>)
      %dma_start3A_798 = arith.constant 28 : i32
      %dma_start3A_799 = arith.constant 0 : i32
      %dma_start3A_800 = tpu.memref_slice %arg6[%dma_start3A_798, %dma_start3A_799] : memref<40x128xi32, #tpu.memory_space<vmem>> -> memref<1x128xi32, #tpu.memory_space<vmem>>
      %dma_start3A_801 = tpu.memref_squeeze %dma_start3A_800 : memref<1x128xi32, #tpu.memory_space<vmem>> -> memref<128xi32, #tpu.memory_space<vmem>>
      %dma_start3A_802 = arith.constant 0 : i32
      %dma_start3A_803 = arith.constant 0 : i32
      %dma_start3A_804 = tpu.memref_slice %arg2[%dma_start3A_802, %dma_start3A_803] : memref<10000x128xf32, #tpu.memory_space<hbm>> -> memref<10000x128xf32, #tpu.memory_space<hbm>>
      tpu.enqueue_indirect_dma source(%dma_start3A_804 : memref<10000x128xf32, #tpu.memory_space<hbm>>) target(%arg8 : memref<128x128xf32, #tpu.memory_space<vmem>>) offsets(%dma_start3A_801 : memref<128xi32, #tpu.memory_space<vmem>>) semaphore(%arg12 : memref<!tpu.dma_semaphore, #tpu.memory_space<semaphore_mem>>)
      %dma_wait3A_805 = arith.constant 27 : i32
      %dma_wait3A_806 = arith.constant 0 : i32
      %dma_wait3A_807 = tpu.memref_slice %arg6[%dma_wait3A_805, %dma_wait3A_806] : memref<40x128xi32, #tpu.memory_space<vmem>> -> memref<1x128xi32, #tpu.memory_space<vmem>>
      %dma_wait3A_808 = tpu.memref_squeeze %dma_wait3A_807 : memref<1x128xi32, #tpu.memory_space<vmem>> -> memref<128xi32, #tpu.memory_space<vmem>>
      %dma_wait3A_809 = arith.constant 0 : i32
      %dma_wait3A_810 = arith.constant 0 : i32
      %dma_wait3A_811 = tpu.memref_slice %arg2[%dma_wait3A_809, %dma_wait3A_810] : memref<10000x128xf32, #tpu.memory_space<hbm>> -> memref<10000x128xf32, #tpu.memory_space<hbm>>
      tpu.wait_indirect_dma semaphore(%arg13 : memref<!tpu.dma_semaphore, #tpu.memory_space<semaphore_mem>>) src(%dma_wait3A_811 : memref<10000x128xf32, #tpu.memory_space<hbm>>) dst(%arg9 : memref<128x128xf32, #tpu.memory_space<vmem>>)
      %dma_start3A_812 = arith.constant 27 : i32
      %dma_start3A_813 = arith.constant 0 : i32
      %dma_start3A_814 = tpu.memref_slice %arg7[%dma_start3A_812, %dma_start3A_813] : memref<40x128xi32, #tpu.memory_space<vmem>> -> memref<1x128xi32, #tpu.memory_space<vmem>>
      %dma_start3A_815 = tpu.memref_squeeze %dma_start3A_814 : memref<1x128xi32, #tpu.memory_space<vmem>> -> memref<128xi32, #tpu.memory_space<vmem>>
      %dma_start3A_816 = arith.constant 0 : i32
      %dma_start3A_817 = arith.constant 0 : i32
      %dma_start3A_818 = tpu.memref_slice %arg11[%dma_start3A_816, %dma_start3A_817] : memref<10240x128xf32, #tpu.memory_space<vmem_shared>> -> memref<10240x128xf32, #tpu.memory_space<vmem_shared>>
      tpu.enqueue_indirect_dma source(%arg9 : memref<128x128xf32, #tpu.memory_space<vmem>>) target(%dma_start3A_818 : memref<10240x128xf32, #tpu.memory_space<vmem_shared>>) offsets(%dma_start3A_815 : memref<128xi32, #tpu.memory_space<vmem>>) semaphore(%arg15 : memref<!tpu.dma_semaphore, #tpu.memory_space<semaphore_mem>>) {add = true}
      %dma_wait3A_819 = arith.constant 27 : i32
      %dma_wait3A_820 = arith.constant 0 : i32
      %dma_wait3A_821 = tpu.memref_slice %arg7[%dma_wait3A_819, %dma_wait3A_820] : memref<40x128xi32, #tpu.memory_space<vmem>> -> memref<1x128xi32, #tpu.memory_space<vmem>>
      %dma_wait3A_822 = tpu.memref_squeeze %dma_wait3A_821 : memref<1x128xi32, #tpu.memory_space<vmem>> -> memref<128xi32, #tpu.memory_space<vmem>>
      %dma_wait3A_823 = arith.constant 0 : i32
      %dma_wait3A_824 = arith.constant 0 : i32
      %dma_wait3A_825 = tpu.memref_slice %arg11[%dma_wait3A_823, %dma_wait3A_824] : memref<10240x128xf32, #tpu.memory_space<vmem_shared>> -> memref<10240x128xf32, #tpu.memory_space<vmem_shared>>
      tpu.wait_indirect_dma semaphore(%arg15 : memref<!tpu.dma_semaphore, #tpu.memory_space<semaphore_mem>>) src(%arg9 : memref<128x128xf32, #tpu.memory_space<vmem>>) dst(%dma_wait3A_825 : memref<10240x128xf32, #tpu.memory_space<vmem_shared>>)
      %dma_start3A_826 = arith.constant 29 : i32
      %dma_start3A_827 = arith.constant 0 : i32
      %dma_start3A_828 = tpu.memref_slice %arg6[%dma_start3A_826, %dma_start3A_827] : memref<40x128xi32, #tpu.memory_space<vmem>> -> memref<1x128xi32, #tpu.memory_space<vmem>>
      %dma_start3A_829 = tpu.memref_squeeze %dma_start3A_828 : memref<1x128xi32, #tpu.memory_space<vmem>> -> memref<128xi32, #tpu.memory_space<vmem>>
      %dma_start3A_830 = arith.constant 0 : i32
      %dma_start3A_831 = arith.constant 0 : i32
      %dma_start3A_832 = tpu.memref_slice %arg2[%dma_start3A_830, %dma_start3A_831] : memref<10000x128xf32, #tpu.memory_space<hbm>> -> memref<10000x128xf32, #tpu.memory_space<hbm>>
      tpu.enqueue_indirect_dma source(%dma_start3A_832 : memref<10000x128xf32, #tpu.memory_space<hbm>>) target(%arg9 : memref<128x128xf32, #tpu.memory_space<vmem>>) offsets(%dma_start3A_829 : memref<128xi32, #tpu.memory_space<vmem>>) semaphore(%arg13 : memref<!tpu.dma_semaphore, #tpu.memory_space<semaphore_mem>>)
      %dma_wait3A_833 = arith.constant 28 : i32
      %dma_wait3A_834 = arith.constant 0 : i32
      %dma_wait3A_835 = tpu.memref_slice %arg6[%dma_wait3A_833, %dma_wait3A_834] : memref<40x128xi32, #tpu.memory_space<vmem>> -> memref<1x128xi32, #tpu.memory_space<vmem>>
      %dma_wait3A_836 = tpu.memref_squeeze %dma_wait3A_835 : memref<1x128xi32, #tpu.memory_space<vmem>> -> memref<128xi32, #tpu.memory_space<vmem>>
      %dma_wait3A_837 = arith.constant 0 : i32
      %dma_wait3A_838 = arith.constant 0 : i32
      %dma_wait3A_839 = tpu.memref_slice %arg2[%dma_wait3A_837, %dma_wait3A_838] : memref<10000x128xf32, #tpu.memory_space<hbm>> -> memref<10000x128xf32, #tpu.memory_space<hbm>>
      tpu.wait_indirect_dma semaphore(%arg12 : memref<!tpu.dma_semaphore, #tpu.memory_space<semaphore_mem>>) src(%dma_wait3A_839 : memref<10000x128xf32, #tpu.memory_space<hbm>>) dst(%arg8 : memref<128x128xf32, #tpu.memory_space<vmem>>)
      %dma_start3A_840 = arith.constant 28 : i32
      %dma_start3A_841 = arith.constant 0 : i32
      %dma_start3A_842 = tpu.memref_slice %arg7[%dma_start3A_840, %dma_start3A_841] : memref<40x128xi32, #tpu.memory_space<vmem>> -> memref<1x128xi32, #tpu.memory_space<vmem>>
      %dma_start3A_843 = tpu.memref_squeeze %dma_start3A_842 : memref<1x128xi32, #tpu.memory_space<vmem>> -> memref<128xi32, #tpu.memory_space<vmem>>
      %dma_start3A_844 = arith.constant 0 : i32
      %dma_start3A_845 = arith.constant 0 : i32
      %dma_start3A_846 = tpu.memref_slice %arg11[%dma_start3A_844, %dma_start3A_845] : memref<10240x128xf32, #tpu.memory_space<vmem_shared>> -> memref<10240x128xf32, #tpu.memory_space<vmem_shared>>
      tpu.enqueue_indirect_dma source(%arg8 : memref<128x128xf32, #tpu.memory_space<vmem>>) target(%dma_start3A_846 : memref<10240x128xf32, #tpu.memory_space<vmem_shared>>) offsets(%dma_start3A_843 : memref<128xi32, #tpu.memory_space<vmem>>) semaphore(%arg14 : memref<!tpu.dma_semaphore, #tpu.memory_space<semaphore_mem>>) {add = true}
      %dma_wait3A_847 = arith.constant 28 : i32
      %dma_wait3A_848 = arith.constant 0 : i32
      %dma_wait3A_849 = tpu.memref_slice %arg7[%dma_wait3A_847, %dma_wait3A_848] : memref<40x128xi32, #tpu.memory_space<vmem>> -> memref<1x128xi32, #tpu.memory_space<vmem>>
      %dma_wait3A_850 = tpu.memref_squeeze %dma_wait3A_849 : memref<1x128xi32, #tpu.memory_space<vmem>> -> memref<128xi32, #tpu.memory_space<vmem>>
      %dma_wait3A_851 = arith.constant 0 : i32
      %dma_wait3A_852 = arith.constant 0 : i32
      %dma_wait3A_853 = tpu.memref_slice %arg11[%dma_wait3A_851, %dma_wait3A_852] : memref<10240x128xf32, #tpu.memory_space<vmem_shared>> -> memref<10240x128xf32, #tpu.memory_space<vmem_shared>>
      tpu.wait_indirect_dma semaphore(%arg14 : memref<!tpu.dma_semaphore, #tpu.memory_space<semaphore_mem>>) src(%arg8 : memref<128x128xf32, #tpu.memory_space<vmem>>) dst(%dma_wait3A_853 : memref<10240x128xf32, #tpu.memory_space<vmem_shared>>)
      %dma_start3A_854 = arith.constant 30 : i32
      %dma_start3A_855 = arith.constant 0 : i32
      %dma_start3A_856 = tpu.memref_slice %arg6[%dma_start3A_854, %dma_start3A_855] : memref<40x128xi32, #tpu.memory_space<vmem>> -> memref<1x128xi32, #tpu.memory_space<vmem>>
      %dma_start3A_857 = tpu.memref_squeeze %dma_start3A_856 : memref<1x128xi32, #tpu.memory_space<vmem>> -> memref<128xi32, #tpu.memory_space<vmem>>
      %dma_start3A_858 = arith.constant 0 : i32
      %dma_start3A_859 = arith.constant 0 : i32
      %dma_start3A_860 = tpu.memref_slice %arg2[%dma_start3A_858, %dma_start3A_859] : memref<10000x128xf32, #tpu.memory_space<hbm>> -> memref<10000x128xf32, #tpu.memory_space<hbm>>
      tpu.enqueue_indirect_dma source(%dma_start3A_860 : memref<10000x128xf32, #tpu.memory_space<hbm>>) target(%arg8 : memref<128x128xf32, #tpu.memory_space<vmem>>) offsets(%dma_start3A_857 : memref<128xi32, #tpu.memory_space<vmem>>) semaphore(%arg12 : memref<!tpu.dma_semaphore, #tpu.memory_space<semaphore_mem>>)
      %dma_wait3A_861 = arith.constant 29 : i32
      %dma_wait3A_862 = arith.constant 0 : i32
      %dma_wait3A_863 = tpu.memref_slice %arg6[%dma_wait3A_861, %dma_wait3A_862] : memref<40x128xi32, #tpu.memory_space<vmem>> -> memref<1x128xi32, #tpu.memory_space<vmem>>
      %dma_wait3A_864 = tpu.memref_squeeze %dma_wait3A_863 : memref<1x128xi32, #tpu.memory_space<vmem>> -> memref<128xi32, #tpu.memory_space<vmem>>
      %dma_wait3A_865 = arith.constant 0 : i32
      %dma_wait3A_866 = arith.constant 0 : i32
      %dma_wait3A_867 = tpu.memref_slice %arg2[%dma_wait3A_865, %dma_wait3A_866] : memref<10000x128xf32, #tpu.memory_space<hbm>> -> memref<10000x128xf32, #tpu.memory_space<hbm>>
      tpu.wait_indirect_dma semaphore(%arg13 : memref<!tpu.dma_semaphore, #tpu.memory_space<semaphore_mem>>) src(%dma_wait3A_867 : memref<10000x128xf32, #tpu.memory_space<hbm>>) dst(%arg9 : memref<128x128xf32, #tpu.memory_space<vmem>>)
      %dma_start3A_868 = arith.constant 29 : i32
      %dma_start3A_869 = arith.constant 0 : i32
      %dma_start3A_870 = tpu.memref_slice %arg7[%dma_start3A_868, %dma_start3A_869] : memref<40x128xi32, #tpu.memory_space<vmem>> -> memref<1x128xi32, #tpu.memory_space<vmem>>
      %dma_start3A_871 = tpu.memref_squeeze %dma_start3A_870 : memref<1x128xi32, #tpu.memory_space<vmem>> -> memref<128xi32, #tpu.memory_space<vmem>>
      %dma_start3A_872 = arith.constant 0 : i32
      %dma_start3A_873 = arith.constant 0 : i32
      %dma_start3A_874 = tpu.memref_slice %arg11[%dma_start3A_872, %dma_start3A_873] : memref<10240x128xf32, #tpu.memory_space<vmem_shared>> -> memref<10240x128xf32, #tpu.memory_space<vmem_shared>>
      tpu.enqueue_indirect_dma source(%arg9 : memref<128x128xf32, #tpu.memory_space<vmem>>) target(%dma_start3A_874 : memref<10240x128xf32, #tpu.memory_space<vmem_shared>>) offsets(%dma_start3A_871 : memref<128xi32, #tpu.memory_space<vmem>>) semaphore(%arg15 : memref<!tpu.dma_semaphore, #tpu.memory_space<semaphore_mem>>) {add = true}
      %dma_wait3A_875 = arith.constant 29 : i32
      %dma_wait3A_876 = arith.constant 0 : i32
      %dma_wait3A_877 = tpu.memref_slice %arg7[%dma_wait3A_875, %dma_wait3A_876] : memref<40x128xi32, #tpu.memory_space<vmem>> -> memref<1x128xi32, #tpu.memory_space<vmem>>
      %dma_wait3A_878 = tpu.memref_squeeze %dma_wait3A_877 : memref<1x128xi32, #tpu.memory_space<vmem>> -> memref<128xi32, #tpu.memory_space<vmem>>
      %dma_wait3A_879 = arith.constant 0 : i32
      %dma_wait3A_880 = arith.constant 0 : i32
      %dma_wait3A_881 = tpu.memref_slice %arg11[%dma_wait3A_879, %dma_wait3A_880] : memref<10240x128xf32, #tpu.memory_space<vmem_shared>> -> memref<10240x128xf32, #tpu.memory_space<vmem_shared>>
      tpu.wait_indirect_dma semaphore(%arg15 : memref<!tpu.dma_semaphore, #tpu.memory_space<semaphore_mem>>) src(%arg9 : memref<128x128xf32, #tpu.memory_space<vmem>>) dst(%dma_wait3A_881 : memref<10240x128xf32, #tpu.memory_space<vmem_shared>>)
      %dma_start3A_882 = arith.constant 31 : i32
      %dma_start3A_883 = arith.constant 0 : i32
      %dma_start3A_884 = tpu.memref_slice %arg6[%dma_start3A_882, %dma_start3A_883] : memref<40x128xi32, #tpu.memory_space<vmem>> -> memref<1x128xi32, #tpu.memory_space<vmem>>
      %dma_start3A_885 = tpu.memref_squeeze %dma_start3A_884 : memref<1x128xi32, #tpu.memory_space<vmem>> -> memref<128xi32, #tpu.memory_space<vmem>>
      %dma_start3A_886 = arith.constant 0 : i32
      %dma_start3A_887 = arith.constant 0 : i32
      %dma_start3A_888 = tpu.memref_slice %arg2[%dma_start3A_886, %dma_start3A_887] : memref<10000x128xf32, #tpu.memory_space<hbm>> -> memref<10000x128xf32, #tpu.memory_space<hbm>>
      tpu.enqueue_indirect_dma source(%dma_start3A_888 : memref<10000x128xf32, #tpu.memory_space<hbm>>) target(%arg9 : memref<128x128xf32, #tpu.memory_space<vmem>>) offsets(%dma_start3A_885 : memref<128xi32, #tpu.memory_space<vmem>>) semaphore(%arg13 : memref<!tpu.dma_semaphore, #tpu.memory_space<semaphore_mem>>)
      %dma_wait3A_889 = arith.constant 30 : i32
      %dma_wait3A_890 = arith.constant 0 : i32
      %dma_wait3A_891 = tpu.memref_slice %arg6[%dma_wait3A_889, %dma_wait3A_890] : memref<40x128xi32, #tpu.memory_space<vmem>> -> memref<1x128xi32, #tpu.memory_space<vmem>>
      %dma_wait3A_892 = tpu.memref_squeeze %dma_wait3A_891 : memref<1x128xi32, #tpu.memory_space<vmem>> -> memref<128xi32, #tpu.memory_space<vmem>>
      %dma_wait3A_893 = arith.constant 0 : i32
      %dma_wait3A_894 = arith.constant 0 : i32
      %dma_wait3A_895 = tpu.memref_slice %arg2[%dma_wait3A_893, %dma_wait3A_894] : memref<10000x128xf32, #tpu.memory_space<hbm>> -> memref<10000x128xf32, #tpu.memory_space<hbm>>
      tpu.wait_indirect_dma semaphore(%arg12 : memref<!tpu.dma_semaphore, #tpu.memory_space<semaphore_mem>>) src(%dma_wait3A_895 : memref<10000x128xf32, #tpu.memory_space<hbm>>) dst(%arg8 : memref<128x128xf32, #tpu.memory_space<vmem>>)
      %dma_start3A_896 = arith.constant 30 : i32
      %dma_start3A_897 = arith.constant 0 : i32
      %dma_start3A_898 = tpu.memref_slice %arg7[%dma_start3A_896, %dma_start3A_897] : memref<40x128xi32, #tpu.memory_space<vmem>> -> memref<1x128xi32, #tpu.memory_space<vmem>>
      %dma_start3A_899 = tpu.memref_squeeze %dma_start3A_898 : memref<1x128xi32, #tpu.memory_space<vmem>> -> memref<128xi32, #tpu.memory_space<vmem>>
      %dma_start3A_900 = arith.constant 0 : i32
      %dma_start3A_901 = arith.constant 0 : i32
      %dma_start3A_902 = tpu.memref_slice %arg11[%dma_start3A_900, %dma_start3A_901] : memref<10240x128xf32, #tpu.memory_space<vmem_shared>> -> memref<10240x128xf32, #tpu.memory_space<vmem_shared>>
      tpu.enqueue_indirect_dma source(%arg8 : memref<128x128xf32, #tpu.memory_space<vmem>>) target(%dma_start3A_902 : memref<10240x128xf32, #tpu.memory_space<vmem_shared>>) offsets(%dma_start3A_899 : memref<128xi32, #tpu.memory_space<vmem>>) semaphore(%arg14 : memref<!tpu.dma_semaphore, #tpu.memory_space<semaphore_mem>>) {add = true}
      %dma_wait3A_903 = arith.constant 30 : i32
      %dma_wait3A_904 = arith.constant 0 : i32
      %dma_wait3A_905 = tpu.memref_slice %arg7[%dma_wait3A_903, %dma_wait3A_904] : memref<40x128xi32, #tpu.memory_space<vmem>> -> memref<1x128xi32, #tpu.memory_space<vmem>>
      %dma_wait3A_906 = tpu.memref_squeeze %dma_wait3A_905 : memref<1x128xi32, #tpu.memory_space<vmem>> -> memref<128xi32, #tpu.memory_space<vmem>>
      %dma_wait3A_907 = arith.constant 0 : i32
      %dma_wait3A_908 = arith.constant 0 : i32
      %dma_wait3A_909 = tpu.memref_slice %arg11[%dma_wait3A_907, %dma_wait3A_908] : memref<10240x128xf32, #tpu.memory_space<vmem_shared>> -> memref<10240x128xf32, #tpu.memory_space<vmem_shared>>
      tpu.wait_indirect_dma semaphore(%arg14 : memref<!tpu.dma_semaphore, #tpu.memory_space<semaphore_mem>>) src(%arg8 : memref<128x128xf32, #tpu.memory_space<vmem>>) dst(%dma_wait3A_909 : memref<10240x128xf32, #tpu.memory_space<vmem_shared>>)
      %dma_start3A_910 = arith.constant 32 : i32
      %dma_start3A_911 = arith.constant 0 : i32
      %dma_start3A_912 = tpu.memref_slice %arg6[%dma_start3A_910, %dma_start3A_911] : memref<40x128xi32, #tpu.memory_space<vmem>> -> memref<1x128xi32, #tpu.memory_space<vmem>>
      %dma_start3A_913 = tpu.memref_squeeze %dma_start3A_912 : memref<1x128xi32, #tpu.memory_space<vmem>> -> memref<128xi32, #tpu.memory_space<vmem>>
      %dma_start3A_914 = arith.constant 0 : i32
      %dma_start3A_915 = arith.constant 0 : i32
      %dma_start3A_916 = tpu.memref_slice %arg2[%dma_start3A_914, %dma_start3A_915] : memref<10000x128xf32, #tpu.memory_space<hbm>> -> memref<10000x128xf32, #tpu.memory_space<hbm>>
      tpu.enqueue_indirect_dma source(%dma_start3A_916 : memref<10000x128xf32, #tpu.memory_space<hbm>>) target(%arg8 : memref<128x128xf32, #tpu.memory_space<vmem>>) offsets(%dma_start3A_913 : memref<128xi32, #tpu.memory_space<vmem>>) semaphore(%arg12 : memref<!tpu.dma_semaphore, #tpu.memory_space<semaphore_mem>>)
      %dma_wait3A_917 = arith.constant 31 : i32
      %dma_wait3A_918 = arith.constant 0 : i32
      %dma_wait3A_919 = tpu.memref_slice %arg6[%dma_wait3A_917, %dma_wait3A_918] : memref<40x128xi32, #tpu.memory_space<vmem>> -> memref<1x128xi32, #tpu.memory_space<vmem>>
      %dma_wait3A_920 = tpu.memref_squeeze %dma_wait3A_919 : memref<1x128xi32, #tpu.memory_space<vmem>> -> memref<128xi32, #tpu.memory_space<vmem>>
      %dma_wait3A_921 = arith.constant 0 : i32
      %dma_wait3A_922 = arith.constant 0 : i32
      %dma_wait3A_923 = tpu.memref_slice %arg2[%dma_wait3A_921, %dma_wait3A_922] : memref<10000x128xf32, #tpu.memory_space<hbm>> -> memref<10000x128xf32, #tpu.memory_space<hbm>>
      tpu.wait_indirect_dma semaphore(%arg13 : memref<!tpu.dma_semaphore, #tpu.memory_space<semaphore_mem>>) src(%dma_wait3A_923 : memref<10000x128xf32, #tpu.memory_space<hbm>>) dst(%arg9 : memref<128x128xf32, #tpu.memory_space<vmem>>)
      %dma_start3A_924 = arith.constant 31 : i32
      %dma_start3A_925 = arith.constant 0 : i32
      %dma_start3A_926 = tpu.memref_slice %arg7[%dma_start3A_924, %dma_start3A_925] : memref<40x128xi32, #tpu.memory_space<vmem>> -> memref<1x128xi32, #tpu.memory_space<vmem>>
      %dma_start3A_927 = tpu.memref_squeeze %dma_start3A_926 : memref<1x128xi32, #tpu.memory_space<vmem>> -> memref<128xi32, #tpu.memory_space<vmem>>
      %dma_start3A_928 = arith.constant 0 : i32
      %dma_start3A_929 = arith.constant 0 : i32
      %dma_start3A_930 = tpu.memref_slice %arg11[%dma_start3A_928, %dma_start3A_929] : memref<10240x128xf32, #tpu.memory_space<vmem_shared>> -> memref<10240x128xf32, #tpu.memory_space<vmem_shared>>
      tpu.enqueue_indirect_dma source(%arg9 : memref<128x128xf32, #tpu.memory_space<vmem>>) target(%dma_start3A_930 : memref<10240x128xf32, #tpu.memory_space<vmem_shared>>) offsets(%dma_start3A_927 : memref<128xi32, #tpu.memory_space<vmem>>) semaphore(%arg15 : memref<!tpu.dma_semaphore, #tpu.memory_space<semaphore_mem>>) {add = true}
      %dma_wait3A_931 = arith.constant 31 : i32
      %dma_wait3A_932 = arith.constant 0 : i32
      %dma_wait3A_933 = tpu.memref_slice %arg7[%dma_wait3A_931, %dma_wait3A_932] : memref<40x128xi32, #tpu.memory_space<vmem>> -> memref<1x128xi32, #tpu.memory_space<vmem>>
      %dma_wait3A_934 = tpu.memref_squeeze %dma_wait3A_933 : memref<1x128xi32, #tpu.memory_space<vmem>> -> memref<128xi32, #tpu.memory_space<vmem>>
      %dma_wait3A_935 = arith.constant 0 : i32
      %dma_wait3A_936 = arith.constant 0 : i32
      %dma_wait3A_937 = tpu.memref_slice %arg11[%dma_wait3A_935, %dma_wait3A_936] : memref<10240x128xf32, #tpu.memory_space<vmem_shared>> -> memref<10240x128xf32, #tpu.memory_space<vmem_shared>>
      tpu.wait_indirect_dma semaphore(%arg15 : memref<!tpu.dma_semaphore, #tpu.memory_space<semaphore_mem>>) src(%arg9 : memref<128x128xf32, #tpu.memory_space<vmem>>) dst(%dma_wait3A_937 : memref<10240x128xf32, #tpu.memory_space<vmem_shared>>)
      %dma_start3A_938 = arith.constant 33 : i32
      %dma_start3A_939 = arith.constant 0 : i32
      %dma_start3A_940 = tpu.memref_slice %arg6[%dma_start3A_938, %dma_start3A_939] : memref<40x128xi32, #tpu.memory_space<vmem>> -> memref<1x128xi32, #tpu.memory_space<vmem>>
      %dma_start3A_941 = tpu.memref_squeeze %dma_start3A_940 : memref<1x128xi32, #tpu.memory_space<vmem>> -> memref<128xi32, #tpu.memory_space<vmem>>
      %dma_start3A_942 = arith.constant 0 : i32
      %dma_start3A_943 = arith.constant 0 : i32
      %dma_start3A_944 = tpu.memref_slice %arg2[%dma_start3A_942, %dma_start3A_943] : memref<10000x128xf32, #tpu.memory_space<hbm>> -> memref<10000x128xf32, #tpu.memory_space<hbm>>
      tpu.enqueue_indirect_dma source(%dma_start3A_944 : memref<10000x128xf32, #tpu.memory_space<hbm>>) target(%arg9 : memref<128x128xf32, #tpu.memory_space<vmem>>) offsets(%dma_start3A_941 : memref<128xi32, #tpu.memory_space<vmem>>) semaphore(%arg13 : memref<!tpu.dma_semaphore, #tpu.memory_space<semaphore_mem>>)
      %dma_wait3A_945 = arith.constant 32 : i32
      %dma_wait3A_946 = arith.constant 0 : i32
      %dma_wait3A_947 = tpu.memref_slice %arg6[%dma_wait3A_945, %dma_wait3A_946] : memref<40x128xi32, #tpu.memory_space<vmem>> -> memref<1x128xi32, #tpu.memory_space<vmem>>
      %dma_wait3A_948 = tpu.memref_squeeze %dma_wait3A_947 : memref<1x128xi32, #tpu.memory_space<vmem>> -> memref<128xi32, #tpu.memory_space<vmem>>
      %dma_wait3A_949 = arith.constant 0 : i32
      %dma_wait3A_950 = arith.constant 0 : i32
      %dma_wait3A_951 = tpu.memref_slice %arg2[%dma_wait3A_949, %dma_wait3A_950] : memref<10000x128xf32, #tpu.memory_space<hbm>> -> memref<10000x128xf32, #tpu.memory_space<hbm>>
      tpu.wait_indirect_dma semaphore(%arg12 : memref<!tpu.dma_semaphore, #tpu.memory_space<semaphore_mem>>) src(%dma_wait3A_951 : memref<10000x128xf32, #tpu.memory_space<hbm>>) dst(%arg8 : memref<128x128xf32, #tpu.memory_space<vmem>>)
      %dma_start3A_952 = arith.constant 32 : i32
      %dma_start3A_953 = arith.constant 0 : i32
      %dma_start3A_954 = tpu.memref_slice %arg7[%dma_start3A_952, %dma_start3A_953] : memref<40x128xi32, #tpu.memory_space<vmem>> -> memref<1x128xi32, #tpu.memory_space<vmem>>
      %dma_start3A_955 = tpu.memref_squeeze %dma_start3A_954 : memref<1x128xi32, #tpu.memory_space<vmem>> -> memref<128xi32, #tpu.memory_space<vmem>>
      %dma_start3A_956 = arith.constant 0 : i32
      %dma_start3A_957 = arith.constant 0 : i32
      %dma_start3A_958 = tpu.memref_slice %arg11[%dma_start3A_956, %dma_start3A_957] : memref<10240x128xf32, #tpu.memory_space<vmem_shared>> -> memref<10240x128xf32, #tpu.memory_space<vmem_shared>>
      tpu.enqueue_indirect_dma source(%arg8 : memref<128x128xf32, #tpu.memory_space<vmem>>) target(%dma_start3A_958 : memref<10240x128xf32, #tpu.memory_space<vmem_shared>>) offsets(%dma_start3A_955 : memref<128xi32, #tpu.memory_space<vmem>>) semaphore(%arg14 : memref<!tpu.dma_semaphore, #tpu.memory_space<semaphore_mem>>) {add = true}
      %dma_wait3A_959 = arith.constant 32 : i32
      %dma_wait3A_960 = arith.constant 0 : i32
      %dma_wait3A_961 = tpu.memref_slice %arg7[%dma_wait3A_959, %dma_wait3A_960] : memref<40x128xi32, #tpu.memory_space<vmem>> -> memref<1x128xi32, #tpu.memory_space<vmem>>
      %dma_wait3A_962 = tpu.memref_squeeze %dma_wait3A_961 : memref<1x128xi32, #tpu.memory_space<vmem>> -> memref<128xi32, #tpu.memory_space<vmem>>
      %dma_wait3A_963 = arith.constant 0 : i32
      %dma_wait3A_964 = arith.constant 0 : i32
      %dma_wait3A_965 = tpu.memref_slice %arg11[%dma_wait3A_963, %dma_wait3A_964] : memref<10240x128xf32, #tpu.memory_space<vmem_shared>> -> memref<10240x128xf32, #tpu.memory_space<vmem_shared>>
      tpu.wait_indirect_dma semaphore(%arg14 : memref<!tpu.dma_semaphore, #tpu.memory_space<semaphore_mem>>) src(%arg8 : memref<128x128xf32, #tpu.memory_space<vmem>>) dst(%dma_wait3A_965 : memref<10240x128xf32, #tpu.memory_space<vmem_shared>>)
      %dma_start3A_966 = arith.constant 34 : i32
      %dma_start3A_967 = arith.constant 0 : i32
      %dma_start3A_968 = tpu.memref_slice %arg6[%dma_start3A_966, %dma_start3A_967] : memref<40x128xi32, #tpu.memory_space<vmem>> -> memref<1x128xi32, #tpu.memory_space<vmem>>
      %dma_start3A_969 = tpu.memref_squeeze %dma_start3A_968 : memref<1x128xi32, #tpu.memory_space<vmem>> -> memref<128xi32, #tpu.memory_space<vmem>>
      %dma_start3A_970 = arith.constant 0 : i32
      %dma_start3A_971 = arith.constant 0 : i32
      %dma_start3A_972 = tpu.memref_slice %arg2[%dma_start3A_970, %dma_start3A_971] : memref<10000x128xf32, #tpu.memory_space<hbm>> -> memref<10000x128xf32, #tpu.memory_space<hbm>>
      tpu.enqueue_indirect_dma source(%dma_start3A_972 : memref<10000x128xf32, #tpu.memory_space<hbm>>) target(%arg8 : memref<128x128xf32, #tpu.memory_space<vmem>>) offsets(%dma_start3A_969 : memref<128xi32, #tpu.memory_space<vmem>>) semaphore(%arg12 : memref<!tpu.dma_semaphore, #tpu.memory_space<semaphore_mem>>)
      %dma_wait3A_973 = arith.constant 33 : i32
      %dma_wait3A_974 = arith.constant 0 : i32
      %dma_wait3A_975 = tpu.memref_slice %arg6[%dma_wait3A_973, %dma_wait3A_974] : memref<40x128xi32, #tpu.memory_space<vmem>> -> memref<1x128xi32, #tpu.memory_space<vmem>>
      %dma_wait3A_976 = tpu.memref_squeeze %dma_wait3A_975 : memref<1x128xi32, #tpu.memory_space<vmem>> -> memref<128xi32, #tpu.memory_space<vmem>>
      %dma_wait3A_977 = arith.constant 0 : i32
      %dma_wait3A_978 = arith.constant 0 : i32
      %dma_wait3A_979 = tpu.memref_slice %arg2[%dma_wait3A_977, %dma_wait3A_978] : memref<10000x128xf32, #tpu.memory_space<hbm>> -> memref<10000x128xf32, #tpu.memory_space<hbm>>
      tpu.wait_indirect_dma semaphore(%arg13 : memref<!tpu.dma_semaphore, #tpu.memory_space<semaphore_mem>>) src(%dma_wait3A_979 : memref<10000x128xf32, #tpu.memory_space<hbm>>) dst(%arg9 : memref<128x128xf32, #tpu.memory_space<vmem>>)
      %dma_start3A_980 = arith.constant 33 : i32
      %dma_start3A_981 = arith.constant 0 : i32
      %dma_start3A_982 = tpu.memref_slice %arg7[%dma_start3A_980, %dma_start3A_981] : memref<40x128xi32, #tpu.memory_space<vmem>> -> memref<1x128xi32, #tpu.memory_space<vmem>>
      %dma_start3A_983 = tpu.memref_squeeze %dma_start3A_982 : memref<1x128xi32, #tpu.memory_space<vmem>> -> memref<128xi32, #tpu.memory_space<vmem>>
      %dma_start3A_984 = arith.constant 0 : i32
      %dma_start3A_985 = arith.constant 0 : i32
      %dma_start3A_986 = tpu.memref_slice %arg11[%dma_start3A_984, %dma_start3A_985] : memref<10240x128xf32, #tpu.memory_space<vmem_shared>> -> memref<10240x128xf32, #tpu.memory_space<vmem_shared>>
      tpu.enqueue_indirect_dma source(%arg9 : memref<128x128xf32, #tpu.memory_space<vmem>>) target(%dma_start3A_986 : memref<10240x128xf32, #tpu.memory_space<vmem_shared>>) offsets(%dma_start3A_983 : memref<128xi32, #tpu.memory_space<vmem>>) semaphore(%arg15 : memref<!tpu.dma_semaphore, #tpu.memory_space<semaphore_mem>>) {add = true}
      %dma_wait3A_987 = arith.constant 33 : i32
      %dma_wait3A_988 = arith.constant 0 : i32
      %dma_wait3A_989 = tpu.memref_slice %arg7[%dma_wait3A_987, %dma_wait3A_988] : memref<40x128xi32, #tpu.memory_space<vmem>> -> memref<1x128xi32, #tpu.memory_space<vmem>>
      %dma_wait3A_990 = tpu.memref_squeeze %dma_wait3A_989 : memref<1x128xi32, #tpu.memory_space<vmem>> -> memref<128xi32, #tpu.memory_space<vmem>>
      %dma_wait3A_991 = arith.constant 0 : i32
      %dma_wait3A_992 = arith.constant 0 : i32
      %dma_wait3A_993 = tpu.memref_slice %arg11[%dma_wait3A_991, %dma_wait3A_992] : memref<10240x128xf32, #tpu.memory_space<vmem_shared>> -> memref<10240x128xf32, #tpu.memory_space<vmem_shared>>
      tpu.wait_indirect_dma semaphore(%arg15 : memref<!tpu.dma_semaphore, #tpu.memory_space<semaphore_mem>>) src(%arg9 : memref<128x128xf32, #tpu.memory_space<vmem>>) dst(%dma_wait3A_993 : memref<10240x128xf32, #tpu.memory_space<vmem_shared>>)
      %dma_start3A_994 = arith.constant 35 : i32
      %dma_start3A_995 = arith.constant 0 : i32
      %dma_start3A_996 = tpu.memref_slice %arg6[%dma_start3A_994, %dma_start3A_995] : memref<40x128xi32, #tpu.memory_space<vmem>> -> memref<1x128xi32, #tpu.memory_space<vmem>>
      %dma_start3A_997 = tpu.memref_squeeze %dma_start3A_996 : memref<1x128xi32, #tpu.memory_space<vmem>> -> memref<128xi32, #tpu.memory_space<vmem>>
      %dma_start3A_998 = arith.constant 0 : i32
      %dma_start3A_999 = arith.constant 0 : i32
      %dma_start3A_1000 = tpu.memref_slice %arg2[%dma_start3A_998, %dma_start3A_999] : memref<10000x128xf32, #tpu.memory_space<hbm>> -> memref<10000x128xf32, #tpu.memory_space<hbm>>
      tpu.enqueue_indirect_dma source(%dma_start3A_1000 : memref<10000x128xf32, #tpu.memory_space<hbm>>) target(%arg9 : memref<128x128xf32, #tpu.memory_space<vmem>>) offsets(%dma_start3A_997 : memref<128xi32, #tpu.memory_space<vmem>>) semaphore(%arg13 : memref<!tpu.dma_semaphore, #tpu.memory_space<semaphore_mem>>)
      %dma_wait3A_1001 = arith.constant 34 : i32
      %dma_wait3A_1002 = arith.constant 0 : i32
      %dma_wait3A_1003 = tpu.memref_slice %arg6[%dma_wait3A_1001, %dma_wait3A_1002] : memref<40x128xi32, #tpu.memory_space<vmem>> -> memref<1x128xi32, #tpu.memory_space<vmem>>
      %dma_wait3A_1004 = tpu.memref_squeeze %dma_wait3A_1003 : memref<1x128xi32, #tpu.memory_space<vmem>> -> memref<128xi32, #tpu.memory_space<vmem>>
      %dma_wait3A_1005 = arith.constant 0 : i32
      %dma_wait3A_1006 = arith.constant 0 : i32
      %dma_wait3A_1007 = tpu.memref_slice %arg2[%dma_wait3A_1005, %dma_wait3A_1006] : memref<10000x128xf32, #tpu.memory_space<hbm>> -> memref<10000x128xf32, #tpu.memory_space<hbm>>
      tpu.wait_indirect_dma semaphore(%arg12 : memref<!tpu.dma_semaphore, #tpu.memory_space<semaphore_mem>>) src(%dma_wait3A_1007 : memref<10000x128xf32, #tpu.memory_space<hbm>>) dst(%arg8 : memref<128x128xf32, #tpu.memory_space<vmem>>)
      %dma_start3A_1008 = arith.constant 34 : i32
      %dma_start3A_1009 = arith.constant 0 : i32
      %dma_start3A_1010 = tpu.memref_slice %arg7[%dma_start3A_1008, %dma_start3A_1009] : memref<40x128xi32, #tpu.memory_space<vmem>> -> memref<1x128xi32, #tpu.memory_space<vmem>>
      %dma_start3A_1011 = tpu.memref_squeeze %dma_start3A_1010 : memref<1x128xi32, #tpu.memory_space<vmem>> -> memref<128xi32, #tpu.memory_space<vmem>>
      %dma_start3A_1012 = arith.constant 0 : i32
      %dma_start3A_1013 = arith.constant 0 : i32
      %dma_start3A_1014 = tpu.memref_slice %arg11[%dma_start3A_1012, %dma_start3A_1013] : memref<10240x128xf32, #tpu.memory_space<vmem_shared>> -> memref<10240x128xf32, #tpu.memory_space<vmem_shared>>
      tpu.enqueue_indirect_dma source(%arg8 : memref<128x128xf32, #tpu.memory_space<vmem>>) target(%dma_start3A_1014 : memref<10240x128xf32, #tpu.memory_space<vmem_shared>>) offsets(%dma_start3A_1011 : memref<128xi32, #tpu.memory_space<vmem>>) semaphore(%arg14 : memref<!tpu.dma_semaphore, #tpu.memory_space<semaphore_mem>>) {add = true}
      %dma_wait3A_1015 = arith.constant 34 : i32
      %dma_wait3A_1016 = arith.constant 0 : i32
      %dma_wait3A_1017 = tpu.memref_slice %arg7[%dma_wait3A_1015, %dma_wait3A_1016] : memref<40x128xi32, #tpu.memory_space<vmem>> -> memref<1x128xi32, #tpu.memory_space<vmem>>
      %dma_wait3A_1018 = tpu.memref_squeeze %dma_wait3A_1017 : memref<1x128xi32, #tpu.memory_space<vmem>> -> memref<128xi32, #tpu.memory_space<vmem>>
      %dma_wait3A_1019 = arith.constant 0 : i32
      %dma_wait3A_1020 = arith.constant 0 : i32
      %dma_wait3A_1021 = tpu.memref_slice %arg11[%dma_wait3A_1019, %dma_wait3A_1020] : memref<10240x128xf32, #tpu.memory_space<vmem_shared>> -> memref<10240x128xf32, #tpu.memory_space<vmem_shared>>
      tpu.wait_indirect_dma semaphore(%arg14 : memref<!tpu.dma_semaphore, #tpu.memory_space<semaphore_mem>>) src(%arg8 : memref<128x128xf32, #tpu.memory_space<vmem>>) dst(%dma_wait3A_1021 : memref<10240x128xf32, #tpu.memory_space<vmem_shared>>)
      %dma_start3A_1022 = arith.constant 36 : i32
      %dma_start3A_1023 = arith.constant 0 : i32
      %dma_start3A_1024 = tpu.memref_slice %arg6[%dma_start3A_1022, %dma_start3A_1023] : memref<40x128xi32, #tpu.memory_space<vmem>> -> memref<1x128xi32, #tpu.memory_space<vmem>>
      %dma_start3A_1025 = tpu.memref_squeeze %dma_start3A_1024 : memref<1x128xi32, #tpu.memory_space<vmem>> -> memref<128xi32, #tpu.memory_space<vmem>>
      %dma_start3A_1026 = arith.constant 0 : i32
      %dma_start3A_1027 = arith.constant 0 : i32
      %dma_start3A_1028 = tpu.memref_slice %arg2[%dma_start3A_1026, %dma_start3A_1027] : memref<10000x128xf32, #tpu.memory_space<hbm>> -> memref<10000x128xf32, #tpu.memory_space<hbm>>
      tpu.enqueue_indirect_dma source(%dma_start3A_1028 : memref<10000x128xf32, #tpu.memory_space<hbm>>) target(%arg8 : memref<128x128xf32, #tpu.memory_space<vmem>>) offsets(%dma_start3A_1025 : memref<128xi32, #tpu.memory_space<vmem>>) semaphore(%arg12 : memref<!tpu.dma_semaphore, #tpu.memory_space<semaphore_mem>>)
      %dma_wait3A_1029 = arith.constant 35 : i32
      %dma_wait3A_1030 = arith.constant 0 : i32
      %dma_wait3A_1031 = tpu.memref_slice %arg6[%dma_wait3A_1029, %dma_wait3A_1030] : memref<40x128xi32, #tpu.memory_space<vmem>> -> memref<1x128xi32, #tpu.memory_space<vmem>>
      %dma_wait3A_1032 = tpu.memref_squeeze %dma_wait3A_1031 : memref<1x128xi32, #tpu.memory_space<vmem>> -> memref<128xi32, #tpu.memory_space<vmem>>
      %dma_wait3A_1033 = arith.constant 0 : i32
      %dma_wait3A_1034 = arith.constant 0 : i32
      %dma_wait3A_1035 = tpu.memref_slice %arg2[%dma_wait3A_1033, %dma_wait3A_1034] : memref<10000x128xf32, #tpu.memory_space<hbm>> -> memref<10000x128xf32, #tpu.memory_space<hbm>>
      tpu.wait_indirect_dma semaphore(%arg13 : memref<!tpu.dma_semaphore, #tpu.memory_space<semaphore_mem>>) src(%dma_wait3A_1035 : memref<10000x128xf32, #tpu.memory_space<hbm>>) dst(%arg9 : memref<128x128xf32, #tpu.memory_space<vmem>>)
      %dma_start3A_1036 = arith.constant 35 : i32
      %dma_start3A_1037 = arith.constant 0 : i32
      %dma_start3A_1038 = tpu.memref_slice %arg7[%dma_start3A_1036, %dma_start3A_1037] : memref<40x128xi32, #tpu.memory_space<vmem>> -> memref<1x128xi32, #tpu.memory_space<vmem>>
      %dma_start3A_1039 = tpu.memref_squeeze %dma_start3A_1038 : memref<1x128xi32, #tpu.memory_space<vmem>> -> memref<128xi32, #tpu.memory_space<vmem>>
      %dma_start3A_1040 = arith.constant 0 : i32
      %dma_start3A_1041 = arith.constant 0 : i32
      %dma_start3A_1042 = tpu.memref_slice %arg11[%dma_start3A_1040, %dma_start3A_1041] : memref<10240x128xf32, #tpu.memory_space<vmem_shared>> -> memref<10240x128xf32, #tpu.memory_space<vmem_shared>>
      tpu.enqueue_indirect_dma source(%arg9 : memref<128x128xf32, #tpu.memory_space<vmem>>) target(%dma_start3A_1042 : memref<10240x128xf32, #tpu.memory_space<vmem_shared>>) offsets(%dma_start3A_1039 : memref<128xi32, #tpu.memory_space<vmem>>) semaphore(%arg15 : memref<!tpu.dma_semaphore, #tpu.memory_space<semaphore_mem>>) {add = true}
      %dma_wait3A_1043 = arith.constant 35 : i32
      %dma_wait3A_1044 = arith.constant 0 : i32
      %dma_wait3A_1045 = tpu.memref_slice %arg7[%dma_wait3A_1043, %dma_wait3A_1044] : memref<40x128xi32, #tpu.memory_space<vmem>> -> memref<1x128xi32, #tpu.memory_space<vmem>>
      %dma_wait3A_1046 = tpu.memref_squeeze %dma_wait3A_1045 : memref<1x128xi32, #tpu.memory_space<vmem>> -> memref<128xi32, #tpu.memory_space<vmem>>
      %dma_wait3A_1047 = arith.constant 0 : i32
      %dma_wait3A_1048 = arith.constant 0 : i32
      %dma_wait3A_1049 = tpu.memref_slice %arg11[%dma_wait3A_1047, %dma_wait3A_1048] : memref<10240x128xf32, #tpu.memory_space<vmem_shared>> -> memref<10240x128xf32, #tpu.memory_space<vmem_shared>>
      tpu.wait_indirect_dma semaphore(%arg15 : memref<!tpu.dma_semaphore, #tpu.memory_space<semaphore_mem>>) src(%arg9 : memref<128x128xf32, #tpu.memory_space<vmem>>) dst(%dma_wait3A_1049 : memref<10240x128xf32, #tpu.memory_space<vmem_shared>>)
      %dma_start3A_1050 = arith.constant 37 : i32
      %dma_start3A_1051 = arith.constant 0 : i32
      %dma_start3A_1052 = tpu.memref_slice %arg6[%dma_start3A_1050, %dma_start3A_1051] : memref<40x128xi32, #tpu.memory_space<vmem>> -> memref<1x128xi32, #tpu.memory_space<vmem>>
      %dma_start3A_1053 = tpu.memref_squeeze %dma_start3A_1052 : memref<1x128xi32, #tpu.memory_space<vmem>> -> memref<128xi32, #tpu.memory_space<vmem>>
      %dma_start3A_1054 = arith.constant 0 : i32
      %dma_start3A_1055 = arith.constant 0 : i32
      %dma_start3A_1056 = tpu.memref_slice %arg2[%dma_start3A_1054, %dma_start3A_1055] : memref<10000x128xf32, #tpu.memory_space<hbm>> -> memref<10000x128xf32, #tpu.memory_space<hbm>>
      tpu.enqueue_indirect_dma source(%dma_start3A_1056 : memref<10000x128xf32, #tpu.memory_space<hbm>>) target(%arg9 : memref<128x128xf32, #tpu.memory_space<vmem>>) offsets(%dma_start3A_1053 : memref<128xi32, #tpu.memory_space<vmem>>) semaphore(%arg13 : memref<!tpu.dma_semaphore, #tpu.memory_space<semaphore_mem>>)
      %dma_wait3A_1057 = arith.constant 36 : i32
      %dma_wait3A_1058 = arith.constant 0 : i32
      %dma_wait3A_1059 = tpu.memref_slice %arg6[%dma_wait3A_1057, %dma_wait3A_1058] : memref<40x128xi32, #tpu.memory_space<vmem>> -> memref<1x128xi32, #tpu.memory_space<vmem>>
      %dma_wait3A_1060 = tpu.memref_squeeze %dma_wait3A_1059 : memref<1x128xi32, #tpu.memory_space<vmem>> -> memref<128xi32, #tpu.memory_space<vmem>>
      %dma_wait3A_1061 = arith.constant 0 : i32
      %dma_wait3A_1062 = arith.constant 0 : i32
      %dma_wait3A_1063 = tpu.memref_slice %arg2[%dma_wait3A_1061, %dma_wait3A_1062] : memref<10000x128xf32, #tpu.memory_space<hbm>> -> memref<10000x128xf32, #tpu.memory_space<hbm>>
      tpu.wait_indirect_dma semaphore(%arg12 : memref<!tpu.dma_semaphore, #tpu.memory_space<semaphore_mem>>) src(%dma_wait3A_1063 : memref<10000x128xf32, #tpu.memory_space<hbm>>) dst(%arg8 : memref<128x128xf32, #tpu.memory_space<vmem>>)
      %dma_start3A_1064 = arith.constant 36 : i32
      %dma_start3A_1065 = arith.constant 0 : i32
      %dma_start3A_1066 = tpu.memref_slice %arg7[%dma_start3A_1064, %dma_start3A_1065] : memref<40x128xi32, #tpu.memory_space<vmem>> -> memref<1x128xi32, #tpu.memory_space<vmem>>
      %dma_start3A_1067 = tpu.memref_squeeze %dma_start3A_1066 : memref<1x128xi32, #tpu.memory_space<vmem>> -> memref<128xi32, #tpu.memory_space<vmem>>
      %dma_start3A_1068 = arith.constant 0 : i32
      %dma_start3A_1069 = arith.constant 0 : i32
      %dma_start3A_1070 = tpu.memref_slice %arg11[%dma_start3A_1068, %dma_start3A_1069] : memref<10240x128xf32, #tpu.memory_space<vmem_shared>> -> memref<10240x128xf32, #tpu.memory_space<vmem_shared>>
      tpu.enqueue_indirect_dma source(%arg8 : memref<128x128xf32, #tpu.memory_space<vmem>>) target(%dma_start3A_1070 : memref<10240x128xf32, #tpu.memory_space<vmem_shared>>) offsets(%dma_start3A_1067 : memref<128xi32, #tpu.memory_space<vmem>>) semaphore(%arg14 : memref<!tpu.dma_semaphore, #tpu.memory_space<semaphore_mem>>) {add = true}
      %dma_wait3A_1071 = arith.constant 36 : i32
      %dma_wait3A_1072 = arith.constant 0 : i32
      %dma_wait3A_1073 = tpu.memref_slice %arg7[%dma_wait3A_1071, %dma_wait3A_1072] : memref<40x128xi32, #tpu.memory_space<vmem>> -> memref<1x128xi32, #tpu.memory_space<vmem>>
      %dma_wait3A_1074 = tpu.memref_squeeze %dma_wait3A_1073 : memref<1x128xi32, #tpu.memory_space<vmem>> -> memref<128xi32, #tpu.memory_space<vmem>>
      %dma_wait3A_1075 = arith.constant 0 : i32
      %dma_wait3A_1076 = arith.constant 0 : i32
      %dma_wait3A_1077 = tpu.memref_slice %arg11[%dma_wait3A_1075, %dma_wait3A_1076] : memref<10240x128xf32, #tpu.memory_space<vmem_shared>> -> memref<10240x128xf32, #tpu.memory_space<vmem_shared>>
      tpu.wait_indirect_dma semaphore(%arg14 : memref<!tpu.dma_semaphore, #tpu.memory_space<semaphore_mem>>) src(%arg8 : memref<128x128xf32, #tpu.memory_space<vmem>>) dst(%dma_wait3A_1077 : memref<10240x128xf32, #tpu.memory_space<vmem_shared>>)
      %dma_start3A_1078 = arith.constant 38 : i32
      %dma_start3A_1079 = arith.constant 0 : i32
      %dma_start3A_1080 = tpu.memref_slice %arg6[%dma_start3A_1078, %dma_start3A_1079] : memref<40x128xi32, #tpu.memory_space<vmem>> -> memref<1x128xi32, #tpu.memory_space<vmem>>
      %dma_start3A_1081 = tpu.memref_squeeze %dma_start3A_1080 : memref<1x128xi32, #tpu.memory_space<vmem>> -> memref<128xi32, #tpu.memory_space<vmem>>
      %dma_start3A_1082 = arith.constant 0 : i32
      %dma_start3A_1083 = arith.constant 0 : i32
      %dma_start3A_1084 = tpu.memref_slice %arg2[%dma_start3A_1082, %dma_start3A_1083] : memref<10000x128xf32, #tpu.memory_space<hbm>> -> memref<10000x128xf32, #tpu.memory_space<hbm>>
      tpu.enqueue_indirect_dma source(%dma_start3A_1084 : memref<10000x128xf32, #tpu.memory_space<hbm>>) target(%arg8 : memref<128x128xf32, #tpu.memory_space<vmem>>) offsets(%dma_start3A_1081 : memref<128xi32, #tpu.memory_space<vmem>>) semaphore(%arg12 : memref<!tpu.dma_semaphore, #tpu.memory_space<semaphore_mem>>)
      %dma_wait3A_1085 = arith.constant 37 : i32
      %dma_wait3A_1086 = arith.constant 0 : i32
      %dma_wait3A_1087 = tpu.memref_slice %arg6[%dma_wait3A_1085, %dma_wait3A_1086] : memref<40x128xi32, #tpu.memory_space<vmem>> -> memref<1x128xi32, #tpu.memory_space<vmem>>
      %dma_wait3A_1088 = tpu.memref_squeeze %dma_wait3A_1087 : memref<1x128xi32, #tpu.memory_space<vmem>> -> memref<128xi32, #tpu.memory_space<vmem>>
      %dma_wait3A_1089 = arith.constant 0 : i32
      %dma_wait3A_1090 = arith.constant 0 : i32
      %dma_wait3A_1091 = tpu.memref_slice %arg2[%dma_wait3A_1089, %dma_wait3A_1090] : memref<10000x128xf32, #tpu.memory_space<hbm>> -> memref<10000x128xf32, #tpu.memory_space<hbm>>
      tpu.wait_indirect_dma semaphore(%arg13 : memref<!tpu.dma_semaphore, #tpu.memory_space<semaphore_mem>>) src(%dma_wait3A_1091 : memref<10000x128xf32, #tpu.memory_space<hbm>>) dst(%arg9 : memref<128x128xf32, #tpu.memory_space<vmem>>)
      %dma_start3A_1092 = arith.constant 37 : i32
      %dma_start3A_1093 = arith.constant 0 : i32
      %dma_start3A_1094 = tpu.memref_slice %arg7[%dma_start3A_1092, %dma_start3A_1093] : memref<40x128xi32, #tpu.memory_space<vmem>> -> memref<1x128xi32, #tpu.memory_space<vmem>>
      %dma_start3A_1095 = tpu.memref_squeeze %dma_start3A_1094 : memref<1x128xi32, #tpu.memory_space<vmem>> -> memref<128xi32, #tpu.memory_space<vmem>>
      %dma_start3A_1096 = arith.constant 0 : i32
      %dma_start3A_1097 = arith.constant 0 : i32
      %dma_start3A_1098 = tpu.memref_slice %arg11[%dma_start3A_1096, %dma_start3A_1097] : memref<10240x128xf32, #tpu.memory_space<vmem_shared>> -> memref<10240x128xf32, #tpu.memory_space<vmem_shared>>
      tpu.enqueue_indirect_dma source(%arg9 : memref<128x128xf32, #tpu.memory_space<vmem>>) target(%dma_start3A_1098 : memref<10240x128xf32, #tpu.memory_space<vmem_shared>>) offsets(%dma_start3A_1095 : memref<128xi32, #tpu.memory_space<vmem>>) semaphore(%arg15 : memref<!tpu.dma_semaphore, #tpu.memory_space<semaphore_mem>>) {add = true}
      %dma_wait3A_1099 = arith.constant 37 : i32
      %dma_wait3A_1100 = arith.constant 0 : i32
      %dma_wait3A_1101 = tpu.memref_slice %arg7[%dma_wait3A_1099, %dma_wait3A_1100] : memref<40x128xi32, #tpu.memory_space<vmem>> -> memref<1x128xi32, #tpu.memory_space<vmem>>
      %dma_wait3A_1102 = tpu.memref_squeeze %dma_wait3A_1101 : memref<1x128xi32, #tpu.memory_space<vmem>> -> memref<128xi32, #tpu.memory_space<vmem>>
      %dma_wait3A_1103 = arith.constant 0 : i32
      %dma_wait3A_1104 = arith.constant 0 : i32
      %dma_wait3A_1105 = tpu.memref_slice %arg11[%dma_wait3A_1103, %dma_wait3A_1104] : memref<10240x128xf32, #tpu.memory_space<vmem_shared>> -> memref<10240x128xf32, #tpu.memory_space<vmem_shared>>
      tpu.wait_indirect_dma semaphore(%arg15 : memref<!tpu.dma_semaphore, #tpu.memory_space<semaphore_mem>>) src(%arg9 : memref<128x128xf32, #tpu.memory_space<vmem>>) dst(%dma_wait3A_1105 : memref<10240x128xf32, #tpu.memory_space<vmem_shared>>)
      %dma_start3A_1106 = arith.constant 39 : i32
      %dma_start3A_1107 = arith.constant 0 : i32
      %dma_start3A_1108 = tpu.memref_slice %arg6[%dma_start3A_1106, %dma_start3A_1107] : memref<40x128xi32, #tpu.memory_space<vmem>> -> memref<1x128xi32, #tpu.memory_space<vmem>>
      %dma_start3A_1109 = tpu.memref_squeeze %dma_start3A_1108 : memref<1x128xi32, #tpu.memory_space<vmem>> -> memref<128xi32, #tpu.memory_space<vmem>>
      %dma_start3A_1110 = arith.constant 0 : i32
      %dma_start3A_1111 = arith.constant 0 : i32
      %dma_start3A_1112 = tpu.memref_slice %arg2[%dma_start3A_1110, %dma_start3A_1111] : memref<10000x128xf32, #tpu.memory_space<hbm>> -> memref<10000x128xf32, #tpu.memory_space<hbm>>
      tpu.enqueue_indirect_dma source(%dma_start3A_1112 : memref<10000x128xf32, #tpu.memory_space<hbm>>) target(%arg9 : memref<128x128xf32, #tpu.memory_space<vmem>>) offsets(%dma_start3A_1109 : memref<128xi32, #tpu.memory_space<vmem>>) semaphore(%arg13 : memref<!tpu.dma_semaphore, #tpu.memory_space<semaphore_mem>>)
      %dma_wait3A_1113 = arith.constant 38 : i32
      %dma_wait3A_1114 = arith.constant 0 : i32
      %dma_wait3A_1115 = tpu.memref_slice %arg6[%dma_wait3A_1113, %dma_wait3A_1114] : memref<40x128xi32, #tpu.memory_space<vmem>> -> memref<1x128xi32, #tpu.memory_space<vmem>>
      %dma_wait3A_1116 = tpu.memref_squeeze %dma_wait3A_1115 : memref<1x128xi32, #tpu.memory_space<vmem>> -> memref<128xi32, #tpu.memory_space<vmem>>
      %dma_wait3A_1117 = arith.constant 0 : i32
      %dma_wait3A_1118 = arith.constant 0 : i32
      %dma_wait3A_1119 = tpu.memref_slice %arg2[%dma_wait3A_1117, %dma_wait3A_1118] : memref<10000x128xf32, #tpu.memory_space<hbm>> -> memref<10000x128xf32, #tpu.memory_space<hbm>>
      tpu.wait_indirect_dma semaphore(%arg12 : memref<!tpu.dma_semaphore, #tpu.memory_space<semaphore_mem>>) src(%dma_wait3A_1119 : memref<10000x128xf32, #tpu.memory_space<hbm>>) dst(%arg8 : memref<128x128xf32, #tpu.memory_space<vmem>>)
      %dma_start3A_1120 = arith.constant 38 : i32
      %dma_start3A_1121 = arith.constant 0 : i32
      %dma_start3A_1122 = tpu.memref_slice %arg7[%dma_start3A_1120, %dma_start3A_1121] : memref<40x128xi32, #tpu.memory_space<vmem>> -> memref<1x128xi32, #tpu.memory_space<vmem>>
      %dma_start3A_1123 = tpu.memref_squeeze %dma_start3A_1122 : memref<1x128xi32, #tpu.memory_space<vmem>> -> memref<128xi32, #tpu.memory_space<vmem>>
      %dma_start3A_1124 = arith.constant 0 : i32
      %dma_start3A_1125 = arith.constant 0 : i32
      %dma_start3A_1126 = tpu.memref_slice %arg11[%dma_start3A_1124, %dma_start3A_1125] : memref<10240x128xf32, #tpu.memory_space<vmem_shared>> -> memref<10240x128xf32, #tpu.memory_space<vmem_shared>>
      tpu.enqueue_indirect_dma source(%arg8 : memref<128x128xf32, #tpu.memory_space<vmem>>) target(%dma_start3A_1126 : memref<10240x128xf32, #tpu.memory_space<vmem_shared>>) offsets(%dma_start3A_1123 : memref<128xi32, #tpu.memory_space<vmem>>) semaphore(%arg14 : memref<!tpu.dma_semaphore, #tpu.memory_space<semaphore_mem>>) {add = true}
      %dma_wait3A_1127 = arith.constant 39 : i32
      %dma_wait3A_1128 = arith.constant 0 : i32
      %dma_wait3A_1129 = tpu.memref_slice %arg6[%dma_wait3A_1127, %dma_wait3A_1128] : memref<40x128xi32, #tpu.memory_space<vmem>> -> memref<1x128xi32, #tpu.memory_space<vmem>>
      %dma_wait3A_1130 = tpu.memref_squeeze %dma_wait3A_1129 : memref<1x128xi32, #tpu.memory_space<vmem>> -> memref<128xi32, #tpu.memory_space<vmem>>
      %dma_wait3A_1131 = arith.constant 0 : i32
      %dma_wait3A_1132 = arith.constant 0 : i32
      %dma_wait3A_1133 = tpu.memref_slice %arg2[%dma_wait3A_1131, %dma_wait3A_1132] : memref<10000x128xf32, #tpu.memory_space<hbm>> -> memref<10000x128xf32, #tpu.memory_space<hbm>>
      tpu.wait_indirect_dma semaphore(%arg13 : memref<!tpu.dma_semaphore, #tpu.memory_space<semaphore_mem>>) src(%dma_wait3A_1133 : memref<10000x128xf32, #tpu.memory_space<hbm>>) dst(%arg9 : memref<128x128xf32, #tpu.memory_space<vmem>>)
      %dma_start3A_1134 = arith.constant 39 : i32
      %dma_start3A_1135 = arith.constant 0 : i32
      %dma_start3A_1136 = tpu.memref_slice %arg7[%dma_start3A_1134, %dma_start3A_1135] : memref<40x128xi32, #tpu.memory_space<vmem>> -> memref<1x128xi32, #tpu.memory_space<vmem>>
      %dma_start3A_1137 = tpu.memref_squeeze %dma_start3A_1136 : memref<1x128xi32, #tpu.memory_space<vmem>> -> memref<128xi32, #tpu.memory_space<vmem>>
      %dma_start3A_1138 = arith.constant 0 : i32
      %dma_start3A_1139 = arith.constant 0 : i32
      %dma_start3A_1140 = tpu.memref_slice %arg11[%dma_start3A_1138, %dma_start3A_1139] : memref<10240x128xf32, #tpu.memory_space<vmem_shared>> -> memref<10240x128xf32, #tpu.memory_space<vmem_shared>>
      tpu.enqueue_indirect_dma source(%arg9 : memref<128x128xf32, #tpu.memory_space<vmem>>) target(%dma_start3A_1140 : memref<10240x128xf32, #tpu.memory_space<vmem_shared>>) offsets(%dma_start3A_1137 : memref<128xi32, #tpu.memory_space<vmem>>) semaphore(%arg15 : memref<!tpu.dma_semaphore, #tpu.memory_space<semaphore_mem>>) {add = true}
      %dma_wait3A_1141 = arith.constant 38 : i32
      %dma_wait3A_1142 = arith.constant 0 : i32
      %dma_wait3A_1143 = tpu.memref_slice %arg7[%dma_wait3A_1141, %dma_wait3A_1142] : memref<40x128xi32, #tpu.memory_space<vmem>> -> memref<1x128xi32, #tpu.memory_space<vmem>>
      %dma_wait3A_1144 = tpu.memref_squeeze %dma_wait3A_1143 : memref<1x128xi32, #tpu.memory_space<vmem>> -> memref<128xi32, #tpu.memory_space<vmem>>
      %dma_wait3A_1145 = arith.constant 0 : i32
      %dma_wait3A_1146 = arith.constant 0 : i32
      %dma_wait3A_1147 = tpu.memref_slice %arg11[%dma_wait3A_1145, %dma_wait3A_1146] : memref<10240x128xf32, #tpu.memory_space<vmem_shared>> -> memref<10240x128xf32, #tpu.memory_space<vmem_shared>>
      tpu.wait_indirect_dma semaphore(%arg14 : memref<!tpu.dma_semaphore, #tpu.memory_space<semaphore_mem>>) src(%arg8 : memref<128x128xf32, #tpu.memory_space<vmem>>) dst(%dma_wait3A_1147 : memref<10240x128xf32, #tpu.memory_space<vmem_shared>>)
      %dma_wait3A_1148 = arith.constant 39 : i32
      %dma_wait3A_1149 = arith.constant 0 : i32
      %dma_wait3A_1150 = tpu.memref_slice %arg7[%dma_wait3A_1148, %dma_wait3A_1149] : memref<40x128xi32, #tpu.memory_space<vmem>> -> memref<1x128xi32, #tpu.memory_space<vmem>>
      %dma_wait3A_1151 = tpu.memref_squeeze %dma_wait3A_1150 : memref<1x128xi32, #tpu.memory_space<vmem>> -> memref<128xi32, #tpu.memory_space<vmem>>
      %dma_wait3A_1152 = arith.constant 0 : i32
      %dma_wait3A_1153 = arith.constant 0 : i32
      %dma_wait3A_1154 = tpu.memref_slice %arg11[%dma_wait3A_1152, %dma_wait3A_1153] : memref<10240x128xf32, #tpu.memory_space<vmem_shared>> -> memref<10240x128xf32, #tpu.memory_space<vmem_shared>>
      tpu.wait_indirect_dma semaphore(%arg15 : memref<!tpu.dma_semaphore, #tpu.memory_space<semaphore_mem>>) src(%arg9 : memref<128x128xf32, #tpu.memory_space<vmem>>) dst(%dma_wait3A_1154 : memref<10240x128xf32, #tpu.memory_space<vmem_shared>>)
    }
    %scan3A_28 = arith.constant 2 : i32
    %barrier3A_29 = arith.constant 0 : index
    tpu.barrier barrier_id(%barrier3A_29)
    "tpu.region"() ({
      %run_scoped3A = tpu.sem_alloc : memref<!tpu.dma_semaphore, #tpu.memory_space<semaphore_mem>>
      %dma_start3A = arith.constant 0 : i32
      %dma_start3A_30 = tpu.memref_slice %arg5[%arg0, %multiple_of3A_10, %dma_start3A] : memref<2x10240x128xf32, #tpu.memory_space<hbm>> -> memref<1x640x128xf32, #tpu.memory_space<hbm>>
      %dma_start3A_31 = tpu.memref_squeeze %dma_start3A_30 : memref<1x640x128xf32, #tpu.memory_space<hbm>> -> memref<640x128xf32, #tpu.memory_space<hbm>>
      %dma_start3A_32 = arith.constant 0 : i32
      %dma_start3A_33 = tpu.memref_slice %arg11[%multiple_of3A_10, %dma_start3A_32] : memref<10240x128xf32, #tpu.memory_space<vmem_shared>> -> memref<640x128xf32, #tpu.memory_space<vmem_shared>>
      tpu.enqueue_dma source(%dma_start3A_33 : memref<640x128xf32, #tpu.memory_space<vmem_shared>>) target(%dma_start3A_31 : memref<640x128xf32, #tpu.memory_space<hbm>>) target_semaphore(%run_scoped3A : memref<!tpu.dma_semaphore, #tpu.memory_space<semaphore_mem>>)
      %dma_wait3A = arith.constant 0 : i32
      %dma_wait3A_34 = tpu.memref_slice %arg5[%arg0, %multiple_of3A_10, %dma_wait3A] : memref<2x10240x128xf32, #tpu.memory_space<hbm>> -> memref<1x640x128xf32, #tpu.memory_space<hbm>>
      %dma_wait3A_35 = tpu.memref_squeeze %dma_wait3A_34 : memref<1x640x128xf32, #tpu.memory_space<hbm>> -> memref<640x128xf32, #tpu.memory_space<hbm>>
      %dma_wait3A_36 = arith.constant 0 : i32
      %dma_wait3A_37 = tpu.memref_slice %arg11[%multiple_of3A_10, %dma_wait3A_36] : memref<10240x128xf32, #tpu.memory_space<vmem_shared>> -> memref<640x128xf32, #tpu.memory_space<vmem_shared>>
      tpu.wait_dma2 semaphore(%run_scoped3A : memref<!tpu.dma_semaphore, #tpu.memory_space<semaphore_mem>>) src(%dma_wait3A_37 : memref<640x128xf32, #tpu.memory_space<vmem_shared>>) dst(%dma_wait3A_35 : memref<640x128xf32, #tpu.memory_space<hbm>>)
      tpu.yield
    }) : () -> ()
    return
  }
}

module attributes {stable_mosaic.version = 14 : i64} {
  func.func @body(%arg0: i32, %arg1: memref<2000x144xf32, #tpu.memory_space<vmem>>, %arg2: memref<144x128xf32, #tpu.memory_space<vmem>>, %arg3: memref<2000x128xf32, #tpu.memory_space<vmem>>) attributes {dimension_semantics = [#tpu.dimension_semantics<arbitrary>], iteration_bounds = array<i64: 5>, scalar_prefetch = 0 : i64, scratch_operands = 0 : i64, tpu.core_type = #tpu.core_type<tc>, window_params = [{transform_indices = @transform_0, window_bounds = array<i64: 2000, 144>}, {pipeline_mode = #tpu.pipeline_mode<synchronous>, transform_indices = @transform_1, window_bounds = array<i64: 144, 128>}, {transform_indices = @transform_2, window_bounds = array<i64: 2000, 128>}]} {
    %get3A = arith.constant 0 : index
    %get3A_0 = arith.constant 0 : index
    %get3A_1 = vector.load %arg1[%get3A, %get3A_0] : memref<2000x144xf32, #tpu.memory_space<vmem>>, vector<2000x144xf32>
    %get3A_2 = arith.constant 0 : index
    %get3A_3 = arith.constant 0 : index
    %get3A_4 = vector.load %arg2[%get3A_2, %get3A_3] : memref<144x128xf32, #tpu.memory_space<vmem>>, vector<144x128xf32>
    %dot_general3A = arith.constant dense<0.000000e+00> : vector<2000x128xf32>
    %dot_general3A_5 = tpu.matmul %get3A_1, %get3A_4, %dot_general3A {dimension_numbers = #tpu.dot_dimension_numbers<[1], [0], [0], [1], [0, 0, 1, 1], [], []>, transpose_lhs_hint = false} : vector<2000x144xf32>, vector<144x128xf32>, vector<2000x128xf32> -> vector<2000x128xf32>
    %swap3A = arith.constant 0 : index
    %swap3A_6 = arith.constant 0 : index
    %swap3A_7 = vector.load %arg3[%swap3A, %swap3A_6] : memref<2000x128xf32, #tpu.memory_space<vmem>>, vector<2000x128xf32>
    tpu.vector_store %arg3[%swap3A, %swap3A_6], %dot_general3A_5 {strides = array<i32>} : memref<2000x128xf32, #tpu.memory_space<vmem>>, vector<2000x128xf32>,
    return
  }
  func.func @transform_0(%arg0: i32) -> (i32, i32) {
    %c0_i32 = arith.constant 0 : i32
    %c0_i32_0 = arith.constant 0 : i32
    return %arg0, %c0_i32 : i32, i32
  }
  func.func @transform_1(%arg0: i32) -> (i32, i32) {
    %c0_i32 = arith.constant 0 : i32
    %c0_i32_0 = arith.constant 0 : i32
    %c0_i32_1 = arith.constant 0 : i32
    return %c0_i32, %c0_i32_0 : i32, i32
  }
  func.func @transform_2(%arg0: i32) -> (i32, i32) {
    %c0_i32 = arith.constant 0 : i32
    %c0_i32_0 = arith.constant 0 : i32
    return %arg0, %c0_i32 : i32, i32
  }
}

module attributes {stable_mosaic.version = 14 : i64} {
  func.func @body(%arg0: i32, %arg1: memref<2000x128xf32, #tpu.memory_space<vmem>>, %arg2: memref<2x2000x128xf32, #tpu.memory_space<vmem>>, %arg3: memref<1x128xf32, #tpu.memory_space<vmem>>, %arg4: memref<128x128xf32, #tpu.memory_space<vmem>>, %arg5: memref<2000x128xf32, #tpu.memory_space<vmem>>) attributes {dimension_semantics = [#tpu.dimension_semantics<arbitrary>], iteration_bounds = array<i64: 5>, scalar_prefetch = 0 : i64, scratch_operands = 0 : i64, tpu.core_type = #tpu.core_type<tc>, window_params = [{transform_indices = @transform_0, window_bounds = array<i64: 2000, 128>}, {transform_indices = @transform_1, window_bounds = array<i64: 2, 2000, 128>}, {pipeline_mode = #tpu.pipeline_mode<synchronous>, transform_indices = @transform_2, window_bounds = array<i64: 1, 128>}, {pipeline_mode = #tpu.pipeline_mode<synchronous>, transform_indices = @transform_3, window_bounds = array<i64: 128, 128>}, {transform_indices = @transform_4, window_bounds = array<i64: 2000, 128>}]} {
    %get3A = arith.constant 0 : index
    %get3A_0 = arith.constant 0 : index
    %get3A_1 = vector.load %arg1[%get3A, %get3A_0] : memref<2000x128xf32, #tpu.memory_space<vmem>>, vector<2000x128xf32>
    %get3A_2 = arith.constant 0 : index
    %get3A_3 = arith.constant 0 : index
    %get3A_4 = arith.constant 0 : index
    %get3A_5 = vector.load %arg2[%get3A_2, %get3A_3, %get3A_4] : memref<2x2000x128xf32, #tpu.memory_space<vmem>>, vector<1x2000x128xf32>
    %get3A_6 = vector.shape_cast %get3A_5 : vector<1x2000x128xf32> to vector<2000x128xf32>
    %add3A = arith.addf %get3A_1, %get3A_6 : vector<2000x128xf32>
    %get3A_7 = arith.constant 1 : index
    %get3A_8 = arith.constant 0 : index
    %get3A_9 = arith.constant 0 : index
    %get3A_10 = vector.load %arg2[%get3A_7, %get3A_8, %get3A_9] : memref<2x2000x128xf32, #tpu.memory_space<vmem>>, vector<1x2000x128xf32>
    %get3A_11 = vector.shape_cast %get3A_10 : vector<1x2000x128xf32> to vector<2000x128xf32>
    %add3A_12 = arith.addf %add3A, %get3A_11 : vector<2000x128xf32>
    %get3A_13 = arith.constant 0 : index
    %get3A_14 = arith.constant 0 : index
    %get3A_15 = vector.load %arg3[%get3A_13, %get3A_14] : memref<1x128xf32, #tpu.memory_space<vmem>>, vector<1x128xf32>
    %add3A_16 = vector.broadcast %get3A_15 : vector<1x128xf32> to vector<2000x128xf32>
    %add3A_17 = arith.addf %add3A_12, %add3A_16 : vector<2000x128xf32>
    %max3A = arith.constant 0.000000e+00 : f32
    %max3A_18 = vector.broadcast %max3A : f32 to vector<2000x128xf32>
    %max3A_19 = arith.maximumf %add3A_17, %max3A_18 : vector<2000x128xf32>
    %get3A_20 = arith.constant 0 : index
    %get3A_21 = arith.constant 0 : index
    %get3A_22 = vector.load %arg4[%get3A_20, %get3A_21] : memref<128x128xf32, #tpu.memory_space<vmem>>, vector<128x128xf32>
    %dot_general3A = arith.constant dense<0.000000e+00> : vector<2000x128xf32>
    %dot_general3A_23 = tpu.matmul %max3A_19, %get3A_22, %dot_general3A {dimension_numbers = #tpu.dot_dimension_numbers<[1], [0], [0], [1], [0, 0, 1, 1], [], []>, transpose_lhs_hint = false} : vector<2000x128xf32>, vector<128x128xf32>, vector<2000x128xf32> -> vector<2000x128xf32>
    %swap3A = arith.constant 0 : index
    %swap3A_24 = arith.constant 0 : index
    %swap3A_25 = vector.load %arg5[%swap3A, %swap3A_24] : memref<2000x128xf32, #tpu.memory_space<vmem>>, vector<2000x128xf32>
    tpu.vector_store %arg5[%swap3A, %swap3A_24], %dot_general3A_23 {strides = array<i32>} : memref<2000x128xf32, #tpu.memory_space<vmem>>, vector<2000x128xf32>,
    return
  }
  func.func @transform_0(%arg0: i32) -> (i32, i32) {
    %c0_i32 = arith.constant 0 : i32
    %c0_i32_0 = arith.constant 0 : i32
    return %arg0, %c0_i32 : i32, i32
  }
  func.func @transform_1(%arg0: i32) -> (i32, i32, i32) {
    %c0_i32 = arith.constant 0 : i32
    %c0_i32_0 = arith.constant 0 : i32
    %c0_i32_1 = arith.constant 0 : i32
    return %c0_i32, %arg0, %c0_i32_0 : i32, i32, i32
  }
  func.func @transform_2(%arg0: i32) -> (i32, i32) {
    %c0_i32 = arith.constant 0 : i32
    %c0_i32_0 = arith.constant 0 : i32
    %c0_i32_1 = arith.constant 0 : i32
    return %c0_i32, %c0_i32_0 : i32, i32
  }
  func.func @transform_3(%arg0: i32) -> (i32, i32) {
    %c0_i32 = arith.constant 0 : i32
    %c0_i32_0 = arith.constant 0 : i32
    %c0_i32_1 = arith.constant 0 : i32
    return %c0_i32, %c0_i32_0 : i32, i32
  }
  func.func @transform_4(%arg0: i32) -> (i32, i32) {
    %c0_i32 = arith.constant 0 : i32
    %c0_i32_0 = arith.constant 0 : i32
    return %arg0, %c0_i32 : i32, i32
  }
}

module attributes {stable_mosaic.version = 14 : i64} {
  func.func @body(%arg0: i32, %arg1: memref<2000x128xf32, #tpu.memory_space<vmem>>, %arg2: memref<2x2000x128xf32, #tpu.memory_space<vmem>>, %arg3: memref<1x128xf32, #tpu.memory_space<vmem>>, %arg4: memref<2000x128xf32, #tpu.memory_space<vmem>>) attributes {dimension_semantics = [#tpu.dimension_semantics<arbitrary>], iteration_bounds = array<i64: 5>, scalar_prefetch = 0 : i64, scratch_operands = 0 : i64, tpu.core_type = #tpu.core_type<tc>, window_params = [{transform_indices = @transform_0, window_bounds = array<i64: 2000, 128>}, {transform_indices = @transform_1, window_bounds = array<i64: 2, 2000, 128>}, {pipeline_mode = #tpu.pipeline_mode<synchronous>, transform_indices = @transform_2, window_bounds = array<i64: 1, 128>}, {transform_indices = @transform_3, window_bounds = array<i64: 2000, 128>}]} {
    %get3A = arith.constant 0 : index
    %get3A_0 = arith.constant 0 : index
    %get3A_1 = vector.load %arg1[%get3A, %get3A_0] : memref<2000x128xf32, #tpu.memory_space<vmem>>, vector<2000x128xf32>
    %get3A_2 = arith.constant 0 : index
    %get3A_3 = arith.constant 0 : index
    %get3A_4 = arith.constant 0 : index
    %get3A_5 = vector.load %arg2[%get3A_2, %get3A_3, %get3A_4] : memref<2x2000x128xf32, #tpu.memory_space<vmem>>, vector<1x2000x128xf32>
    %get3A_6 = vector.shape_cast %get3A_5 : vector<1x2000x128xf32> to vector<2000x128xf32>
    %add3A = arith.addf %get3A_1, %get3A_6 : vector<2000x128xf32>
    %get3A_7 = arith.constant 1 : index
    %get3A_8 = arith.constant 0 : index
    %get3A_9 = arith.constant 0 : index
    %get3A_10 = vector.load %arg2[%get3A_7, %get3A_8, %get3A_9] : memref<2x2000x128xf32, #tpu.memory_space<vmem>>, vector<1x2000x128xf32>
    %get3A_11 = vector.shape_cast %get3A_10 : vector<1x2000x128xf32> to vector<2000x128xf32>
    %add3A_12 = arith.addf %add3A, %get3A_11 : vector<2000x128xf32>
    %get3A_13 = arith.constant 0 : index
    %get3A_14 = arith.constant 0 : index
    %get3A_15 = vector.load %arg3[%get3A_13, %get3A_14] : memref<1x128xf32, #tpu.memory_space<vmem>>, vector<1x128xf32>
    %add3A_16 = vector.broadcast %get3A_15 : vector<1x128xf32> to vector<2000x128xf32>
    %add3A_17 = arith.addf %add3A_12, %add3A_16 : vector<2000x128xf32>
    %max3A = arith.constant 0.000000e+00 : f32
    %max3A_18 = vector.broadcast %max3A : f32 to vector<2000x128xf32>
    %max3A_19 = arith.maximumf %add3A_17, %max3A_18 : vector<2000x128xf32>
    %swap3A = arith.constant 0 : index
    %swap3A_20 = arith.constant 0 : index
    %swap3A_21 = vector.load %arg4[%swap3A, %swap3A_20] : memref<2000x128xf32, #tpu.memory_space<vmem>>, vector<2000x128xf32>
    tpu.vector_store %arg4[%swap3A, %swap3A_20], %max3A_19 {strides = array<i32>} : memref<2000x128xf32, #tpu.memory_space<vmem>>, vector<2000x128xf32>,
    return
  }
  func.func @transform_0(%arg0: i32) -> (i32, i32) {
    %c0_i32 = arith.constant 0 : i32
    %c0_i32_0 = arith.constant 0 : i32
    return %arg0, %c0_i32 : i32, i32
  }
  func.func @transform_1(%arg0: i32) -> (i32, i32, i32) {
    %c0_i32 = arith.constant 0 : i32
    %c0_i32_0 = arith.constant 0 : i32
    %c0_i32_1 = arith.constant 0 : i32
    return %c0_i32, %arg0, %c0_i32_0 : i32, i32, i32
  }
  func.func @transform_2(%arg0: i32) -> (i32, i32) {
    %c0_i32 = arith.constant 0 : i32
    %c0_i32_0 = arith.constant 0 : i32
    %c0_i32_1 = arith.constant 0 : i32
    return %c0_i32, %c0_i32_0 : i32, i32
  }
  func.func @transform_3(%arg0: i32) -> (i32, i32) {
    %c0_i32 = arith.constant 0 : i32
    %c0_i32_0 = arith.constant 0 : i32
    return %arg0, %c0_i32 : i32, i32
  }
}

</mosaic_0001>

<sc_bundles>
// kernel: kernel.10.cloned.1.call-start
scs
__scs_entry_jumppad:
0x0: {  	(pc) =	sbr.rel $0x88, $3  }
0x1: {  	(tag) =	ssettag $0x0;
	lr =	simm.s32 $0x1  }
0x2: {  	[smem:$0x3F9B] =	sst lr;
	_ =	strace $0xD0000000  }
0x3: {  	_ = 	snop  }
0x4: {  	_ = 	snop  }
0x5: {  	_ = 	snop  }
0x6: {  	_ = 	snop  }
0x7: {  	_ = 	snop  }
__scs_overlays_trampoline_lowered:
0x8: {  	[smem:$0x3FAA] =	sst s0  }
0x9: {  	[smem:$0x3FAB] =	sst s1  }
0xa: {  	[smem:$0x3FAC] =	sst s2  }
0xb: {  	[smem:$0x3FAD] =	sst s3  }
0xc: {  	[smem:$0x3FAE] =	sst s4  }
0xd: {  	[smem:$0x3FAF] =	sst s5  }
0xe: {  	[smem:$0x3FB0] =	sst s6  }
0xf: {  	[smem:$0x3FB1] =	sst s7  }
0x10: {  	[smem:$0x3FB2] =	sst s8  }
0x11: {  	[smem:$0x3FB3] =	sst s9;
	s0 =	simm.s32 @!p0 $0x0  }
0x12: {  	s1 =	sld [smem:$0x3F99];
	s0 =	simm.s32 @p0 $0x1  }
0x13: {  	[smem:$0x3FB4] =	sst s0;
	s0 =	simm.s32 @!p1 $0x0  }
0x14: {  	s2 =	sld [smem:$0x3F98];
	s0 =	simm.s32 @p1 $0x1  }
0x15: {  	[smem:$0x3FB5] =	sst s0;
	s0 =	simm.s32 @!p2 $0x0  }
0x16: {  	s3 =	sld [smem:$0x3FDB];
	s0 =	simm.s32 @p2 $0x1  }
0x17: {  	s4 =	simm.s32 $0x1BF5;
	[smem:$0x3FB7] =	sst s0  }
0x18: {  	s0 =	sld [smem:$0x3F9A];
	_ =	swait.ge [sflag:s4], $0x0  }
0x19: {  	s7 =	sld [smem:$0x3F9B]  }
0x1a: {  	s8 =	sadd.s32 $0xFFFFE003, lr  }
0x1b: {  	s9 =	sadd.s32 $0xFFFFFEF7, lr;
	s5 =	simm.s32 $0xFFFFFFFF;
	p2 =	slt.u32 s8, $0xFFFFF086  }
0x1c: {  	p1 =	slt.u32 s9, $0xF7A;
	s5 =	simm.s32 @!p2 $0x0  }
0x1d: {  	s5 =	simm.s32 @p1 $0x1;
	p0 =	seq.s32 s7, s2  }
0x1e: {  	s7 =	smul.u32 @!p0 $0xF7A, s2;
	p2 =	seq.s32 @!p0 s5, $0x0  }
0x1f: {  	s9 =	smul.u32 $0xF7A, s1;
	s8 =	simm.s32 @!p0 $0x1BF5;
	p2 =	por !p2, p0  }
0x20: {  	[sflag:s8] =	ssyncset.s32 @!p0 $0xFFFFF086;
	s6 =	sadd.s32 @!p0 s3, s7;
	s7 =	simm.s32 @!p0 $0x108  }
0x21: {  	s3 =	sadd.s32 s3, s9;
	s6 =	sadd.s32 @!p0 $0x88, s6;
	s7 =	simm.s32 @p2 $0x1082  }
0x22: {  	[simem:s7], [sflag:s8] =	dma.local @!p0 [hbm:s6], $0xF7A  }
0x23: {  	s9 =	sor.u32 $0xD0000000, s2;
	s6 =	simm.s32 $0x108;
	_ =	swait.ge @!p0 [sflag:s8], $0x0  }
0x24: {  	s3 =	sadd.s32 $0x88, s3;
	s6 =	simm.s32 @!p1 $0x1082;
	[sflag:s4] =	ssyncset.s32 $0xFFFFF086  }
0x25: {  	[simem:s6], [sflag:s4] =	dma.local [hbm:s3], $0xF7A  }
0x26: {  	[smem:$0x3F9B] =	sst s1;
	(tag) =	ssettag s2;
	_ =	strace s9  }
0x27: {  	s1 =	sld [smem:$0x3FAB]  }
0x28: {  	s2 =	sld [smem:$0x3FAC]  }
0x29: {  	s4 =	sld [smem:$0x3FAE]  }
0x2a: {  	p0 =	seq.s32 s5, $0x0;
	s5 =	sld [smem:$0x3FAF]  }
0x2b: {  	s6 =	sld [smem:$0x3FB0]  }
0x2c: {  	s7 =	sld [smem:$0x3FB1]  }
0x2d: {  	s3 =	simm.s32 $0x108;
	s8 =	sld [smem:$0x3FB2]  }
0x2e: {  	s3 =	simm.s32 @!p0 $0x1082;
	s9 =	sld [smem:$0x3FB3]  }
0x2f: {  	lr =	sadd.s32 s0, s3;
	s0 =	sld [smem:$0x3FAA]  }
0x30: {  	s3 =	sld [smem:$0x3FAD]  }
0x31: {  	[smem:$0x3FB6] =	sst s10  }
0x32: {  	s10 =	sld [smem:$0x3FB4];
	_ =	sdelay $0x3  }
0x33: {  	p0 =	seq.s32 s10, $0x1;
	s10 =	sld [smem:$0x3FB6];
	_ =	sdelay $0x3  }
0x34: {  	[smem:$0x3FB6] =	sst s10  }
0x35: {  	s10 =	sld [smem:$0x3FB5];
	_ =	sdelay $0x3  }
0x36: {  	p1 =	seq.s32 s10, $0x1;
	s10 =	sld [smem:$0x3FB6];
	_ =	sdelay $0x3  }
0x37: {  	[smem:$0x3FB6] =	sst s10  }
0x38: {  	s10 =	sld [smem:$0x3FB7]  }
0x39: {  	_ = 	snop;
	(pc) =	sbr.ind lr, $3  }
0x3a: {  	_ = 	snop  }
0x3b: {  	_ = 	snop  }
0x3c: {  	p2 =	seq.s32 s10, $0x1;
	s10 =	sld [smem:$0x3FB6]  }
0x3d: {  	_ =	shalt  }
0x3e: {  	_ =	shalt  }
0x3f: {  	_ =	shalt  }
0x40: {  	_ =	shalt  }
0x41: {  	_ =	shalt  }
0x42: {  	_ =	shalt  }
0x43: {  	_ =	shalt  }
0x44: {  	_ =	shalt  }
0x45: {  	_ =	shalt  }
0x46: {  	_ =	shalt  }
0x47: {  	_ =	shalt  }
0x48: {  	_ =	shalt  }
0x49: {  	_ =	shalt  }
0x4a: {  	_ =	shalt  }
0x4b: {  	_ =	shalt  }
0x4c: {  	_ =	shalt  }
0x4d: {  	_ =	shalt  }
0x4e: {  	_ =	shalt  }
0x4f: {  	_ =	shalt  }
0x50: {  	_ =	shalt  }
0x51: {  	_ =	shalt  }
0x52: {  	_ =	shalt  }
0x53: {  	_ =	shalt  }
0x54: {  	_ =	shalt  }
0x55: {  	_ =	shalt  }
0x56: {  	_ =	shalt  }
0x57: {  	_ =	shalt  }
0x58: {  	_ =	shalt  }
0x59: {  	_ =	shalt  }
0x5a: {  	_ =	shalt  }
0x5b: {  	_ =	shalt  }
0x5c: {  	_ =	shalt  }
0x5d: {  	_ =	shalt  }
0x5e: {  	_ =	shalt  }
0x5f: {  	_ =	shalt  }
0x60: {  	_ =	shalt  }
0x61: {  	_ =	shalt  }
0x62: {  	_ =	shalt  }
0x63: {  	_ =	shalt  }
0x64: {  	_ =	shalt  }
0x65: {  	_ =	shalt  }
0x66: {  	_ =	shalt  }
0x67: {  	_ =	shalt  }
0x68: {  	_ =	shalt  }
0x69: {  	_ =	shalt  }
0x6a: {  	_ =	shalt  }
0x6b: {  	_ =	shalt  }
0x6c: {  	_ =	shalt  }
0x6d: {  	_ =	shalt  }
0x6e: {  	_ =	shalt  }
0x6f: {  	_ =	shalt  }
0x70: {  	_ =	shalt  }
0x71: {  	_ =	shalt  }
0x72: {  	_ =	shalt  }
0x73: {  	_ =	shalt  }
0x74: {  	_ =	shalt  }
0x75: {  	_ =	shalt  }
0x76: {  	_ =	shalt  }
0x77: {  	_ =	shalt  }
0x78: {  	_ =	shalt  }
0x79: {  	_ =	shalt  }
0x7a: {  	_ =	shalt  }
0x7b: {  	_ =	shalt  }
0x7c: {  	_ =	shalt  }
0x7d: {  	_ =	shalt  }
0x7e: {  	_ =	shalt  }
0x7f: {  	_ =	shalt  }
0x80: {  	_ =	shalt  }
0x81: {  	_ =	shalt  }
0x82: {  	_ =	shalt  }
0x83: {  	_ =	shalt  }
0x84: {  	_ =	shalt  }
0x85: {  	_ =	shalt  }
0x86: {  	_ =	shalt  }
0x87: {  	_ =	shalt  }
.Lfunc_end0:
.L_simem_size_0:
called_computation.1_lowered:
.L_overlay_start_0:
0x88: {  	s2 =	sld [smem:$0x3FD9]  }
0x89: {  	s3 =	sld [smem:$0x3FFE];
	_ =	sdelay $0x1  }
0x8a: {  	s1 =	srdreg.scid  }
0x8b: {  	s0 =	sand.u32 $0x1, s1  }
0x8c: {  	s17 =	sshll.u32 s0, $0xA;
	s2 =	sadd.s32 s3, s2  }
0x8d: {  	s2 =	sadd.s32 s2, s17  }
0x8e: {  	[smem:$0x3FC2] =	sst s2  }
0x8f: {  	_ = 	snop  }
0x90: {  	s2 =	sld [smem:$0x3FD0];
	(tm) =	ssettm $0x1  }
0x91: {  	s18 =	sld [smem:$0x3FFB];
	_ =	sdelay $0x3  }
0x92: {  	_ =	strace s18  }
0x93: {  	s3 =	sld [smem:$0x3FFC];
	_ =	sdelay $0x3  }
0x94: {  	_ =	strace s3  }
0x95: {  	s3 =	sld [smem:$0x3FFD];
	_ =	sdelay $0x3  }
0x96: {  	_ =	strace s3  }
0x97: {  	_ =	strace $0x8FFFFFFF  }
0x98: {  	s19 =	sld [smem:$0x3FDB];
	_ =	sdelay $0x1  }
0x99: {  	s4 =	simm.s32 $_scs_section_size  }
0x9a: {  	s5 =	simm.s32 $_size__tile_overlayer_lowered;
	s6 =	simm.s32 $_tile_overlayer_lowered  }
0x9b: {  	s22 =	simm.s32 $0x1BFF;
	s21 =	sshll.u32 s6, $0x1;
	s3 =	sadd.s32 s4, s19  }
0x9c: {  	s7 =	simm.s32 $0x0;
	s20 =	sshll.u32 s5, $0x1;
	s5 =	sadd.s32 s21, s3  }
0x9d: {  	[timem:s7], [sflag:s22] =	dma.local [hbm:s5], s20  }
0x9e: {  	_ =	swait.ge [sflag:s22], s20  }
0x9f: {  	s4 =	ssub.s32 $0x0, s20;
	[sflag:s22] =	ssyncset.done $0x0  }
0xa0: {  	[sflag:s22] =	ssyncadd.s32 s4;
	_ =	sdelay $0x1  }
0xa1: {  	s23 =	simm.s32 $0x1B8B  }
0xa2: {  	_ =	swait.ge [sflag:s23], $0x1  }
0xa3: {  	[sflag:s23] =	ssyncset.done $0x0  }
0xa4: {  	s25 =	simm.s32 $0x1B8E;
	s24 =	sld [smem:$0x3FFE];
	[sflag:s23] =	ssyncadd.s32 $0xFFFFFFFF  }
0xa5: {  	s26 =	simm.s32 $execute0_lowered;
	[smem:$0x3FD2] =	sst s25  }
0xa6: {  	s5 =	sshll.u32 s26, $0x1;
	_ =	strace $0x80000049;
	[dreg:$0x1] =	wrdreg $0xFFFFFFFF  }
0xa7: {  	s28 =	simm.s32 $_size_execute0_lowered;
	s3 =	sadd.s32 s3, s5;
	[dreg:$0x0] =	wrdreg $0x0  }
0xa8: {  	s5 =	sshll.u32 s28, $0x1;
	[dreg:$0x2] =	wrdreg s3  }
0xa9: {  	[dreg:$0x3] =	wrdreg s5  }
0xaa: {  	[dreg:$0x4] =	wrdreg $0xC0  }
0xab: {  	_ =	task [dreg:s7], $0x5FFFF  }
0xac: {  	[dreg:$0x1] =	wrdreg $0xFFFFFFFF  }
0xad: {  	[dreg:$0x0] =	wrdreg $0x60  }
0xae: {  	[dreg:$0x2] =	wrdreg s2  }
0xaf: {  	[dreg:$0x3] =	wrdreg s24  }
0xb0: {  	[dreg:$0x4] =	wrdreg $0xB8000  }
0xb1: {  	[dreg:$0x5] =	wrdreg $0x9  }
0xb2: {  	_ =	task.clear_ibuf [dreg:s7], $0x6FFFF;
	_ =	strace $0x90000049  }
0xb3: {  	s29 =	simm.s32 $0x9;
	_ =	strace $0x8000004B  }
0xb4: {  	_ =	swait.ge [sflag:s29], $0x1  }
0xb5: {  	[sflag:s29] =	ssyncadd.s32 $0xFFFFFFFF  }
0xb6: {  	_ =	strace $0x9000004B  }
0xb7: {  	_ =	sfence  }
0xb8: {  	s30 =	sld [smem:$0x0];
	_ =	sdelay $0x2  }
0xb9: {  	s31 =	sshll.u32 s1, $0xD;
	s1 =	sshrl.u32 s1, $0x2  }
0xba: {  	s3 =	sand.u32 $0x4000, s31;
	s1 =	sadd.s32 s1, s30  }
0xbb: {  	s0 =	sor.u32 s3, s0;
	s1 =	sshll.u32 s1, $0x11  }
0xbc: {  	s0 =	sor.u32 s1, s0  }
0xbd: {  	s0 =	sadd.s32 $0x8F2B, s0  }
0xbe: {  	[sflag:s0] =	ssyncadd.remote.s32 $0x1  }
0xbf: {  	_ =	sfence.sel $0xFFFF  }
0xc0: {  	[dreg:$0x0] =	wrdreg $0xFFFFFFFF;
	(pc) =	sbr.abs _section_cstart, $3  }
0xc1: {  	[dreg:$0x1] =	wrdreg $0xFFFFFFFF  }
0xc2: {  	_ =	task.clear_ibuf [dreg:s7], $0x2FFFF;
	_ =	strace $0x9FFFFFFF  }
0xc3: {  	(tm) =	ssettm $0x7FFFFFFF  }
tec
execute0_lowered:
.L_overlay_start_1:
0x0: {  	(tag) =	ssettag $0x1  }
0x1: {  	s1 =	rddreg [dreg:$0x0];
	s8 =	stileid.u32  }
0x2: {  	s0 =	rddreg [dreg:$0x1];
	s5 =	smul.u32 $0x14000, s8  }
0x3: {  	s2 =	rddreg [dreg:$0x2];
	s24 =	sshll.u32 s8, $0x1;
	s8 =	smul.u32 $0x50000, s8  }
0x4: {  	s3 =	srdreg.scid;
	s18 =	simm.s32 $0x0;
	s28 =	simm.s32 $0x1300  }
0x5: {  	s29 =	simm.s32 $0x2680;
	s30 =	simm.s32 $0x2700;
	s8 =	sshrl.u32 s8, $0x2  }
0x6: {  	s31 =	simm.s32 $0x2780;
	[smem:$0x7FF] =	sst s18;
	s10 =	sadd.s32 s8, s2  }
0x7: {  	_ =	strace $0x8000004A;
	s11 =	sadd.s32 $0x5000, s10;
	[dreg:$0x4] =	wrdreg s10  }
0x8: {  	s3 =	sand.u32 $0x1, s3;
	s12 =	sadd.s32 $0x6000, s10;
	[dreg:$0xd] =	wrdreg s11  }
0x9: {  	s6 =	sadd.s32 $0x1C00, s0;
	s13 =	sadd.s32 $0x7000, s10;
	[dreg:$0xe] =	wrdreg s12  }
0xa: {  	s4 =	smul.u32 $0x140000, s3;
	s14 =	sadd.s32 $0x8000, s10;
	[dreg:$0xf] =	wrdreg s13  }
0xb: {  	s7 =	sadd.s32 $0xBC00, s0;
	s15 =	sadd.s32 $0x9000, s10;
	[dreg:$0x10] =	wrdreg s14  }
0xc: {  	s4 =	sadd.s32 s5, s4;
	s16 =	sadd.s32 $0xA000, s10;
	[dreg:$0x11] =	wrdreg s15  }
0xd: {  	s5 =	sor.u32 s3, s24;
	s17 =	sadd.s32 $0xB000, s10;
	[dreg:$0x12] =	wrdreg s16  }
0xe: {  	s3 =	ssub.s32 $0x2, s3;
	s19 =	sadd.s32 $0xC000, s10;
	[dreg:$0x13] =	wrdreg s17  }
0xf: {  	s4 =	sshrl.u32 s4, $0x3;
	s20 =	sadd.s32 $0xD000, s10;
	[dreg:$0x14] =	wrdreg s19  }
0x10: {  	s25 =	smul.u32 $0x2800, s5;
	s21 =	sadd.s32 $0xE000, s10;
	[dreg:$0x15] =	wrdreg s20  }
0x11: {  	s9 =	sshrl.u32 s3, $0x1;
	s22 =	sadd.s32 $0xF000, s10;
	[dreg:$0x16] =	wrdreg s21  }
0x12: {  	s5 =	smul.u32 $0x500, s5;
	s23 =	sadd.s32 $0x10000, s10;
	[dreg:$0x17] =	wrdreg s22  }
0x13: {  	s24 =	sadd.s32 $0x11000, s10;
	s0 =	sadd.s32 s4, s0;
	[dreg:$0x18] =	wrdreg s23  }
0x14: {  	s3 =	ssub.s32 s3, s9;
	[dreg:$0x19] =	wrdreg s24;
	s11 =	simm.s32 $0x2800  }
0x15: {  	s12 =	simm.s32 $0x6800;
	s13 =	simm.s32 $0x1;
	s15 =	simm.s32 $0x2  }
0x16: {  	s17 =	simm.s32 $0x4;
	s19 =	simm.s32 $0x2400;
	s20 =	simm.s32 $0x1100  }
0x17: {  	s21 =	simm.s32 $0x2480;
	s22 =	simm.s32 $0x1180;
	s26 =	sadd.s32 s6, s5  }
0x18: {  	s23 =	simm.s32 $0x2500;
	s5 =	sadd.s32 s7, s5;
	[dreg:$0x5] =	wrdreg s26  }
0x19: {  	s24 =	simm.s32 $0x1200;
	s0 =	sadd.s32 $0x15C00, s0;
	[dreg:$0x6] =	wrdreg s5  }
0x1a: {  	s4 =	sshrl.u32 s25, $0x3;
	s3 =	smax.u32 s3, $0x1;
	[dreg:$0x7] =	wrdreg s0  }
0x1b: {  	s25 =	sadd.s32 $0x12000, s10;
	s4 =	sadd.s32 $0x280, s4;
	[dreg:$0x8] =	wrdreg s3  }
0x1c: {  	s5 =	sadd.s32 $0x2000, s10;
	[dreg:$0x1a] =	wrdreg s25;
	s26 =	sadd.s32 $0x13000, s10  }
0x1d: {  	s3 =	simm.s32 $0x0;
	s8 =	sadd.s32 s6, s4;
	[dreg:$0xa] =	wrdreg s5  }
0x1e: {  	s9 =	sadd.s32 s7, s4;
	s4 =	sadd.s32 $0x1000, s10;
	[dreg:$0x1b] =	wrdreg s26  }
0x1f: {  	s25 =	simm.s32 $0x2580;
	s6 =	sadd.s32 $0x3000, s10;
	[dreg:$0x9] =	wrdreg s4  }
0x20: {  	s7 =	sadd.s32 $0x4000, s10;
	s10 =	simm.s32 $0x80;
	[dreg:$0xb] =	wrdreg s6  }
0x21: {  	s5 =	simm.s32 $0x2380;
	s26 =	simm.s32 $0x2600;
	[dreg:$0xc] =	wrdreg s7  }
0x22: {  	v0 =	vimm.f32 $0.0e+00;
	s7 =	simm.s32 $0x3;
	s6 =	simm.s32 $0x1280;
	s4 =	simm.s32 $0x1380  }
.LBB2_1:
0x23: {  	s0 =	sand.u32 $0x3E00, s18  }
0x24: {  	[dreg:$0x1c] =	wrdreg s3;
	s14 =	sand.u32 $0x70, s18;
	s16 =	sshrl.u32 s0, $0x2  }
0x25: {  	s0 =	simm.s32 $0x40;
	s16 =	sor.u32 s14, s16;
	s14 =	simm.s32 $0x0  }
.LBB2_2:
0x26: {  	p0 =	sne.s32 s0, $0x3FC0  }
0x27: {  	[tilespmem:s16+$0xA800] =	vst v0;
	s14 =	sadd.s32 $0x10, s14;
	s16 =	smov.u32 s0;
	s0 =	sadd.s32 $0x40, s0  }
.Ltmp0:
0x28: {  	(pc) =	sbr.rel @p0 .LBB2_2-.Ltmp0, $4  }
0x29: {  	_ = 	snop  }
0x2a: {  	s16 =	sand.u32 $0x3E00, s16  }
0x2b: {  	s18 =	sand.u32 $0x70, s14;
	s16 =	sshrl.u32 s16, $0x2  }
0x2c: {  	s16 =	sor.u32 s18, s16  }
0x2d: {  	[tilespmem:s16+$0xA800] =	vst v0;
	s0 =	rddreg [dreg:$0x4];
	s14 =	simm.s32 $0xA800  }
0x2e: {  	[spmem:s0] =	stream.linear.scatter [tilespmem:s14], [sflag:$0x3], $0x1000, $0x38;
	[tilespmem:$0x1F800] =	vst v63  }
0x2f: {  	s3 =	rddreg [dreg:$0x9]  }
0x30: {  	[spmem:s3] =	stream.linear.scatter [tilespmem:s14], [sflag:$0x3], $0x1000, $0x38;
	[tilespmem:$0x1F800] =	vst v63  }
0x31: {  	s16 =	rddreg [dreg:$0xa]  }
0x32: {  	[spmem:s16] =	stream.linear.scatter [tilespmem:s14], [sflag:$0x3], $0x1000, $0x38;
	[tilespmem:$0x1F800] =	vst v63  }
0x33: {  	s18 =	rddreg [dreg:$0xb]  }
0x34: {  	[spmem:s18] =	stream.linear.scatter [tilespmem:s14], [sflag:$0x3], $0x1000, $0x38;
	[tilespmem:$0x1F800] =	vst v63  }
0x35: {  	s3 =	rddreg [dreg:$0xc]  }
0x36: {  	[spmem:s3] =	stream.linear.scatter [tilespmem:s14], [sflag:$0x3], $0x1000, $0x38;
	[tilespmem:$0x1F800] =	vst v63  }
0x37: {  	s16 =	rddreg [dreg:$0xd]  }
0x38: {  	[spmem:s16] =	stream.linear.scatter [tilespmem:s14], [sflag:$0x3], $0x1000, $0x38;
	[tilespmem:$0x1F800] =	vst v63  }
0x39: {  	s18 =	rddreg [dreg:$0xe]  }
0x3a: {  	[spmem:s18] =	stream.linear.scatter [tilespmem:s14], [sflag:$0x3], $0x1000, $0x38;
	[tilespmem:$0x1F800] =	vst v63  }
0x3b: {  	s3 =	rddreg [dreg:$0xf]  }
0x3c: {  	[spmem:s3] =	stream.linear.scatter [tilespmem:s14], [sflag:$0x3], $0x1000, $0x38;
	[tilespmem:$0x1F800] =	vst v63  }
0x3d: {  	s16 =	rddreg [dreg:$0x10]  }
0x3e: {  	[spmem:s16] =	stream.linear.scatter [tilespmem:s14], [sflag:$0x3], $0x1000, $0x38;
	[tilespmem:$0x1F800] =	vst v63  }
0x3f: {  	s18 =	rddreg [dreg:$0x11]  }
0x40: {  	[spmem:s18] =	stream.linear.scatter [tilespmem:s14], [sflag:$0x3], $0x1000, $0x38;
	[tilespmem:$0x1F800] =	vst v63  }
0x41: {  	s3 =	rddreg [dreg:$0x12]  }
0x42: {  	[spmem:s3] =	stream.linear.scatter [tilespmem:s14], [sflag:$0x3], $0x1000, $0x38;
	[tilespmem:$0x1F800] =	vst v63  }
0x43: {  	s16 =	rddreg [dreg:$0x13]  }
0x44: {  	[spmem:s16] =	stream.linear.scatter [tilespmem:s14], [sflag:$0x3], $0x1000, $0x38;
	[tilespmem:$0x1F800] =	vst v63  }
0x45: {  	s18 =	rddreg [dreg:$0x14]  }
0x46: {  	[spmem:s18] =	stream.linear.scatter [tilespmem:s14], [sflag:$0x3], $0x1000, $0x38;
	[tilespmem:$0x1F800] =	vst v63  }
0x47: {  	s3 =	rddreg [dreg:$0x15]  }
0x48: {  	[spmem:s3] =	stream.linear.scatter [tilespmem:s14], [sflag:$0x3], $0x1000, $0x38;
	[tilespmem:$0x1F800] =	vst v63  }
0x49: {  	s16 =	rddreg [dreg:$0x16]  }
0x4a: {  	[spmem:s16] =	stream.linear.scatter [tilespmem:s14], [sflag:$0x3], $0x1000, $0x38;
	[tilespmem:$0x1F800] =	vst v63  }
0x4b: {  	s18 =	rddreg [dreg:$0x17]  }
0x4c: {  	[spmem:s18] =	stream.linear.scatter [tilespmem:s14], [sflag:$0x3], $0x1000, $0x38;
	[tilespmem:$0x1F800] =	vst v63  }
0x4d: {  	s3 =	rddreg [dreg:$0x18]  }
0x4e: {  	[spmem:s3] =	stream.linear.scatter [tilespmem:s14], [sflag:$0x3], $0x1000, $0x38;
	[tilespmem:$0x1F800] =	vst v63  }
0x4f: {  	s16 =	rddreg [dreg:$0x19]  }
0x50: {  	[spmem:s16] =	stream.linear.scatter [tilespmem:s14], [sflag:$0x3], $0x1000, $0x38;
	[tilespmem:$0x1F800] =	vst v63  }
0x51: {  	s18 =	rddreg [dreg:$0x1a]  }
0x52: {  	[spmem:s18] =	stream.linear.scatter [tilespmem:s14], [sflag:$0x3], $0x1000, $0x38;
	[tilespmem:$0x1F800] =	vst v63  }
0x53: {  	s3 =	rddreg [dreg:$0x1b]  }
0x54: {  	[spmem:s3] =	stream.linear.scatter [tilespmem:s14], [sflag:$0x3], $0x1000, $0x38;
	[tilespmem:$0x1F800] =	vst v63  }
0x55: {  	s18 =	simm.s32 $0x0;
	s14 =	rddreg [dreg:$0x5]  }
0x56: {  	[tilespmem:s18], [sflag:$0x5] =	stream.linear.gather [hbm4b:s14+s18], $0x1400, $0x38;
	[tilespmem:$0x1F800] =	vst v63  }
0x57: {  	s14 =	simm.s32 $0x5  }
0x58: {  	_ =	swait.ge [sflag:s14], $0x1400  }
0x59: {  	[sflag:s14] =	ssyncset.done $0x0  }
0x5a: {  	s3 =	simm.s32 $0x1400;
	s16 =	rddreg [dreg:$0x6];
	[sflag:s14] =	ssyncadd.s32 $0xFFFFEC00  }
0x5b: {  	[tilespmem:s3], [sflag:$0x5] =	stream.linear.gather [hbm4b:s16+s18], $0x1400, $0x38;
	[tilespmem:$0x1F800] =	vst v63  }
0x5c: {  	_ =	swait.ge [sflag:s14], $0x1400  }
0x5d: {  	[sflag:s14] =	ssyncset.done $0x0  }
0x5e: {  	[sflag:s14] =	ssyncadd.s32 $0xFFFFEC00  }
0x5f: {  	_ =	swait.ge [sflag:s7], $0x1000  }
0x60: {  	[sflag:s7] =	ssyncset.done $0x0  }
0x61: {  	[sflag:s7] =	ssyncadd.s32 $0xFFFFF000  }
0x62: {  	_ =	swait.ge [sflag:s7], $0x1000  }
0x63: {  	[sflag:s7] =	ssyncset.done $0x0  }
0x64: {  	[sflag:s7] =	ssyncadd.s32 $0xFFFFF000  }
0x65: {  	_ =	swait.ge [sflag:s7], $0x1000  }
0x66: {  	[sflag:s7] =	ssyncset.done $0x0  }
0x67: {  	[sflag:s7] =	ssyncadd.s32 $0xFFFFF000  }
0x68: {  	_ =	swait.ge [sflag:s7], $0x1000  }
0x69: {  	[sflag:s7] =	ssyncset.done $0x0  }
0x6a: {  	[sflag:s7] =	ssyncadd.s32 $0xFFFFF000  }
0x6b: {  	_ =	swait.ge [sflag:s7], $0x1000  }
0x6c: {  	[sflag:s7] =	ssyncset.done $0x0  }
0x6d: {  	[sflag:s7] =	ssyncadd.s32 $0xFFFFF000  }
0x6e: {  	_ =	swait.ge [sflag:s7], $0x1000  }
0x6f: {  	[sflag:s7] =	ssyncset.done $0x0  }
0x70: {  	[sflag:s7] =	ssyncadd.s32 $0xFFFFF000  }
0x71: {  	_ =	swait.ge [sflag:s7], $0x1000  }
0x72: {  	[sflag:s7] =	ssyncset.done $0x0  }
0x73: {  	[sflag:s7] =	ssyncadd.s32 $0xFFFFF000  }
0x74: {  	_ =	swait.ge [sflag:s7], $0x1000  }
0x75: {  	[sflag:s7] =	ssyncset.done $0x0  }
0x76: {  	[sflag:s7] =	ssyncadd.s32 $0xFFFFF000  }
0x77: {  	_ =	swait.ge [sflag:s7], $0x1000  }
0x78: {  	[sflag:s7] =	ssyncset.done $0x0  }
0x79: {  	[sflag:s7] =	ssyncadd.s32 $0xFFFFF000  }
0x7a: {  	_ =	swait.ge [sflag:s7], $0x1000  }
0x7b: {  	[sflag:s7] =	ssyncset.done $0x0  }
0x7c: {  	[sflag:s7] =	ssyncadd.s32 $0xFFFFF000  }
0x7d: {  	_ =	swait.ge [sflag:s7], $0x1000  }
0x7e: {  	[sflag:s7] =	ssyncset.done $0x0  }
0x7f: {  	[sflag:s7] =	ssyncadd.s32 $0xFFFFF000  }
0x80: {  	_ =	swait.ge [sflag:s7], $0x1000  }
0x81: {  	[sflag:s7] =	ssyncset.done $0x0  }
0x82: {  	[sflag:s7] =	ssyncadd.s32 $0xFFFFF000  }
0x83: {  	_ =	swait.ge [sflag:s7], $0x1000  }
0x84: {  	[sflag:s7] =	ssyncset.done $0x0  }
0x85: {  	[sflag:s7] =	ssyncadd.s32 $0xFFFFF000  }
0x86: {  	_ =	swait.ge [sflag:s7], $0x1000  }
0x87: {  	[sflag:s7] =	ssyncset.done $0x0  }
0x88: {  	[sflag:s7] =	ssyncadd.s32 $0xFFFFF000  }
0x89: {  	_ =	swait.ge [sflag:s7], $0x1000  }
0x8a: {  	[sflag:s7] =	ssyncset.done $0x0  }
0x8b: {  	[sflag:s7] =	ssyncadd.s32 $0xFFFFF000  }
0x8c: {  	_ =	swait.ge [sflag:s7], $0x1000  }
0x8d: {  	[sflag:s7] =	ssyncset.done $0x0  }
0x8e: {  	[sflag:s7] =	ssyncadd.s32 $0xFFFFF000  }
0x8f: {  	_ =	swait.ge [sflag:s7], $0x1000  }
0x90: {  	[sflag:s7] =	ssyncset.done $0x0  }
0x91: {  	[sflag:s7] =	ssyncadd.s32 $0xFFFFF000  }
0x92: {  	_ =	swait.ge [sflag:s7], $0x1000  }
0x93: {  	[sflag:s7] =	ssyncset.done $0x0  }
0x94: {  	[sflag:s7] =	ssyncadd.s32 $0xFFFFF000  }
0x95: {  	_ =	swait.ge [sflag:s7], $0x1000  }
0x96: {  	[sflag:s7] =	ssyncset.done $0x0  }
0x97: {  	[sflag:s7] =	ssyncadd.s32 $0xFFFFF000  }
0x98: {  	_ =	swait.ge [sflag:s7], $0x1000  }
0x99: {  	[sflag:s7] =	ssyncset.done $0x0  }
0x9a: {  	p0 =	por $0x1, $0x1;
	[sflag:s7] =	ssyncadd.s32 $0xFFFFF000  }
0x9b: {  	p1 =	por $0x0, $0x0;
	s3 =	simm.s32 $0x1080;
	[bflag:$0x0] =	sbarrier.arrive $0xFFFF  }
.LBB2_4:
0x9c: {  	s0 =	simm.s32 @p1 $0x0;
	s14 =	simm.s32 @p1 $0x5  }
0x9d: {  	[tilespmem:s0], [sflag:$0x5] =	stream.linear.gather @p1 [hbm4b:s8+s0], $0x1400, $0x38;
	[tilespmem:$0x1F800] =	vst v63  }
0x9e: {  	_ =	swait.ge @p1 [sflag:s14], $0x1400  }
0x9f: {  	[sflag:s14] =	ssyncset.done @p1 $0x0  }
0xa0: {  	s16 =	simm.s32 @p1 $0x1400;
	[sflag:s14] =	ssyncadd.s32 @p1 $0xFFFFEC00  }
0xa1: {  	[tilespmem:s16], [sflag:$0x5] =	stream.linear.gather @p1 [hbm4b:s9+s0], $0x1400, $0x38;
	[tilespmem:$0x1F800] =	vst v63  }
0xa2: {  	_ =	swait.ge @p1 [sflag:s14], $0x1400  }
0xa3: {  	[sflag:s14] =	ssyncset.done @p1 $0x0  }
0xa4: {  	[sflag:s14] =	ssyncadd.s32 @p1 $0xFFFFEC00  }
0xa5: {  	[tilespmem:s11], [sflag:$0x1] =	stream.indirect.gather [hbm4b:s1+s10], $0x80, s18, s10, $0xb8;
	[tilespmem:$0x1F800] =	vst v63  }
0xa6: {  	_ = 	snop  }
0xa7: {  	[tilespmem:s12], [sflag:$0x2] =	stream.indirect.gather [hbm4b:s1+s10], $0x80, s10, s10, $0xb8;
	[tilespmem:$0x1F800] =	vst v63  }
0xa8: {  	_ =	swait.ge [sflag:s13], $0x4000  }
0xa9: {  	[sflag:s13] =	ssyncset.done $0x0  }
0xaa: {  	s14 =	simm.s32 $0x1400;
	[sflag:s13] =	ssyncadd.s32 $0xFFFFC000  }
0xab: {  	[spmem:s2] =	stream.indirect.scatter.add.f32 [tilespmem:s11], [sflag:$0x3], $0x80, s14, s10, $0xb8;
	[tilespmem:$0x1F800] =	vst v63  }
0xac: {  	_ =	swait.ge [sflag:s7], $0x4000  }
0xad: {  	[sflag:s7] =	ssyncset.done $0x0  }
0xae: {  	s16 =	simm.s32 $0x100;
	[sflag:s7] =	ssyncadd.s32 $0xFFFFC000  }
0xaf: {  	[tilespmem:s11], [sflag:$0x1] =	stream.indirect.gather [hbm4b:s1+s10], $0x80, s16, s10, $0xb8;
	[tilespmem:$0x1F800] =	vst v63  }
0xb0: {  	_ =	swait.ge [sflag:s15], $0x4000  }
0xb1: {  	[sflag:s15] =	ssyncset.done $0x0  }
0xb2: {  	s14 =	simm.s32 $0x1480;
	[sflag:s15] =	ssyncadd.s32 $0xFFFFC000  }
0xb3: {  	[spmem:s2] =	stream.indirect.scatter.add.f32 [tilespmem:s12], [sflag:$0x4], $0x80, s14, s10, $0xb8;
	[tilespmem:$0x1F800] =	vst v63  }
0xb4: {  	_ =	swait.ge [sflag:s17], $0x4000  }
0xb5: {  	[sflag:s17] =	ssyncset.done $0x0  }
0xb6: {  	s16 =	simm.s32 $0x180;
	[sflag:s17] =	ssyncadd.s32 $0xFFFFC000  }
0xb7: {  	[tilespmem:s12], [sflag:$0x2] =	stream.indirect.gather [hbm4b:s1+s10], $0x80, s16, s10, $0xb8;
	[tilespmem:$0x1F800] =	vst v63  }
0xb8: {  	_ =	swait.ge [sflag:s13], $0x4000  }
0xb9: {  	[sflag:s13] =	ssyncset.done $0x0  }
0xba: {  	s14 =	simm.s32 $0x1500;
	[sflag:s13] =	ssyncadd.s32 $0xFFFFC000  }
0xbb: {  	[spmem:s2] =	stream.indirect.scatter.add.f32 [tilespmem:s11], [sflag:$0x3], $0x80, s14, s10, $0xb8;
	[tilespmem:$0x1F800] =	vst v63  }
0xbc: {  	_ =	swait.ge [sflag:s7], $0x4000  }
0xbd: {  	[sflag:s7] =	ssyncset.done $0x0  }
0xbe: {  	s16 =	simm.s32 $0x200;
	[sflag:s7] =	ssyncadd.s32 $0xFFFFC000  }
0xbf: {  	[tilespmem:s11], [sflag:$0x1] =	stream.indirect.gather [hbm4b:s1+s10], $0x80, s16, s10, $0xb8;
	[tilespmem:$0x1F800] =	vst v63  }
0xc0: {  	_ =	swait.ge [sflag:s15], $0x4000  }
0xc1: {  	[sflag:s15] =	ssyncset.done $0x0  }
0xc2: {  	s14 =	simm.s32 $0x1580;
	[sflag:s15] =	ssyncadd.s32 $0xFFFFC000  }
0xc3: {  	[spmem:s2] =	stream.indirect.scatter.add.f32 [tilespmem:s12], [sflag:$0x4], $0x80, s14, s10, $0xb8;
	[tilespmem:$0x1F800] =	vst v63  }
0xc4: {  	_ =	swait.ge [sflag:s17], $0x4000  }
0xc5: {  	[sflag:s17] =	ssyncset.done $0x0  }
0xc6: {  	s16 =	simm.s32 $0x280;
	[sflag:s17] =	ssyncadd.s32 $0xFFFFC000  }
0xc7: {  	[tilespmem:s12], [sflag:$0x2] =	stream.indirect.gather [hbm4b:s1+s10], $0x80, s16, s10, $0xb8;
	[tilespmem:$0x1F800] =	vst v63  }
0xc8: {  	_ =	swait.ge [sflag:s13], $0x4000  }
0xc9: {  	[sflag:s13] =	ssyncset.done $0x0  }
0xca: {  	s14 =	simm.s32 $0x1600;
	[sflag:s13] =	ssyncadd.s32 $0xFFFFC000  }
0xcb: {  	[spmem:s2] =	stream.indirect.scatter.add.f32 [tilespmem:s11], [sflag:$0x3], $0x80, s14, s10, $0xb8;
	[tilespmem:$0x1F800] =	vst v63  }
0xcc: {  	_ =	swait.ge [sflag:s7], $0x4000  }
0xcd: {  	[sflag:s7] =	ssyncset.done $0x0  }
0xce: {  	s16 =	simm.s32 $0x300;
	[sflag:s7] =	ssyncadd.s32 $0xFFFFC000  }
0xcf: {  	[tilespmem:s11], [sflag:$0x1] =	stream.indirect.gather [hbm4b:s1+s10], $0x80, s16, s10, $0xb8;
	[tilespmem:$0x1F800] =	vst v63  }
0xd0: {  	_ =	swait.ge [sflag:s15], $0x4000  }
0xd1: {  	[sflag:s15] =	ssyncset.done $0x0  }
0xd2: {  	s14 =	simm.s32 $0x1680;
	[sflag:s15] =	ssyncadd.s32 $0xFFFFC000  }
0xd3: {  	[spmem:s2] =	stream.indirect.scatter.add.f32 [tilespmem:s12], [sflag:$0x4], $0x80, s14, s10, $0xb8;
	[tilespmem:$0x1F800] =	vst v63  }
0xd4: {  	_ =	swait.ge [sflag:s17], $0x4000  }
0xd5: {  	[sflag:s17] =	ssyncset.done $0x0  }
0xd6: {  	s16 =	simm.s32 $0x380;
	[sflag:s17] =	ssyncadd.s32 $0xFFFFC000  }
0xd7: {  	[tilespmem:s12], [sflag:$0x2] =	stream.indirect.gather [hbm4b:s1+s10], $0x80, s16, s10, $0xb8;
	[tilespmem:$0x1F800] =	vst v63  }
0xd8: {  	_ =	swait.ge [sflag:s13], $0x4000  }
0xd9: {  	[sflag:s13] =	ssyncset.done $0x0  }
0xda: {  	s14 =	simm.s32 $0x1700;
	[sflag:s13] =	ssyncadd.s32 $0xFFFFC000  }
0xdb: {  	[spmem:s2] =	stream.indirect.scatter.add.f32 [tilespmem:s11], [sflag:$0x3], $0x80, s14, s10, $0xb8;
	[tilespmem:$0x1F800] =	vst v63  }
0xdc: {  	_ =	swait.ge [sflag:s7], $0x4000  }
0xdd: {  	[sflag:s7] =	ssyncset.done $0x0  }
0xde: {  	s16 =	simm.s32 $0x400;
	[sflag:s7] =	ssyncadd.s32 $0xFFFFC000  }
0xdf: {  	[tilespmem:s11], [sflag:$0x1] =	stream.indirect.gather [hbm4b:s1+s10], $0x80, s16, s10, $0xb8;
	[tilespmem:$0x1F800] =	vst v63  }
0xe0: {  	_ =	swait.ge [sflag:s15], $0x4000  }
0xe1: {  	[sflag:s15] =	ssyncset.done $0x0  }
0xe2: {  	s14 =	simm.s32 $0x1780;
	[sflag:s15] =	ssyncadd.s32 $0xFFFFC000  }
0xe3: {  	[spmem:s2] =	stream.indirect.scatter.add.f32 [tilespmem:s12], [sflag:$0x4], $0x80, s14, s10, $0xb8;
	[tilespmem:$0x1F800] =	vst v63  }
0xe4: {  	_ =	swait.ge [sflag:s17], $0x4000  }
0xe5: {  	[sflag:s17] =	ssyncset.done $0x0  }
0xe6: {  	s16 =	simm.s32 $0x480;
	[sflag:s17] =	ssyncadd.s32 $0xFFFFC000  }
0xe7: {  	[tilespmem:s12], [sflag:$0x2] =	stream.indirect.gather [hbm4b:s1+s10], $0x80, s16, s10, $0xb8;
	[tilespmem:$0x1F800] =	vst v63  }
0xe8: {  	_ =	swait.ge [sflag:s13], $0x4000  }
0xe9: {  	[sflag:s13] =	ssyncset.done $0x0  }
0xea: {  	s14 =	simm.s32 $0x1800;
	[sflag:s13] =	ssyncadd.s32 $0xFFFFC000  }
0xeb: {  	[spmem:s2] =	stream.indirect.scatter.add.f32 [tilespmem:s11], [sflag:$0x3], $0x80, s14, s10, $0xb8;
	[tilespmem:$0x1F800] =	vst v63  }
0xec: {  	_ =	swait.ge [sflag:s7], $0x4000  }
0xed: {  	[sflag:s7] =	ssyncset.done $0x0  }
0xee: {  	s16 =	simm.s32 $0x500;
	[sflag:s7] =	ssyncadd.s32 $0xFFFFC000  }
0xef: {  	[tilespmem:s11], [sflag:$0x1] =	stream.indirect.gather [hbm4b:s1+s10], $0x80, s16, s10, $0xb8;
	[tilespmem:$0x1F800] =	vst v63  }
0xf0: {  	_ =	swait.ge [sflag:s15], $0x4000  }
0xf1: {  	[sflag:s15] =	ssyncset.done $0x0  }
0xf2: {  	s14 =	simm.s32 $0x1880;
	[sflag:s15] =	ssyncadd.s32 $0xFFFFC000  }
0xf3: {  	[spmem:s2] =	stream.indirect.scatter.add.f32 [tilespmem:s12], [sflag:$0x4], $0x80, s14, s10, $0xb8;
	[tilespmem:$0x1F800] =	vst v63  }
0xf4: {  	_ =	swait.ge [sflag:s17], $0x4000  }
0xf5: {  	[sflag:s17] =	ssyncset.done $0x0  }
0xf6: {  	s16 =	simm.s32 $0x580;
	[sflag:s17] =	ssyncadd.s32 $0xFFFFC000  }
0xf7: {  	[tilespmem:s12], [sflag:$0x2] =	stream.indirect.gather [hbm4b:s1+s10], $0x80, s16, s10, $0xb8;
	[tilespmem:$0x1F800] =	vst v63  }
0xf8: {  	_ =	swait.ge [sflag:s13], $0x4000  }
0xf9: {  	[sflag:s13] =	ssyncset.done $0x0  }
0xfa: {  	s14 =	simm.s32 $0x1900;
	[sflag:s13] =	ssyncadd.s32 $0xFFFFC000  }
0xfb: {  	[spmem:s2] =	stream.indirect.scatter.add.f32 [tilespmem:s11], [sflag:$0x3], $0x80, s14, s10, $0xb8;
	[tilespmem:$0x1F800] =	vst v63  }
0xfc: {  	_ =	swait.ge [sflag:s7], $0x4000  }
0xfd: {  	[sflag:s7] =	ssyncset.done $0x0  }
0xfe: {  	s16 =	simm.s32 $0x600;
	[sflag:s7] =	ssyncadd.s32 $0xFFFFC000  }
0xff: {  	[tilespmem:s11], [sflag:$0x1] =	stream.indirect.gather [hbm4b:s1+s10], $0x80, s16, s10, $0xb8;
	[tilespmem:$0x1F800] =	vst v63  }
0x100: {  	_ =	swait.ge [sflag:s15], $0x4000  }
0x101: {  	[sflag:s15] =	ssyncset.done $0x0  }
0x102: {  	s14 =	simm.s32 $0x1980;
	[sflag:s15] =	ssyncadd.s32 $0xFFFFC000  }
0x103: {  	[spmem:s2] =	stream.indirect.scatter.add.f32 [tilespmem:s12], [sflag:$0x4], $0x80, s14, s10, $0xb8;
	[tilespmem:$0x1F800] =	vst v63  }
0x104: {  	_ =	swait.ge [sflag:s17], $0x4000  }
0x105: {  	[sflag:s17] =	ssyncset.done $0x0  }
0x106: {  	s16 =	simm.s32 $0x680;
	[sflag:s17] =	ssyncadd.s32 $0xFFFFC000  }
0x107: {  	[tilespmem:s12], [sflag:$0x2] =	stream.indirect.gather [hbm4b:s1+s10], $0x80, s16, s10, $0xb8;
	[tilespmem:$0x1F800] =	vst v63  }
0x108: {  	_ =	swait.ge [sflag:s13], $0x4000  }
0x109: {  	[sflag:s13] =	ssyncset.done $0x0  }
0x10a: {  	s14 =	simm.s32 $0x1A00;
	[sflag:s13] =	ssyncadd.s32 $0xFFFFC000  }
0x10b: {  	[spmem:s2] =	stream.indirect.scatter.add.f32 [tilespmem:s11], [sflag:$0x3], $0x80, s14, s10, $0xb8;
	[tilespmem:$0x1F800] =	vst v63  }
0x10c: {  	_ =	swait.ge [sflag:s7], $0x4000  }
0x10d: {  	[sflag:s7] =	ssyncset.done $0x0  }
0x10e: {  	s16 =	simm.s32 $0x700;
	[sflag:s7] =	ssyncadd.s32 $0xFFFFC000  }
0x10f: {  	[tilespmem:s11], [sflag:$0x1] =	stream.indirect.gather [hbm4b:s1+s10], $0x80, s16, s10, $0xb8;
	[tilespmem:$0x1F800] =	vst v63  }
0x110: {  	_ =	swait.ge [sflag:s15], $0x4000  }
0x111: {  	[sflag:s15] =	ssyncset.done $0x0  }
0x112: {  	s14 =	simm.s32 $0x1A80;
	[sflag:s15] =	ssyncadd.s32 $0xFFFFC000  }
0x113: {  	[spmem:s2] =	stream.indirect.scatter.add.f32 [tilespmem:s12], [sflag:$0x4], $0x80, s14, s10, $0xb8;
	[tilespmem:$0x1F800] =	vst v63  }
0x114: {  	_ =	swait.ge [sflag:s17], $0x4000  }
0x115: {  	[sflag:s17] =	ssyncset.done $0x0  }
0x116: {  	s16 =	simm.s32 $0x780;
	[sflag:s17] =	ssyncadd.s32 $0xFFFFC000  }
0x117: {  	[tilespmem:s12], [sflag:$0x2] =	stream.indirect.gather [hbm4b:s1+s10], $0x80, s16, s10, $0xb8;
	[tilespmem:$0x1F800] =	vst v63  }
0x118: {  	_ =	swait.ge [sflag:s13], $0x4000  }
0x119: {  	[sflag:s13] =	ssyncset.done $0x0  }
0x11a: {  	s14 =	simm.s32 $0x1B00;
	[sflag:s13] =	ssyncadd.s32 $0xFFFFC000  }
0x11b: {  	[spmem:s2] =	stream.indirect.scatter.add.f32 [tilespmem:s11], [sflag:$0x3], $0x80, s14, s10, $0xb8;
	[tilespmem:$0x1F800] =	vst v63  }
0x11c: {  	_ =	swait.ge [sflag:s7], $0x4000  }
0x11d: {  	[sflag:s7] =	ssyncset.done $0x0  }
0x11e: {  	s16 =	simm.s32 $0x800;
	[sflag:s7] =	ssyncadd.s32 $0xFFFFC000  }
0x11f: {  	[tilespmem:s11], [sflag:$0x1] =	stream.indirect.gather [hbm4b:s1+s10], $0x80, s16, s10, $0xb8;
	[tilespmem:$0x1F800] =	vst v63  }
0x120: {  	_ =	swait.ge [sflag:s15], $0x4000  }
0x121: {  	[sflag:s15] =	ssyncset.done $0x0  }
0x122: {  	s14 =	simm.s32 $0x1B80;
	[sflag:s15] =	ssyncadd.s32 $0xFFFFC000  }
0x123: {  	[spmem:s2] =	stream.indirect.scatter.add.f32 [tilespmem:s12], [sflag:$0x4], $0x80, s14, s10, $0xb8;
	[tilespmem:$0x1F800] =	vst v63  }
0x124: {  	_ =	swait.ge [sflag:s17], $0x4000  }
0x125: {  	[sflag:s17] =	ssyncset.done $0x0  }
0x126: {  	s16 =	simm.s32 $0x880;
	[sflag:s17] =	ssyncadd.s32 $0xFFFFC000  }
0x127: {  	[tilespmem:s12], [sflag:$0x2] =	stream.indirect.gather [hbm4b:s1+s10], $0x80, s16, s10, $0xb8;
	[tilespmem:$0x1F800] =	vst v63  }
0x128: {  	_ =	swait.ge [sflag:s13], $0x4000  }
0x129: {  	[sflag:s13] =	ssyncset.done $0x0  }
0x12a: {  	s14 =	simm.s32 $0x1C00;
	[sflag:s13] =	ssyncadd.s32 $0xFFFFC000  }
0x12b: {  	[spmem:s2] =	stream.indirect.scatter.add.f32 [tilespmem:s11], [sflag:$0x3], $0x80, s14, s10, $0xb8;
	[tilespmem:$0x1F800] =	vst v63  }
0x12c: {  	_ =	swait.ge [sflag:s7], $0x4000  }
0x12d: {  	[sflag:s7] =	ssyncset.done $0x0  }
0x12e: {  	s16 =	simm.s32 $0x900;
	[sflag:s7] =	ssyncadd.s32 $0xFFFFC000  }
0x12f: {  	[tilespmem:s11], [sflag:$0x1] =	stream.indirect.gather [hbm4b:s1+s10], $0x80, s16, s10, $0xb8;
	[tilespmem:$0x1F800] =	vst v63  }
0x130: {  	_ =	swait.ge [sflag:s15], $0x4000  }
0x131: {  	[sflag:s15] =	ssyncset.done $0x0  }
0x132: {  	s14 =	simm.s32 $0x1C80;
	[sflag:s15] =	ssyncadd.s32 $0xFFFFC000  }
0x133: {  	[spmem:s2] =	stream.indirect.scatter.add.f32 [tilespmem:s12], [sflag:$0x4], $0x80, s14, s10, $0xb8;
	[tilespmem:$0x1F800] =	vst v63  }
0x134: {  	_ =	swait.ge [sflag:s17], $0x4000  }
0x135: {  	[sflag:s17] =	ssyncset.done $0x0  }
0x136: {  	s16 =	simm.s32 $0x980;
	[sflag:s17] =	ssyncadd.s32 $0xFFFFC000  }
0x137: {  	[tilespmem:s12], [sflag:$0x2] =	stream.indirect.gather [hbm4b:s1+s10], $0x80, s16, s10, $0xb8;
	[tilespmem:$0x1F800] =	vst v63  }
0x138: {  	_ =	swait.ge [sflag:s13], $0x4000  }
0x139: {  	[sflag:s13] =	ssyncset.done $0x0  }
0x13a: {  	s14 =	simm.s32 $0x1D00;
	[sflag:s13] =	ssyncadd.s32 $0xFFFFC000  }
0x13b: {  	[spmem:s2] =	stream.indirect.scatter.add.f32 [tilespmem:s11], [sflag:$0x3], $0x80, s14, s10, $0xb8;
	[tilespmem:$0x1F800] =	vst v63  }
0x13c: {  	_ =	swait.ge [sflag:s7], $0x4000  }
0x13d: {  	[sflag:s7] =	ssyncset.done $0x0  }
0x13e: {  	s16 =	simm.s32 $0xA00;
	[sflag:s7] =	ssyncadd.s32 $0xFFFFC000  }
0x13f: {  	[tilespmem:s11], [sflag:$0x1] =	stream.indirect.gather [hbm4b:s1+s10], $0x80, s16, s10, $0xb8;
	[tilespmem:$0x1F800] =	vst v63  }
0x140: {  	_ =	swait.ge [sflag:s15], $0x4000  }
0x141: {  	[sflag:s15] =	ssyncset.done $0x0  }
0x142: {  	s14 =	simm.s32 $0x1D80;
	[sflag:s15] =	ssyncadd.s32 $0xFFFFC000  }
0x143: {  	[spmem:s2] =	stream.indirect.scatter.add.f32 [tilespmem:s12], [sflag:$0x4], $0x80, s14, s10, $0xb8;
	[tilespmem:$0x1F800] =	vst v63  }
0x144: {  	_ =	swait.ge [sflag:s17], $0x4000  }
0x145: {  	[sflag:s17] =	ssyncset.done $0x0  }
0x146: {  	s16 =	simm.s32 $0xA80;
	[sflag:s17] =	ssyncadd.s32 $0xFFFFC000  }
0x147: {  	[tilespmem:s12], [sflag:$0x2] =	stream.indirect.gather [hbm4b:s1+s10], $0x80, s16, s10, $0xb8;
	[tilespmem:$0x1F800] =	vst v63  }
0x148: {  	_ =	swait.ge [sflag:s13], $0x4000  }
0x149: {  	[sflag:s13] =	ssyncset.done $0x0  }
0x14a: {  	s14 =	simm.s32 $0x1E00;
	[sflag:s13] =	ssyncadd.s32 $0xFFFFC000  }
0x14b: {  	[spmem:s2] =	stream.indirect.scatter.add.f32 [tilespmem:s11], [sflag:$0x3], $0x80, s14, s10, $0xb8;
	[tilespmem:$0x1F800] =	vst v63  }
0x14c: {  	_ =	swait.ge [sflag:s7], $0x4000  }
0x14d: {  	[sflag:s7] =	ssyncset.done $0x0  }
0x14e: {  	s16 =	simm.s32 $0xB00;
	[sflag:s7] =	ssyncadd.s32 $0xFFFFC000  }
0x14f: {  	[tilespmem:s11], [sflag:$0x1] =	stream.indirect.gather [hbm4b:s1+s10], $0x80, s16, s10, $0xb8;
	[tilespmem:$0x1F800] =	vst v63  }
0x150: {  	_ =	swait.ge [sflag:s15], $0x4000  }
0x151: {  	[sflag:s15] =	ssyncset.done $0x0  }
0x152: {  	s14 =	simm.s32 $0x1E80;
	[sflag:s15] =	ssyncadd.s32 $0xFFFFC000  }
0x153: {  	[spmem:s2] =	stream.indirect.scatter.add.f32 [tilespmem:s12], [sflag:$0x4], $0x80, s14, s10, $0xb8;
	[tilespmem:$0x1F800] =	vst v63  }
0x154: {  	_ =	swait.ge [sflag:s17], $0x4000  }
0x155: {  	[sflag:s17] =	ssyncset.done $0x0  }
0x156: {  	s16 =	simm.s32 $0xB80;
	[sflag:s17] =	ssyncadd.s32 $0xFFFFC000  }
0x157: {  	[tilespmem:s12], [sflag:$0x2] =	stream.indirect.gather [hbm4b:s1+s10], $0x80, s16, s10, $0xb8;
	[tilespmem:$0x1F800] =	vst v63  }
0x158: {  	_ =	swait.ge [sflag:s13], $0x4000  }
0x159: {  	[sflag:s13] =	ssyncset.done $0x0  }
0x15a: {  	s14 =	simm.s32 $0x1F00;
	[sflag:s13] =	ssyncadd.s32 $0xFFFFC000  }
0x15b: {  	[spmem:s2] =	stream.indirect.scatter.add.f32 [tilespmem:s11], [sflag:$0x3], $0x80, s14, s10, $0xb8;
	[tilespmem:$0x1F800] =	vst v63  }
0x15c: {  	_ =	swait.ge [sflag:s7], $0x4000  }
0x15d: {  	[sflag:s7] =	ssyncset.done $0x0  }
0x15e: {  	s16 =	simm.s32 $0xC00;
	[sflag:s7] =	ssyncadd.s32 $0xFFFFC000  }
0x15f: {  	[tilespmem:s11], [sflag:$0x1] =	stream.indirect.gather [hbm4b:s1+s10], $0x80, s16, s10, $0xb8;
	[tilespmem:$0x1F800] =	vst v63  }
0x160: {  	_ =	swait.ge [sflag:s15], $0x4000  }
0x161: {  	[sflag:s15] =	ssyncset.done $0x0  }
0x162: {  	s14 =	simm.s32 $0x1F80;
	[sflag:s15] =	ssyncadd.s32 $0xFFFFC000  }
0x163: {  	[spmem:s2] =	stream.indirect.scatter.add.f32 [tilespmem:s12], [sflag:$0x4], $0x80, s14, s10, $0xb8;
	[tilespmem:$0x1F800] =	vst v63  }
0x164: {  	_ =	swait.ge [sflag:s17], $0x4000  }
0x165: {  	[sflag:s17] =	ssyncset.done $0x0  }
0x166: {  	s16 =	simm.s32 $0xC80;
	[sflag:s17] =	ssyncadd.s32 $0xFFFFC000  }
0x167: {  	[tilespmem:s12], [sflag:$0x2] =	stream.indirect.gather [hbm4b:s1+s10], $0x80, s16, s10, $0xb8;
	[tilespmem:$0x1F800] =	vst v63  }
0x168: {  	_ =	swait.ge [sflag:s13], $0x4000  }
0x169: {  	[sflag:s13] =	ssyncset.done $0x0  }
0x16a: {  	s14 =	simm.s32 $0x2000;
	[sflag:s13] =	ssyncadd.s32 $0xFFFFC000  }
0x16b: {  	[spmem:s2] =	stream.indirect.scatter.add.f32 [tilespmem:s11], [sflag:$0x3], $0x80, s14, s10, $0xb8;
	[tilespmem:$0x1F800] =	vst v63  }
0x16c: {  	_ =	swait.ge [sflag:s7], $0x4000  }
0x16d: {  	[sflag:s7] =	ssyncset.done $0x0  }
0x16e: {  	s16 =	simm.s32 $0xD00;
	[sflag:s7] =	ssyncadd.s32 $0xFFFFC000  }
0x16f: {  	[tilespmem:s11], [sflag:$0x1] =	stream.indirect.gather [hbm4b:s1+s10], $0x80, s16, s10, $0xb8;
	[tilespmem:$0x1F800] =	vst v63  }
0x170: {  	_ =	swait.ge [sflag:s15], $0x4000  }
0x171: {  	[sflag:s15] =	ssyncset.done $0x0  }
0x172: {  	s14 =	simm.s32 $0x2080;
	[sflag:s15] =	ssyncadd.s32 $0xFFFFC000  }
0x173: {  	[spmem:s2] =	stream.indirect.scatter.add.f32 [tilespmem:s12], [sflag:$0x4], $0x80, s14, s10, $0xb8;
	[tilespmem:$0x1F800] =	vst v63  }
0x174: {  	_ =	swait.ge [sflag:s17], $0x4000  }
0x175: {  	[sflag:s17] =	ssyncset.done $0x0  }
0x176: {  	s16 =	simm.s32 $0xD80;
	[sflag:s17] =	ssyncadd.s32 $0xFFFFC000  }
0x177: {  	[tilespmem:s12], [sflag:$0x2] =	stream.indirect.gather [hbm4b:s1+s10], $0x80, s16, s10, $0xb8;
	[tilespmem:$0x1F800] =	vst v63  }
0x178: {  	_ =	swait.ge [sflag:s13], $0x4000  }
0x179: {  	[sflag:s13] =	ssyncset.done $0x0  }
0x17a: {  	s14 =	simm.s32 $0x2100;
	[sflag:s13] =	ssyncadd.s32 $0xFFFFC000  }
0x17b: {  	[spmem:s2] =	stream.indirect.scatter.add.f32 [tilespmem:s11], [sflag:$0x3], $0x80, s14, s10, $0xb8;
	[tilespmem:$0x1F800] =	vst v63  }
0x17c: {  	_ =	swait.ge [sflag:s7], $0x4000  }
0x17d: {  	[sflag:s7] =	ssyncset.done $0x0  }
0x17e: {  	s16 =	simm.s32 $0xE00;
	[sflag:s7] =	ssyncadd.s32 $0xFFFFC000  }
0x17f: {  	[tilespmem:s11], [sflag:$0x1] =	stream.indirect.gather [hbm4b:s1+s10], $0x80, s16, s10, $0xb8;
	[tilespmem:$0x1F800] =	vst v63  }
0x180: {  	_ =	swait.ge [sflag:s15], $0x4000  }
0x181: {  	[sflag:s15] =	ssyncset.done $0x0  }
0x182: {  	s14 =	simm.s32 $0x2180;
	[sflag:s15] =	ssyncadd.s32 $0xFFFFC000  }
0x183: {  	[spmem:s2] =	stream.indirect.scatter.add.f32 [tilespmem:s12], [sflag:$0x4], $0x80, s14, s10, $0xb8;
	[tilespmem:$0x1F800] =	vst v63  }
0x184: {  	_ =	swait.ge [sflag:s17], $0x4000  }
0x185: {  	[sflag:s17] =	ssyncset.done $0x0  }
0x186: {  	s16 =	simm.s32 $0xE80;
	[sflag:s17] =	ssyncadd.s32 $0xFFFFC000  }
0x187: {  	[tilespmem:s12], [sflag:$0x2] =	stream.indirect.gather [hbm4b:s1+s10], $0x80, s16, s10, $0xb8;
	[tilespmem:$0x1F800] =	vst v63  }
0x188: {  	_ =	swait.ge [sflag:s13], $0x4000  }
0x189: {  	[sflag:s13] =	ssyncset.done $0x0  }
0x18a: {  	s14 =	simm.s32 $0x2200;
	[sflag:s13] =	ssyncadd.s32 $0xFFFFC000  }
0x18b: {  	[spmem:s2] =	stream.indirect.scatter.add.f32 [tilespmem:s11], [sflag:$0x3], $0x80, s14, s10, $0xb8;
	[tilespmem:$0x1F800] =	vst v63  }
0x18c: {  	_ =	swait.ge [sflag:s7], $0x4000  }
0x18d: {  	[sflag:s7] =	ssyncset.done $0x0  }
0x18e: {  	s16 =	simm.s32 $0xF00;
	[sflag:s7] =	ssyncadd.s32 $0xFFFFC000  }
0x18f: {  	[tilespmem:s11], [sflag:$0x1] =	stream.indirect.gather [hbm4b:s1+s10], $0x80, s16, s10, $0xb8;
	[tilespmem:$0x1F800] =	vst v63  }
0x190: {  	_ =	swait.ge [sflag:s15], $0x4000  }
0x191: {  	[sflag:s15] =	ssyncset.done $0x0  }
0x192: {  	s14 =	simm.s32 $0x2280;
	[sflag:s15] =	ssyncadd.s32 $0xFFFFC000  }
0x193: {  	[spmem:s2] =	stream.indirect.scatter.add.f32 [tilespmem:s12], [sflag:$0x4], $0x80, s14, s10, $0xb8;
	[tilespmem:$0x1F800] =	vst v63  }
0x194: {  	_ =	swait.ge [sflag:s17], $0x4000  }
0x195: {  	[sflag:s17] =	ssyncset.done $0x0  }
0x196: {  	s16 =	simm.s32 $0xF80;
	[sflag:s17] =	ssyncadd.s32 $0xFFFFC000  }
0x197: {  	[tilespmem:s12], [sflag:$0x2] =	stream.indirect.gather [hbm4b:s1+s10], $0x80, s16, s10, $0xb8;
	[tilespmem:$0x1F800] =	vst v63  }
0x198: {  	_ =	swait.ge [sflag:s13], $0x4000  }
0x199: {  	[sflag:s13] =	ssyncset.done $0x0  }
0x19a: {  	s14 =	simm.s32 $0x2300;
	[sflag:s13] =	ssyncadd.s32 $0xFFFFC000  }
0x19b: {  	[spmem:s2] =	stream.indirect.scatter.add.f32 [tilespmem:s11], [sflag:$0x3], $0x80, s14, s10, $0xb8;
	[tilespmem:$0x1F800] =	vst v63  }
0x19c: {  	_ =	swait.ge [sflag:s7], $0x4000  }
0x19d: {  	[sflag:s7] =	ssyncset.done $0x0  }
0x19e: {  	s16 =	simm.s32 $0x1000;
	[sflag:s7] =	ssyncadd.s32 $0xFFFFC000  }
0x19f: {  	[tilespmem:s11], [sflag:$0x1] =	stream.indirect.gather [hbm4b:s1+s10], $0x80, s16, s10, $0xb8;
	[tilespmem:$0x1F800] =	vst v63  }
0x1a0: {  	_ =	swait.ge [sflag:s15], $0x4000  }
0x1a1: {  	[sflag:s15] =	ssyncset.done $0x0  }
0x1a2: {  	[sflag:s15] =	ssyncadd.s32 $0xFFFFC000  }
0x1a3: {  	[spmem:s2] =	stream.indirect.scatter.add.f32 [tilespmem:s12], [sflag:$0x4], $0x80, s5, s10, $0xb8;
	[tilespmem:$0x1F800] =	vst v63  }
0x1a4: {  	_ =	swait.ge [sflag:s17], $0x4000  }
0x1a5: {  	[sflag:s17] =	ssyncset.done $0x0  }
0x1a6: {  	[sflag:s17] =	ssyncadd.s32 $0xFFFFC000  }
0x1a7: {  	[tilespmem:s12], [sflag:$0x2] =	stream.indirect.gather [hbm4b:s1+s10], $0x80, s3, s10, $0xb8;
	[tilespmem:$0x1F800] =	vst v63  }
0x1a8: {  	_ =	swait.ge [sflag:s13], $0x4000  }
0x1a9: {  	[sflag:s13] =	ssyncset.done $0x0  }
0x1aa: {  	[sflag:s13] =	ssyncadd.s32 $0xFFFFC000  }
0x1ab: {  	[spmem:s2] =	stream.indirect.scatter.add.f32 [tilespmem:s11], [sflag:$0x3], $0x80, s19, s10, $0xb8;
	[tilespmem:$0x1F800] =	vst v63  }
0x1ac: {  	_ =	swait.ge [sflag:s7], $0x4000  }
0x1ad: {  	[sflag:s7] =	ssyncset.done $0x0  }
0x1ae: {  	[sflag:s7] =	ssyncadd.s32 $0xFFFFC000  }
0x1af: {  	[tilespmem:s11], [sflag:$0x1] =	stream.indirect.gather [hbm4b:s1+s10], $0x80, s20, s10, $0xb8;
	[tilespmem:$0x1F800] =	vst v63  }
0x1b0: {  	_ =	swait.ge [sflag:s15], $0x4000  }
0x1b1: {  	[sflag:s15] =	ssyncset.done $0x0  }
0x1b2: {  	[sflag:s15] =	ssyncadd.s32 $0xFFFFC000  }
0x1b3: {  	[spmem:s2] =	stream.indirect.scatter.add.f32 [tilespmem:s12], [sflag:$0x4], $0x80, s21, s10, $0xb8;
	[tilespmem:$0x1F800] =	vst v63  }
0x1b4: {  	_ =	swait.ge [sflag:s17], $0x4000  }
0x1b5: {  	[sflag:s17] =	ssyncset.done $0x0  }
0x1b6: {  	[sflag:s17] =	ssyncadd.s32 $0xFFFFC000  }
0x1b7: {  	[tilespmem:s12], [sflag:$0x2] =	stream.indirect.gather [hbm4b:s1+s10], $0x80, s22, s10, $0xb8;
	[tilespmem:$0x1F800] =	vst v63  }
0x1b8: {  	_ =	swait.ge [sflag:s13], $0x4000  }
0x1b9: {  	[sflag:s13] =	ssyncset.done $0x0  }
0x1ba: {  	[sflag:s13] =	ssyncadd.s32 $0xFFFFC000  }
0x1bb: {  	[spmem:s2] =	stream.indirect.scatter.add.f32 [tilespmem:s11], [sflag:$0x3], $0x80, s23, s10, $0xb8;
	[tilespmem:$0x1F800] =	vst v63  }
0x1bc: {  	_ =	swait.ge [sflag:s7], $0x4000  }
0x1bd: {  	[sflag:s7] =	ssyncset.done $0x0  }
0x1be: {  	[sflag:s7] =	ssyncadd.s32 $0xFFFFC000  }
0x1bf: {  	[tilespmem:s11], [sflag:$0x1] =	stream.indirect.gather [hbm4b:s1+s10], $0x80, s24, s10, $0xb8;
	[tilespmem:$0x1F800] =	vst v63  }
0x1c0: {  	_ =	swait.ge [sflag:s15], $0x4000  }
0x1c1: {  	[sflag:s15] =	ssyncset.done $0x0  }
0x1c2: {  	[sflag:s15] =	ssyncadd.s32 $0xFFFFC000  }
0x1c3: {  	[spmem:s2] =	stream.indirect.scatter.add.f32 [tilespmem:s12], [sflag:$0x4], $0x80, s25, s10, $0xb8;
	[tilespmem:$0x1F800] =	vst v63  }
0x1c4: {  	_ =	swait.ge [sflag:s17], $0x4000  }
0x1c5: {  	[sflag:s17] =	ssyncset.done $0x0  }
0x1c6: {  	[sflag:s17] =	ssyncadd.s32 $0xFFFFC000  }
0x1c7: {  	[tilespmem:s12], [sflag:$0x2] =	stream.indirect.gather [hbm4b:s1+s10], $0x80, s6, s10, $0xb8;
	[tilespmem:$0x1F800] =	vst v63  }
0x1c8: {  	_ =	swait.ge [sflag:s13], $0x4000  }
0x1c9: {  	[sflag:s13] =	ssyncset.done $0x0  }
0x1ca: {  	[sflag:s13] =	ssyncadd.s32 $0xFFFFC000  }
0x1cb: {  	[spmem:s2] =	stream.indirect.scatter.add.f32 [tilespmem:s11], [sflag:$0x3], $0x80, s26, s10, $0xb8;
	[tilespmem:$0x1F800] =	vst v63  }
0x1cc: {  	_ =	swait.ge [sflag:s7], $0x4000  }
0x1cd: {  	[sflag:s7] =	ssyncset.done $0x0  }
0x1ce: {  	[sflag:s7] =	ssyncadd.s32 $0xFFFFC000  }
0x1cf: {  	[tilespmem:s11], [sflag:$0x1] =	stream.indirect.gather [hbm4b:s1+s10], $0x80, s28, s10, $0xb8;
	[tilespmem:$0x1F800] =	vst v63  }
0x1d0: {  	_ =	swait.ge [sflag:s15], $0x4000  }
0x1d1: {  	[sflag:s15] =	ssyncset.done $0x0  }
0x1d2: {  	[sflag:s15] =	ssyncadd.s32 $0xFFFFC000  }
0x1d3: {  	[spmem:s2] =	stream.indirect.scatter.add.f32 [tilespmem:s12], [sflag:$0x4], $0x80, s29, s10, $0xb8;
	[tilespmem:$0x1F800] =	vst v63  }
0x1d4: {  	_ =	swait.ge [sflag:s17], $0x4000  }
0x1d5: {  	[sflag:s17] =	ssyncset.done $0x0  }
0x1d6: {  	[sflag:s17] =	ssyncadd.s32 $0xFFFFC000  }
0x1d7: {  	[tilespmem:s12], [sflag:$0x2] =	stream.indirect.gather [hbm4b:s1+s10], $0x80, s4, s10, $0xb8;
	[tilespmem:$0x1F800] =	vst v63  }
0x1d8: {  	_ =	swait.ge [sflag:s13], $0x4000  }
0x1d9: {  	[sflag:s13] =	ssyncset.done $0x0  }
0x1da: {  	[sflag:s13] =	ssyncadd.s32 $0xFFFFC000  }
0x1db: {  	[spmem:s2] =	stream.indirect.scatter.add.f32 [tilespmem:s11], [sflag:$0x3], $0x80, s30, s10, $0xb8;
	[tilespmem:$0x1F800] =	vst v63  }
0x1dc: {  	_ =	swait.ge [sflag:s15], $0x4000  }
0x1dd: {  	[sflag:s15] =	ssyncset.done $0x0  }
0x1de: {  	[sflag:s15] =	ssyncadd.s32 $0xFFFFC000  }
0x1df: {  	[spmem:s2] =	stream.indirect.scatter.add.f32 [tilespmem:s12], [sflag:$0x4], $0x80, s31, s10, $0xb8;
	[tilespmem:$0x1F800] =	vst v63  }
0x1e0: {  	p2 =	por p0, p0;
	_ =	swait.ge [sflag:s7], $0x4000  }
.Ltmp1:
0x1e1: {  	[sflag:s7] =	ssyncset.done $0x0;
	(pc) =	sbr.rel @p2 .LBB2_4-.Ltmp1, $4  }
0x1e2: {  	[sflag:s7] =	ssyncadd.s32 $0xFFFFC000  }
0x1e3: {  	_ =	swait.ge [sflag:s17], $0x4000  }
0x1e4: {  	[sflag:s17] =	ssyncset.done $0x0  }
0x1e5: {  	p0 =	por $0x0, $0x0;
	p1 =	por $0x1, $0x1;
	[sflag:s17] =	ssyncadd.s32 $0xFFFFC000  }
0x1e6: {  	s0 =	stileid.u32;
	[bflag:$0x0] =	sbarrier.arrive $0xFFFF  }
0x1e7: {  	s0 =	sshll.u32 s0, $0x6;
	s14 =	rddreg [dreg:$0x4]  }
0x1e8: {  	s16 =	rddreg [dreg:$0x7];
	s0 =	sor.u32 $0x1C05, s0;
	s14 =	sshrl.u32 s14, $0x3  }
0x1e9: {  	[hbm:s16], [sflag:s0] =	dma.local [spmem:s14], $0x2800  }
0x1ea: {  	s14 =	simm.s32 $0x5  }
0x1eb: {  	_ =	swait.ge [sflag:s14], $0x2800  }
0x1ec: {  	s3 =	rddreg [dreg:$0x1c]  }
0x1ed: {  	s16 =	rddreg [dreg:$0x8];
	s3 =	sadd.s32 $0x1, s3  }
0x1ee: {  	p0 =	sne.s32 s3, s16  }
.Ltmp2:
0x1ef: {  	_ = 	snop;
	(pc) =	sbr.rel @p0 .LBB2_1-.Ltmp2, $3  }
0x1f0: {  	_ =	sdelay $0x1  }
0x1f1: {  	[sflag:s14] =	ssyncset.done $0x0  }
0x1f2: {  	[sflag:s14] =	ssyncadd.s32 $0xFFFFD800  }
0x1f3: {  	_ =	sfence.sel $0x180000  }
0x1f4: {  	[bflag:$0x0] =	sbarrier.arrive $0xFFFF  }
0x1f5: {  	_ =	strace $0x9000004A  }
0x1f6: {  	s0 =	stileid.u32;
	[bflag:$0x2] =	sbarrier.arrive $0xFFFF  }
0x1f7: {  	p0 =	sne.s32 s0, $0x0;
	s0 =	rddreg [dreg:$0x3]  }
0x1f8: {  	s0 =	sadd.s32 @!p0 $0x100000, s0  }
0x1f9: {  	[sflag:s0] =	ssyncadd.tile.s32 @!p0 $0x1;
	_ =	shalt  }
.Lfunc_end2:
_tile_overlayer_lowered:
.L_overlay_start_2:
0x1fa: {  	(tag) =	ssettag $0x2  }
0x1fb: {  	s0 =	rddreg [dreg:$0x0];
	s2 =	stileid.u32  }
0x1fc: {  	s1 =	rddreg [dreg:$0x1];
	p0 =	sne.s32 s2, $0x0  }
0x1fd: {  	s3 =	rddreg [dreg:$0x2];
	[bflag:$0x3] =	sbarrier.arrive $0xFFFF;
	s2 =	simm.s32 @!p0 $0x1C05  }
0x1fe: {  	[timem:s3], [sflag:s2] =	dma.local @!p0 [hbm:s0], s1  }
0x1ff: {  	s0 =	simm.s32 @!p0 $0x5  }
0x200: {  	_ =	swait.ge @!p0 [sflag:s0], s1  }
0x201: {  	s1 =	ssub.s32 @!p0 $0x0, s1;
	[sflag:s0] =	ssyncset.done @!p0 $0x0  }
0x202: {  	[sflag:s0] =	ssyncadd.s32 @!p0 s1  }
0x203: {  	[bflag:$0x3] =	sbarrier.arrive $0xFFFF  }
0x204: {  	_ =	shalt  }

// kernel: kernel.7.cloned.1.call-start
scs
__scs_entry_jumppad:
0x0: {  	(pc) =	sbr.rel $0x88, $3  }
0x1: {  	(tag) =	ssettag $0x0;
	lr =	simm.s32 $0x1  }
0x2: {  	[smem:$0x3F9B] =	sst lr;
	_ =	strace $0xD0000000  }
0x3: {  	_ = 	snop  }
0x4: {  	_ = 	snop  }
0x5: {  	_ = 	snop  }
0x6: {  	_ = 	snop  }
0x7: {  	_ = 	snop  }
__scs_overlays_trampoline_lowered:
0x8: {  	[smem:$0x3FAA] =	sst s0  }
0x9: {  	[smem:$0x3FAB] =	sst s1  }
0xa: {  	[smem:$0x3FAC] =	sst s2  }
0xb: {  	[smem:$0x3FAD] =	sst s3  }
0xc: {  	[smem:$0x3FAE] =	sst s4  }
0xd: {  	[smem:$0x3FAF] =	sst s5  }
0xe: {  	[smem:$0x3FB0] =	sst s6  }
0xf: {  	[smem:$0x3FB1] =	sst s7  }
0x10: {  	[smem:$0x3FB2] =	sst s8  }
0x11: {  	[smem:$0x3FB3] =	sst s9;
	s0 =	simm.s32 @!p0 $0x0  }
0x12: {  	s1 =	sld [smem:$0x3F99];
	s0 =	simm.s32 @p0 $0x1  }
0x13: {  	[smem:$0x3FB4] =	sst s0;
	s0 =	simm.s32 @!p1 $0x0  }
0x14: {  	s2 =	sld [smem:$0x3F98];
	s0 =	simm.s32 @p1 $0x1  }
0x15: {  	[smem:$0x3FB5] =	sst s0;
	s0 =	simm.s32 @!p2 $0x0  }
0x16: {  	s3 =	sld [smem:$0x3FDB];
	s0 =	simm.s32 @p2 $0x1  }
0x17: {  	s4 =	simm.s32 $0x1BF5;
	[smem:$0x3FB7] =	sst s0  }
0x18: {  	s0 =	sld [smem:$0x3F9A];
	_ =	swait.ge [sflag:s4], $0x0  }
0x19: {  	s7 =	sld [smem:$0x3F9B]  }
0x1a: {  	s8 =	sadd.s32 $0xFFFFE003, lr  }
0x1b: {  	s9 =	sadd.s32 $0xFFFFFEF7, lr;
	s5 =	simm.s32 $0xFFFFFFFF;
	p2 =	slt.u32 s8, $0xFFFFF086  }
0x1c: {  	p1 =	slt.u32 s9, $0xF7A;
	s5 =	simm.s32 @!p2 $0x0  }
0x1d: {  	s5 =	simm.s32 @p1 $0x1;
	p0 =	seq.s32 s7, s2  }
0x1e: {  	s7 =	smul.u32 @!p0 $0xF7A, s2;
	p2 =	seq.s32 @!p0 s5, $0x0  }
0x1f: {  	s9 =	smul.u32 $0xF7A, s1;
	s8 =	simm.s32 @!p0 $0x1BF5;
	p2 =	por !p2, p0  }
0x20: {  	[sflag:s8] =	ssyncset.s32 @!p0 $0xFFFFF086;
	s6 =	sadd.s32 @!p0 s3, s7;
	s7 =	simm.s32 @!p0 $0x108  }
0x21: {  	s3 =	sadd.s32 s3, s9;
	s6 =	sadd.s32 @!p0 $0x88, s6;
	s7 =	simm.s32 @p2 $0x1082  }
0x22: {  	[simem:s7], [sflag:s8] =	dma.local @!p0 [hbm:s6], $0xF7A  }
0x23: {  	s9 =	sor.u32 $0xD0000000, s2;
	s6 =	simm.s32 $0x108;
	_ =	swait.ge @!p0 [sflag:s8], $0x0  }
0x24: {  	s3 =	sadd.s32 $0x88, s3;
	s6 =	simm.s32 @!p1 $0x1082;
	[sflag:s4] =	ssyncset.s32 $0xFFFFF086  }
0x25: {  	[simem:s6], [sflag:s4] =	dma.local [hbm:s3], $0xF7A  }
0x26: {  	[smem:$0x3F9B] =	sst s1;
	(tag) =	ssettag s2;
	_ =	strace s9  }
0x27: {  	s1 =	sld [smem:$0x3FAB]  }
0x28: {  	s2 =	sld [smem:$0x3FAC]  }
0x29: {  	s4 =	sld [smem:$0x3FAE]  }
0x2a: {  	p0 =	seq.s32 s5, $0x0;
	s5 =	sld [smem:$0x3FAF]  }
0x2b: {  	s6 =	sld [smem:$0x3FB0]  }
0x2c: {  	s7 =	sld [smem:$0x3FB1]  }
0x2d: {  	s3 =	simm.s32 $0x108;
	s8 =	sld [smem:$0x3FB2]  }
0x2e: {  	s3 =	simm.s32 @!p0 $0x1082;
	s9 =	sld [smem:$0x3FB3]  }
0x2f: {  	lr =	sadd.s32 s0, s3;
	s0 =	sld [smem:$0x3FAA]  }
0x30: {  	s3 =	sld [smem:$0x3FAD]  }
0x31: {  	[smem:$0x3FB6] =	sst s10  }
0x32: {  	s10 =	sld [smem:$0x3FB4];
	_ =	sdelay $0x3  }
0x33: {  	p0 =	seq.s32 s10, $0x1;
	s10 =	sld [smem:$0x3FB6];
	_ =	sdelay $0x3  }
0x34: {  	[smem:$0x3FB6] =	sst s10  }
0x35: {  	s10 =	sld [smem:$0x3FB5];
	_ =	sdelay $0x3  }
0x36: {  	p1 =	seq.s32 s10, $0x1;
	s10 =	sld [smem:$0x3FB6];
	_ =	sdelay $0x3  }
0x37: {  	[smem:$0x3FB6] =	sst s10  }
0x38: {  	s10 =	sld [smem:$0x3FB7]  }
0x39: {  	_ = 	snop;
	(pc) =	sbr.ind lr, $3  }
0x3a: {  	_ = 	snop  }
0x3b: {  	_ = 	snop  }
0x3c: {  	p2 =	seq.s32 s10, $0x1;
	s10 =	sld [smem:$0x3FB6]  }
0x3d: {  	_ =	shalt  }
0x3e: {  	_ =	shalt  }
0x3f: {  	_ =	shalt  }
0x40: {  	_ =	shalt  }
0x41: {  	_ =	shalt  }
0x42: {  	_ =	shalt  }
0x43: {  	_ =	shalt  }
0x44: {  	_ =	shalt  }
0x45: {  	_ =	shalt  }
0x46: {  	_ =	shalt  }
0x47: {  	_ =	shalt  }
0x48: {  	_ =	shalt  }
0x49: {  	_ =	shalt  }
0x4a: {  	_ =	shalt  }
0x4b: {  	_ =	shalt  }
0x4c: {  	_ =	shalt  }
0x4d: {  	_ =	shalt  }
0x4e: {  	_ =	shalt  }
0x4f: {  	_ =	shalt  }
0x50: {  	_ =	shalt  }
0x51: {  	_ =	shalt  }
0x52: {  	_ =	shalt  }
0x53: {  	_ =	shalt  }
0x54: {  	_ =	shalt  }
0x55: {  	_ =	shalt  }
0x56: {  	_ =	shalt  }
0x57: {  	_ =	shalt  }
0x58: {  	_ =	shalt  }
0x59: {  	_ =	shalt  }
0x5a: {  	_ =	shalt  }
0x5b: {  	_ =	shalt  }
0x5c: {  	_ =	shalt  }
0x5d: {  	_ =	shalt  }
0x5e: {  	_ =	shalt  }
0x5f: {  	_ =	shalt  }
0x60: {  	_ =	shalt  }
0x61: {  	_ =	shalt  }
0x62: {  	_ =	shalt  }
0x63: {  	_ =	shalt  }
0x64: {  	_ =	shalt  }
0x65: {  	_ =	shalt  }
0x66: {  	_ =	shalt  }
0x67: {  	_ =	shalt  }
0x68: {  	_ =	shalt  }
0x69: {  	_ =	shalt  }
0x6a: {  	_ =	shalt  }
0x6b: {  	_ =	shalt  }
0x6c: {  	_ =	shalt  }
0x6d: {  	_ =	shalt  }
0x6e: {  	_ =	shalt  }
0x6f: {  	_ =	shalt  }
0x70: {  	_ =	shalt  }
0x71: {  	_ =	shalt  }
0x72: {  	_ =	shalt  }
0x73: {  	_ =	shalt  }
0x74: {  	_ =	shalt  }
0x75: {  	_ =	shalt  }
0x76: {  	_ =	shalt  }
0x77: {  	_ =	shalt  }
0x78: {  	_ =	shalt  }
0x79: {  	_ =	shalt  }
0x7a: {  	_ =	shalt  }
0x7b: {  	_ =	shalt  }
0x7c: {  	_ =	shalt  }
0x7d: {  	_ =	shalt  }
0x7e: {  	_ =	shalt  }
0x7f: {  	_ =	shalt  }
0x80: {  	_ =	shalt  }
0x81: {  	_ =	shalt  }
0x82: {  	_ =	shalt  }
0x83: {  	_ =	shalt  }
0x84: {  	_ =	shalt  }
0x85: {  	_ =	shalt  }
0x86: {  	_ =	shalt  }
0x87: {  	_ =	shalt  }
.Lfunc_end0:
.L_simem_size_0:
called_computation_lowered:
.L_overlay_start_0:
0x88: {  	s2 =	sld [smem:$0x3FD9]  }
0x89: {  	s3 =	sld [smem:$0x3FFE];
	_ =	sdelay $0x1  }
0x8a: {  	s1 =	srdreg.scid  }
0x8b: {  	s0 =	sand.u32 $0x1, s1  }
0x8c: {  	s17 =	sshll.u32 s0, $0xA;
	s2 =	sadd.s32 s3, s2  }
0x8d: {  	s2 =	sadd.s32 s2, s17  }
0x8e: {  	[smem:$0x3FC2] =	sst s2  }
0x8f: {  	_ = 	snop  }
0x90: {  	s2 =	sld [smem:$0x3FD0];
	(tm) =	ssettm $0x1  }
0x91: {  	s18 =	sld [smem:$0x3FFB];
	_ =	sdelay $0x3  }
0x92: {  	_ =	strace s18  }
0x93: {  	s3 =	sld [smem:$0x3FFC];
	_ =	sdelay $0x3  }
0x94: {  	_ =	strace s3  }
0x95: {  	s3 =	sld [smem:$0x3FFD];
	_ =	sdelay $0x3  }
0x96: {  	_ =	strace s3  }
0x97: {  	_ =	strace $0x8FFFFFFF  }
0x98: {  	s19 =	sld [smem:$0x3FDB];
	_ =	sdelay $0x1  }
0x99: {  	s4 =	simm.s32 $_scs_section_size  }
0x9a: {  	s5 =	simm.s32 $_size__tile_overlayer_lowered;
	s6 =	simm.s32 $_tile_overlayer_lowered  }
0x9b: {  	s22 =	simm.s32 $0x1BFF;
	s21 =	sshll.u32 s6, $0x1;
	s3 =	sadd.s32 s4, s19  }
0x9c: {  	s7 =	simm.s32 $0x0;
	s20 =	sshll.u32 s5, $0x1;
	s5 =	sadd.s32 s21, s3  }
0x9d: {  	[timem:s7], [sflag:s22] =	dma.local [hbm:s5], s20  }
0x9e: {  	_ =	swait.ge [sflag:s22], s20  }
0x9f: {  	s4 =	ssub.s32 $0x0, s20;
	[sflag:s22] =	ssyncset.done $0x0  }
0xa0: {  	[sflag:s22] =	ssyncadd.s32 s4;
	_ =	sdelay $0x1  }
0xa1: {  	s23 =	simm.s32 $0x1B8B  }
0xa2: {  	_ =	swait.ge [sflag:s23], $0x1  }
0xa3: {  	[sflag:s23] =	ssyncset.done $0x0  }
0xa4: {  	s25 =	simm.s32 $0x1B8E;
	s24 =	sld [smem:$0x3FFE];
	[sflag:s23] =	ssyncadd.s32 $0xFFFFFFFF  }
0xa5: {  	s26 =	simm.s32 $execute0_lowered;
	[smem:$0x3FD2] =	sst s25  }
0xa6: {  	s5 =	sshll.u32 s26, $0x1;
	_ =	strace $0x80000046;
	[dreg:$0x1] =	wrdreg $0xFFFFFFFF  }
0xa7: {  	s28 =	simm.s32 $_size_execute0_lowered;
	s3 =	sadd.s32 s3, s5;
	[dreg:$0x0] =	wrdreg $0x0  }
0xa8: {  	s5 =	sshll.u32 s28, $0x1;
	[dreg:$0x2] =	wrdreg s3  }
0xa9: {  	[dreg:$0x3] =	wrdreg s5  }
0xaa: {  	[dreg:$0x4] =	wrdreg $0xC0  }
0xab: {  	_ =	task [dreg:s7], $0x5FFFF  }
0xac: {  	[dreg:$0x1] =	wrdreg $0xFFFFFFFF  }
0xad: {  	[dreg:$0x0] =	wrdreg $0x60  }
0xae: {  	[dreg:$0x2] =	wrdreg s2  }
0xaf: {  	[dreg:$0x3] =	wrdreg s24  }
0xb0: {  	[dreg:$0x4] =	wrdreg $0xB8000  }
0xb1: {  	[dreg:$0x5] =	wrdreg $0x9  }
0xb2: {  	_ =	task.clear_ibuf [dreg:s7], $0x6FFFF;
	_ =	strace $0x90000046  }
0xb3: {  	s29 =	simm.s32 $0x9;
	_ =	strace $0x80000048  }
0xb4: {  	_ =	swait.ge [sflag:s29], $0x1  }
0xb5: {  	[sflag:s29] =	ssyncadd.s32 $0xFFFFFFFF  }
0xb6: {  	_ =	strace $0x90000048  }
0xb7: {  	_ =	sfence  }
0xb8: {  	s30 =	sld [smem:$0x0];
	_ =	sdelay $0x2  }
0xb9: {  	s31 =	sshll.u32 s1, $0xD;
	s1 =	sshrl.u32 s1, $0x2  }
0xba: {  	s3 =	sand.u32 $0x4000, s31;
	s1 =	sadd.s32 s1, s30  }
0xbb: {  	s0 =	sor.u32 s3, s0;
	s1 =	sshll.u32 s1, $0x11  }
0xbc: {  	s0 =	sor.u32 s1, s0  }
0xbd: {  	s0 =	sadd.s32 $0x8F2B, s0  }
0xbe: {  	[sflag:s0] =	ssyncadd.remote.s32 $0x1  }
0xbf: {  	_ =	sfence.sel $0xFFFF  }
0xc0: {  	[dreg:$0x0] =	wrdreg $0xFFFFFFFF;
	(pc) =	sbr.abs _section_cstart, $3  }
0xc1: {  	[dreg:$0x1] =	wrdreg $0xFFFFFFFF  }
0xc2: {  	_ =	task.clear_ibuf [dreg:s7], $0x2FFFF;
	_ =	strace $0x9FFFFFFF  }
0xc3: {  	(tm) =	ssettm $0x7FFFFFFF  }
tec
execute0_lowered:
.L_overlay_start_1:
0x0: {  	(tag) =	ssettag $0x1  }
0x1: {  	s1 =	rddreg [dreg:$0x0];
	s8 =	stileid.u32  }
0x2: {  	s0 =	rddreg [dreg:$0x1];
	s5 =	smul.u32 $0x14000, s8  }
0x3: {  	s2 =	rddreg [dreg:$0x2];
	s24 =	sshll.u32 s8, $0x1;
	s8 =	smul.u32 $0x50000, s8  }
0x4: {  	s3 =	srdreg.scid;
	s18 =	simm.s32 $0x0;
	s28 =	simm.s32 $0x1300  }
0x5: {  	s29 =	simm.s32 $0x2680;
	s30 =	simm.s32 $0x2700;
	s8 =	sshrl.u32 s8, $0x2  }
0x6: {  	s31 =	simm.s32 $0x2780;
	[smem:$0x7FF] =	sst s18;
	s10 =	sadd.s32 s8, s2  }
0x7: {  	_ =	strace $0x80000047;
	s11 =	sadd.s32 $0x5000, s10;
	[dreg:$0x4] =	wrdreg s10  }
0x8: {  	s3 =	sand.u32 $0x1, s3;
	s12 =	sadd.s32 $0x6000, s10;
	[dreg:$0xd] =	wrdreg s11  }
0x9: {  	s6 =	sadd.s32 $0x1C00, s0;
	s13 =	sadd.s32 $0x7000, s10;
	[dreg:$0xe] =	wrdreg s12  }
0xa: {  	s4 =	smul.u32 $0x140000, s3;
	s14 =	sadd.s32 $0x8000, s10;
	[dreg:$0xf] =	wrdreg s13  }
0xb: {  	s7 =	sadd.s32 $0xBC00, s0;
	s15 =	sadd.s32 $0x9000, s10;
	[dreg:$0x10] =	wrdreg s14  }
0xc: {  	s4 =	sadd.s32 s5, s4;
	s16 =	sadd.s32 $0xA000, s10;
	[dreg:$0x11] =	wrdreg s15  }
0xd: {  	s5 =	sor.u32 s3, s24;
	s17 =	sadd.s32 $0xB000, s10;
	[dreg:$0x12] =	wrdreg s16  }
0xe: {  	s3 =	ssub.s32 $0x2, s3;
	s19 =	sadd.s32 $0xC000, s10;
	[dreg:$0x13] =	wrdreg s17  }
0xf: {  	s4 =	sshrl.u32 s4, $0x3;
	s20 =	sadd.s32 $0xD000, s10;
	[dreg:$0x14] =	wrdreg s19  }
0x10: {  	s25 =	smul.u32 $0x2800, s5;
	s21 =	sadd.s32 $0xE000, s10;
	[dreg:$0x15] =	wrdreg s20  }
0x11: {  	s9 =	sshrl.u32 s3, $0x1;
	s22 =	sadd.s32 $0xF000, s10;
	[dreg:$0x16] =	wrdreg s21  }
0x12: {  	s5 =	smul.u32 $0x500, s5;
	s23 =	sadd.s32 $0x10000, s10;
	[dreg:$0x17] =	wrdreg s22  }
0x13: {  	s24 =	sadd.s32 $0x11000, s10;
	s0 =	sadd.s32 s4, s0;
	[dreg:$0x18] =	wrdreg s23  }
0x14: {  	s3 =	ssub.s32 s3, s9;
	[dreg:$0x19] =	wrdreg s24;
	s11 =	simm.s32 $0x2800  }
0x15: {  	s12 =	simm.s32 $0x6800;
	s13 =	simm.s32 $0x1;
	s15 =	simm.s32 $0x2  }
0x16: {  	s17 =	simm.s32 $0x4;
	s19 =	simm.s32 $0x2400;
	s20 =	simm.s32 $0x1100  }
0x17: {  	s21 =	simm.s32 $0x2480;
	s22 =	simm.s32 $0x1180;
	s26 =	sadd.s32 s6, s5  }
0x18: {  	s23 =	simm.s32 $0x2500;
	s5 =	sadd.s32 s7, s5;
	[dreg:$0x5] =	wrdreg s26  }
0x19: {  	s24 =	simm.s32 $0x1200;
	s0 =	sadd.s32 $0x15C00, s0;
	[dreg:$0x6] =	wrdreg s5  }
0x1a: {  	s4 =	sshrl.u32 s25, $0x3;
	s3 =	smax.u32 s3, $0x1;
	[dreg:$0x7] =	wrdreg s0  }
0x1b: {  	s25 =	sadd.s32 $0x12000, s10;
	s4 =	sadd.s32 $0x280, s4;
	[dreg:$0x8] =	wrdreg s3  }
0x1c: {  	s5 =	sadd.s32 $0x2000, s10;
	[dreg:$0x1a] =	wrdreg s25;
	s26 =	sadd.s32 $0x13000, s10  }
0x1d: {  	s3 =	simm.s32 $0x0;
	s8 =	sadd.s32 s6, s4;
	[dreg:$0xa] =	wrdreg s5  }
0x1e: {  	s9 =	sadd.s32 s7, s4;
	s4 =	sadd.s32 $0x1000, s10;
	[dreg:$0x1b] =	wrdreg s26  }
0x1f: {  	s25 =	simm.s32 $0x2580;
	s6 =	sadd.s32 $0x3000, s10;
	[dreg:$0x9] =	wrdreg s4  }
0x20: {  	s7 =	sadd.s32 $0x4000, s10;
	s10 =	simm.s32 $0x80;
	[dreg:$0xb] =	wrdreg s6  }
0x21: {  	s5 =	simm.s32 $0x2380;
	s26 =	simm.s32 $0x2600;
	[dreg:$0xc] =	wrdreg s7  }
0x22: {  	v0 =	vimm.f32 $0.0e+00;
	s7 =	simm.s32 $0x3;
	s6 =	simm.s32 $0x1280;
	s4 =	simm.s32 $0x1380  }
.LBB2_1:
0x23: {  	s0 =	sand.u32 $0x3E00, s18  }
0x24: {  	[dreg:$0x1c] =	wrdreg s3;
	s14 =	sand.u32 $0x70, s18;
	s16 =	sshrl.u32 s0, $0x2  }
0x25: {  	s0 =	simm.s32 $0x40;
	s16 =	sor.u32 s14, s16;
	s14 =	simm.s32 $0x0  }
.LBB2_2:
0x26: {  	p0 =	sne.s32 s0, $0x3FC0  }
0x27: {  	[tilespmem:s16+$0xA800] =	vst v0;
	s14 =	sadd.s32 $0x10, s14;
	s16 =	smov.u32 s0;
	s0 =	sadd.s32 $0x40, s0  }
.Ltmp0:
0x28: {  	(pc) =	sbr.rel @p0 .LBB2_2-.Ltmp0, $4  }
0x29: {  	_ = 	snop  }
0x2a: {  	s16 =	sand.u32 $0x3E00, s16  }
0x2b: {  	s18 =	sand.u32 $0x70, s14;
	s16 =	sshrl.u32 s16, $0x2  }
0x2c: {  	s16 =	sor.u32 s18, s16  }
0x2d: {  	[tilespmem:s16+$0xA800] =	vst v0;
	s0 =	rddreg [dreg:$0x4];
	s14 =	simm.s32 $0xA800  }
0x2e: {  	[spmem:s0] =	stream.linear.scatter [tilespmem:s14], [sflag:$0x3], $0x1000, $0x38;
	[tilespmem:$0x1F800] =	vst v63  }
0x2f: {  	s3 =	rddreg [dreg:$0x9]  }
0x30: {  	[spmem:s3] =	stream.linear.scatter [tilespmem:s14], [sflag:$0x3], $0x1000, $0x38;
	[tilespmem:$0x1F800] =	vst v63  }
0x31: {  	s16 =	rddreg [dreg:$0xa]  }
0x32: {  	[spmem:s16] =	stream.linear.scatter [tilespmem:s14], [sflag:$0x3], $0x1000, $0x38;
	[tilespmem:$0x1F800] =	vst v63  }
0x33: {  	s18 =	rddreg [dreg:$0xb]  }
0x34: {  	[spmem:s18] =	stream.linear.scatter [tilespmem:s14], [sflag:$0x3], $0x1000, $0x38;
	[tilespmem:$0x1F800] =	vst v63  }
0x35: {  	s3 =	rddreg [dreg:$0xc]  }
0x36: {  	[spmem:s3] =	stream.linear.scatter [tilespmem:s14], [sflag:$0x3], $0x1000, $0x38;
	[tilespmem:$0x1F800] =	vst v63  }
0x37: {  	s16 =	rddreg [dreg:$0xd]  }
0x38: {  	[spmem:s16] =	stream.linear.scatter [tilespmem:s14], [sflag:$0x3], $0x1000, $0x38;
	[tilespmem:$0x1F800] =	vst v63  }
0x39: {  	s18 =	rddreg [dreg:$0xe]  }
0x3a: {  	[spmem:s18] =	stream.linear.scatter [tilespmem:s14], [sflag:$0x3], $0x1000, $0x38;
	[tilespmem:$0x1F800] =	vst v63  }
0x3b: {  	s3 =	rddreg [dreg:$0xf]  }
0x3c: {  	[spmem:s3] =	stream.linear.scatter [tilespmem:s14], [sflag:$0x3], $0x1000, $0x38;
	[tilespmem:$0x1F800] =	vst v63  }
0x3d: {  	s16 =	rddreg [dreg:$0x10]  }
0x3e: {  	[spmem:s16] =	stream.linear.scatter [tilespmem:s14], [sflag:$0x3], $0x1000, $0x38;
	[tilespmem:$0x1F800] =	vst v63  }
0x3f: {  	s18 =	rddreg [dreg:$0x11]  }
0x40: {  	[spmem:s18] =	stream.linear.scatter [tilespmem:s14], [sflag:$0x3], $0x1000, $0x38;
	[tilespmem:$0x1F800] =	vst v63  }
0x41: {  	s3 =	rddreg [dreg:$0x12]  }
0x42: {  	[spmem:s3] =	stream.linear.scatter [tilespmem:s14], [sflag:$0x3], $0x1000, $0x38;
	[tilespmem:$0x1F800] =	vst v63  }
0x43: {  	s16 =	rddreg [dreg:$0x13]  }
0x44: {  	[spmem:s16] =	stream.linear.scatter [tilespmem:s14], [sflag:$0x3], $0x1000, $0x38;
	[tilespmem:$0x1F800] =	vst v63  }
0x45: {  	s18 =	rddreg [dreg:$0x14]  }
0x46: {  	[spmem:s18] =	stream.linear.scatter [tilespmem:s14], [sflag:$0x3], $0x1000, $0x38;
	[tilespmem:$0x1F800] =	vst v63  }
0x47: {  	s3 =	rddreg [dreg:$0x15]  }
0x48: {  	[spmem:s3] =	stream.linear.scatter [tilespmem:s14], [sflag:$0x3], $0x1000, $0x38;
	[tilespmem:$0x1F800] =	vst v63  }
0x49: {  	s16 =	rddreg [dreg:$0x16]  }
0x4a: {  	[spmem:s16] =	stream.linear.scatter [tilespmem:s14], [sflag:$0x3], $0x1000, $0x38;
	[tilespmem:$0x1F800] =	vst v63  }
0x4b: {  	s18 =	rddreg [dreg:$0x17]  }
0x4c: {  	[spmem:s18] =	stream.linear.scatter [tilespmem:s14], [sflag:$0x3], $0x1000, $0x38;
	[tilespmem:$0x1F800] =	vst v63  }
0x4d: {  	s3 =	rddreg [dreg:$0x18]  }
0x4e: {  	[spmem:s3] =	stream.linear.scatter [tilespmem:s14], [sflag:$0x3], $0x1000, $0x38;
	[tilespmem:$0x1F800] =	vst v63  }
0x4f: {  	s16 =	rddreg [dreg:$0x19]  }
0x50: {  	[spmem:s16] =	stream.linear.scatter [tilespmem:s14], [sflag:$0x3], $0x1000, $0x38;
	[tilespmem:$0x1F800] =	vst v63  }
0x51: {  	s18 =	rddreg [dreg:$0x1a]  }
0x52: {  	[spmem:s18] =	stream.linear.scatter [tilespmem:s14], [sflag:$0x3], $0x1000, $0x38;
	[tilespmem:$0x1F800] =	vst v63  }
0x53: {  	s3 =	rddreg [dreg:$0x1b]  }
0x54: {  	[spmem:s3] =	stream.linear.scatter [tilespmem:s14], [sflag:$0x3], $0x1000, $0x38;
	[tilespmem:$0x1F800] =	vst v63  }
0x55: {  	s18 =	simm.s32 $0x0;
	s14 =	rddreg [dreg:$0x5]  }
0x56: {  	[tilespmem:s18], [sflag:$0x5] =	stream.linear.gather [hbm4b:s14+s18], $0x1400, $0x38;
	[tilespmem:$0x1F800] =	vst v63  }
0x57: {  	s14 =	simm.s32 $0x5  }
0x58: {  	_ =	swait.ge [sflag:s14], $0x1400  }
0x59: {  	[sflag:s14] =	ssyncset.done $0x0  }
0x5a: {  	s3 =	simm.s32 $0x1400;
	s16 =	rddreg [dreg:$0x6];
	[sflag:s14] =	ssyncadd.s32 $0xFFFFEC00  }
0x5b: {  	[tilespmem:s3], [sflag:$0x5] =	stream.linear.gather [hbm4b:s16+s18], $0x1400, $0x38;
	[tilespmem:$0x1F800] =	vst v63  }
0x5c: {  	_ =	swait.ge [sflag:s14], $0x1400  }
0x5d: {  	[sflag:s14] =	ssyncset.done $0x0  }
0x5e: {  	[sflag:s14] =	ssyncadd.s32 $0xFFFFEC00  }
0x5f: {  	_ =	swait.ge [sflag:s7], $0x1000  }
0x60: {  	[sflag:s7] =	ssyncset.done $0x0  }
0x61: {  	[sflag:s7] =	ssyncadd.s32 $0xFFFFF000  }
0x62: {  	_ =	swait.ge [sflag:s7], $0x1000  }
0x63: {  	[sflag:s7] =	ssyncset.done $0x0  }
0x64: {  	[sflag:s7] =	ssyncadd.s32 $0xFFFFF000  }
0x65: {  	_ =	swait.ge [sflag:s7], $0x1000  }
0x66: {  	[sflag:s7] =	ssyncset.done $0x0  }
0x67: {  	[sflag:s7] =	ssyncadd.s32 $0xFFFFF000  }
0x68: {  	_ =	swait.ge [sflag:s7], $0x1000  }
0x69: {  	[sflag:s7] =	ssyncset.done $0x0  }
0x6a: {  	[sflag:s7] =	ssyncadd.s32 $0xFFFFF000  }
0x6b: {  	_ =	swait.ge [sflag:s7], $0x1000  }
0x6c: {  	[sflag:s7] =	ssyncset.done $0x0  }
0x6d: {  	[sflag:s7] =	ssyncadd.s32 $0xFFFFF000  }
0x6e: {  	_ =	swait.ge [sflag:s7], $0x1000  }
0x6f: {  	[sflag:s7] =	ssyncset.done $0x0  }
0x70: {  	[sflag:s7] =	ssyncadd.s32 $0xFFFFF000  }
0x71: {  	_ =	swait.ge [sflag:s7], $0x1000  }
0x72: {  	[sflag:s7] =	ssyncset.done $0x0  }
0x73: {  	[sflag:s7] =	ssyncadd.s32 $0xFFFFF000  }
0x74: {  	_ =	swait.ge [sflag:s7], $0x1000  }
0x75: {  	[sflag:s7] =	ssyncset.done $0x0  }
0x76: {  	[sflag:s7] =	ssyncadd.s32 $0xFFFFF000  }
0x77: {  	_ =	swait.ge [sflag:s7], $0x1000  }
0x78: {  	[sflag:s7] =	ssyncset.done $0x0  }
0x79: {  	[sflag:s7] =	ssyncadd.s32 $0xFFFFF000  }
0x7a: {  	_ =	swait.ge [sflag:s7], $0x1000  }
0x7b: {  	[sflag:s7] =	ssyncset.done $0x0  }
0x7c: {  	[sflag:s7] =	ssyncadd.s32 $0xFFFFF000  }
0x7d: {  	_ =	swait.ge [sflag:s7], $0x1000  }
0x7e: {  	[sflag:s7] =	ssyncset.done $0x0  }
0x7f: {  	[sflag:s7] =	ssyncadd.s32 $0xFFFFF000  }
0x80: {  	_ =	swait.ge [sflag:s7], $0x1000  }
0x81: {  	[sflag:s7] =	ssyncset.done $0x0  }
0x82: {  	[sflag:s7] =	ssyncadd.s32 $0xFFFFF000  }
0x83: {  	_ =	swait.ge [sflag:s7], $0x1000  }
0x84: {  	[sflag:s7] =	ssyncset.done $0x0  }
0x85: {  	[sflag:s7] =	ssyncadd.s32 $0xFFFFF000  }
0x86: {  	_ =	swait.ge [sflag:s7], $0x1000  }
0x87: {  	[sflag:s7] =	ssyncset.done $0x0  }
0x88: {  	[sflag:s7] =	ssyncadd.s32 $0xFFFFF000  }
0x89: {  	_ =	swait.ge [sflag:s7], $0x1000  }
0x8a: {  	[sflag:s7] =	ssyncset.done $0x0  }
0x8b: {  	[sflag:s7] =	ssyncadd.s32 $0xFFFFF000  }
0x8c: {  	_ =	swait.ge [sflag:s7], $0x1000  }
0x8d: {  	[sflag:s7] =	ssyncset.done $0x0  }
0x8e: {  	[sflag:s7] =	ssyncadd.s32 $0xFFFFF000  }
0x8f: {  	_ =	swait.ge [sflag:s7], $0x1000  }
0x90: {  	[sflag:s7] =	ssyncset.done $0x0  }
0x91: {  	[sflag:s7] =	ssyncadd.s32 $0xFFFFF000  }
0x92: {  	_ =	swait.ge [sflag:s7], $0x1000  }
0x93: {  	[sflag:s7] =	ssyncset.done $0x0  }
0x94: {  	[sflag:s7] =	ssyncadd.s32 $0xFFFFF000  }
0x95: {  	_ =	swait.ge [sflag:s7], $0x1000  }
0x96: {  	[sflag:s7] =	ssyncset.done $0x0  }
0x97: {  	[sflag:s7] =	ssyncadd.s32 $0xFFFFF000  }
0x98: {  	_ =	swait.ge [sflag:s7], $0x1000  }
0x99: {  	[sflag:s7] =	ssyncset.done $0x0  }
0x9a: {  	p0 =	por $0x1, $0x1;
	[sflag:s7] =	ssyncadd.s32 $0xFFFFF000  }
0x9b: {  	p1 =	por $0x0, $0x0;
	s3 =	simm.s32 $0x1080;
	[bflag:$0x0] =	sbarrier.arrive $0xFFFF  }
.LBB2_4:
0x9c: {  	s0 =	simm.s32 @p1 $0x0;
	s14 =	simm.s32 @p1 $0x5  }
0x9d: {  	[tilespmem:s0], [sflag:$0x5] =	stream.linear.gather @p1 [hbm4b:s8+s0], $0x1400, $0x38;
	[tilespmem:$0x1F800] =	vst v63  }
0x9e: {  	_ =	swait.ge @p1 [sflag:s14], $0x1400  }
0x9f: {  	[sflag:s14] =	ssyncset.done @p1 $0x0  }
0xa0: {  	s16 =	simm.s32 @p1 $0x1400;
	[sflag:s14] =	ssyncadd.s32 @p1 $0xFFFFEC00  }
0xa1: {  	[tilespmem:s16], [sflag:$0x5] =	stream.linear.gather @p1 [hbm4b:s9+s0], $0x1400, $0x38;
	[tilespmem:$0x1F800] =	vst v63  }
0xa2: {  	_ =	swait.ge @p1 [sflag:s14], $0x1400  }
0xa3: {  	[sflag:s14] =	ssyncset.done @p1 $0x0  }
0xa4: {  	[sflag:s14] =	ssyncadd.s32 @p1 $0xFFFFEC00  }
0xa5: {  	[tilespmem:s11], [sflag:$0x1] =	stream.indirect.gather [hbm4b:s1+s10], $0x80, s18, s10, $0xb8;
	[tilespmem:$0x1F800] =	vst v63  }
0xa6: {  	_ = 	snop  }
0xa7: {  	[tilespmem:s12], [sflag:$0x2] =	stream.indirect.gather [hbm4b:s1+s10], $0x80, s10, s10, $0xb8;
	[tilespmem:$0x1F800] =	vst v63  }
0xa8: {  	_ =	swait.ge [sflag:s13], $0x4000  }
0xa9: {  	[sflag:s13] =	ssyncset.done $0x0  }
0xaa: {  	s14 =	simm.s32 $0x1400;
	[sflag:s13] =	ssyncadd.s32 $0xFFFFC000  }
0xab: {  	[spmem:s2] =	stream.indirect.scatter.add.f32 [tilespmem:s11], [sflag:$0x3], $0x80, s14, s10, $0xb8;
	[tilespmem:$0x1F800] =	vst v63  }
0xac: {  	_ =	swait.ge [sflag:s7], $0x4000  }
0xad: {  	[sflag:s7] =	ssyncset.done $0x0  }
0xae: {  	s16 =	simm.s32 $0x100;
	[sflag:s7] =	ssyncadd.s32 $0xFFFFC000  }
0xaf: {  	[tilespmem:s11], [sflag:$0x1] =	stream.indirect.gather [hbm4b:s1+s10], $0x80, s16, s10, $0xb8;
	[tilespmem:$0x1F800] =	vst v63  }
0xb0: {  	_ =	swait.ge [sflag:s15], $0x4000  }
0xb1: {  	[sflag:s15] =	ssyncset.done $0x0  }
0xb2: {  	s14 =	simm.s32 $0x1480;
	[sflag:s15] =	ssyncadd.s32 $0xFFFFC000  }
0xb3: {  	[spmem:s2] =	stream.indirect.scatter.add.f32 [tilespmem:s12], [sflag:$0x4], $0x80, s14, s10, $0xb8;
	[tilespmem:$0x1F800] =	vst v63  }
0xb4: {  	_ =	swait.ge [sflag:s17], $0x4000  }
0xb5: {  	[sflag:s17] =	ssyncset.done $0x0  }
0xb6: {  	s16 =	simm.s32 $0x180;
	[sflag:s17] =	ssyncadd.s32 $0xFFFFC000  }
0xb7: {  	[tilespmem:s12], [sflag:$0x2] =	stream.indirect.gather [hbm4b:s1+s10], $0x80, s16, s10, $0xb8;
	[tilespmem:$0x1F800] =	vst v63  }
0xb8: {  	_ =	swait.ge [sflag:s13], $0x4000  }
0xb9: {  	[sflag:s13] =	ssyncset.done $0x0  }
0xba: {  	s14 =	simm.s32 $0x1500;
	[sflag:s13] =	ssyncadd.s32 $0xFFFFC000  }
0xbb: {  	[spmem:s2] =	stream.indirect.scatter.add.f32 [tilespmem:s11], [sflag:$0x3], $0x80, s14, s10, $0xb8;
	[tilespmem:$0x1F800] =	vst v63  }
0xbc: {  	_ =	swait.ge [sflag:s7], $0x4000  }
0xbd: {  	[sflag:s7] =	ssyncset.done $0x0  }
0xbe: {  	s16 =	simm.s32 $0x200;
	[sflag:s7] =	ssyncadd.s32 $0xFFFFC000  }
0xbf: {  	[tilespmem:s11], [sflag:$0x1] =	stream.indirect.gather [hbm4b:s1+s10], $0x80, s16, s10, $0xb8;
	[tilespmem:$0x1F800] =	vst v63  }
0xc0: {  	_ =	swait.ge [sflag:s15], $0x4000  }
0xc1: {  	[sflag:s15] =	ssyncset.done $0x0  }
0xc2: {  	s14 =	simm.s32 $0x1580;
	[sflag:s15] =	ssyncadd.s32 $0xFFFFC000  }
0xc3: {  	[spmem:s2] =	stream.indirect.scatter.add.f32 [tilespmem:s12], [sflag:$0x4], $0x80, s14, s10, $0xb8;
	[tilespmem:$0x1F800] =	vst v63  }
0xc4: {  	_ =	swait.ge [sflag:s17], $0x4000  }
0xc5: {  	[sflag:s17] =	ssyncset.done $0x0  }
0xc6: {  	s16 =	simm.s32 $0x280;
	[sflag:s17] =	ssyncadd.s32 $0xFFFFC000  }
0xc7: {  	[tilespmem:s12], [sflag:$0x2] =	stream.indirect.gather [hbm4b:s1+s10], $0x80, s16, s10, $0xb8;
	[tilespmem:$0x1F800] =	vst v63  }
0xc8: {  	_ =	swait.ge [sflag:s13], $0x4000  }
0xc9: {  	[sflag:s13] =	ssyncset.done $0x0  }
0xca: {  	s14 =	simm.s32 $0x1600;
	[sflag:s13] =	ssyncadd.s32 $0xFFFFC000  }
0xcb: {  	[spmem:s2] =	stream.indirect.scatter.add.f32 [tilespmem:s11], [sflag:$0x3], $0x80, s14, s10, $0xb8;
	[tilespmem:$0x1F800] =	vst v63  }
0xcc: {  	_ =	swait.ge [sflag:s7], $0x4000  }
0xcd: {  	[sflag:s7] =	ssyncset.done $0x0  }
0xce: {  	s16 =	simm.s32 $0x300;
	[sflag:s7] =	ssyncadd.s32 $0xFFFFC000  }
0xcf: {  	[tilespmem:s11], [sflag:$0x1] =	stream.indirect.gather [hbm4b:s1+s10], $0x80, s16, s10, $0xb8;
	[tilespmem:$0x1F800] =	vst v63  }
0xd0: {  	_ =	swait.ge [sflag:s15], $0x4000  }
0xd1: {  	[sflag:s15] =	ssyncset.done $0x0  }
0xd2: {  	s14 =	simm.s32 $0x1680;
	[sflag:s15] =	ssyncadd.s32 $0xFFFFC000  }
0xd3: {  	[spmem:s2] =	stream.indirect.scatter.add.f32 [tilespmem:s12], [sflag:$0x4], $0x80, s14, s10, $0xb8;
	[tilespmem:$0x1F800] =	vst v63  }
0xd4: {  	_ =	swait.ge [sflag:s17], $0x4000  }
0xd5: {  	[sflag:s17] =	ssyncset.done $0x0  }
0xd6: {  	s16 =	simm.s32 $0x380;
	[sflag:s17] =	ssyncadd.s32 $0xFFFFC000  }
0xd7: {  	[tilespmem:s12], [sflag:$0x2] =	stream.indirect.gather [hbm4b:s1+s10], $0x80, s16, s10, $0xb8;
	[tilespmem:$0x1F800] =	vst v63  }
0xd8: {  	_ =	swait.ge [sflag:s13], $0x4000  }
0xd9: {  	[sflag:s13] =	ssyncset.done $0x0  }
0xda: {  	s14 =	simm.s32 $0x1700;
	[sflag:s13] =	ssyncadd.s32 $0xFFFFC000  }
0xdb: {  	[spmem:s2] =	stream.indirect.scatter.add.f32 [tilespmem:s11], [sflag:$0x3], $0x80, s14, s10, $0xb8;
	[tilespmem:$0x1F800] =	vst v63  }
0xdc: {  	_ =	swait.ge [sflag:s7], $0x4000  }
0xdd: {  	[sflag:s7] =	ssyncset.done $0x0  }
0xde: {  	s16 =	simm.s32 $0x400;
	[sflag:s7] =	ssyncadd.s32 $0xFFFFC000  }
0xdf: {  	[tilespmem:s11], [sflag:$0x1] =	stream.indirect.gather [hbm4b:s1+s10], $0x80, s16, s10, $0xb8;
	[tilespmem:$0x1F800] =	vst v63  }
0xe0: {  	_ =	swait.ge [sflag:s15], $0x4000  }
0xe1: {  	[sflag:s15] =	ssyncset.done $0x0  }
0xe2: {  	s14 =	simm.s32 $0x1780;
	[sflag:s15] =	ssyncadd.s32 $0xFFFFC000  }
0xe3: {  	[spmem:s2] =	stream.indirect.scatter.add.f32 [tilespmem:s12], [sflag:$0x4], $0x80, s14, s10, $0xb8;
	[tilespmem:$0x1F800] =	vst v63  }
0xe4: {  	_ =	swait.ge [sflag:s17], $0x4000  }
0xe5: {  	[sflag:s17] =	ssyncset.done $0x0  }
0xe6: {  	s16 =	simm.s32 $0x480;
	[sflag:s17] =	ssyncadd.s32 $0xFFFFC000  }
0xe7: {  	[tilespmem:s12], [sflag:$0x2] =	stream.indirect.gather [hbm4b:s1+s10], $0x80, s16, s10, $0xb8;
	[tilespmem:$0x1F800] =	vst v63  }
0xe8: {  	_ =	swait.ge [sflag:s13], $0x4000  }
0xe9: {  	[sflag:s13] =	ssyncset.done $0x0  }
0xea: {  	s14 =	simm.s32 $0x1800;
	[sflag:s13] =	ssyncadd.s32 $0xFFFFC000  }
0xeb: {  	[spmem:s2] =	stream.indirect.scatter.add.f32 [tilespmem:s11], [sflag:$0x3], $0x80, s14, s10, $0xb8;
	[tilespmem:$0x1F800] =	vst v63  }
0xec: {  	_ =	swait.ge [sflag:s7], $0x4000  }
0xed: {  	[sflag:s7] =	ssyncset.done $0x0  }
0xee: {  	s16 =	simm.s32 $0x500;
	[sflag:s7] =	ssyncadd.s32 $0xFFFFC000  }
0xef: {  	[tilespmem:s11], [sflag:$0x1] =	stream.indirect.gather [hbm4b:s1+s10], $0x80, s16, s10, $0xb8;
	[tilespmem:$0x1F800] =	vst v63  }
0xf0: {  	_ =	swait.ge [sflag:s15], $0x4000  }
0xf1: {  	[sflag:s15] =	ssyncset.done $0x0  }
0xf2: {  	s14 =	simm.s32 $0x1880;
	[sflag:s15] =	ssyncadd.s32 $0xFFFFC000  }
0xf3: {  	[spmem:s2] =	stream.indirect.scatter.add.f32 [tilespmem:s12], [sflag:$0x4], $0x80, s14, s10, $0xb8;
	[tilespmem:$0x1F800] =	vst v63  }
0xf4: {  	_ =	swait.ge [sflag:s17], $0x4000  }
0xf5: {  	[sflag:s17] =	ssyncset.done $0x0  }
0xf6: {  	s16 =	simm.s32 $0x580;
	[sflag:s17] =	ssyncadd.s32 $0xFFFFC000  }
0xf7: {  	[tilespmem:s12], [sflag:$0x2] =	stream.indirect.gather [hbm4b:s1+s10], $0x80, s16, s10, $0xb8;
	[tilespmem:$0x1F800] =	vst v63  }
0xf8: {  	_ =	swait.ge [sflag:s13], $0x4000  }
0xf9: {  	[sflag:s13] =	ssyncset.done $0x0  }
0xfa: {  	s14 =	simm.s32 $0x1900;
	[sflag:s13] =	ssyncadd.s32 $0xFFFFC000  }
0xfb: {  	[spmem:s2] =	stream.indirect.scatter.add.f32 [tilespmem:s11], [sflag:$0x3], $0x80, s14, s10, $0xb8;
	[tilespmem:$0x1F800] =	vst v63  }
0xfc: {  	_ =	swait.ge [sflag:s7], $0x4000  }
0xfd: {  	[sflag:s7] =	ssyncset.done $0x0  }
0xfe: {  	s16 =	simm.s32 $0x600;
	[sflag:s7] =	ssyncadd.s32 $0xFFFFC000  }
0xff: {  	[tilespmem:s11], [sflag:$0x1] =	stream.indirect.gather [hbm4b:s1+s10], $0x80, s16, s10, $0xb8;
	[tilespmem:$0x1F800] =	vst v63  }
0x100: {  	_ =	swait.ge [sflag:s15], $0x4000  }
0x101: {  	[sflag:s15] =	ssyncset.done $0x0  }
0x102: {  	s14 =	simm.s32 $0x1980;
	[sflag:s15] =	ssyncadd.s32 $0xFFFFC000  }
0x103: {  	[spmem:s2] =	stream.indirect.scatter.add.f32 [tilespmem:s12], [sflag:$0x4], $0x80, s14, s10, $0xb8;
	[tilespmem:$0x1F800] =	vst v63  }
0x104: {  	_ =	swait.ge [sflag:s17], $0x4000  }
0x105: {  	[sflag:s17] =	ssyncset.done $0x0  }
0x106: {  	s16 =	simm.s32 $0x680;
	[sflag:s17] =	ssyncadd.s32 $0xFFFFC000  }
0x107: {  	[tilespmem:s12], [sflag:$0x2] =	stream.indirect.gather [hbm4b:s1+s10], $0x80, s16, s10, $0xb8;
	[tilespmem:$0x1F800] =	vst v63  }
0x108: {  	_ =	swait.ge [sflag:s13], $0x4000  }
0x109: {  	[sflag:s13] =	ssyncset.done $0x0  }
0x10a: {  	s14 =	simm.s32 $0x1A00;
	[sflag:s13] =	ssyncadd.s32 $0xFFFFC000  }
0x10b: {  	[spmem:s2] =	stream.indirect.scatter.add.f32 [tilespmem:s11], [sflag:$0x3], $0x80, s14, s10, $0xb8;
	[tilespmem:$0x1F800] =	vst v63  }
0x10c: {  	_ =	swait.ge [sflag:s7], $0x4000  }
0x10d: {  	[sflag:s7] =	ssyncset.done $0x0  }
0x10e: {  	s16 =	simm.s32 $0x700;
	[sflag:s7] =	ssyncadd.s32 $0xFFFFC000  }
0x10f: {  	[tilespmem:s11], [sflag:$0x1] =	stream.indirect.gather [hbm4b:s1+s10], $0x80, s16, s10, $0xb8;
	[tilespmem:$0x1F800] =	vst v63  }
0x110: {  	_ =	swait.ge [sflag:s15], $0x4000  }
0x111: {  	[sflag:s15] =	ssyncset.done $0x0  }
0x112: {  	s14 =	simm.s32 $0x1A80;
	[sflag:s15] =	ssyncadd.s32 $0xFFFFC000  }
0x113: {  	[spmem:s2] =	stream.indirect.scatter.add.f32 [tilespmem:s12], [sflag:$0x4], $0x80, s14, s10, $0xb8;
	[tilespmem:$0x1F800] =	vst v63  }
0x114: {  	_ =	swait.ge [sflag:s17], $0x4000  }
0x115: {  	[sflag:s17] =	ssyncset.done $0x0  }
0x116: {  	s16 =	simm.s32 $0x780;
	[sflag:s17] =	ssyncadd.s32 $0xFFFFC000  }
0x117: {  	[tilespmem:s12], [sflag:$0x2] =	stream.indirect.gather [hbm4b:s1+s10], $0x80, s16, s10, $0xb8;
	[tilespmem:$0x1F800] =	vst v63  }
0x118: {  	_ =	swait.ge [sflag:s13], $0x4000  }
0x119: {  	[sflag:s13] =	ssyncset.done $0x0  }
0x11a: {  	s14 =	simm.s32 $0x1B00;
	[sflag:s13] =	ssyncadd.s32 $0xFFFFC000  }
0x11b: {  	[spmem:s2] =	stream.indirect.scatter.add.f32 [tilespmem:s11], [sflag:$0x3], $0x80, s14, s10, $0xb8;
	[tilespmem:$0x1F800] =	vst v63  }
0x11c: {  	_ =	swait.ge [sflag:s7], $0x4000  }
0x11d: {  	[sflag:s7] =	ssyncset.done $0x0  }
0x11e: {  	s16 =	simm.s32 $0x800;
	[sflag:s7] =	ssyncadd.s32 $0xFFFFC000  }
0x11f: {  	[tilespmem:s11], [sflag:$0x1] =	stream.indirect.gather [hbm4b:s1+s10], $0x80, s16, s10, $0xb8;
	[tilespmem:$0x1F800] =	vst v63  }
0x120: {  	_ =	swait.ge [sflag:s15], $0x4000  }
0x121: {  	[sflag:s15] =	ssyncset.done $0x0  }
0x122: {  	s14 =	simm.s32 $0x1B80;
	[sflag:s15] =	ssyncadd.s32 $0xFFFFC000  }
0x123: {  	[spmem:s2] =	stream.indirect.scatter.add.f32 [tilespmem:s12], [sflag:$0x4], $0x80, s14, s10, $0xb8;
	[tilespmem:$0x1F800] =	vst v63  }
0x124: {  	_ =	swait.ge [sflag:s17], $0x4000  }
0x125: {  	[sflag:s17] =	ssyncset.done $0x0  }
0x126: {  	s16 =	simm.s32 $0x880;
	[sflag:s17] =	ssyncadd.s32 $0xFFFFC000  }
0x127: {  	[tilespmem:s12], [sflag:$0x2] =	stream.indirect.gather [hbm4b:s1+s10], $0x80, s16, s10, $0xb8;
	[tilespmem:$0x1F800] =	vst v63  }
0x128: {  	_ =	swait.ge [sflag:s13], $0x4000  }
0x129: {  	[sflag:s13] =	ssyncset.done $0x0  }
0x12a: {  	s14 =	simm.s32 $0x1C00;
	[sflag:s13] =	ssyncadd.s32 $0xFFFFC000  }
0x12b: {  	[spmem:s2] =	stream.indirect.scatter.add.f32 [tilespmem:s11], [sflag:$0x3], $0x80, s14, s10, $0xb8;
	[tilespmem:$0x1F800] =	vst v63  }
0x12c: {  	_ =	swait.ge [sflag:s7], $0x4000  }
0x12d: {  	[sflag:s7] =	ssyncset.done $0x0  }
0x12e: {  	s16 =	simm.s32 $0x900;
	[sflag:s7] =	ssyncadd.s32 $0xFFFFC000  }
0x12f: {  	[tilespmem:s11], [sflag:$0x1] =	stream.indirect.gather [hbm4b:s1+s10], $0x80, s16, s10, $0xb8;
	[tilespmem:$0x1F800] =	vst v63  }
0x130: {  	_ =	swait.ge [sflag:s15], $0x4000  }
0x131: {  	[sflag:s15] =	ssyncset.done $0x0  }
0x132: {  	s14 =	simm.s32 $0x1C80;
	[sflag:s15] =	ssyncadd.s32 $0xFFFFC000  }
0x133: {  	[spmem:s2] =	stream.indirect.scatter.add.f32 [tilespmem:s12], [sflag:$0x4], $0x80, s14, s10, $0xb8;
	[tilespmem:$0x1F800] =	vst v63  }
0x134: {  	_ =	swait.ge [sflag:s17], $0x4000  }
0x135: {  	[sflag:s17] =	ssyncset.done $0x0  }
0x136: {  	s16 =	simm.s32 $0x980;
	[sflag:s17] =	ssyncadd.s32 $0xFFFFC000  }
0x137: {  	[tilespmem:s12], [sflag:$0x2] =	stream.indirect.gather [hbm4b:s1+s10], $0x80, s16, s10, $0xb8;
	[tilespmem:$0x1F800] =	vst v63  }
0x138: {  	_ =	swait.ge [sflag:s13], $0x4000  }
0x139: {  	[sflag:s13] =	ssyncset.done $0x0  }
0x13a: {  	s14 =	simm.s32 $0x1D00;
	[sflag:s13] =	ssyncadd.s32 $0xFFFFC000  }
0x13b: {  	[spmem:s2] =	stream.indirect.scatter.add.f32 [tilespmem:s11], [sflag:$0x3], $0x80, s14, s10, $0xb8;
	[tilespmem:$0x1F800] =	vst v63  }
0x13c: {  	_ =	swait.ge [sflag:s7], $0x4000  }
0x13d: {  	[sflag:s7] =	ssyncset.done $0x0  }
0x13e: {  	s16 =	simm.s32 $0xA00;
	[sflag:s7] =	ssyncadd.s32 $0xFFFFC000  }
0x13f: {  	[tilespmem:s11], [sflag:$0x1] =	stream.indirect.gather [hbm4b:s1+s10], $0x80, s16, s10, $0xb8;
	[tilespmem:$0x1F800] =	vst v63  }
0x140: {  	_ =	swait.ge [sflag:s15], $0x4000  }
0x141: {  	[sflag:s15] =	ssyncset.done $0x0  }
0x142: {  	s14 =	simm.s32 $0x1D80;
	[sflag:s15] =	ssyncadd.s32 $0xFFFFC000  }
0x143: {  	[spmem:s2] =	stream.indirect.scatter.add.f32 [tilespmem:s12], [sflag:$0x4], $0x80, s14, s10, $0xb8;
	[tilespmem:$0x1F800] =	vst v63  }
0x144: {  	_ =	swait.ge [sflag:s17], $0x4000  }
0x145: {  	[sflag:s17] =	ssyncset.done $0x0  }
0x146: {  	s16 =	simm.s32 $0xA80;
	[sflag:s17] =	ssyncadd.s32 $0xFFFFC000  }
0x147: {  	[tilespmem:s12], [sflag:$0x2] =	stream.indirect.gather [hbm4b:s1+s10], $0x80, s16, s10, $0xb8;
	[tilespmem:$0x1F800] =	vst v63  }
0x148: {  	_ =	swait.ge [sflag:s13], $0x4000  }
0x149: {  	[sflag:s13] =	ssyncset.done $0x0  }
0x14a: {  	s14 =	simm.s32 $0x1E00;
	[sflag:s13] =	ssyncadd.s32 $0xFFFFC000  }
0x14b: {  	[spmem:s2] =	stream.indirect.scatter.add.f32 [tilespmem:s11], [sflag:$0x3], $0x80, s14, s10, $0xb8;
	[tilespmem:$0x1F800] =	vst v63  }
0x14c: {  	_ =	swait.ge [sflag:s7], $0x4000  }
0x14d: {  	[sflag:s7] =	ssyncset.done $0x0  }
0x14e: {  	s16 =	simm.s32 $0xB00;
	[sflag:s7] =	ssyncadd.s32 $0xFFFFC000  }
0x14f: {  	[tilespmem:s11], [sflag:$0x1] =	stream.indirect.gather [hbm4b:s1+s10], $0x80, s16, s10, $0xb8;
	[tilespmem:$0x1F800] =	vst v63  }
0x150: {  	_ =	swait.ge [sflag:s15], $0x4000  }
0x151: {  	[sflag:s15] =	ssyncset.done $0x0  }
0x152: {  	s14 =	simm.s32 $0x1E80;
	[sflag:s15] =	ssyncadd.s32 $0xFFFFC000  }
0x153: {  	[spmem:s2] =	stream.indirect.scatter.add.f32 [tilespmem:s12], [sflag:$0x4], $0x80, s14, s10, $0xb8;
	[tilespmem:$0x1F800] =	vst v63  }
0x154: {  	_ =	swait.ge [sflag:s17], $0x4000  }
0x155: {  	[sflag:s17] =	ssyncset.done $0x0  }
0x156: {  	s16 =	simm.s32 $0xB80;
	[sflag:s17] =	ssyncadd.s32 $0xFFFFC000  }
0x157: {  	[tilespmem:s12], [sflag:$0x2] =	stream.indirect.gather [hbm4b:s1+s10], $0x80, s16, s10, $0xb8;
	[tilespmem:$0x1F800] =	vst v63  }
0x158: {  	_ =	swait.ge [sflag:s13], $0x4000  }
0x159: {  	[sflag:s13] =	ssyncset.done $0x0  }
0x15a: {  	s14 =	simm.s32 $0x1F00;
	[sflag:s13] =	ssyncadd.s32 $0xFFFFC000  }
0x15b: {  	[spmem:s2] =	stream.indirect.scatter.add.f32 [tilespmem:s11], [sflag:$0x3], $0x80, s14, s10, $0xb8;
	[tilespmem:$0x1F800] =	vst v63  }
0x15c: {  	_ =	swait.ge [sflag:s7], $0x4000  }
0x15d: {  	[sflag:s7] =	ssyncset.done $0x0  }
0x15e: {  	s16 =	simm.s32 $0xC00;
	[sflag:s7] =	ssyncadd.s32 $0xFFFFC000  }
0x15f: {  	[tilespmem:s11], [sflag:$0x1] =	stream.indirect.gather [hbm4b:s1+s10], $0x80, s16, s10, $0xb8;
	[tilespmem:$0x1F800] =	vst v63  }
0x160: {  	_ =	swait.ge [sflag:s15], $0x4000  }
0x161: {  	[sflag:s15] =	ssyncset.done $0x0  }
0x162: {  	s14 =	simm.s32 $0x1F80;
	[sflag:s15] =	ssyncadd.s32 $0xFFFFC000  }
0x163: {  	[spmem:s2] =	stream.indirect.scatter.add.f32 [tilespmem:s12], [sflag:$0x4], $0x80, s14, s10, $0xb8;
	[tilespmem:$0x1F800] =	vst v63  }
0x164: {  	_ =	swait.ge [sflag:s17], $0x4000  }
0x165: {  	[sflag:s17] =	ssyncset.done $0x0  }
0x166: {  	s16 =	simm.s32 $0xC80;
	[sflag:s17] =	ssyncadd.s32 $0xFFFFC000  }
0x167: {  	[tilespmem:s12], [sflag:$0x2] =	stream.indirect.gather [hbm4b:s1+s10], $0x80, s16, s10, $0xb8;
	[tilespmem:$0x1F800] =	vst v63  }
0x168: {  	_ =	swait.ge [sflag:s13], $0x4000  }
0x169: {  	[sflag:s13] =	ssyncset.done $0x0  }
0x16a: {  	s14 =	simm.s32 $0x2000;
	[sflag:s13] =	ssyncadd.s32 $0xFFFFC000  }
0x16b: {  	[spmem:s2] =	stream.indirect.scatter.add.f32 [tilespmem:s11], [sflag:$0x3], $0x80, s14, s10, $0xb8;
	[tilespmem:$0x1F800] =	vst v63  }
0x16c: {  	_ =	swait.ge [sflag:s7], $0x4000  }
0x16d: {  	[sflag:s7] =	ssyncset.done $0x0  }
0x16e: {  	s16 =	simm.s32 $0xD00;
	[sflag:s7] =	ssyncadd.s32 $0xFFFFC000  }
0x16f: {  	[tilespmem:s11], [sflag:$0x1] =	stream.indirect.gather [hbm4b:s1+s10], $0x80, s16, s10, $0xb8;
	[tilespmem:$0x1F800] =	vst v63  }
0x170: {  	_ =	swait.ge [sflag:s15], $0x4000  }
0x171: {  	[sflag:s15] =	ssyncset.done $0x0  }
0x172: {  	s14 =	simm.s32 $0x2080;
	[sflag:s15] =	ssyncadd.s32 $0xFFFFC000  }
0x173: {  	[spmem:s2] =	stream.indirect.scatter.add.f32 [tilespmem:s12], [sflag:$0x4], $0x80, s14, s10, $0xb8;
	[tilespmem:$0x1F800] =	vst v63  }
0x174: {  	_ =	swait.ge [sflag:s17], $0x4000  }
0x175: {  	[sflag:s17] =	ssyncset.done $0x0  }
0x176: {  	s16 =	simm.s32 $0xD80;
	[sflag:s17] =	ssyncadd.s32 $0xFFFFC000  }
0x177: {  	[tilespmem:s12], [sflag:$0x2] =	stream.indirect.gather [hbm4b:s1+s10], $0x80, s16, s10, $0xb8;
	[tilespmem:$0x1F800] =	vst v63  }
0x178: {  	_ =	swait.ge [sflag:s13], $0x4000  }
0x179: {  	[sflag:s13] =	ssyncset.done $0x0  }
0x17a: {  	s14 =	simm.s32 $0x2100;
	[sflag:s13] =	ssyncadd.s32 $0xFFFFC000  }
0x17b: {  	[spmem:s2] =	stream.indirect.scatter.add.f32 [tilespmem:s11], [sflag:$0x3], $0x80, s14, s10, $0xb8;
	[tilespmem:$0x1F800] =	vst v63  }
0x17c: {  	_ =	swait.ge [sflag:s7], $0x4000  }
0x17d: {  	[sflag:s7] =	ssyncset.done $0x0  }
0x17e: {  	s16 =	simm.s32 $0xE00;
	[sflag:s7] =	ssyncadd.s32 $0xFFFFC000  }
0x17f: {  	[tilespmem:s11], [sflag:$0x1] =	stream.indirect.gather [hbm4b:s1+s10], $0x80, s16, s10, $0xb8;
	[tilespmem:$0x1F800] =	vst v63  }
0x180: {  	_ =	swait.ge [sflag:s15], $0x4000  }
0x181: {  	[sflag:s15] =	ssyncset.done $0x0  }
0x182: {  	s14 =	simm.s32 $0x2180;
	[sflag:s15] =	ssyncadd.s32 $0xFFFFC000  }
0x183: {  	[spmem:s2] =	stream.indirect.scatter.add.f32 [tilespmem:s12], [sflag:$0x4], $0x80, s14, s10, $0xb8;
	[tilespmem:$0x1F800] =	vst v63  }
0x184: {  	_ =	swait.ge [sflag:s17], $0x4000  }
0x185: {  	[sflag:s17] =	ssyncset.done $0x0  }
0x186: {  	s16 =	simm.s32 $0xE80;
	[sflag:s17] =	ssyncadd.s32 $0xFFFFC000  }
0x187: {  	[tilespmem:s12], [sflag:$0x2] =	stream.indirect.gather [hbm4b:s1+s10], $0x80, s16, s10, $0xb8;
	[tilespmem:$0x1F800] =	vst v63  }
0x188: {  	_ =	swait.ge [sflag:s13], $0x4000  }
0x189: {  	[sflag:s13] =	ssyncset.done $0x0  }
0x18a: {  	s14 =	simm.s32 $0x2200;
	[sflag:s13] =	ssyncadd.s32 $0xFFFFC000  }
0x18b: {  	[spmem:s2] =	stream.indirect.scatter.add.f32 [tilespmem:s11], [sflag:$0x3], $0x80, s14, s10, $0xb8;
	[tilespmem:$0x1F800] =	vst v63  }
0x18c: {  	_ =	swait.ge [sflag:s7], $0x4000  }
0x18d: {  	[sflag:s7] =	ssyncset.done $0x0  }
0x18e: {  	s16 =	simm.s32 $0xF00;
	[sflag:s7] =	ssyncadd.s32 $0xFFFFC000  }
0x18f: {  	[tilespmem:s11], [sflag:$0x1] =	stream.indirect.gather [hbm4b:s1+s10], $0x80, s16, s10, $0xb8;
	[tilespmem:$0x1F800] =	vst v63  }
0x190: {  	_ =	swait.ge [sflag:s15], $0x4000  }
0x191: {  	[sflag:s15] =	ssyncset.done $0x0  }
0x192: {  	s14 =	simm.s32 $0x2280;
	[sflag:s15] =	ssyncadd.s32 $0xFFFFC000  }
0x193: {  	[spmem:s2] =	stream.indirect.scatter.add.f32 [tilespmem:s12], [sflag:$0x4], $0x80, s14, s10, $0xb8;
	[tilespmem:$0x1F800] =	vst v63  }
0x194: {  	_ =	swait.ge [sflag:s17], $0x4000  }
0x195: {  	[sflag:s17] =	ssyncset.done $0x0  }
0x196: {  	s16 =	simm.s32 $0xF80;
	[sflag:s17] =	ssyncadd.s32 $0xFFFFC000  }
0x197: {  	[tilespmem:s12], [sflag:$0x2] =	stream.indirect.gather [hbm4b:s1+s10], $0x80, s16, s10, $0xb8;
	[tilespmem:$0x1F800] =	vst v63  }
0x198: {  	_ =	swait.ge [sflag:s13], $0x4000  }
0x199: {  	[sflag:s13] =	ssyncset.done $0x0  }
0x19a: {  	s14 =	simm.s32 $0x2300;
	[sflag:s13] =	ssyncadd.s32 $0xFFFFC000  }
0x19b: {  	[spmem:s2] =	stream.indirect.scatter.add.f32 [tilespmem:s11], [sflag:$0x3], $0x80, s14, s10, $0xb8;
	[tilespmem:$0x1F800] =	vst v63  }
0x19c: {  	_ =	swait.ge [sflag:s7], $0x4000  }
0x19d: {  	[sflag:s7] =	ssyncset.done $0x0  }
0x19e: {  	s16 =	simm.s32 $0x1000;
	[sflag:s7] =	ssyncadd.s32 $0xFFFFC000  }
0x19f: {  	[tilespmem:s11], [sflag:$0x1] =	stream.indirect.gather [hbm4b:s1+s10], $0x80, s16, s10, $0xb8;
	[tilespmem:$0x1F800] =	vst v63  }
0x1a0: {  	_ =	swait.ge [sflag:s15], $0x4000  }
0x1a1: {  	[sflag:s15] =	ssyncset.done $0x0  }
0x1a2: {  	[sflag:s15] =	ssyncadd.s32 $0xFFFFC000  }
0x1a3: {  	[spmem:s2] =	stream.indirect.scatter.add.f32 [tilespmem:s12], [sflag:$0x4], $0x80, s5, s10, $0xb8;
	[tilespmem:$0x1F800] =	vst v63  }
0x1a4: {  	_ =	swait.ge [sflag:s17], $0x4000  }
0x1a5: {  	[sflag:s17] =	ssyncset.done $0x0  }
0x1a6: {  	[sflag:s17] =	ssyncadd.s32 $0xFFFFC000  }
0x1a7: {  	[tilespmem:s12], [sflag:$0x2] =	stream.indirect.gather [hbm4b:s1+s10], $0x80, s3, s10, $0xb8;
	[tilespmem:$0x1F800] =	vst v63  }
0x1a8: {  	_ =	swait.ge [sflag:s13], $0x4000  }
0x1a9: {  	[sflag:s13] =	ssyncset.done $0x0  }
0x1aa: {  	[sflag:s13] =	ssyncadd.s32 $0xFFFFC000  }
0x1ab: {  	[spmem:s2] =	stream.indirect.scatter.add.f32 [tilespmem:s11], [sflag:$0x3], $0x80, s19, s10, $0xb8;
	[tilespmem:$0x1F800] =	vst v63  }
0x1ac: {  	_ =	swait.ge [sflag:s7], $0x4000  }
0x1ad: {  	[sflag:s7] =	ssyncset.done $0x0  }
0x1ae: {  	[sflag:s7] =	ssyncadd.s32 $0xFFFFC000  }
0x1af: {  	[tilespmem:s11], [sflag:$0x1] =	stream.indirect.gather [hbm4b:s1+s10], $0x80, s20, s10, $0xb8;
	[tilespmem:$0x1F800] =	vst v63  }
0x1b0: {  	_ =	swait.ge [sflag:s15], $0x4000  }
0x1b1: {  	[sflag:s15] =	ssyncset.done $0x0  }
0x1b2: {  	[sflag:s15] =	ssyncadd.s32 $0xFFFFC000  }
0x1b3: {  	[spmem:s2] =	stream.indirect.scatter.add.f32 [tilespmem:s12], [sflag:$0x4], $0x80, s21, s10, $0xb8;
	[tilespmem:$0x1F800] =	vst v63  }
0x1b4: {  	_ =	swait.ge [sflag:s17], $0x4000  }
0x1b5: {  	[sflag:s17] =	ssyncset.done $0x0  }
0x1b6: {  	[sflag:s17] =	ssyncadd.s32 $0xFFFFC000  }
0x1b7: {  	[tilespmem:s12], [sflag:$0x2] =	stream.indirect.gather [hbm4b:s1+s10], $0x80, s22, s10, $0xb8;
	[tilespmem:$0x1F800] =	vst v63  }
0x1b8: {  	_ =	swait.ge [sflag:s13], $0x4000  }
0x1b9: {  	[sflag:s13] =	ssyncset.done $0x0  }
0x1ba: {  	[sflag:s13] =	ssyncadd.s32 $0xFFFFC000  }
0x1bb: {  	[spmem:s2] =	stream.indirect.scatter.add.f32 [tilespmem:s11], [sflag:$0x3], $0x80, s23, s10, $0xb8;
	[tilespmem:$0x1F800] =	vst v63  }
0x1bc: {  	_ =	swait.ge [sflag:s7], $0x4000  }
0x1bd: {  	[sflag:s7] =	ssyncset.done $0x0  }
0x1be: {  	[sflag:s7] =	ssyncadd.s32 $0xFFFFC000  }
0x1bf: {  	[tilespmem:s11], [sflag:$0x1] =	stream.indirect.gather [hbm4b:s1+s10], $0x80, s24, s10, $0xb8;
	[tilespmem:$0x1F800] =	vst v63  }
0x1c0: {  	_ =	swait.ge [sflag:s15], $0x4000  }
0x1c1: {  	[sflag:s15] =	ssyncset.done $0x0  }
0x1c2: {  	[sflag:s15] =	ssyncadd.s32 $0xFFFFC000  }
0x1c3: {  	[spmem:s2] =	stream.indirect.scatter.add.f32 [tilespmem:s12], [sflag:$0x4], $0x80, s25, s10, $0xb8;
	[tilespmem:$0x1F800] =	vst v63  }
0x1c4: {  	_ =	swait.ge [sflag:s17], $0x4000  }
0x1c5: {  	[sflag:s17] =	ssyncset.done $0x0  }
0x1c6: {  	[sflag:s17] =	ssyncadd.s32 $0xFFFFC000  }
0x1c7: {  	[tilespmem:s12], [sflag:$0x2] =	stream.indirect.gather [hbm4b:s1+s10], $0x80, s6, s10, $0xb8;
	[tilespmem:$0x1F800] =	vst v63  }
0x1c8: {  	_ =	swait.ge [sflag:s13], $0x4000  }
0x1c9: {  	[sflag:s13] =	ssyncset.done $0x0  }
0x1ca: {  	[sflag:s13] =	ssyncadd.s32 $0xFFFFC000  }
0x1cb: {  	[spmem:s2] =	stream.indirect.scatter.add.f32 [tilespmem:s11], [sflag:$0x3], $0x80, s26, s10, $0xb8;
	[tilespmem:$0x1F800] =	vst v63  }
0x1cc: {  	_ =	swait.ge [sflag:s7], $0x4000  }
0x1cd: {  	[sflag:s7] =	ssyncset.done $0x0  }
0x1ce: {  	[sflag:s7] =	ssyncadd.s32 $0xFFFFC000  }
0x1cf: {  	[tilespmem:s11], [sflag:$0x1] =	stream.indirect.gather [hbm4b:s1+s10], $0x80, s28, s10, $0xb8;
	[tilespmem:$0x1F800] =	vst v63  }
0x1d0: {  	_ =	swait.ge [sflag:s15], $0x4000  }
0x1d1: {  	[sflag:s15] =	ssyncset.done $0x0  }
0x1d2: {  	[sflag:s15] =	ssyncadd.s32 $0xFFFFC000  }
0x1d3: {  	[spmem:s2] =	stream.indirect.scatter.add.f32 [tilespmem:s12], [sflag:$0x4], $0x80, s29, s10, $0xb8;
	[tilespmem:$0x1F800] =	vst v63  }
0x1d4: {  	_ =	swait.ge [sflag:s17], $0x4000  }
0x1d5: {  	[sflag:s17] =	ssyncset.done $0x0  }
0x1d6: {  	[sflag:s17] =	ssyncadd.s32 $0xFFFFC000  }
0x1d7: {  	[tilespmem:s12], [sflag:$0x2] =	stream.indirect.gather [hbm4b:s1+s10], $0x80, s4, s10, $0xb8;
	[tilespmem:$0x1F800] =	vst v63  }
0x1d8: {  	_ =	swait.ge [sflag:s13], $0x4000  }
0x1d9: {  	[sflag:s13] =	ssyncset.done $0x0  }
0x1da: {  	[sflag:s13] =	ssyncadd.s32 $0xFFFFC000  }
0x1db: {  	[spmem:s2] =	stream.indirect.scatter.add.f32 [tilespmem:s11], [sflag:$0x3], $0x80, s30, s10, $0xb8;
	[tilespmem:$0x1F800] =	vst v63  }
0x1dc: {  	_ =	swait.ge [sflag:s15], $0x4000  }
0x1dd: {  	[sflag:s15] =	ssyncset.done $0x0  }
0x1de: {  	[sflag:s15] =	ssyncadd.s32 $0xFFFFC000  }
0x1df: {  	[spmem:s2] =	stream.indirect.scatter.add.f32 [tilespmem:s12], [sflag:$0x4], $0x80, s31, s10, $0xb8;
	[tilespmem:$0x1F800] =	vst v63  }
0x1e0: {  	p2 =	por p0, p0;
	_ =	swait.ge [sflag:s7], $0x4000  }
.Ltmp1:
0x1e1: {  	[sflag:s7] =	ssyncset.done $0x0;
	(pc) =	sbr.rel @p2 .LBB2_4-.Ltmp1, $4  }
0x1e2: {  	[sflag:s7] =	ssyncadd.s32 $0xFFFFC000  }
0x1e3: {  	_ =	swait.ge [sflag:s17], $0x4000  }
0x1e4: {  	[sflag:s17] =	ssyncset.done $0x0  }
0x1e5: {  	p0 =	por $0x0, $0x0;
	p1 =	por $0x1, $0x1;
	[sflag:s17] =	ssyncadd.s32 $0xFFFFC000  }
0x1e6: {  	s0 =	stileid.u32;
	[bflag:$0x0] =	sbarrier.arrive $0xFFFF  }
0x1e7: {  	s0 =	sshll.u32 s0, $0x6;
	s14 =	rddreg [dreg:$0x4]  }
0x1e8: {  	s16 =	rddreg [dreg:$0x7];
	s0 =	sor.u32 $0x1C05, s0;
	s14 =	sshrl.u32 s14, $0x3  }
0x1e9: {  	[hbm:s16], [sflag:s0] =	dma.local [spmem:s14], $0x2800  }
0x1ea: {  	s14 =	simm.s32 $0x5  }
0x1eb: {  	_ =	swait.ge [sflag:s14], $0x2800  }
0x1ec: {  	s3 =	rddreg [dreg:$0x1c]  }
0x1ed: {  	s16 =	rddreg [dreg:$0x8];
	s3 =	sadd.s32 $0x1, s3  }
0x1ee: {  	p0 =	sne.s32 s3, s16  }
.Ltmp2:
0x1ef: {  	_ = 	snop;
	(pc) =	sbr.rel @p0 .LBB2_1-.Ltmp2, $3  }
0x1f0: {  	_ =	sdelay $0x1  }
0x1f1: {  	[sflag:s14] =	ssyncset.done $0x0  }
0x1f2: {  	[sflag:s14] =	ssyncadd.s32 $0xFFFFD800  }
0x1f3: {  	_ =	sfence.sel $0x180000  }
0x1f4: {  	[bflag:$0x0] =	sbarrier.arrive $0xFFFF  }
0x1f5: {  	_ =	strace $0x90000047  }
0x1f6: {  	s0 =	stileid.u32;
	[bflag:$0x2] =	sbarrier.arrive $0xFFFF  }
0x1f7: {  	p0 =	sne.s32 s0, $0x0;
	s0 =	rddreg [dreg:$0x3]  }
0x1f8: {  	s0 =	sadd.s32 @!p0 $0x100000, s0  }
0x1f9: {  	[sflag:s0] =	ssyncadd.tile.s32 @!p0 $0x1;
	_ =	shalt  }
.Lfunc_end2:
_tile_overlayer_lowered:
.L_overlay_start_2:
0x1fa: {  	(tag) =	ssettag $0x2  }
0x1fb: {  	s0 =	rddreg [dreg:$0x0];
	s2 =	stileid.u32  }
0x1fc: {  	s1 =	rddreg [dreg:$0x1];
	p0 =	sne.s32 s2, $0x0  }
0x1fd: {  	s3 =	rddreg [dreg:$0x2];
	[bflag:$0x3] =	sbarrier.arrive $0xFFFF;
	s2 =	simm.s32 @!p0 $0x1C05  }
0x1fe: {  	[timem:s3], [sflag:s2] =	dma.local @!p0 [hbm:s0], s1  }
0x1ff: {  	s0 =	simm.s32 @!p0 $0x5  }
0x200: {  	_ =	swait.ge @!p0 [sflag:s0], s1  }
0x201: {  	s1 =	ssub.s32 @!p0 $0x0, s1;
	[sflag:s0] =	ssyncset.done @!p0 $0x0  }
0x202: {  	[sflag:s0] =	ssyncadd.s32 @!p0 s1  }
0x203: {  	[bflag:$0x3] =	sbarrier.arrive $0xFFFF  }
0x204: {  	_ =	shalt  }

</sc_bundles>
